<compile_context>
chip_gen: v7x
topology: tpu7x:2x2x1
jax: 0.10.2.dev20260603
libtpu: 0.0.44.dev20260713+nightly
codegen_flags: <defaults>
</compile_context>

<pallas_src>
import functools

import jax
import jax.numpy as jnp
from jax import lax
from jax.experimental import pallas as pl
from jax.experimental.pallas import tpu as pltpu
from jax.experimental.pallas import tpu_sc as plsc

N = 10000
E = 320000
EPS = 1e-5

_info = plsc.get_sparse_core_info()
NC = _info.num_cores
NS = _info.num_subcores
NW = NC * NS
LANES = _info.num_lanes

EPT = E // NW
CHUNK = 40
NCHUNK = EPT // CHUNK
SLAB = 624
ZCH = 16

_MESH = dict(mesh=plsc.VectorSubcoreMesh(core_axis_name="c",
                                         subcore_axis_name="s"),
             compiler_params=pltpu.CompilerParams(needs_layout_passes=False,
                                                  use_tc_tiling_on_sc=False))



NP = 10240
DSL = NP // NS
EPS_T = E // NS


@functools.partial(
    pl.kernel,
    out_type=jax.ShapeDtypeStruct((2 * N,), jnp.float32),
    scratch_types=[
        pltpu.VMEM((EPS_T,), jnp.int32),
        pltpu.VMEM((NP,), jnp.float32),
        pltpu.VMEM((NS, DSL), jnp.float32),
        pltpu.VMEM((DSL,), jnp.float32),
        pltpu.VMEM_SHARED((NS, NP), jnp.float32),
        pltpu.SemaphoreType.DMA,
        pltpu.SemaphoreType.DMA,
    ],
    **_MESH,
)
def _deg_kernel(src, dst, out, ibuf, hist, pbuf, rbuf, shist, isem, rsem):
    cid = lax.axis_index("c")
    sid = lax.axis_index("s")

    @pl.when(cid == 0)
    def _():
        pltpu.async_copy(src.at[pl.ds(sid * EPS_T, EPS_T)], ibuf, isem)

    @pl.when(cid != 0)
    def _():
        pltpu.async_copy(dst.at[pl.ds(sid * EPS_T, EPS_T)], ibuf, isem)

    zeros16 = jnp.zeros((LANES,), jnp.float32)

    def zbody(i, c):
        hist[pl.ds(i * LANES, LANES)] = zeros16
        return c

    lax.fori_loop(0, NP // LANES, zbody, 0)
    pltpu.make_async_copy(src.at[pl.ds(0, EPS_T)], ibuf, isem).wait()
    ones16 = jnp.ones((LANES,), jnp.float32)

    def body(i, c):
        plsc.addupdate_scatter(hist, [ibuf[pl.ds(i * LANES, LANES)]],
                               ones16)
        return c

    lax.fori_loop(0, EPS_T // LANES, body, 0)
    pltpu.sync_copy(hist, shist.at[sid])
    plsc.subcore_barrier()

    sbase = sid * DSL
    cps = [pltpu.async_copy(shist.at[j, pl.ds(sbase, DSL)], pbuf.at[j],
                            rsem) for j in range(NS)]
    for cp in cps:
        cp.wait()

    half3 = jnp.full((LANES,), 1.5, jnp.float32)
    magic = jnp.full((LANES,), 0x5f3759df, jnp.int32)

    def red(i, c):
        sl = pl.ds(i * LANES, LANES)
        v = pbuf[0, sl]
        for j in range(1, NS):
            v = v + pbuf[j, sl]
        m = v > 0.0
        xc = jnp.maximum(v, 1.0)
        half = xc * 0.5
        y = plsc.bitcast(magic - lax.shift_right_logical(
            plsc.bitcast(xc, jnp.int32), 1), jnp.float32)
        y = y * (half3 - half * y * y)
        y = y * (half3 - half * y * y)
        y = y * (half3 - half * y * y)
        rbuf[sl] = jnp.where(m, y, 0.0)
        return c

    lax.fori_loop(0, DSL // LANES, red, 0)

    @pl.when(sbase + DSL <= N)
    def _():
        pltpu.sync_copy(rbuf, out.at[pl.ds(cid * N + sbase, DSL)])

    @pl.when(jnp.logical_and(sbase < N, sbase + DSL > N))
    def _():
        pltpu.sync_copy(rbuf.at[pl.ds(0, N - (NS - 1) * DSL)],
                        out.at[pl.ds(cid * N + sbase,
                                     N - (NS - 1) * DSL)])



def _make_seg(D):
    @functools.partial(
        pl.kernel,
        out_type=jax.ShapeDtypeStruct((NC, N, D), jnp.float32),
        scratch_types=[
            pltpu.VMEM((NCHUNK, CHUNK), jnp.int32),
            pltpu.VMEM((NCHUNK, CHUNK), jnp.int32),
            [pltpu.VMEM((CHUNK, D), jnp.float32)] * 6,
            pltpu.VMEM_SHARED((N, D), jnp.float32),
            [pltpu.SemaphoreType.DMA] * 6,
            [pltpu.SemaphoreType.DMA] * 6,
            pltpu.SemaphoreType.DMA,
            pltpu.SemaphoreType.DMA,
        ],
        **_MESH,
    )
    def _seg(y, src3, dst3, out, sidx, didx, rows, acc,
             gs, ss, isem0, isem1):
        cid = lax.axis_index("c")
        sid = lax.axis_index("s")
        wid = sid * NC + cid
        icp0 = pltpu.async_copy(src3.at[wid], sidx, isem0)
        icp1 = pltpu.async_copy(dst3.at[wid], didx, isem1)
        zeros16 = jnp.zeros((LANES,), jnp.float32)
        dl = D // LANES

        def zb(i, c):
            rows[5][i // dl, pl.ds((i % dl) * LANES, LANES)] = zeros16
            return c

        lax.fori_loop(0, CHUNK * dl, zb, 0)
        rbase = sid * SLAB

        def zacc(i, c):
            pltpu.sync_copy(rows[5].at[pl.ds(0, ZCH)],
                            acc.at[pl.ds(rbase + i * ZCH, ZCH)])
            return c

        lax.fori_loop(0, SLAB // ZCH, zacc, 0)

        @pl.when(sid == NS - 1)
        def _():
            lax.fori_loop(SLAB // ZCH, (N - (NS - 1) * SLAB) // ZCH, zacc, 0)

        icp0.wait()
        icp1.wait()
        plsc.subcore_barrier()

        for j in range(5):
            pltpu.async_copy(y.at[sidx.at[j]], rows[j], gs[j])

        def chunk(k, c):
            for b in range(6):
                @pl.when(k % 6 == b)
                def _(b=b):
                    pltpu.make_async_copy(y.at[sidx.at[k]], rows[b],
                                          gs[b]).wait()
                    pltpu.async_copy(rows[b], acc.at[didx.at[k]], ss[b],
                                     add=True)
                    b2 = (b + 5) % 6

                    @pl.when(k >= 1)
                    def _():
                        pltpu.make_async_copy(rows[b2], acc.at[didx.at[k - 1]],
                                              ss[b2]).wait()

                    @pl.when(k + 5 < NCHUNK)
                    def _():
                        pltpu.async_copy(y.at[sidx.at[k + 5]], rows[b2],
                                         gs[b2])

            return c

        lax.fori_loop(0, NCHUNK, chunk, 0)
        _bl = (NCHUNK - 1) % 6
        pltpu.make_async_copy(rows[_bl], acc.at[didx.at[NCHUNK - 1]],
                              ss[_bl]).wait()
        plsc.subcore_barrier()

        @pl.when(sid != NS - 1)
        def _():
            pltpu.sync_copy(acc.at[pl.ds(rbase, SLAB)],
                            out.at[cid, pl.ds(rbase, SLAB)])

        @pl.when(sid == NS - 1)
        def _():
            pltpu.sync_copy(acc.at[pl.ds(rbase, N - (NS - 1) * SLAB)],
                            out.at[cid, pl.ds(rbase, N - (NS - 1) * SLAB)])

    return _seg


_seg128 = _make_seg(128)
_seg64 = _make_seg(64)



RB = 1000
GRID = N // RB


def _lin0_body(x_ref, diso_ref, w_ref, y_ref):
    y_ref[...] = jnp.dot(x_ref[...] * diso_ref[...], w_ref[...],
                         preferred_element_type=jnp.float32)


_lin0 = pl.pallas_call(
    _lin0_body,
    grid=(GRID,),
    in_specs=[
        pl.BlockSpec((RB, 128), lambda i: (i, 0)),
        pl.BlockSpec((RB, 1), lambda i: (i, 0)),
        pl.BlockSpec((128, 128), lambda i: (0, 0)),
    ],
    out_specs=pl.BlockSpec((RB, 128), lambda i: (i, 0)),
    out_shape=jax.ShapeDtypeStruct((N, 128), jnp.float32),
)


def _linstats_body(z0_ref, z1_ref, disi_ref, b_ref, g_ref, beta_ref,
                   diso_ref, w_ref, y_ref, sscr, hscr):
    p = pl.program_id(0)
    i = pl.program_id(1)

    @pl.when(p == 0)
    def _():
        h = ((z0_ref[0] + z1_ref[0]) * disi_ref[...]
             + b_ref[...][None, :])
        hscr[i, :, :] = h
        blk = jnp.stack([jnp.sum(h, axis=0), jnp.sum(h * h, axis=0)])

        @pl.when(i == 0)
        def _():
            sscr[...] = blk

        @pl.when(i > 0)
        def _():
            sscr[...] = sscr[...] + blk

    @pl.when(p == 1)
    def _():
        h = hscr[i, :, :]
        s = sscr[...]
        mu = s[0, :] / N
        var = jnp.maximum(s[1, :] / N - mu * mu, 0.0)
        a = (h - mu[None, :]) * lax.rsqrt(var + EPS)[None, :]
        a = jnp.maximum(a * g_ref[...][None, :] + beta_ref[...][None, :],
                        0.0)
        y_ref[...] = jnp.dot(a * diso_ref[...], w_ref[...],
                             preferred_element_type=jnp.float32)


def _make_linstats(dout):
    return pl.pallas_call(
        _linstats_body,
        grid=(2, GRID),
        in_specs=[
            pl.BlockSpec((1, RB, 128),
                         lambda p, i: (0, jnp.where(p == 0, i, 0), 0)),
            pl.BlockSpec((1, RB, 128),
                         lambda p, i: (1, jnp.where(p == 0, i, 0), 0)),
            pl.BlockSpec((RB, 1),
                         lambda p, i: (jnp.where(p == 0, i, 0), 0)),
            pl.BlockSpec((128,), lambda p, i: (0,)),
            pl.BlockSpec((128,), lambda p, i: (0,)),
            pl.BlockSpec((128,), lambda p, i: (0,)),
            pl.BlockSpec((RB, 1),
                         lambda p, i: (jnp.where(p == 1, i, 0), 0)),
            pl.BlockSpec((128, dout), lambda p, i: (0, 0)),
        ],
        out_specs=pl.BlockSpec((RB, dout), lambda p, i: (i, 0)),
        out_shape=jax.ShapeDtypeStruct((N, dout), jnp.float32),
        scratch_shapes=[pltpu.VMEM((2, 128), jnp.float32),
                        pltpu.VMEM((GRID, RB, 128), jnp.float32)],
    )


_linstats1 = _make_linstats(128)
_linstats2 = _make_linstats(64)


def _final_body(z0_ref, z1_ref, disi_ref, b_ref, o_ref):
    o_ref[...] = ((z0_ref[0] + z1_ref[0]) * disi_ref[...]
                  + b_ref[...][None, :])[:, :40]


_final = pl.pallas_call(
    _final_body,
    grid=(GRID,),
    in_specs=[
        pl.BlockSpec((1, RB, 64), lambda i: (0, i, 0)),
        pl.BlockSpec((1, RB, 64), lambda i: (1, i, 0)),
        pl.BlockSpec((RB, 1), lambda i: (i, 0)),
        pl.BlockSpec((64,), lambda i: (0,)),
    ],
    out_specs=pl.BlockSpec((RB, 40), lambda i: (i, 0)),
    out_shape=jax.ShapeDtypeStruct((N, 40), jnp.float32),
)


def kernel(x, edge_index, W0, b0, W1, b1, W2, b2, g0, beta0, g1, beta1):
    src, dst = edge_index[0], edge_index[1]
    src3 = src.reshape(NW, NCHUNK, CHUNK)
    dst3 = dst.reshape(NW, NCHUNK, CHUNK)
    dis = _deg_kernel(src, dst)
    diso, disi = dis[:N, None], dis[N:, None]
    y0 = _lin0(x, diso, W0)
    z0 = _seg128(y0, src3, dst3)
    y1 = _linstats1(z0, z0, disi, b0, g0, beta0, diso, W1)
    z1 = _seg128(y1, src3, dst3)
    W2p = jnp.pad(W2, ((0, 0), (0, 24)))
    b2p = jnp.pad(b2, (0, 24))
    y2 = _linstats2(z1, z1, disi, b1, g1, beta1, diso, W2p)
    z2 = _seg64(y2, src3, dst3)
    return _final(z2, z2, disi, b2p)

# --- scband reference (transcript-rebuilt; emitter-appended) ---
"""Pipeline reference for scband-gcn-ogb-78529182040089 (READ-ONLY COPY).

The authoritative reference and input builder live on the scoring server;
editing this copy changes nothing except your own understanding.
"""

import jax, jax.numpy as jnp
import numpy as np

N = 10000
E = 320000
D_IN = 128
D_HID = 128
D_OUT = 40
EPS = 1e-5


def setup_inputs(seed: int = 0) -> dict:
    key = jax.random.key(seed)
    ks = jax.random.split(key, 12)
    x = jax.random.normal(ks[0], (N, D_IN), dtype=jnp.float32)
    edge_index = jax.random.randint(ks[1], (2, E), 0, N, dtype=jnp.int32)
    W0 = jax.random.normal(ks[2], (D_IN, D_HID), dtype=jnp.float32) * 0.05
    b0 = jnp.zeros((D_HID,), dtype=jnp.float32)
    W1 = jax.random.normal(ks[3], (D_HID, D_HID), dtype=jnp.float32) * 0.05
    b1 = jnp.zeros((D_HID,), dtype=jnp.float32)
    W2 = jax.random.normal(ks[4], (D_HID, D_OUT), dtype=jnp.float32) * 0.05
    b2 = jnp.zeros((D_OUT,), dtype=jnp.float32)
    g0 = jnp.ones((D_HID,), dtype=jnp.float32)
    beta0 = jnp.zeros((D_HID,), dtype=jnp.float32)
    g1 = jnp.ones((D_HID,), dtype=jnp.float32)
    beta1 = jnp.zeros((D_HID,), dtype=jnp.float32)
    return {"x": x, "edge_index": edge_index, "W0": W0, "b0": b0, "W1": W1,
            "b1": b1, "W2": W2, "b2": b2, "g0": g0, "beta0": beta0,
            "g1": g1, "beta1": beta1}


def _gcn_conv(x, src, dst, W, b):
    # GraphConv with symmetric normalization: D^{-1/2} A D^{-1/2} X W + b
    ones = jnp.ones((src.shape[0],), dtype=x.dtype)
    deg_out = jax.ops.segment_sum(ones, src, num_segments=N)
    deg_in = jax.ops.segment_sum(ones, dst, num_segments=N)
    dis_out = jnp.where(deg_out > 0, jax.lax.rsqrt(jnp.maximum(deg_out, 1.0)), 0.0)
    dis_in = jnp.where(deg_in > 0, jax.lax.rsqrt(jnp.maximum(deg_in, 1.0)), 0.0)
    xn = x * dis_out[:, None]
    msgs = jnp.take(xn, src, axis=0)
    agg = jax.ops.segment_sum(msgs, dst, num_segments=N)
    agg = agg * dis_in[:, None]
    return agg @ W + b


def _bn(h, g, beta):
    # BatchNorm1d in training mode: batch statistics over node dim
    mu = jnp.mean(h, axis=0)
    var = jnp.var(h, axis=0)
    return (h - mu) * jax.lax.rsqrt(var + EPS) * g + beta


def reference(x, edge_index, W0, b0, W1, b1, W2, b2, g0, beta0, g1, beta1):
    src = edge_index[0]
    dst = edge_index[1]
    h = _gcn_conv(x, src, dst, W0, b0)
    h = jax.nn.relu(_bn(h, g0, beta0))
    # dropout p=0 -> identity
    h = _gcn_conv(h, src, dst, W1, b1)
    h = jax.nn.relu(_bn(h, g1, beta1))
    h = _gcn_conv(h, src, dst, W2, b2)
    return h

if __name__ == "__main__":
    import jax
    _d = setup_inputs()
    print(jax.jit(kernel)(*tuple(_d.values())))

</pallas_src>

<mosaic_0001>
#map = affine_map<(d0, d1) -> (0)>
module attributes {stable_mosaic.version = 14 : i64} {
  func.func @_deg_kernel(%arg0: i32, %arg1: i32, %arg2: memref<320000xi32, #tpu.memory_space<hbm>>, %arg3: memref<320000xi32, #tpu.memory_space<hbm>>, %arg4: memref<20000xf32, #tpu.memory_space<hbm>>, %arg5: memref<20000xi32, #tpu.memory_space<vmem>>, %arg6: memref<10240xf32, #tpu.memory_space<vmem>>, %arg7: memref<16x640xf32, #tpu.memory_space<vmem>>, %arg8: memref<640xf32, #tpu.memory_space<vmem>>, %arg9: memref<16x10240xf32, #tpu.memory_space<vmem_shared>>, %arg10: memref<!tpu.dma_semaphore, #tpu.memory_space<semaphore_mem>>, %arg11: memref<!tpu.dma_semaphore, #tpu.memory_space<semaphore_mem>>) attributes {dimension_semantics = [#tpu.dimension_semantics<core_parallel>, #tpu.dimension_semantics<subcore_parallel>], iteration_bounds = array<i64: 2, 16>, scalar_prefetch = 0 : i64, scratch_operands = 7 : i64, tpu.core_type = #tpu.core_type<sc_vector_subcore>, window_params = [{transform_indices = #map}, {transform_indices = #map}, {transform_indices = #map}]} {
    %eq3A = arith.constant 0 : i32
    %eq3A_0 = arith.cmpi eq, %arg0, %eq3A : i32
    %convert_element_type3A = arith.extui %eq3A_0 : i1 to i32
    %cond3A = arith.constant 0 : i32
    %cond3A_1 = arith.cmpi ne, %convert_element_type3A, %cond3A : i32
    scf.if %cond3A_1 {
      %mul3A_429 = arith.constant 20000 : i32
      %mul3A_430 = arith.muli %arg1, %mul3A_429 : i32
      %dma_start3A_431 = tpu.memref_slice %arg2[%mul3A_430] : memref<320000xi32, #tpu.memory_space<hbm>> -> memref<20000xi32, #tpu.memory_space<hbm>>
      %dma_start3A_432 = tpu.memref_slice %arg2[%mul3A_430] : memref<320000xi32, #tpu.memory_space<hbm>> -> memref<20000xi32, #tpu.memory_space<hbm>>
      tpu.enqueue_dma source(%dma_start3A_432 : memref<20000xi32, #tpu.memory_space<hbm>>) target(%arg5 : memref<20000xi32, #tpu.memory_space<vmem>>) target_semaphore(%arg10 : memref<!tpu.dma_semaphore, #tpu.memory_space<semaphore_mem>>)
    } else {
    }
    %ne3A = arith.constant 0 : i32
    %ne3A_2 = arith.cmpi ne, %arg0, %ne3A : i32
    %convert_element_type3A_3 = arith.extui %ne3A_2 : i1 to i32
    %cond3A_4 = arith.constant 0 : i32
    %cond3A_5 = arith.cmpi ne, %convert_element_type3A_3, %cond3A_4 : i32
    scf.if %cond3A_5 {
      %mul3A_429 = arith.constant 20000 : i32
      %mul3A_430 = arith.muli %arg1, %mul3A_429 : i32
      %dma_start3A_431 = tpu.memref_slice %arg3[%mul3A_430] : memref<320000xi32, #tpu.memory_space<hbm>> -> memref<20000xi32, #tpu.memory_space<hbm>>
      %dma_start3A_432 = tpu.memref_slice %arg3[%mul3A_430] : memref<320000xi32, #tpu.memory_space<hbm>> -> memref<20000xi32, #tpu.memory_space<hbm>>
      tpu.enqueue_dma source(%dma_start3A_432 : memref<20000xi32, #tpu.memory_space<hbm>>) target(%arg5 : memref<20000xi32, #tpu.memory_space<vmem>>) target_semaphore(%arg10 : memref<!tpu.dma_semaphore, #tpu.memory_space<semaphore_mem>>)
    } else {
    }
    %broadcast_in_dim3A = arith.constant 0.000000e+00 : f32
    %broadcast_in_dim3A_6 = vector.broadcast %broadcast_in_dim3A : f32 to vector<16xf32>
    %scan3A = arith.constant 0 : i32
    %scan3A_7 = arith.constant 0 : i32
    %scan3A_8 = arith.constant 640 : i32
    %scan3A_9 = arith.addi %scan3A_7, %scan3A_8 : i32
    %scan3A_10 = arith.constant 1 : i32
    scf.for %scan3A_429 = %scan3A_7 to %scan3A_9 step %scan3A_10  : i32 {
      %mul3A_430 = arith.constant 16 : i32
      %mul3A_431 = arith.muli %scan3A_429, %mul3A_430 : i32
      %swap3A = arith.index_cast %mul3A_431 : i32 to index
      %swap3A_432 = tpu.vector_load %arg6[%swap3A] {strides = array<i32>} : memref<10240xf32, #tpu.memory_space<vmem>>, vector<16xf32>,
      tpu.vector_store %arg6[%swap3A], %broadcast_in_dim3A_6 {strides = array<i32>} : memref<10240xf32, #tpu.memory_space<vmem>>, vector<16xf32>,
    }
    %scan3A_11 = arith.constant 640 : i32
    %dma_wait3A = arith.constant 0 : i32
    %dma_wait3A_12 = tpu.memref_slice %arg2[%dma_wait3A] : memref<320000xi32, #tpu.memory_space<hbm>> -> memref<20000xi32, #tpu.memory_space<hbm>>
    %dma_wait3A_13 = arith.constant 0 : i32
    %dma_wait3A_14 = tpu.memref_slice %arg2[%dma_wait3A_13] : memref<320000xi32, #tpu.memory_space<hbm>> -> memref<20000xi32, #tpu.memory_space<hbm>>
    tpu.wait_dma2 semaphore(%arg10 : memref<!tpu.dma_semaphore, #tpu.memory_space<semaphore_mem>>) src(%dma_wait3A_14 : memref<20000xi32, #tpu.memory_space<hbm>>) dst(%arg5 : memref<20000xi32, #tpu.memory_space<vmem>>)
    %broadcast_in_dim3A_15 = arith.constant 1.000000e+00 : f32
    %broadcast_in_dim3A_16 = vector.broadcast %broadcast_in_dim3A_15 : f32 to vector<16xf32>
    %scan3A_17 = arith.constant 0 : i32
    %scan3A_18 = arith.constant 0 : i32
    %scan3A_19 = arith.constant 1250 : i32
    %scan3A_20 = arith.addi %scan3A_18, %scan3A_19 : i32
    %scan3A_21 = arith.constant 1 : i32
    scf.for %scan3A_429 = %scan3A_18 to %scan3A_20 step %scan3A_21  : i32 {
      %mul3A_430 = arith.constant 16 : i32
      %mul3A_431 = arith.muli %scan3A_429, %mul3A_430 : i32
      %get3A = arith.index_cast %mul3A_431 : i32 to index
      %get3A_432 = tpu.vector_load %arg5[%get3A] {strides = array<i32>} : memref<20000xi32, #tpu.memory_space<vmem>>, vector<16xi32>,
      tpu.vector_store_idx %arg6[%get3A_432], %broadcast_in_dim3A_16 {add = true} : memref<10240xf32, #tpu.memory_space<vmem>>[vector<16xi32>], vector<16xf32>,
    }
    %scan3A_22 = arith.constant 1250 : i32
    "tpu.region"() ({
      %run_scoped3A = tpu.sem_alloc : memref<!tpu.dma_semaphore, #tpu.memory_space<semaphore_mem>>
      %dma_start3A_429 = arith.constant 0 : i32
      %dma_start3A_430 = tpu.memref_slice %arg9[%arg1, %dma_start3A_429] : memref<16x10240xf32, #tpu.memory_space<vmem_shared>> -> memref<1x10240xf32, #tpu.memory_space<vmem_shared>>
      %dma_start3A_431 = tpu.memref_squeeze %dma_start3A_430 : memref<1x10240xf32, #tpu.memory_space<vmem_shared>> -> memref<10240xf32, #tpu.memory_space<vmem_shared>>
      %dma_start3A_432 = arith.constant 0 : i32
      %dma_start3A_433 = tpu.memref_slice %arg9[%arg1, %dma_start3A_432] : memref<16x10240xf32, #tpu.memory_space<vmem_shared>> -> memref<1x10240xf32, #tpu.memory_space<vmem_shared>>
      %dma_start3A_434 = tpu.memref_squeeze %dma_start3A_433 : memref<1x10240xf32, #tpu.memory_space<vmem_shared>> -> memref<10240xf32, #tpu.memory_space<vmem_shared>>
      tpu.enqueue_dma source(%arg6 : memref<10240xf32, #tpu.memory_space<vmem>>) target(%dma_start3A_434 : memref<10240xf32, #tpu.memory_space<vmem_shared>>) target_semaphore(%run_scoped3A : memref<!tpu.dma_semaphore, #tpu.memory_space<semaphore_mem>>)
      %dma_wait3A_435 = arith.constant 0 : i32
      %dma_wait3A_436 = tpu.memref_slice %arg9[%arg1, %dma_wait3A_435] : memref<16x10240xf32, #tpu.memory_space<vmem_shared>> -> memref<1x10240xf32, #tpu.memory_space<vmem_shared>>
      %dma_wait3A_437 = tpu.memref_squeeze %dma_wait3A_436 : memref<1x10240xf32, #tpu.memory_space<vmem_shared>> -> memref<10240xf32, #tpu.memory_space<vmem_shared>>
      %dma_wait3A_438 = arith.constant 0 : i32
      %dma_wait3A_439 = tpu.memref_slice %arg9[%arg1, %dma_wait3A_438] : memref<16x10240xf32, #tpu.memory_space<vmem_shared>> -> memref<1x10240xf32, #tpu.memory_space<vmem_shared>>
      %dma_wait3A_440 = tpu.memref_squeeze %dma_wait3A_439 : memref<1x10240xf32, #tpu.memory_space<vmem_shared>> -> memref<10240xf32, #tpu.memory_space<vmem_shared>>
      tpu.wait_dma2 semaphore(%run_scoped3A : memref<!tpu.dma_semaphore, #tpu.memory_space<semaphore_mem>>) src(%arg6 : memref<10240xf32, #tpu.memory_space<vmem>>) dst(%dma_wait3A_440 : memref<10240xf32, #tpu.memory_space<vmem_shared>>)
      tpu.yield
    }) : () -> ()
    %barrier3A = arith.constant 0 : index
    tpu.barrier barrier_id(%barrier3A)
    %mul3A = arith.constant 640 : i32
    %mul3A_23 = arith.muli %arg1, %mul3A : i32
    %dma_start3A = arith.constant 0 : i32
    %dma_start3A_24 = arith.constant 0 : i32
    %dma_start3A_25 = arith.constant 0 : i32
    %dma_start3A_26 = tpu.memref_slice %arg7[%dma_start3A_24, %dma_start3A_25] : memref<16x640xf32, #tpu.memory_space<vmem>> -> memref<1x640xf32, #tpu.memory_space<vmem>>
    %dma_start3A_27 = tpu.memref_squeeze %dma_start3A_26 : memref<1x640xf32, #tpu.memory_space<vmem>> -> memref<640xf32, #tpu.memory_space<vmem>>
    %dma_start3A_28 = tpu.memref_slice %arg9[%dma_start3A, %mul3A_23] : memref<16x10240xf32, #tpu.memory_space<vmem_shared>> -> memref<1x640xf32, #tpu.memory_space<vmem_shared>>
    %dma_start3A_29 = tpu.memref_squeeze %dma_start3A_28 : memref<1x640xf32, #tpu.memory_space<vmem_shared>> -> memref<640xf32, #tpu.memory_space<vmem_shared>>
    %dma_start3A_30 = arith.constant 0 : i32
    %dma_start3A_31 = tpu.memref_slice %arg7[%dma_start3A_24, %dma_start3A_30] : memref<16x640xf32, #tpu.memory_space<vmem>> -> memref<1x640xf32, #tpu.memory_space<vmem>>
    %dma_start3A_32 = tpu.memref_squeeze %dma_start3A_31 : memref<1x640xf32, #tpu.memory_space<vmem>> -> memref<640xf32, #tpu.memory_space<vmem>>
    %dma_start3A_33 = tpu.memref_slice %arg9[%dma_start3A, %mul3A_23] : memref<16x10240xf32, #tpu.memory_space<vmem_shared>> -> memref<1x640xf32, #tpu.memory_space<vmem_shared>>
    %dma_start3A_34 = tpu.memref_squeeze %dma_start3A_33 : memref<1x640xf32, #tpu.memory_space<vmem_shared>> -> memref<640xf32, #tpu.memory_space<vmem_shared>>
    tpu.enqueue_dma source(%dma_start3A_34 : memref<640xf32, #tpu.memory_space<vmem_shared>>) target(%dma_start3A_32 : memref<640xf32, #tpu.memory_space<vmem>>) target_semaphore(%arg11 : memref<!tpu.dma_semaphore, #tpu.memory_space<semaphore_mem>>)
    %dma_start3A_35 = arith.constant 1 : i32
    %dma_start3A_36 = arith.constant 1 : i32
    %dma_start3A_37 = arith.constant 0 : i32
    %dma_start3A_38 = tpu.memref_slice %arg7[%dma_start3A_36, %dma_start3A_37] : memref<16x640xf32, #tpu.memory_space<vmem>> -> memref<1x640xf32, #tpu.memory_space<vmem>>
    %dma_start3A_39 = tpu.memref_squeeze %dma_start3A_38 : memref<1x640xf32, #tpu.memory_space<vmem>> -> memref<640xf32, #tpu.memory_space<vmem>>
    %dma_start3A_40 = tpu.memref_slice %arg9[%dma_start3A_35, %mul3A_23] : memref<16x10240xf32, #tpu.memory_space<vmem_shared>> -> memref<1x640xf32, #tpu.memory_space<vmem_shared>>
    %dma_start3A_41 = tpu.memref_squeeze %dma_start3A_40 : memref<1x640xf32, #tpu.memory_space<vmem_shared>> -> memref<640xf32, #tpu.memory_space<vmem_shared>>
    %dma_start3A_42 = arith.constant 0 : i32
    %dma_start3A_43 = tpu.memref_slice %arg7[%dma_start3A_36, %dma_start3A_42] : memref<16x640xf32, #tpu.memory_space<vmem>> -> memref<1x640xf32, #tpu.memory_space<vmem>>
    %dma_start3A_44 = tpu.memref_squeeze %dma_start3A_43 : memref<1x640xf32, #tpu.memory_space<vmem>> -> memref<640xf32, #tpu.memory_space<vmem>>
    %dma_start3A_45 = tpu.memref_slice %arg9[%dma_start3A_35, %mul3A_23] : memref<16x10240xf32, #tpu.memory_space<vmem_shared>> -> memref<1x640xf32, #tpu.memory_space<vmem_shared>>
    %dma_start3A_46 = tpu.memref_squeeze %dma_start3A_45 : memref<1x640xf32, #tpu.memory_space<vmem_shared>> -> memref<640xf32, #tpu.memory_space<vmem_shared>>
    tpu.enqueue_dma source(%dma_start3A_46 : memref<640xf32, #tpu.memory_space<vmem_shared>>) target(%dma_start3A_44 : memref<640xf32, #tpu.memory_space<vmem>>) target_semaphore(%arg11 : memref<!tpu.dma_semaphore, #tpu.memory_space<semaphore_mem>>)
    %dma_start3A_47 = arith.constant 2 : i32
    %dma_start3A_48 = arith.constant 2 : i32
    %dma_start3A_49 = arith.constant 0 : i32
    %dma_start3A_50 = tpu.memref_slice %arg7[%dma_start3A_48, %dma_start3A_49] : memref<16x640xf32, #tpu.memory_space<vmem>> -> memref<1x640xf32, #tpu.memory_space<vmem>>
    %dma_start3A_51 = tpu.memref_squeeze %dma_start3A_50 : memref<1x640xf32, #tpu.memory_space<vmem>> -> memref<640xf32, #tpu.memory_space<vmem>>
    %dma_start3A_52 = tpu.memref_slice %arg9[%dma_start3A_47, %mul3A_23] : memref<16x10240xf32, #tpu.memory_space<vmem_shared>> -> memref<1x640xf32, #tpu.memory_space<vmem_shared>>
    %dma_start3A_53 = tpu.memref_squeeze %dma_start3A_52 : memref<1x640xf32, #tpu.memory_space<vmem_shared>> -> memref<640xf32, #tpu.memory_space<vmem_shared>>
    %dma_start3A_54 = arith.constant 0 : i32
    %dma_start3A_55 = tpu.memref_slice %arg7[%dma_start3A_48, %dma_start3A_54] : memref<16x640xf32, #tpu.memory_space<vmem>> -> memref<1x640xf32, #tpu.memory_space<vmem>>
    %dma_start3A_56 = tpu.memref_squeeze %dma_start3A_55 : memref<1x640xf32, #tpu.memory_space<vmem>> -> memref<640xf32, #tpu.memory_space<vmem>>
    %dma_start3A_57 = tpu.memref_slice %arg9[%dma_start3A_47, %mul3A_23] : memref<16x10240xf32, #tpu.memory_space<vmem_shared>> -> memref<1x640xf32, #tpu.memory_space<vmem_shared>>
    %dma_start3A_58 = tpu.memref_squeeze %dma_start3A_57 : memref<1x640xf32, #tpu.memory_space<vmem_shared>> -> memref<640xf32, #tpu.memory_space<vmem_shared>>
    tpu.enqueue_dma source(%dma_start3A_58 : memref<640xf32, #tpu.memory_space<vmem_shared>>) target(%dma_start3A_56 : memref<640xf32, #tpu.memory_space<vmem>>) target_semaphore(%arg11 : memref<!tpu.dma_semaphore, #tpu.memory_space<semaphore_mem>>)
    %dma_start3A_59 = arith.constant 3 : i32
    %dma_start3A_60 = arith.constant 3 : i32
    %dma_start3A_61 = arith.constant 0 : i32
    %dma_start3A_62 = tpu.memref_slice %arg7[%dma_start3A_60, %dma_start3A_61] : memref<16x640xf32, #tpu.memory_space<vmem>> -> memref<1x640xf32, #tpu.memory_space<vmem>>
    %dma_start3A_63 = tpu.memref_squeeze %dma_start3A_62 : memref<1x640xf32, #tpu.memory_space<vmem>> -> memref<640xf32, #tpu.memory_space<vmem>>
    %dma_start3A_64 = tpu.memref_slice %arg9[%dma_start3A_59, %mul3A_23] : memref<16x10240xf32, #tpu.memory_space<vmem_shared>> -> memref<1x640xf32, #tpu.memory_space<vmem_shared>>
    %dma_start3A_65 = tpu.memref_squeeze %dma_start3A_64 : memref<1x640xf32, #tpu.memory_space<vmem_shared>> -> memref<640xf32, #tpu.memory_space<vmem_shared>>
    %dma_start3A_66 = arith.constant 0 : i32
    %dma_start3A_67 = tpu.memref_slice %arg7[%dma_start3A_60, %dma_start3A_66] : memref<16x640xf32, #tpu.memory_space<vmem>> -> memref<1x640xf32, #tpu.memory_space<vmem>>
    %dma_start3A_68 = tpu.memref_squeeze %dma_start3A_67 : memref<1x640xf32, #tpu.memory_space<vmem>> -> memref<640xf32, #tpu.memory_space<vmem>>
    %dma_start3A_69 = tpu.memref_slice %arg9[%dma_start3A_59, %mul3A_23] : memref<16x10240xf32, #tpu.memory_space<vmem_shared>> -> memref<1x640xf32, #tpu.memory_space<vmem_shared>>
    %dma_start3A_70 = tpu.memref_squeeze %dma_start3A_69 : memref<1x640xf32, #tpu.memory_space<vmem_shared>> -> memref<640xf32, #tpu.memory_space<vmem_shared>>
    tpu.enqueue_dma source(%dma_start3A_70 : memref<640xf32, #tpu.memory_space<vmem_shared>>) target(%dma_start3A_68 : memref<640xf32, #tpu.memory_space<vmem>>) target_semaphore(%arg11 : memref<!tpu.dma_semaphore, #tpu.memory_space<semaphore_mem>>)
    %dma_start3A_71 = arith.constant 4 : i32
    %dma_start3A_72 = arith.constant 4 : i32
    %dma_start3A_73 = arith.constant 0 : i32
    %dma_start3A_74 = tpu.memref_slice %arg7[%dma_start3A_72, %dma_start3A_73] : memref<16x640xf32, #tpu.memory_space<vmem>> -> memref<1x640xf32, #tpu.memory_space<vmem>>
    %dma_start3A_75 = tpu.memref_squeeze %dma_start3A_74 : memref<1x640xf32, #tpu.memory_space<vmem>> -> memref<640xf32, #tpu.memory_space<vmem>>
    %dma_start3A_76 = tpu.memref_slice %arg9[%dma_start3A_71, %mul3A_23] : memref<16x10240xf32, #tpu.memory_space<vmem_shared>> -> memref<1x640xf32, #tpu.memory_space<vmem_shared>>
    %dma_start3A_77 = tpu.memref_squeeze %dma_start3A_76 : memref<1x640xf32, #tpu.memory_space<vmem_shared>> -> memref<640xf32, #tpu.memory_space<vmem_shared>>
    %dma_start3A_78 = arith.constant 0 : i32
    %dma_start3A_79 = tpu.memref_slice %arg7[%dma_start3A_72, %dma_start3A_78] : memref<16x640xf32, #tpu.memory_space<vmem>> -> memref<1x640xf32, #tpu.memory_space<vmem>>
    %dma_start3A_80 = tpu.memref_squeeze %dma_start3A_79 : memref<1x640xf32, #tpu.memory_space<vmem>> -> memref<640xf32, #tpu.memory_space<vmem>>
    %dma_start3A_81 = tpu.memref_slice %arg9[%dma_start3A_71, %mul3A_23] : memref<16x10240xf32, #tpu.memory_space<vmem_shared>> -> memref<1x640xf32, #tpu.memory_space<vmem_shared>>
    %dma_start3A_82 = tpu.memref_squeeze %dma_start3A_81 : memref<1x640xf32, #tpu.memory_space<vmem_shared>> -> memref<640xf32, #tpu.memory_space<vmem_shared>>
    tpu.enqueue_dma source(%dma_start3A_82 : memref<640xf32, #tpu.memory_space<vmem_shared>>) target(%dma_start3A_80 : memref<640xf32, #tpu.memory_space<vmem>>) target_semaphore(%arg11 : memref<!tpu.dma_semaphore, #tpu.memory_space<semaphore_mem>>)
    %dma_start3A_83 = arith.constant 5 : i32
    %dma_start3A_84 = arith.constant 5 : i32
    %dma_start3A_85 = arith.constant 0 : i32
    %dma_start3A_86 = tpu.memref_slice %arg7[%dma_start3A_84, %dma_start3A_85] : memref<16x640xf32, #tpu.memory_space<vmem>> -> memref<1x640xf32, #tpu.memory_space<vmem>>
    %dma_start3A_87 = tpu.memref_squeeze %dma_start3A_86 : memref<1x640xf32, #tpu.memory_space<vmem>> -> memref<640xf32, #tpu.memory_space<vmem>>
    %dma_start3A_88 = tpu.memref_slice %arg9[%dma_start3A_83, %mul3A_23] : memref<16x10240xf32, #tpu.memory_space<vmem_shared>> -> memref<1x640xf32, #tpu.memory_space<vmem_shared>>
    %dma_start3A_89 = tpu.memref_squeeze %dma_start3A_88 : memref<1x640xf32, #tpu.memory_space<vmem_shared>> -> memref<640xf32, #tpu.memory_space<vmem_shared>>
    %dma_start3A_90 = arith.constant 0 : i32
    %dma_start3A_91 = tpu.memref_slice %arg7[%dma_start3A_84, %dma_start3A_90] : memref<16x640xf32, #tpu.memory_space<vmem>> -> memref<1x640xf32, #tpu.memory_space<vmem>>
    %dma_start3A_92 = tpu.memref_squeeze %dma_start3A_91 : memref<1x640xf32, #tpu.memory_space<vmem>> -> memref<640xf32, #tpu.memory_space<vmem>>
    %dma_start3A_93 = tpu.memref_slice %arg9[%dma_start3A_83, %mul3A_23] : memref<16x10240xf32, #tpu.memory_space<vmem_shared>> -> memref<1x640xf32, #tpu.memory_space<vmem_shared>>
    %dma_start3A_94 = tpu.memref_squeeze %dma_start3A_93 : memref<1x640xf32, #tpu.memory_space<vmem_shared>> -> memref<640xf32, #tpu.memory_space<vmem_shared>>
    tpu.enqueue_dma source(%dma_start3A_94 : memref<640xf32, #tpu.memory_space<vmem_shared>>) target(%dma_start3A_92 : memref<640xf32, #tpu.memory_space<vmem>>) target_semaphore(%arg11 : memref<!tpu.dma_semaphore, #tpu.memory_space<semaphore_mem>>)
    %dma_start3A_95 = arith.constant 6 : i32
    %dma_start3A_96 = arith.constant 6 : i32
    %dma_start3A_97 = arith.constant 0 : i32
    %dma_start3A_98 = tpu.memref_slice %arg7[%dma_start3A_96, %dma_start3A_97] : memref<16x640xf32, #tpu.memory_space<vmem>> -> memref<1x640xf32, #tpu.memory_space<vmem>>
    %dma_start3A_99 = tpu.memref_squeeze %dma_start3A_98 : memref<1x640xf32, #tpu.memory_space<vmem>> -> memref<640xf32, #tpu.memory_space<vmem>>
    %dma_start3A_100 = tpu.memref_slice %arg9[%dma_start3A_95, %mul3A_23] : memref<16x10240xf32, #tpu.memory_space<vmem_shared>> -> memref<1x640xf32, #tpu.memory_space<vmem_shared>>
    %dma_start3A_101 = tpu.memref_squeeze %dma_start3A_100 : memref<1x640xf32, #tpu.memory_space<vmem_shared>> -> memref<640xf32, #tpu.memory_space<vmem_shared>>
    %dma_start3A_102 = arith.constant 0 : i32
    %dma_start3A_103 = tpu.memref_slice %arg7[%dma_start3A_96, %dma_start3A_102] : memref<16x640xf32, #tpu.memory_space<vmem>> -> memref<1x640xf32, #tpu.memory_space<vmem>>
    %dma_start3A_104 = tpu.memref_squeeze %dma_start3A_103 : memref<1x640xf32, #tpu.memory_space<vmem>> -> memref<640xf32, #tpu.memory_space<vmem>>
    %dma_start3A_105 = tpu.memref_slice %arg9[%dma_start3A_95, %mul3A_23] : memref<16x10240xf32, #tpu.memory_space<vmem_shared>> -> memref<1x640xf32, #tpu.memory_space<vmem_shared>>
    %dma_start3A_106 = tpu.memref_squeeze %dma_start3A_105 : memref<1x640xf32, #tpu.memory_space<vmem_shared>> -> memref<640xf32, #tpu.memory_space<vmem_shared>>
    tpu.enqueue_dma source(%dma_start3A_106 : memref<640xf32, #tpu.memory_space<vmem_shared>>) target(%dma_start3A_104 : memref<640xf32, #tpu.memory_space<vmem>>) target_semaphore(%arg11 : memref<!tpu.dma_semaphore, #tpu.memory_space<semaphore_mem>>)
    %dma_start3A_107 = arith.constant 7 : i32
    %dma_start3A_108 = arith.constant 7 : i32
    %dma_start3A_109 = arith.constant 0 : i32
    %dma_start3A_110 = tpu.memref_slice %arg7[%dma_start3A_108, %dma_start3A_109] : memref<16x640xf32, #tpu.memory_space<vmem>> -> memref<1x640xf32, #tpu.memory_space<vmem>>
    %dma_start3A_111 = tpu.memref_squeeze %dma_start3A_110 : memref<1x640xf32, #tpu.memory_space<vmem>> -> memref<640xf32, #tpu.memory_space<vmem>>
    %dma_start3A_112 = tpu.memref_slice %arg9[%dma_start3A_107, %mul3A_23] : memref<16x10240xf32, #tpu.memory_space<vmem_shared>> -> memref<1x640xf32, #tpu.memory_space<vmem_shared>>
    %dma_start3A_113 = tpu.memref_squeeze %dma_start3A_112 : memref<1x640xf32, #tpu.memory_space<vmem_shared>> -> memref<640xf32, #tpu.memory_space<vmem_shared>>
    %dma_start3A_114 = arith.constant 0 : i32
    %dma_start3A_115 = tpu.memref_slice %arg7[%dma_start3A_108, %dma_start3A_114] : memref<16x640xf32, #tpu.memory_space<vmem>> -> memref<1x640xf32, #tpu.memory_space<vmem>>
    %dma_start3A_116 = tpu.memref_squeeze %dma_start3A_115 : memref<1x640xf32, #tpu.memory_space<vmem>> -> memref<640xf32, #tpu.memory_space<vmem>>
    %dma_start3A_117 = tpu.memref_slice %arg9[%dma_start3A_107, %mul3A_23] : memref<16x10240xf32, #tpu.memory_space<vmem_shared>> -> memref<1x640xf32, #tpu.memory_space<vmem_shared>>
    %dma_start3A_118 = tpu.memref_squeeze %dma_start3A_117 : memref<1x640xf32, #tpu.memory_space<vmem_shared>> -> memref<640xf32, #tpu.memory_space<vmem_shared>>
    tpu.enqueue_dma source(%dma_start3A_118 : memref<640xf32, #tpu.memory_space<vmem_shared>>) target(%dma_start3A_116 : memref<640xf32, #tpu.memory_space<vmem>>) target_semaphore(%arg11 : memref<!tpu.dma_semaphore, #tpu.memory_space<semaphore_mem>>)
    %dma_start3A_119 = arith.constant 8 : i32
    %dma_start3A_120 = arith.constant 8 : i32
    %dma_start3A_121 = arith.constant 0 : i32
    %dma_start3A_122 = tpu.memref_slice %arg7[%dma_start3A_120, %dma_start3A_121] : memref<16x640xf32, #tpu.memory_space<vmem>> -> memref<1x640xf32, #tpu.memory_space<vmem>>
    %dma_start3A_123 = tpu.memref_squeeze %dma_start3A_122 : memref<1x640xf32, #tpu.memory_space<vmem>> -> memref<640xf32, #tpu.memory_space<vmem>>
    %dma_start3A_124 = tpu.memref_slice %arg9[%dma_start3A_119, %mul3A_23] : memref<16x10240xf32, #tpu.memory_space<vmem_shared>> -> memref<1x640xf32, #tpu.memory_space<vmem_shared>>
    %dma_start3A_125 = tpu.memref_squeeze %dma_start3A_124 : memref<1x640xf32, #tpu.memory_space<vmem_shared>> -> memref<640xf32, #tpu.memory_space<vmem_shared>>
    %dma_start3A_126 = arith.constant 0 : i32
    %dma_start3A_127 = tpu.memref_slice %arg7[%dma_start3A_120, %dma_start3A_126] : memref<16x640xf32, #tpu.memory_space<vmem>> -> memref<1x640xf32, #tpu.memory_space<vmem>>
    %dma_start3A_128 = tpu.memref_squeeze %dma_start3A_127 : memref<1x640xf32, #tpu.memory_space<vmem>> -> memref<640xf32, #tpu.memory_space<vmem>>
    %dma_start3A_129 = tpu.memref_slice %arg9[%dma_start3A_119, %mul3A_23] : memref<16x10240xf32, #tpu.memory_space<vmem_shared>> -> memref<1x640xf32, #tpu.memory_space<vmem_shared>>
    %dma_start3A_130 = tpu.memref_squeeze %dma_start3A_129 : memref<1x640xf32, #tpu.memory_space<vmem_shared>> -> memref<640xf32, #tpu.memory_space<vmem_shared>>
    tpu.enqueue_dma source(%dma_start3A_130 : memref<640xf32, #tpu.memory_space<vmem_shared>>) target(%dma_start3A_128 : memref<640xf32, #tpu.memory_space<vmem>>) target_semaphore(%arg11 : memref<!tpu.dma_semaphore, #tpu.memory_space<semaphore_mem>>)
    %dma_start3A_131 = arith.constant 9 : i32
    %dma_start3A_132 = arith.constant 9 : i32
    %dma_start3A_133 = arith.constant 0 : i32
    %dma_start3A_134 = tpu.memref_slice %arg7[%dma_start3A_132, %dma_start3A_133] : memref<16x640xf32, #tpu.memory_space<vmem>> -> memref<1x640xf32, #tpu.memory_space<vmem>>
    %dma_start3A_135 = tpu.memref_squeeze %dma_start3A_134 : memref<1x640xf32, #tpu.memory_space<vmem>> -> memref<640xf32, #tpu.memory_space<vmem>>
    %dma_start3A_136 = tpu.memref_slice %arg9[%dma_start3A_131, %mul3A_23] : memref<16x10240xf32, #tpu.memory_space<vmem_shared>> -> memref<1x640xf32, #tpu.memory_space<vmem_shared>>
    %dma_start3A_137 = tpu.memref_squeeze %dma_start3A_136 : memref<1x640xf32, #tpu.memory_space<vmem_shared>> -> memref<640xf32, #tpu.memory_space<vmem_shared>>
    %dma_start3A_138 = arith.constant 0 : i32
    %dma_start3A_139 = tpu.memref_slice %arg7[%dma_start3A_132, %dma_start3A_138] : memref<16x640xf32, #tpu.memory_space<vmem>> -> memref<1x640xf32, #tpu.memory_space<vmem>>
    %dma_start3A_140 = tpu.memref_squeeze %dma_start3A_139 : memref<1x640xf32, #tpu.memory_space<vmem>> -> memref<640xf32, #tpu.memory_space<vmem>>
    %dma_start3A_141 = tpu.memref_slice %arg9[%dma_start3A_131, %mul3A_23] : memref<16x10240xf32, #tpu.memory_space<vmem_shared>> -> memref<1x640xf32, #tpu.memory_space<vmem_shared>>
    %dma_start3A_142 = tpu.memref_squeeze %dma_start3A_141 : memref<1x640xf32, #tpu.memory_space<vmem_shared>> -> memref<640xf32, #tpu.memory_space<vmem_shared>>
    tpu.enqueue_dma source(%dma_start3A_142 : memref<640xf32, #tpu.memory_space<vmem_shared>>) target(%dma_start3A_140 : memref<640xf32, #tpu.memory_space<vmem>>) target_semaphore(%arg11 : memref<!tpu.dma_semaphore, #tpu.memory_space<semaphore_mem>>)
    %dma_start3A_143 = arith.constant 10 : i32
    %dma_start3A_144 = arith.constant 10 : i32
    %dma_start3A_145 = arith.constant 0 : i32
    %dma_start3A_146 = tpu.memref_slice %arg7[%dma_start3A_144, %dma_start3A_145] : memref<16x640xf32, #tpu.memory_space<vmem>> -> memref<1x640xf32, #tpu.memory_space<vmem>>
    %dma_start3A_147 = tpu.memref_squeeze %dma_start3A_146 : memref<1x640xf32, #tpu.memory_space<vmem>> -> memref<640xf32, #tpu.memory_space<vmem>>
    %dma_start3A_148 = tpu.memref_slice %arg9[%dma_start3A_143, %mul3A_23] : memref<16x10240xf32, #tpu.memory_space<vmem_shared>> -> memref<1x640xf32, #tpu.memory_space<vmem_shared>>
    %dma_start3A_149 = tpu.memref_squeeze %dma_start3A_148 : memref<1x640xf32, #tpu.memory_space<vmem_shared>> -> memref<640xf32, #tpu.memory_space<vmem_shared>>
    %dma_start3A_150 = arith.constant 0 : i32
    %dma_start3A_151 = tpu.memref_slice %arg7[%dma_start3A_144, %dma_start3A_150] : memref<16x640xf32, #tpu.memory_space<vmem>> -> memref<1x640xf32, #tpu.memory_space<vmem>>
    %dma_start3A_152 = tpu.memref_squeeze %dma_start3A_151 : memref<1x640xf32, #tpu.memory_space<vmem>> -> memref<640xf32, #tpu.memory_space<vmem>>
    %dma_start3A_153 = tpu.memref_slice %arg9[%dma_start3A_143, %mul3A_23] : memref<16x10240xf32, #tpu.memory_space<vmem_shared>> -> memref<1x640xf32, #tpu.memory_space<vmem_shared>>
    %dma_start3A_154 = tpu.memref_squeeze %dma_start3A_153 : memref<1x640xf32, #tpu.memory_space<vmem_shared>> -> memref<640xf32, #tpu.memory_space<vmem_shared>>
    tpu.enqueue_dma source(%dma_start3A_154 : memref<640xf32, #tpu.memory_space<vmem_shared>>) target(%dma_start3A_152 : memref<640xf32, #tpu.memory_space<vmem>>) target_semaphore(%arg11 : memref<!tpu.dma_semaphore, #tpu.memory_space<semaphore_mem>>)
    %dma_start3A_155 = arith.constant 11 : i32
    %dma_start3A_156 = arith.constant 11 : i32
    %dma_start3A_157 = arith.constant 0 : i32
    %dma_start3A_158 = tpu.memref_slice %arg7[%dma_start3A_156, %dma_start3A_157] : memref<16x640xf32, #tpu.memory_space<vmem>> -> memref<1x640xf32, #tpu.memory_space<vmem>>
    %dma_start3A_159 = tpu.memref_squeeze %dma_start3A_158 : memref<1x640xf32, #tpu.memory_space<vmem>> -> memref<640xf32, #tpu.memory_space<vmem>>
    %dma_start3A_160 = tpu.memref_slice %arg9[%dma_start3A_155, %mul3A_23] : memref<16x10240xf32, #tpu.memory_space<vmem_shared>> -> memref<1x640xf32, #tpu.memory_space<vmem_shared>>
    %dma_start3A_161 = tpu.memref_squeeze %dma_start3A_160 : memref<1x640xf32, #tpu.memory_space<vmem_shared>> -> memref<640xf32, #tpu.memory_space<vmem_shared>>
    %dma_start3A_162 = arith.constant 0 : i32
    %dma_start3A_163 = tpu.memref_slice %arg7[%dma_start3A_156, %dma_start3A_162] : memref<16x640xf32, #tpu.memory_space<vmem>> -> memref<1x640xf32, #tpu.memory_space<vmem>>
    %dma_start3A_164 = tpu.memref_squeeze %dma_start3A_163 : memref<1x640xf32, #tpu.memory_space<vmem>> -> memref<640xf32, #tpu.memory_space<vmem>>
    %dma_start3A_165 = tpu.memref_slice %arg9[%dma_start3A_155, %mul3A_23] : memref<16x10240xf32, #tpu.memory_space<vmem_shared>> -> memref<1x640xf32, #tpu.memory_space<vmem_shared>>
    %dma_start3A_166 = tpu.memref_squeeze %dma_start3A_165 : memref<1x640xf32, #tpu.memory_space<vmem_shared>> -> memref<640xf32, #tpu.memory_space<vmem_shared>>
    tpu.enqueue_dma source(%dma_start3A_166 : memref<640xf32, #tpu.memory_space<vmem_shared>>) target(%dma_start3A_164 : memref<640xf32, #tpu.memory_space<vmem>>) target_semaphore(%arg11 : memref<!tpu.dma_semaphore, #tpu.memory_space<semaphore_mem>>)
    %dma_start3A_167 = arith.constant 12 : i32
    %dma_start3A_168 = arith.constant 12 : i32
    %dma_start3A_169 = arith.constant 0 : i32
    %dma_start3A_170 = tpu.memref_slice %arg7[%dma_start3A_168, %dma_start3A_169] : memref<16x640xf32, #tpu.memory_space<vmem>> -> memref<1x640xf32, #tpu.memory_space<vmem>>
    %dma_start3A_171 = tpu.memref_squeeze %dma_start3A_170 : memref<1x640xf32, #tpu.memory_space<vmem>> -> memref<640xf32, #tpu.memory_space<vmem>>
    %dma_start3A_172 = tpu.memref_slice %arg9[%dma_start3A_167, %mul3A_23] : memref<16x10240xf32, #tpu.memory_space<vmem_shared>> -> memref<1x640xf32, #tpu.memory_space<vmem_shared>>
    %dma_start3A_173 = tpu.memref_squeeze %dma_start3A_172 : memref<1x640xf32, #tpu.memory_space<vmem_shared>> -> memref<640xf32, #tpu.memory_space<vmem_shared>>
    %dma_start3A_174 = arith.constant 0 : i32
    %dma_start3A_175 = tpu.memref_slice %arg7[%dma_start3A_168, %dma_start3A_174] : memref<16x640xf32, #tpu.memory_space<vmem>> -> memref<1x640xf32, #tpu.memory_space<vmem>>
    %dma_start3A_176 = tpu.memref_squeeze %dma_start3A_175 : memref<1x640xf32, #tpu.memory_space<vmem>> -> memref<640xf32, #tpu.memory_space<vmem>>
    %dma_start3A_177 = tpu.memref_slice %arg9[%dma_start3A_167, %mul3A_23] : memref<16x10240xf32, #tpu.memory_space<vmem_shared>> -> memref<1x640xf32, #tpu.memory_space<vmem_shared>>
    %dma_start3A_178 = tpu.memref_squeeze %dma_start3A_177 : memref<1x640xf32, #tpu.memory_space<vmem_shared>> -> memref<640xf32, #tpu.memory_space<vmem_shared>>
    tpu.enqueue_dma source(%dma_start3A_178 : memref<640xf32, #tpu.memory_space<vmem_shared>>) target(%dma_start3A_176 : memref<640xf32, #tpu.memory_space<vmem>>) target_semaphore(%arg11 : memref<!tpu.dma_semaphore, #tpu.memory_space<semaphore_mem>>)
    %dma_start3A_179 = arith.constant 13 : i32
    %dma_start3A_180 = arith.constant 13 : i32
    %dma_start3A_181 = arith.constant 0 : i32
    %dma_start3A_182 = tpu.memref_slice %arg7[%dma_start3A_180, %dma_start3A_181] : memref<16x640xf32, #tpu.memory_space<vmem>> -> memref<1x640xf32, #tpu.memory_space<vmem>>
    %dma_start3A_183 = tpu.memref_squeeze %dma_start3A_182 : memref<1x640xf32, #tpu.memory_space<vmem>> -> memref<640xf32, #tpu.memory_space<vmem>>
    %dma_start3A_184 = tpu.memref_slice %arg9[%dma_start3A_179, %mul3A_23] : memref<16x10240xf32, #tpu.memory_space<vmem_shared>> -> memref<1x640xf32, #tpu.memory_space<vmem_shared>>
    %dma_start3A_185 = tpu.memref_squeeze %dma_start3A_184 : memref<1x640xf32, #tpu.memory_space<vmem_shared>> -> memref<640xf32, #tpu.memory_space<vmem_shared>>
    %dma_start3A_186 = arith.constant 0 : i32
    %dma_start3A_187 = tpu.memref_slice %arg7[%dma_start3A_180, %dma_start3A_186] : memref<16x640xf32, #tpu.memory_space<vmem>> -> memref<1x640xf32, #tpu.memory_space<vmem>>
    %dma_start3A_188 = tpu.memref_squeeze %dma_start3A_187 : memref<1x640xf32, #tpu.memory_space<vmem>> -> memref<640xf32, #tpu.memory_space<vmem>>
    %dma_start3A_189 = tpu.memref_slice %arg9[%dma_start3A_179, %mul3A_23] : memref<16x10240xf32, #tpu.memory_space<vmem_shared>> -> memref<1x640xf32, #tpu.memory_space<vmem_shared>>
    %dma_start3A_190 = tpu.memref_squeeze %dma_start3A_189 : memref<1x640xf32, #tpu.memory_space<vmem_shared>> -> memref<640xf32, #tpu.memory_space<vmem_shared>>
    tpu.enqueue_dma source(%dma_start3A_190 : memref<640xf32, #tpu.memory_space<vmem_shared>>) target(%dma_start3A_188 : memref<640xf32, #tpu.memory_space<vmem>>) target_semaphore(%arg11 : memref<!tpu.dma_semaphore, #tpu.memory_space<semaphore_mem>>)
    %dma_start3A_191 = arith.constant 14 : i32
    %dma_start3A_192 = arith.constant 14 : i32
    %dma_start3A_193 = arith.constant 0 : i32
    %dma_start3A_194 = tpu.memref_slice %arg7[%dma_start3A_192, %dma_start3A_193] : memref<16x640xf32, #tpu.memory_space<vmem>> -> memref<1x640xf32, #tpu.memory_space<vmem>>
    %dma_start3A_195 = tpu.memref_squeeze %dma_start3A_194 : memref<1x640xf32, #tpu.memory_space<vmem>> -> memref<640xf32, #tpu.memory_space<vmem>>
    %dma_start3A_196 = tpu.memref_slice %arg9[%dma_start3A_191, %mul3A_23] : memref<16x10240xf32, #tpu.memory_space<vmem_shared>> -> memref<1x640xf32, #tpu.memory_space<vmem_shared>>
    %dma_start3A_197 = tpu.memref_squeeze %dma_start3A_196 : memref<1x640xf32, #tpu.memory_space<vmem_shared>> -> memref<640xf32, #tpu.memory_space<vmem_shared>>
    %dma_start3A_198 = arith.constant 0 : i32
    %dma_start3A_199 = tpu.memref_slice %arg7[%dma_start3A_192, %dma_start3A_198] : memref<16x640xf32, #tpu.memory_space<vmem>> -> memref<1x640xf32, #tpu.memory_space<vmem>>
    %dma_start3A_200 = tpu.memref_squeeze %dma_start3A_199 : memref<1x640xf32, #tpu.memory_space<vmem>> -> memref<640xf32, #tpu.memory_space<vmem>>
    %dma_start3A_201 = tpu.memref_slice %arg9[%dma_start3A_191, %mul3A_23] : memref<16x10240xf32, #tpu.memory_space<vmem_shared>> -> memref<1x640xf32, #tpu.memory_space<vmem_shared>>
    %dma_start3A_202 = tpu.memref_squeeze %dma_start3A_201 : memref<1x640xf32, #tpu.memory_space<vmem_shared>> -> memref<640xf32, #tpu.memory_space<vmem_shared>>
    tpu.enqueue_dma source(%dma_start3A_202 : memref<640xf32, #tpu.memory_space<vmem_shared>>) target(%dma_start3A_200 : memref<640xf32, #tpu.memory_space<vmem>>) target_semaphore(%arg11 : memref<!tpu.dma_semaphore, #tpu.memory_space<semaphore_mem>>)
    %dma_start3A_203 = arith.constant 15 : i32
    %dma_start3A_204 = arith.constant 15 : i32
    %dma_start3A_205 = arith.constant 0 : i32
    %dma_start3A_206 = tpu.memref_slice %arg7[%dma_start3A_204, %dma_start3A_205] : memref<16x640xf32, #tpu.memory_space<vmem>> -> memref<1x640xf32, #tpu.memory_space<vmem>>
    %dma_start3A_207 = tpu.memref_squeeze %dma_start3A_206 : memref<1x640xf32, #tpu.memory_space<vmem>> -> memref<640xf32, #tpu.memory_space<vmem>>
    %dma_start3A_208 = tpu.memref_slice %arg9[%dma_start3A_203, %mul3A_23] : memref<16x10240xf32, #tpu.memory_space<vmem_shared>> -> memref<1x640xf32, #tpu.memory_space<vmem_shared>>
    %dma_start3A_209 = tpu.memref_squeeze %dma_start3A_208 : memref<1x640xf32, #tpu.memory_space<vmem_shared>> -> memref<640xf32, #tpu.memory_space<vmem_shared>>
    %dma_start3A_210 = arith.constant 0 : i32
    %dma_start3A_211 = tpu.memref_slice %arg7[%dma_start3A_204, %dma_start3A_210] : memref<16x640xf32, #tpu.memory_space<vmem>> -> memref<1x640xf32, #tpu.memory_space<vmem>>
    %dma_start3A_212 = tpu.memref_squeeze %dma_start3A_211 : memref<1x640xf32, #tpu.memory_space<vmem>> -> memref<640xf32, #tpu.memory_space<vmem>>
    %dma_start3A_213 = tpu.memref_slice %arg9[%dma_start3A_203, %mul3A_23] : memref<16x10240xf32, #tpu.memory_space<vmem_shared>> -> memref<1x640xf32, #tpu.memory_space<vmem_shared>>
    %dma_start3A_214 = tpu.memref_squeeze %dma_start3A_213 : memref<1x640xf32, #tpu.memory_space<vmem_shared>> -> memref<640xf32, #tpu.memory_space<vmem_shared>>
    tpu.enqueue_dma source(%dma_start3A_214 : memref<640xf32, #tpu.memory_space<vmem_shared>>) target(%dma_start3A_212 : memref<640xf32, #tpu.memory_space<vmem>>) target_semaphore(%arg11 : memref<!tpu.dma_semaphore, #tpu.memory_space<semaphore_mem>>)
    %dma_wait3A_215 = arith.constant 0 : i32
    %dma_wait3A_216 = arith.constant 0 : i32
    %dma_wait3A_217 = arith.constant 0 : i32
    %dma_wait3A_218 = tpu.memref_slice %arg7[%dma_wait3A_216, %dma_wait3A_217] : memref<16x640xf32, #tpu.memory_space<vmem>> -> memref<1x640xf32, #tpu.memory_space<vmem>>
    %dma_wait3A_219 = tpu.memref_squeeze %dma_wait3A_218 : memref<1x640xf32, #tpu.memory_space<vmem>> -> memref<640xf32, #tpu.memory_space<vmem>>
    %dma_wait3A_220 = tpu.memref_slice %arg9[%dma_wait3A_215, %mul3A_23] : memref<16x10240xf32, #tpu.memory_space<vmem_shared>> -> memref<1x640xf32, #tpu.memory_space<vmem_shared>>
    %dma_wait3A_221 = tpu.memref_squeeze %dma_wait3A_220 : memref<1x640xf32, #tpu.memory_space<vmem_shared>> -> memref<640xf32, #tpu.memory_space<vmem_shared>>
    %dma_wait3A_222 = arith.constant 0 : i32
    %dma_wait3A_223 = tpu.memref_slice %arg7[%dma_wait3A_216, %dma_wait3A_222] : memref<16x640xf32, #tpu.memory_space<vmem>> -> memref<1x640xf32, #tpu.memory_space<vmem>>
    %dma_wait3A_224 = tpu.memref_squeeze %dma_wait3A_223 : memref<1x640xf32, #tpu.memory_space<vmem>> -> memref<640xf32, #tpu.memory_space<vmem>>
    %dma_wait3A_225 = tpu.memref_slice %arg9[%dma_wait3A_215, %mul3A_23] : memref<16x10240xf32, #tpu.memory_space<vmem_shared>> -> memref<1x640xf32, #tpu.memory_space<vmem_shared>>
    %dma_wait3A_226 = tpu.memref_squeeze %dma_wait3A_225 : memref<1x640xf32, #tpu.memory_space<vmem_shared>> -> memref<640xf32, #tpu.memory_space<vmem_shared>>
    tpu.wait_dma2 semaphore(%arg11 : memref<!tpu.dma_semaphore, #tpu.memory_space<semaphore_mem>>) src(%dma_wait3A_226 : memref<640xf32, #tpu.memory_space<vmem_shared>>) dst(%dma_wait3A_224 : memref<640xf32, #tpu.memory_space<vmem>>)
    %dma_wait3A_227 = arith.constant 1 : i32
    %dma_wait3A_228 = arith.constant 1 : i32
    %dma_wait3A_229 = arith.constant 0 : i32
    %dma_wait3A_230 = tpu.memref_slice %arg7[%dma_wait3A_228, %dma_wait3A_229] : memref<16x640xf32, #tpu.memory_space<vmem>> -> memref<1x640xf32, #tpu.memory_space<vmem>>
    %dma_wait3A_231 = tpu.memref_squeeze %dma_wait3A_230 : memref<1x640xf32, #tpu.memory_space<vmem>> -> memref<640xf32, #tpu.memory_space<vmem>>
    %dma_wait3A_232 = tpu.memref_slice %arg9[%dma_wait3A_227, %mul3A_23] : memref<16x10240xf32, #tpu.memory_space<vmem_shared>> -> memref<1x640xf32, #tpu.memory_space<vmem_shared>>
    %dma_wait3A_233 = tpu.memref_squeeze %dma_wait3A_232 : memref<1x640xf32, #tpu.memory_space<vmem_shared>> -> memref<640xf32, #tpu.memory_space<vmem_shared>>
    %dma_wait3A_234 = arith.constant 0 : i32
    %dma_wait3A_235 = tpu.memref_slice %arg7[%dma_wait3A_228, %dma_wait3A_234] : memref<16x640xf32, #tpu.memory_space<vmem>> -> memref<1x640xf32, #tpu.memory_space<vmem>>
    %dma_wait3A_236 = tpu.memref_squeeze %dma_wait3A_235 : memref<1x640xf32, #tpu.memory_space<vmem>> -> memref<640xf32, #tpu.memory_space<vmem>>
    %dma_wait3A_237 = tpu.memref_slice %arg9[%dma_wait3A_227, %mul3A_23] : memref<16x10240xf32, #tpu.memory_space<vmem_shared>> -> memref<1x640xf32, #tpu.memory_space<vmem_shared>>
    %dma_wait3A_238 = tpu.memref_squeeze %dma_wait3A_237 : memref<1x640xf32, #tpu.memory_space<vmem_shared>> -> memref<640xf32, #tpu.memory_space<vmem_shared>>
    tpu.wait_dma2 semaphore(%arg11 : memref<!tpu.dma_semaphore, #tpu.memory_space<semaphore_mem>>) src(%dma_wait3A_238 : memref<640xf32, #tpu.memory_space<vmem_shared>>) dst(%dma_wait3A_236 : memref<640xf32, #tpu.memory_space<vmem>>)
    %dma_wait3A_239 = arith.constant 2 : i32
    %dma_wait3A_240 = arith.constant 2 : i32
    %dma_wait3A_241 = arith.constant 0 : i32
    %dma_wait3A_242 = tpu.memref_slice %arg7[%dma_wait3A_240, %dma_wait3A_241] : memref<16x640xf32, #tpu.memory_space<vmem>> -> memref<1x640xf32, #tpu.memory_space<vmem>>
    %dma_wait3A_243 = tpu.memref_squeeze %dma_wait3A_242 : memref<1x640xf32, #tpu.memory_space<vmem>> -> memref<640xf32, #tpu.memory_space<vmem>>
    %dma_wait3A_244 = tpu.memref_slice %arg9[%dma_wait3A_239, %mul3A_23] : memref<16x10240xf32, #tpu.memory_space<vmem_shared>> -> memref<1x640xf32, #tpu.memory_space<vmem_shared>>
    %dma_wait3A_245 = tpu.memref_squeeze %dma_wait3A_244 : memref<1x640xf32, #tpu.memory_space<vmem_shared>> -> memref<640xf32, #tpu.memory_space<vmem_shared>>
    %dma_wait3A_246 = arith.constant 0 : i32
    %dma_wait3A_247 = tpu.memref_slice %arg7[%dma_wait3A_240, %dma_wait3A_246] : memref<16x640xf32, #tpu.memory_space<vmem>> -> memref<1x640xf32, #tpu.memory_space<vmem>>
    %dma_wait3A_248 = tpu.memref_squeeze %dma_wait3A_247 : memref<1x640xf32, #tpu.memory_space<vmem>> -> memref<640xf32, #tpu.memory_space<vmem>>
    %dma_wait3A_249 = tpu.memref_slice %arg9[%dma_wait3A_239, %mul3A_23] : memref<16x10240xf32, #tpu.memory_space<vmem_shared>> -> memref<1x640xf32, #tpu.memory_space<vmem_shared>>
    %dma_wait3A_250 = tpu.memref_squeeze %dma_wait3A_249 : memref<1x640xf32, #tpu.memory_space<vmem_shared>> -> memref<640xf32, #tpu.memory_space<vmem_shared>>
    tpu.wait_dma2 semaphore(%arg11 : memref<!tpu.dma_semaphore, #tpu.memory_space<semaphore_mem>>) src(%dma_wait3A_250 : memref<640xf32, #tpu.memory_space<vmem_shared>>) dst(%dma_wait3A_248 : memref<640xf32, #tpu.memory_space<vmem>>)
    %dma_wait3A_251 = arith.constant 3 : i32
    %dma_wait3A_252 = arith.constant 3 : i32
    %dma_wait3A_253 = arith.constant 0 : i32
    %dma_wait3A_254 = tpu.memref_slice %arg7[%dma_wait3A_252, %dma_wait3A_253] : memref<16x640xf32, #tpu.memory_space<vmem>> -> memref<1x640xf32, #tpu.memory_space<vmem>>
    %dma_wait3A_255 = tpu.memref_squeeze %dma_wait3A_254 : memref<1x640xf32, #tpu.memory_space<vmem>> -> memref<640xf32, #tpu.memory_space<vmem>>
    %dma_wait3A_256 = tpu.memref_slice %arg9[%dma_wait3A_251, %mul3A_23] : memref<16x10240xf32, #tpu.memory_space<vmem_shared>> -> memref<1x640xf32, #tpu.memory_space<vmem_shared>>
    %dma_wait3A_257 = tpu.memref_squeeze %dma_wait3A_256 : memref<1x640xf32, #tpu.memory_space<vmem_shared>> -> memref<640xf32, #tpu.memory_space<vmem_shared>>
    %dma_wait3A_258 = arith.constant 0 : i32
    %dma_wait3A_259 = tpu.memref_slice %arg7[%dma_wait3A_252, %dma_wait3A_258] : memref<16x640xf32, #tpu.memory_space<vmem>> -> memref<1x640xf32, #tpu.memory_space<vmem>>
    %dma_wait3A_260 = tpu.memref_squeeze %dma_wait3A_259 : memref<1x640xf32, #tpu.memory_space<vmem>> -> memref<640xf32, #tpu.memory_space<vmem>>
    %dma_wait3A_261 = tpu.memref_slice %arg9[%dma_wait3A_251, %mul3A_23] : memref<16x10240xf32, #tpu.memory_space<vmem_shared>> -> memref<1x640xf32, #tpu.memory_space<vmem_shared>>
    %dma_wait3A_262 = tpu.memref_squeeze %dma_wait3A_261 : memref<1x640xf32, #tpu.memory_space<vmem_shared>> -> memref<640xf32, #tpu.memory_space<vmem_shared>>
    tpu.wait_dma2 semaphore(%arg11 : memref<!tpu.dma_semaphore, #tpu.memory_space<semaphore_mem>>) src(%dma_wait3A_262 : memref<640xf32, #tpu.memory_space<vmem_shared>>) dst(%dma_wait3A_260 : memref<640xf32, #tpu.memory_space<vmem>>)
    %dma_wait3A_263 = arith.constant 4 : i32
    %dma_wait3A_264 = arith.constant 4 : i32
    %dma_wait3A_265 = arith.constant 0 : i32
    %dma_wait3A_266 = tpu.memref_slice %arg7[%dma_wait3A_264, %dma_wait3A_265] : memref<16x640xf32, #tpu.memory_space<vmem>> -> memref<1x640xf32, #tpu.memory_space<vmem>>
    %dma_wait3A_267 = tpu.memref_squeeze %dma_wait3A_266 : memref<1x640xf32, #tpu.memory_space<vmem>> -> memref<640xf32, #tpu.memory_space<vmem>>
    %dma_wait3A_268 = tpu.memref_slice %arg9[%dma_wait3A_263, %mul3A_23] : memref<16x10240xf32, #tpu.memory_space<vmem_shared>> -> memref<1x640xf32, #tpu.memory_space<vmem_shared>>
    %dma_wait3A_269 = tpu.memref_squeeze %dma_wait3A_268 : memref<1x640xf32, #tpu.memory_space<vmem_shared>> -> memref<640xf32, #tpu.memory_space<vmem_shared>>
    %dma_wait3A_270 = arith.constant 0 : i32
    %dma_wait3A_271 = tpu.memref_slice %arg7[%dma_wait3A_264, %dma_wait3A_270] : memref<16x640xf32, #tpu.memory_space<vmem>> -> memref<1x640xf32, #tpu.memory_space<vmem>>
    %dma_wait3A_272 = tpu.memref_squeeze %dma_wait3A_271 : memref<1x640xf32, #tpu.memory_space<vmem>> -> memref<640xf32, #tpu.memory_space<vmem>>
    %dma_wait3A_273 = tpu.memref_slice %arg9[%dma_wait3A_263, %mul3A_23] : memref<16x10240xf32, #tpu.memory_space<vmem_shared>> -> memref<1x640xf32, #tpu.memory_space<vmem_shared>>
    %dma_wait3A_274 = tpu.memref_squeeze %dma_wait3A_273 : memref<1x640xf32, #tpu.memory_space<vmem_shared>> -> memref<640xf32, #tpu.memory_space<vmem_shared>>
    tpu.wait_dma2 semaphore(%arg11 : memref<!tpu.dma_semaphore, #tpu.memory_space<semaphore_mem>>) src(%dma_wait3A_274 : memref<640xf32, #tpu.memory_space<vmem_shared>>) dst(%dma_wait3A_272 : memref<640xf32, #tpu.memory_space<vmem>>)
    %dma_wait3A_275 = arith.constant 5 : i32
    %dma_wait3A_276 = arith.constant 5 : i32
    %dma_wait3A_277 = arith.constant 0 : i32
    %dma_wait3A_278 = tpu.memref_slice %arg7[%dma_wait3A_276, %dma_wait3A_277] : memref<16x640xf32, #tpu.memory_space<vmem>> -> memref<1x640xf32, #tpu.memory_space<vmem>>
    %dma_wait3A_279 = tpu.memref_squeeze %dma_wait3A_278 : memref<1x640xf32, #tpu.memory_space<vmem>> -> memref<640xf32, #tpu.memory_space<vmem>>
    %dma_wait3A_280 = tpu.memref_slice %arg9[%dma_wait3A_275, %mul3A_23] : memref<16x10240xf32, #tpu.memory_space<vmem_shared>> -> memref<1x640xf32, #tpu.memory_space<vmem_shared>>
    %dma_wait3A_281 = tpu.memref_squeeze %dma_wait3A_280 : memref<1x640xf32, #tpu.memory_space<vmem_shared>> -> memref<640xf32, #tpu.memory_space<vmem_shared>>
    %dma_wait3A_282 = arith.constant 0 : i32
    %dma_wait3A_283 = tpu.memref_slice %arg7[%dma_wait3A_276, %dma_wait3A_282] : memref<16x640xf32, #tpu.memory_space<vmem>> -> memref<1x640xf32, #tpu.memory_space<vmem>>
    %dma_wait3A_284 = tpu.memref_squeeze %dma_wait3A_283 : memref<1x640xf32, #tpu.memory_space<vmem>> -> memref<640xf32, #tpu.memory_space<vmem>>
    %dma_wait3A_285 = tpu.memref_slice %arg9[%dma_wait3A_275, %mul3A_23] : memref<16x10240xf32, #tpu.memory_space<vmem_shared>> -> memref<1x640xf32, #tpu.memory_space<vmem_shared>>
    %dma_wait3A_286 = tpu.memref_squeeze %dma_wait3A_285 : memref<1x640xf32, #tpu.memory_space<vmem_shared>> -> memref<640xf32, #tpu.memory_space<vmem_shared>>
    tpu.wait_dma2 semaphore(%arg11 : memref<!tpu.dma_semaphore, #tpu.memory_space<semaphore_mem>>) src(%dma_wait3A_286 : memref<640xf32, #tpu.memory_space<vmem_shared>>) dst(%dma_wait3A_284 : memref<640xf32, #tpu.memory_space<vmem>>)
    %dma_wait3A_287 = arith.constant 6 : i32
    %dma_wait3A_288 = arith.constant 6 : i32
    %dma_wait3A_289 = arith.constant 0 : i32
    %dma_wait3A_290 = tpu.memref_slice %arg7[%dma_wait3A_288, %dma_wait3A_289] : memref<16x640xf32, #tpu.memory_space<vmem>> -> memref<1x640xf32, #tpu.memory_space<vmem>>
    %dma_wait3A_291 = tpu.memref_squeeze %dma_wait3A_290 : memref<1x640xf32, #tpu.memory_space<vmem>> -> memref<640xf32, #tpu.memory_space<vmem>>
    %dma_wait3A_292 = tpu.memref_slice %arg9[%dma_wait3A_287, %mul3A_23] : memref<16x10240xf32, #tpu.memory_space<vmem_shared>> -> memref<1x640xf32, #tpu.memory_space<vmem_shared>>
    %dma_wait3A_293 = tpu.memref_squeeze %dma_wait3A_292 : memref<1x640xf32, #tpu.memory_space<vmem_shared>> -> memref<640xf32, #tpu.memory_space<vmem_shared>>
    %dma_wait3A_294 = arith.constant 0 : i32
    %dma_wait3A_295 = tpu.memref_slice %arg7[%dma_wait3A_288, %dma_wait3A_294] : memref<16x640xf32, #tpu.memory_space<vmem>> -> memref<1x640xf32, #tpu.memory_space<vmem>>
    %dma_wait3A_296 = tpu.memref_squeeze %dma_wait3A_295 : memref<1x640xf32, #tpu.memory_space<vmem>> -> memref<640xf32, #tpu.memory_space<vmem>>
    %dma_wait3A_297 = tpu.memref_slice %arg9[%dma_wait3A_287, %mul3A_23] : memref<16x10240xf32, #tpu.memory_space<vmem_shared>> -> memref<1x640xf32, #tpu.memory_space<vmem_shared>>
    %dma_wait3A_298 = tpu.memref_squeeze %dma_wait3A_297 : memref<1x640xf32, #tpu.memory_space<vmem_shared>> -> memref<640xf32, #tpu.memory_space<vmem_shared>>
    tpu.wait_dma2 semaphore(%arg11 : memref<!tpu.dma_semaphore, #tpu.memory_space<semaphore_mem>>) src(%dma_wait3A_298 : memref<640xf32, #tpu.memory_space<vmem_shared>>) dst(%dma_wait3A_296 : memref<640xf32, #tpu.memory_space<vmem>>)
    %dma_wait3A_299 = arith.constant 7 : i32
    %dma_wait3A_300 = arith.constant 7 : i32
    %dma_wait3A_301 = arith.constant 0 : i32
    %dma_wait3A_302 = tpu.memref_slice %arg7[%dma_wait3A_300, %dma_wait3A_301] : memref<16x640xf32, #tpu.memory_space<vmem>> -> memref<1x640xf32, #tpu.memory_space<vmem>>
    %dma_wait3A_303 = tpu.memref_squeeze %dma_wait3A_302 : memref<1x640xf32, #tpu.memory_space<vmem>> -> memref<640xf32, #tpu.memory_space<vmem>>
    %dma_wait3A_304 = tpu.memref_slice %arg9[%dma_wait3A_299, %mul3A_23] : memref<16x10240xf32, #tpu.memory_space<vmem_shared>> -> memref<1x640xf32, #tpu.memory_space<vmem_shared>>
    %dma_wait3A_305 = tpu.memref_squeeze %dma_wait3A_304 : memref<1x640xf32, #tpu.memory_space<vmem_shared>> -> memref<640xf32, #tpu.memory_space<vmem_shared>>
    %dma_wait3A_306 = arith.constant 0 : i32
    %dma_wait3A_307 = tpu.memref_slice %arg7[%dma_wait3A_300, %dma_wait3A_306] : memref<16x640xf32, #tpu.memory_space<vmem>> -> memref<1x640xf32, #tpu.memory_space<vmem>>
    %dma_wait3A_308 = tpu.memref_squeeze %dma_wait3A_307 : memref<1x640xf32, #tpu.memory_space<vmem>> -> memref<640xf32, #tpu.memory_space<vmem>>
    %dma_wait3A_309 = tpu.memref_slice %arg9[%dma_wait3A_299, %mul3A_23] : memref<16x10240xf32, #tpu.memory_space<vmem_shared>> -> memref<1x640xf32, #tpu.memory_space<vmem_shared>>
    %dma_wait3A_310 = tpu.memref_squeeze %dma_wait3A_309 : memref<1x640xf32, #tpu.memory_space<vmem_shared>> -> memref<640xf32, #tpu.memory_space<vmem_shared>>
    tpu.wait_dma2 semaphore(%arg11 : memref<!tpu.dma_semaphore, #tpu.memory_space<semaphore_mem>>) src(%dma_wait3A_310 : memref<640xf32, #tpu.memory_space<vmem_shared>>) dst(%dma_wait3A_308 : memref<640xf32, #tpu.memory_space<vmem>>)
    %dma_wait3A_311 = arith.constant 8 : i32
    %dma_wait3A_312 = arith.constant 8 : i32
    %dma_wait3A_313 = arith.constant 0 : i32
    %dma_wait3A_314 = tpu.memref_slice %arg7[%dma_wait3A_312, %dma_wait3A_313] : memref<16x640xf32, #tpu.memory_space<vmem>> -> memref<1x640xf32, #tpu.memory_space<vmem>>
    %dma_wait3A_315 = tpu.memref_squeeze %dma_wait3A_314 : memref<1x640xf32, #tpu.memory_space<vmem>> -> memref<640xf32, #tpu.memory_space<vmem>>
    %dma_wait3A_316 = tpu.memref_slice %arg9[%dma_wait3A_311, %mul3A_23] : memref<16x10240xf32, #tpu.memory_space<vmem_shared>> -> memref<1x640xf32, #tpu.memory_space<vmem_shared>>
    %dma_wait3A_317 = tpu.memref_squeeze %dma_wait3A_316 : memref<1x640xf32, #tpu.memory_space<vmem_shared>> -> memref<640xf32, #tpu.memory_space<vmem_shared>>
    %dma_wait3A_318 = arith.constant 0 : i32
    %dma_wait3A_319 = tpu.memref_slice %arg7[%dma_wait3A_312, %dma_wait3A_318] : memref<16x640xf32, #tpu.memory_space<vmem>> -> memref<1x640xf32, #tpu.memory_space<vmem>>
    %dma_wait3A_320 = tpu.memref_squeeze %dma_wait3A_319 : memref<1x640xf32, #tpu.memory_space<vmem>> -> memref<640xf32, #tpu.memory_space<vmem>>
    %dma_wait3A_321 = tpu.memref_slice %arg9[%dma_wait3A_311, %mul3A_23] : memref<16x10240xf32, #tpu.memory_space<vmem_shared>> -> memref<1x640xf32, #tpu.memory_space<vmem_shared>>
    %dma_wait3A_322 = tpu.memref_squeeze %dma_wait3A_321 : memref<1x640xf32, #tpu.memory_space<vmem_shared>> -> memref<640xf32, #tpu.memory_space<vmem_shared>>
    tpu.wait_dma2 semaphore(%arg11 : memref<!tpu.dma_semaphore, #tpu.memory_space<semaphore_mem>>) src(%dma_wait3A_322 : memref<640xf32, #tpu.memory_space<vmem_shared>>) dst(%dma_wait3A_320 : memref<640xf32, #tpu.memory_space<vmem>>)
    %dma_wait3A_323 = arith.constant 9 : i32
    %dma_wait3A_324 = arith.constant 9 : i32
    %dma_wait3A_325 = arith.constant 0 : i32
    %dma_wait3A_326 = tpu.memref_slice %arg7[%dma_wait3A_324, %dma_wait3A_325] : memref<16x640xf32, #tpu.memory_space<vmem>> -> memref<1x640xf32, #tpu.memory_space<vmem>>
    %dma_wait3A_327 = tpu.memref_squeeze %dma_wait3A_326 : memref<1x640xf32, #tpu.memory_space<vmem>> -> memref<640xf32, #tpu.memory_space<vmem>>
    %dma_wait3A_328 = tpu.memref_slice %arg9[%dma_wait3A_323, %mul3A_23] : memref<16x10240xf32, #tpu.memory_space<vmem_shared>> -> memref<1x640xf32, #tpu.memory_space<vmem_shared>>
    %dma_wait3A_329 = tpu.memref_squeeze %dma_wait3A_328 : memref<1x640xf32, #tpu.memory_space<vmem_shared>> -> memref<640xf32, #tpu.memory_space<vmem_shared>>
    %dma_wait3A_330 = arith.constant 0 : i32
    %dma_wait3A_331 = tpu.memref_slice %arg7[%dma_wait3A_324, %dma_wait3A_330] : memref<16x640xf32, #tpu.memory_space<vmem>> -> memref<1x640xf32, #tpu.memory_space<vmem>>
    %dma_wait3A_332 = tpu.memref_squeeze %dma_wait3A_331 : memref<1x640xf32, #tpu.memory_space<vmem>> -> memref<640xf32, #tpu.memory_space<vmem>>
    %dma_wait3A_333 = tpu.memref_slice %arg9[%dma_wait3A_323, %mul3A_23] : memref<16x10240xf32, #tpu.memory_space<vmem_shared>> -> memref<1x640xf32, #tpu.memory_space<vmem_shared>>
    %dma_wait3A_334 = tpu.memref_squeeze %dma_wait3A_333 : memref<1x640xf32, #tpu.memory_space<vmem_shared>> -> memref<640xf32, #tpu.memory_space<vmem_shared>>
    tpu.wait_dma2 semaphore(%arg11 : memref<!tpu.dma_semaphore, #tpu.memory_space<semaphore_mem>>) src(%dma_wait3A_334 : memref<640xf32, #tpu.memory_space<vmem_shared>>) dst(%dma_wait3A_332 : memref<640xf32, #tpu.memory_space<vmem>>)
    %dma_wait3A_335 = arith.constant 10 : i32
    %dma_wait3A_336 = arith.constant 10 : i32
    %dma_wait3A_337 = arith.constant 0 : i32
    %dma_wait3A_338 = tpu.memref_slice %arg7[%dma_wait3A_336, %dma_wait3A_337] : memref<16x640xf32, #tpu.memory_space<vmem>> -> memref<1x640xf32, #tpu.memory_space<vmem>>
    %dma_wait3A_339 = tpu.memref_squeeze %dma_wait3A_338 : memref<1x640xf32, #tpu.memory_space<vmem>> -> memref<640xf32, #tpu.memory_space<vmem>>
    %dma_wait3A_340 = tpu.memref_slice %arg9[%dma_wait3A_335, %mul3A_23] : memref<16x10240xf32, #tpu.memory_space<vmem_shared>> -> memref<1x640xf32, #tpu.memory_space<vmem_shared>>
    %dma_wait3A_341 = tpu.memref_squeeze %dma_wait3A_340 : memref<1x640xf32, #tpu.memory_space<vmem_shared>> -> memref<640xf32, #tpu.memory_space<vmem_shared>>
    %dma_wait3A_342 = arith.constant 0 : i32
    %dma_wait3A_343 = tpu.memref_slice %arg7[%dma_wait3A_336, %dma_wait3A_342] : memref<16x640xf32, #tpu.memory_space<vmem>> -> memref<1x640xf32, #tpu.memory_space<vmem>>
    %dma_wait3A_344 = tpu.memref_squeeze %dma_wait3A_343 : memref<1x640xf32, #tpu.memory_space<vmem>> -> memref<640xf32, #tpu.memory_space<vmem>>
    %dma_wait3A_345 = tpu.memref_slice %arg9[%dma_wait3A_335, %mul3A_23] : memref<16x10240xf32, #tpu.memory_space<vmem_shared>> -> memref<1x640xf32, #tpu.memory_space<vmem_shared>>
    %dma_wait3A_346 = tpu.memref_squeeze %dma_wait3A_345 : memref<1x640xf32, #tpu.memory_space<vmem_shared>> -> memref<640xf32, #tpu.memory_space<vmem_shared>>
    tpu.wait_dma2 semaphore(%arg11 : memref<!tpu.dma_semaphore, #tpu.memory_space<semaphore_mem>>) src(%dma_wait3A_346 : memref<640xf32, #tpu.memory_space<vmem_shared>>) dst(%dma_wait3A_344 : memref<640xf32, #tpu.memory_space<vmem>>)
    %dma_wait3A_347 = arith.constant 11 : i32
    %dma_wait3A_348 = arith.constant 11 : i32
    %dma_wait3A_349 = arith.constant 0 : i32
    %dma_wait3A_350 = tpu.memref_slice %arg7[%dma_wait3A_348, %dma_wait3A_349] : memref<16x640xf32, #tpu.memory_space<vmem>> -> memref<1x640xf32, #tpu.memory_space<vmem>>
    %dma_wait3A_351 = tpu.memref_squeeze %dma_wait3A_350 : memref<1x640xf32, #tpu.memory_space<vmem>> -> memref<640xf32, #tpu.memory_space<vmem>>
    %dma_wait3A_352 = tpu.memref_slice %arg9[%dma_wait3A_347, %mul3A_23] : memref<16x10240xf32, #tpu.memory_space<vmem_shared>> -> memref<1x640xf32, #tpu.memory_space<vmem_shared>>
    %dma_wait3A_353 = tpu.memref_squeeze %dma_wait3A_352 : memref<1x640xf32, #tpu.memory_space<vmem_shared>> -> memref<640xf32, #tpu.memory_space<vmem_shared>>
    %dma_wait3A_354 = arith.constant 0 : i32
    %dma_wait3A_355 = tpu.memref_slice %arg7[%dma_wait3A_348, %dma_wait3A_354] : memref<16x640xf32, #tpu.memory_space<vmem>> -> memref<1x640xf32, #tpu.memory_space<vmem>>
    %dma_wait3A_356 = tpu.memref_squeeze %dma_wait3A_355 : memref<1x640xf32, #tpu.memory_space<vmem>> -> memref<640xf32, #tpu.memory_space<vmem>>
    %dma_wait3A_357 = tpu.memref_slice %arg9[%dma_wait3A_347, %mul3A_23] : memref<16x10240xf32, #tpu.memory_space<vmem_shared>> -> memref<1x640xf32, #tpu.memory_space<vmem_shared>>
    %dma_wait3A_358 = tpu.memref_squeeze %dma_wait3A_357 : memref<1x640xf32, #tpu.memory_space<vmem_shared>> -> memref<640xf32, #tpu.memory_space<vmem_shared>>
    tpu.wait_dma2 semaphore(%arg11 : memref<!tpu.dma_semaphore, #tpu.memory_space<semaphore_mem>>) src(%dma_wait3A_358 : memref<640xf32, #tpu.memory_space<vmem_shared>>) dst(%dma_wait3A_356 : memref<640xf32, #tpu.memory_space<vmem>>)
    %dma_wait3A_359 = arith.constant 12 : i32
    %dma_wait3A_360 = arith.constant 12 : i32
    %dma_wait3A_361 = arith.constant 0 : i32
    %dma_wait3A_362 = tpu.memref_slice %arg7[%dma_wait3A_360, %dma_wait3A_361] : memref<16x640xf32, #tpu.memory_space<vmem>> -> memref<1x640xf32, #tpu.memory_space<vmem>>
    %dma_wait3A_363 = tpu.memref_squeeze %dma_wait3A_362 : memref<1x640xf32, #tpu.memory_space<vmem>> -> memref<640xf32, #tpu.memory_space<vmem>>
    %dma_wait3A_364 = tpu.memref_slice %arg9[%dma_wait3A_359, %mul3A_23] : memref<16x10240xf32, #tpu.memory_space<vmem_shared>> -> memref<1x640xf32, #tpu.memory_space<vmem_shared>>
    %dma_wait3A_365 = tpu.memref_squeeze %dma_wait3A_364 : memref<1x640xf32, #tpu.memory_space<vmem_shared>> -> memref<640xf32, #tpu.memory_space<vmem_shared>>
    %dma_wait3A_366 = arith.constant 0 : i32
    %dma_wait3A_367 = tpu.memref_slice %arg7[%dma_wait3A_360, %dma_wait3A_366] : memref<16x640xf32, #tpu.memory_space<vmem>> -> memref<1x640xf32, #tpu.memory_space<vmem>>
    %dma_wait3A_368 = tpu.memref_squeeze %dma_wait3A_367 : memref<1x640xf32, #tpu.memory_space<vmem>> -> memref<640xf32, #tpu.memory_space<vmem>>
    %dma_wait3A_369 = tpu.memref_slice %arg9[%dma_wait3A_359, %mul3A_23] : memref<16x10240xf32, #tpu.memory_space<vmem_shared>> -> memref<1x640xf32, #tpu.memory_space<vmem_shared>>
    %dma_wait3A_370 = tpu.memref_squeeze %dma_wait3A_369 : memref<1x640xf32, #tpu.memory_space<vmem_shared>> -> memref<640xf32, #tpu.memory_space<vmem_shared>>
    tpu.wait_dma2 semaphore(%arg11 : memref<!tpu.dma_semaphore, #tpu.memory_space<semaphore_mem>>) src(%dma_wait3A_370 : memref<640xf32, #tpu.memory_space<vmem_shared>>) dst(%dma_wait3A_368 : memref<640xf32, #tpu.memory_space<vmem>>)
    %dma_wait3A_371 = arith.constant 13 : i32
    %dma_wait3A_372 = arith.constant 13 : i32
    %dma_wait3A_373 = arith.constant 0 : i32
    %dma_wait3A_374 = tpu.memref_slice %arg7[%dma_wait3A_372, %dma_wait3A_373] : memref<16x640xf32, #tpu.memory_space<vmem>> -> memref<1x640xf32, #tpu.memory_space<vmem>>
    %dma_wait3A_375 = tpu.memref_squeeze %dma_wait3A_374 : memref<1x640xf32, #tpu.memory_space<vmem>> -> memref<640xf32, #tpu.memory_space<vmem>>
    %dma_wait3A_376 = tpu.memref_slice %arg9[%dma_wait3A_371, %mul3A_23] : memref<16x10240xf32, #tpu.memory_space<vmem_shared>> -> memref<1x640xf32, #tpu.memory_space<vmem_shared>>
    %dma_wait3A_377 = tpu.memref_squeeze %dma_wait3A_376 : memref<1x640xf32, #tpu.memory_space<vmem_shared>> -> memref<640xf32, #tpu.memory_space<vmem_shared>>
    %dma_wait3A_378 = arith.constant 0 : i32
    %dma_wait3A_379 = tpu.memref_slice %arg7[%dma_wait3A_372, %dma_wait3A_378] : memref<16x640xf32, #tpu.memory_space<vmem>> -> memref<1x640xf32, #tpu.memory_space<vmem>>
    %dma_wait3A_380 = tpu.memref_squeeze %dma_wait3A_379 : memref<1x640xf32, #tpu.memory_space<vmem>> -> memref<640xf32, #tpu.memory_space<vmem>>
    %dma_wait3A_381 = tpu.memref_slice %arg9[%dma_wait3A_371, %mul3A_23] : memref<16x10240xf32, #tpu.memory_space<vmem_shared>> -> memref<1x640xf32, #tpu.memory_space<vmem_shared>>
    %dma_wait3A_382 = tpu.memref_squeeze %dma_wait3A_381 : memref<1x640xf32, #tpu.memory_space<vmem_shared>> -> memref<640xf32, #tpu.memory_space<vmem_shared>>
    tpu.wait_dma2 semaphore(%arg11 : memref<!tpu.dma_semaphore, #tpu.memory_space<semaphore_mem>>) src(%dma_wait3A_382 : memref<640xf32, #tpu.memory_space<vmem_shared>>) dst(%dma_wait3A_380 : memref<640xf32, #tpu.memory_space<vmem>>)
    %dma_wait3A_383 = arith.constant 14 : i32
    %dma_wait3A_384 = arith.constant 14 : i32
    %dma_wait3A_385 = arith.constant 0 : i32
    %dma_wait3A_386 = tpu.memref_slice %arg7[%dma_wait3A_384, %dma_wait3A_385] : memref<16x640xf32, #tpu.memory_space<vmem>> -> memref<1x640xf32, #tpu.memory_space<vmem>>
    %dma_wait3A_387 = tpu.memref_squeeze %dma_wait3A_386 : memref<1x640xf32, #tpu.memory_space<vmem>> -> memref<640xf32, #tpu.memory_space<vmem>>
    %dma_wait3A_388 = tpu.memref_slice %arg9[%dma_wait3A_383, %mul3A_23] : memref<16x10240xf32, #tpu.memory_space<vmem_shared>> -> memref<1x640xf32, #tpu.memory_space<vmem_shared>>
    %dma_wait3A_389 = tpu.memref_squeeze %dma_wait3A_388 : memref<1x640xf32, #tpu.memory_space<vmem_shared>> -> memref<640xf32, #tpu.memory_space<vmem_shared>>
    %dma_wait3A_390 = arith.constant 0 : i32
    %dma_wait3A_391 = tpu.memref_slice %arg7[%dma_wait3A_384, %dma_wait3A_390] : memref<16x640xf32, #tpu.memory_space<vmem>> -> memref<1x640xf32, #tpu.memory_space<vmem>>
    %dma_wait3A_392 = tpu.memref_squeeze %dma_wait3A_391 : memref<1x640xf32, #tpu.memory_space<vmem>> -> memref<640xf32, #tpu.memory_space<vmem>>
    %dma_wait3A_393 = tpu.memref_slice %arg9[%dma_wait3A_383, %mul3A_23] : memref<16x10240xf32, #tpu.memory_space<vmem_shared>> -> memref<1x640xf32, #tpu.memory_space<vmem_shared>>
    %dma_wait3A_394 = tpu.memref_squeeze %dma_wait3A_393 : memref<1x640xf32, #tpu.memory_space<vmem_shared>> -> memref<640xf32, #tpu.memory_space<vmem_shared>>
    tpu.wait_dma2 semaphore(%arg11 : memref<!tpu.dma_semaphore, #tpu.memory_space<semaphore_mem>>) src(%dma_wait3A_394 : memref<640xf32, #tpu.memory_space<vmem_shared>>) dst(%dma_wait3A_392 : memref<640xf32, #tpu.memory_space<vmem>>)
    %dma_wait3A_395 = arith.constant 15 : i32
    %dma_wait3A_396 = arith.constant 15 : i32
    %dma_wait3A_397 = arith.constant 0 : i32
    %dma_wait3A_398 = tpu.memref_slice %arg7[%dma_wait3A_396, %dma_wait3A_397] : memref<16x640xf32, #tpu.memory_space<vmem>> -> memref<1x640xf32, #tpu.memory_space<vmem>>
    %dma_wait3A_399 = tpu.memref_squeeze %dma_wait3A_398 : memref<1x640xf32, #tpu.memory_space<vmem>> -> memref<640xf32, #tpu.memory_space<vmem>>
    %dma_wait3A_400 = tpu.memref_slice %arg9[%dma_wait3A_395, %mul3A_23] : memref<16x10240xf32, #tpu.memory_space<vmem_shared>> -> memref<1x640xf32, #tpu.memory_space<vmem_shared>>
    %dma_wait3A_401 = tpu.memref_squeeze %dma_wait3A_400 : memref<1x640xf32, #tpu.memory_space<vmem_shared>> -> memref<640xf32, #tpu.memory_space<vmem_shared>>
    %dma_wait3A_402 = arith.constant 0 : i32
    %dma_wait3A_403 = tpu.memref_slice %arg7[%dma_wait3A_396, %dma_wait3A_402] : memref<16x640xf32, #tpu.memory_space<vmem>> -> memref<1x640xf32, #tpu.memory_space<vmem>>
    %dma_wait3A_404 = tpu.memref_squeeze %dma_wait3A_403 : memref<1x640xf32, #tpu.memory_space<vmem>> -> memref<640xf32, #tpu.memory_space<vmem>>
    %dma_wait3A_405 = tpu.memref_slice %arg9[%dma_wait3A_395, %mul3A_23] : memref<16x10240xf32, #tpu.memory_space<vmem_shared>> -> memref<1x640xf32, #tpu.memory_space<vmem_shared>>
    %dma_wait3A_406 = tpu.memref_squeeze %dma_wait3A_405 : memref<1x640xf32, #tpu.memory_space<vmem_shared>> -> memref<640xf32, #tpu.memory_space<vmem_shared>>
    tpu.wait_dma2 semaphore(%arg11 : memref<!tpu.dma_semaphore, #tpu.memory_space<semaphore_mem>>) src(%dma_wait3A_406 : memref<640xf32, #tpu.memory_space<vmem_shared>>) dst(%dma_wait3A_404 : memref<640xf32, #tpu.memory_space<vmem>>)
    %broadcast_in_dim3A_407 = arith.constant 1.500000e+00 : f32
    %broadcast_in_dim3A_408 = vector.broadcast %broadcast_in_dim3A_407 : f32 to vector<16xf32>
    %broadcast_in_dim3A_409 = arith.constant 1597463007 : i32
    %broadcast_in_dim3A_410 = vector.broadcast %broadcast_in_dim3A_409 : i32 to vector<16xi32>
    %scan3A_411 = arith.constant 0 : i32
    %scan3A_412 = arith.constant 0 : i32
    %scan3A_413 = arith.constant 40 : i32
    %scan3A_414 = arith.addi %scan3A_412, %scan3A_413 : i32
    %scan3A_415 = arith.constant 1 : i32
    scf.for %scan3A_429 = %scan3A_412 to %scan3A_414 step %scan3A_415  : i32 {
      %mul3A_430 = arith.constant 16 : i32
      %mul3A_431 = arith.muli %scan3A_429, %mul3A_430 : i32
      %get3A = arith.constant 0 : i32
      %get3A_432 = arith.index_cast %get3A : i32 to index
      %get3A_433 = arith.index_cast %mul3A_431 : i32 to index
      %get3A_434 = tpu.vector_load %arg7[%get3A_432, %get3A_433] {strides = array<i32>} : memref<16x640xf32, #tpu.memory_space<vmem>>, vector<16xf32>,
      %get3A_435 = arith.constant 1 : i32
      %get3A_436 = arith.index_cast %get3A_435 : i32 to index
      %get3A_437 = arith.index_cast %mul3A_431 : i32 to index
      %get3A_438 = tpu.vector_load %arg7[%get3A_436, %get3A_437] {strides = array<i32>} : memref<16x640xf32, #tpu.memory_space<vmem>>, vector<16xf32>,
      %add3A_439 = arith.addf %get3A_434, %get3A_438 : vector<16xf32>
      %get3A_440 = arith.constant 2 : i32
      %get3A_441 = arith.index_cast %get3A_440 : i32 to index
      %get3A_442 = arith.index_cast %mul3A_431 : i32 to index
      %get3A_443 = tpu.vector_load %arg7[%get3A_441, %get3A_442] {strides = array<i32>} : memref<16x640xf32, #tpu.memory_space<vmem>>, vector<16xf32>,
      %add3A_444 = arith.addf %add3A_439, %get3A_443 : vector<16xf32>
      %get3A_445 = arith.constant 3 : i32
      %get3A_446 = arith.index_cast %get3A_445 : i32 to index
      %get3A_447 = arith.index_cast %mul3A_431 : i32 to index
      %get3A_448 = tpu.vector_load %arg7[%get3A_446, %get3A_447] {strides = array<i32>} : memref<16x640xf32, #tpu.memory_space<vmem>>, vector<16xf32>,
      %add3A_449 = arith.addf %add3A_444, %get3A_448 : vector<16xf32>
      %get3A_450 = arith.constant 4 : i32
      %get3A_451 = arith.index_cast %get3A_450 : i32 to index
      %get3A_452 = arith.index_cast %mul3A_431 : i32 to index
      %get3A_453 = tpu.vector_load %arg7[%get3A_451, %get3A_452] {strides = array<i32>} : memref<16x640xf32, #tpu.memory_space<vmem>>, vector<16xf32>,
      %add3A_454 = arith.addf %add3A_449, %get3A_453 : vector<16xf32>
      %get3A_455 = arith.constant 5 : i32
      %get3A_456 = arith.index_cast %get3A_455 : i32 to index
      %get3A_457 = arith.index_cast %mul3A_431 : i32 to index
      %get3A_458 = tpu.vector_load %arg7[%get3A_456, %get3A_457] {strides = array<i32>} : memref<16x640xf32, #tpu.memory_space<vmem>>, vector<16xf32>,
      %add3A_459 = arith.addf %add3A_454, %get3A_458 : vector<16xf32>
      %get3A_460 = arith.constant 6 : i32
      %get3A_461 = arith.index_cast %get3A_460 : i32 to index
      %get3A_462 = arith.index_cast %mul3A_431 : i32 to index
      %get3A_463 = tpu.vector_load %arg7[%get3A_461, %get3A_462] {strides = array<i32>} : memref<16x640xf32, #tpu.memory_space<vmem>>, vector<16xf32>,
      %add3A_464 = arith.addf %add3A_459, %get3A_463 : vector<16xf32>
      %get3A_465 = arith.constant 7 : i32
      %get3A_466 = arith.index_cast %get3A_465 : i32 to index
      %get3A_467 = arith.index_cast %mul3A_431 : i32 to index
      %get3A_468 = tpu.vector_load %arg7[%get3A_466, %get3A_467] {strides = array<i32>} : memref<16x640xf32, #tpu.memory_space<vmem>>, vector<16xf32>,
      %add3A_469 = arith.addf %add3A_464, %get3A_468 : vector<16xf32>
      %get3A_470 = arith.constant 8 : i32
      %get3A_471 = arith.index_cast %get3A_470 : i32 to index
      %get3A_472 = arith.index_cast %mul3A_431 : i32 to index
      %get3A_473 = tpu.vector_load %arg7[%get3A_471, %get3A_472] {strides = array<i32>} : memref<16x640xf32, #tpu.memory_space<vmem>>, vector<16xf32>,
      %add3A_474 = arith.addf %add3A_469, %get3A_473 : vector<16xf32>
      %get3A_475 = arith.constant 9 : i32
      %get3A_476 = arith.index_cast %get3A_475 : i32 to index
      %get3A_477 = arith.index_cast %mul3A_431 : i32 to index
      %get3A_478 = tpu.vector_load %arg7[%get3A_476, %get3A_477] {strides = array<i32>} : memref<16x640xf32, #tpu.memory_space<vmem>>, vector<16xf32>,
      %add3A_479 = arith.addf %add3A_474, %get3A_478 : vector<16xf32>
      %get3A_480 = arith.constant 10 : i32
      %get3A_481 = arith.index_cast %get3A_480 : i32 to index
      %get3A_482 = arith.index_cast %mul3A_431 : i32 to index
      %get3A_483 = tpu.vector_load %arg7[%get3A_481, %get3A_482] {strides = array<i32>} : memref<16x640xf32, #tpu.memory_space<vmem>>, vector<16xf32>,
      %add3A_484 = arith.addf %add3A_479, %get3A_483 : vector<16xf32>
      %get3A_485 = arith.constant 11 : i32
      %get3A_486 = arith.index_cast %get3A_485 : i32 to index
      %get3A_487 = arith.index_cast %mul3A_431 : i32 to index
      %get3A_488 = tpu.vector_load %arg7[%get3A_486, %get3A_487] {strides = array<i32>} : memref<16x640xf32, #tpu.memory_space<vmem>>, vector<16xf32>,
      %add3A_489 = arith.addf %add3A_484, %get3A_488 : vector<16xf32>
      %get3A_490 = arith.constant 12 : i32
      %get3A_491 = arith.index_cast %get3A_490 : i32 to index
      %get3A_492 = arith.index_cast %mul3A_431 : i32 to index
      %get3A_493 = tpu.vector_load %arg7[%get3A_491, %get3A_492] {strides = array<i32>} : memref<16x640xf32, #tpu.memory_space<vmem>>, vector<16xf32>,
      %add3A_494 = arith.addf %add3A_489, %get3A_493 : vector<16xf32>
      %get3A_495 = arith.constant 13 : i32
      %get3A_496 = arith.index_cast %get3A_495 : i32 to index
      %get3A_497 = arith.index_cast %mul3A_431 : i32 to index
      %get3A_498 = tpu.vector_load %arg7[%get3A_496, %get3A_497] {strides = array<i32>} : memref<16x640xf32, #tpu.memory_space<vmem>>, vector<16xf32>,
      %add3A_499 = arith.addf %add3A_494, %get3A_498 : vector<16xf32>
      %get3A_500 = arith.constant 14 : i32
      %get3A_501 = arith.index_cast %get3A_500 : i32 to index
      %get3A_502 = arith.index_cast %mul3A_431 : i32 to index
      %get3A_503 = tpu.vector_load %arg7[%get3A_501, %get3A_502] {strides = array<i32>} : memref<16x640xf32, #tpu.memory_space<vmem>>, vector<16xf32>,
      %add3A_504 = arith.addf %add3A_499, %get3A_503 : vector<16xf32>
      %get3A_505 = arith.constant 15 : i32
      %get3A_506 = arith.index_cast %get3A_505 : i32 to index
      %get3A_507 = arith.index_cast %mul3A_431 : i32 to index
      %get3A_508 = tpu.vector_load %arg7[%get3A_506, %get3A_507] {strides = array<i32>} : memref<16x640xf32, #tpu.memory_space<vmem>>, vector<16xf32>,
      %add3A_509 = arith.addf %add3A_504, %get3A_508 : vector<16xf32>
      %gt3A_510 = arith.constant 0.000000e+00 : f32
      %gt3A_511 = vector.broadcast %gt3A_510 : f32 to vector<16xf32>
      %gt3A_512 = arith.cmpf ogt, %add3A_509, %gt3A_511 : vector<16xf32>
      %max3A = arith.constant 1.000000e+00 : f32
      %max3A_513 = vector.broadcast %max3A : f32 to vector<16xf32>
      %max3A_514 = arith.maximumf %add3A_509, %max3A_513 : vector<16xf32>
      %mul3A_515 = arith.constant 5.000000e-01 : f32
      %mul3A_516 = vector.broadcast %mul3A_515 : f32 to vector<16xf32>
      %mul3A_517 = arith.mulf %max3A_514, %mul3A_516 : vector<16xf32>
      %bitcast3A = vector.bitcast %max3A_514 : vector<16xf32> to vector<16xi32>
      %shift_right_logical3A = arith.constant 1 : i32
      %shift_right_logical3A_518 = vector.broadcast %shift_right_logical3A : i32 to vector<16xi32>
      %shift_right_logical3A_519 = arith.shrui %bitcast3A, %shift_right_logical3A_518 : vector<16xi32>
      %sub3A = arith.subi %broadcast_in_dim3A_410, %shift_right_logical3A_519 : vector<16xi32>
      %bitcast3A_520 = vector.bitcast %sub3A : vector<16xi32> to vector<16xf32>
      %mul3A_521 = arith.mulf %mul3A_517, %bitcast3A_520 : vector<16xf32>
      %mul3A_522 = arith.mulf %mul3A_521, %bitcast3A_520 : vector<16xf32>
      %sub3A_523 = arith.subf %broadcast_in_dim3A_408, %mul3A_522 : vector<16xf32>
      %mul3A_524 = arith.mulf %bitcast3A_520, %sub3A_523 : vector<16xf32>
      %mul3A_525 = arith.mulf %mul3A_517, %mul3A_524 : vector<16xf32>
      %mul3A_526 = arith.mulf %mul3A_525, %mul3A_524 : vector<16xf32>
      %sub3A_527 = arith.subf %broadcast_in_dim3A_408, %mul3A_526 : vector<16xf32>
      %mul3A_528 = arith.mulf %mul3A_524, %sub3A_527 : vector<16xf32>
      %mul3A_529 = arith.mulf %mul3A_517, %mul3A_528 : vector<16xf32>
      %mul3A_530 = arith.mulf %mul3A_529, %mul3A_528 : vector<16xf32>
      %sub3A_531 = arith.subf %broadcast_in_dim3A_408, %mul3A_530 : vector<16xf32>
      %mul3A_532 = arith.mulf %mul3A_528, %sub3A_531 : vector<16xf32>
      %jit3A = arith.constant 0.000000e+00 : f32
      %broadcast_in_dim3A_533 = vector.broadcast %jit3A : f32 to vector<16xf32>
      %select_n3A = arith.select %gt3A_512, %mul3A_532, %broadcast_in_dim3A_533 : vector<16xi1>, vector<16xf32>
      %swap3A = arith.index_cast %mul3A_431 : i32 to index
      %swap3A_534 = tpu.vector_load %arg8[%swap3A] {strides = array<i32>} : memref<640xf32, #tpu.memory_space<vmem>>, vector<16xf32>,
      tpu.vector_store %arg8[%swap3A], %select_n3A {strides = array<i32>} : memref<640xf32, #tpu.memory_space<vmem>>, vector<16xf32>,
    }
    %scan3A_416 = arith.constant 40 : i32
    %add3A = arith.constant 640 : i32
    %add3A_417 = arith.addi %mul3A_23, %add3A : i32
    %le3A = arith.constant 10000 : i32
    %le3A_418 = arith.cmpi sle, %add3A_417, %le3A : i32
    %convert_element_type3A_419 = arith.extui %le3A_418 : i1 to i32
    %cond3A_420 = arith.constant 0 : i32
    %cond3A_421 = arith.cmpi ne, %convert_element_type3A_419, %cond3A_420 : i32
    scf.if %cond3A_421 {
      %mul3A_429 = arith.constant 10000 : i32
      %mul3A_430 = arith.muli %arg0, %mul3A_429 : i32
      %add3A_431 = arith.addi %mul3A_430, %mul3A_23 : i32
      "tpu.region"() ({
        %run_scoped3A = tpu.sem_alloc : memref<!tpu.dma_semaphore, #tpu.memory_space<semaphore_mem>>
        %dma_start3A_432 = tpu.memref_slice %arg4[%add3A_431] : memref<20000xf32, #tpu.memory_space<hbm>> -> memref<640xf32, #tpu.memory_space<hbm>>
        %dma_start3A_433 = tpu.memref_slice %arg4[%add3A_431] : memref<20000xf32, #tpu.memory_space<hbm>> -> memref<640xf32, #tpu.memory_space<hbm>>
        tpu.enqueue_dma source(%arg8 : memref<640xf32, #tpu.memory_space<vmem>>) target(%dma_start3A_433 : memref<640xf32, #tpu.memory_space<hbm>>) target_semaphore(%run_scoped3A : memref<!tpu.dma_semaphore, #tpu.memory_space<semaphore_mem>>)
        %dma_wait3A_434 = tpu.memref_slice %arg4[%add3A_431] : memref<20000xf32, #tpu.memory_space<hbm>> -> memref<640xf32, #tpu.memory_space<hbm>>
        %dma_wait3A_435 = tpu.memref_slice %arg4[%add3A_431] : memref<20000xf32, #tpu.memory_space<hbm>> -> memref<640xf32, #tpu.memory_space<hbm>>
        tpu.wait_dma2 semaphore(%run_scoped3A : memref<!tpu.dma_semaphore, #tpu.memory_space<semaphore_mem>>) src(%arg8 : memref<640xf32, #tpu.memory_space<vmem>>) dst(%dma_wait3A_435 : memref<640xf32, #tpu.memory_space<hbm>>)
        tpu.yield
      }) : () -> ()
    } else {
    }
    %lt3A = arith.constant 10000 : i32
    %lt3A_422 = arith.cmpi slt, %mul3A_23, %lt3A : i32
    %add3A_423 = arith.constant 640 : i32
    %add3A_424 = arith.addi %mul3A_23, %add3A_423 : i32
    %gt3A = arith.constant 10000 : i32
    %gt3A_425 = arith.cmpi sgt, %add3A_424, %gt3A : i32
    %and3A = arith.andi %lt3A_422, %gt3A_425 : i1
    %convert_element_type3A_426 = arith.extui %and3A : i1 to i32
    %cond3A_427 = arith.constant 0 : i32
    %cond3A_428 = arith.cmpi ne, %convert_element_type3A_426, %cond3A_427 : i32
    scf.if %cond3A_428 {
      %mul3A_429 = arith.constant 10000 : i32
      %mul3A_430 = arith.muli %arg0, %mul3A_429 : i32
      %add3A_431 = arith.addi %mul3A_430, %mul3A_23 : i32
      "tpu.region"() ({
        %run_scoped3A = tpu.sem_alloc : memref<!tpu.dma_semaphore, #tpu.memory_space<semaphore_mem>>
        %dma_start3A_432 = arith.constant 0 : i32
        %dma_start3A_433 = tpu.memref_slice %arg8[%dma_start3A_432] : memref<640xf32, #tpu.memory_space<vmem>> -> memref<400xf32, #tpu.memory_space<vmem>>
        %dma_start3A_434 = tpu.memref_slice %arg4[%add3A_431] : memref<20000xf32, #tpu.memory_space<hbm>> -> memref<400xf32, #tpu.memory_space<hbm>>
        %dma_start3A_435 = tpu.memref_slice %arg4[%add3A_431] : memref<20000xf32, #tpu.memory_space<hbm>> -> memref<400xf32, #tpu.memory_space<hbm>>
        %dma_start3A_436 = arith.constant 0 : i32
        %dma_start3A_437 = tpu.memref_slice %arg8[%dma_start3A_436] : memref<640xf32, #tpu.memory_space<vmem>> -> memref<400xf32, #tpu.memory_space<vmem>>
        tpu.enqueue_dma source(%dma_start3A_437 : memref<400xf32, #tpu.memory_space<vmem>>) target(%dma_start3A_435 : memref<400xf32, #tpu.memory_space<hbm>>) target_semaphore(%run_scoped3A : memref<!tpu.dma_semaphore, #tpu.memory_space<semaphore_mem>>)
        %dma_wait3A_438 = arith.constant 0 : i32
        %dma_wait3A_439 = tpu.memref_slice %arg8[%dma_wait3A_438] : memref<640xf32, #tpu.memory_space<vmem>> -> memref<400xf32, #tpu.memory_space<vmem>>
        %dma_wait3A_440 = tpu.memref_slice %arg4[%add3A_431] : memref<20000xf32, #tpu.memory_space<hbm>> -> memref<400xf32, #tpu.memory_space<hbm>>
        %dma_wait3A_441 = tpu.memref_slice %arg4[%add3A_431] : memref<20000xf32, #tpu.memory_space<hbm>> -> memref<400xf32, #tpu.memory_space<hbm>>
        %dma_wait3A_442 = arith.constant 0 : i32
        %dma_wait3A_443 = tpu.memref_slice %arg8[%dma_wait3A_442] : memref<640xf32, #tpu.memory_space<vmem>> -> memref<400xf32, #tpu.memory_space<vmem>>
        tpu.wait_dma2 semaphore(%run_scoped3A : memref<!tpu.dma_semaphore, #tpu.memory_space<semaphore_mem>>) src(%dma_wait3A_443 : memref<400xf32, #tpu.memory_space<vmem>>) dst(%dma_wait3A_441 : memref<400xf32, #tpu.memory_space<hbm>>)
        tpu.yield
      }) : () -> ()
    } else {
    }
    return
  }
}

#map = affine_map<(d0, d1) -> (0, 0)>
#map1 = affine_map<(d0, d1) -> (0, 0, 0)>
module attributes {stable_mosaic.version = 14 : i64} {
  func.func @_seg(%arg0: i32, %arg1: i32, %arg2: memref<10000x64xf32, #tpu.memory_space<hbm>>, %arg3: memref<32x250x40xi32, #tpu.memory_space<hbm>>, %arg4: memref<32x250x40xi32, #tpu.memory_space<hbm>>, %arg5: memref<2x10000x64xf32, #tpu.memory_space<hbm>>, %arg6: memref<250x40xi32, #tpu.memory_space<vmem>>, %arg7: memref<250x40xi32, #tpu.memory_space<vmem>>, %arg8: memref<40x64xf32, #tpu.memory_space<vmem>>, %arg9: memref<40x64xf32, #tpu.memory_space<vmem>>, %arg10: memref<40x64xf32, #tpu.memory_space<vmem>>, %arg11: memref<40x64xf32, #tpu.memory_space<vmem>>, %arg12: memref<40x64xf32, #tpu.memory_space<vmem>>, %arg13: memref<40x64xf32, #tpu.memory_space<vmem>>, %arg14: memref<10000x64xf32, #tpu.memory_space<vmem_shared>>, %arg15: memref<!tpu.dma_semaphore, #tpu.memory_space<semaphore_mem>>, %arg16: memref<!tpu.dma_semaphore, #tpu.memory_space<semaphore_mem>>, %arg17: memref<!tpu.dma_semaphore, #tpu.memory_space<semaphore_mem>>, %arg18: memref<!tpu.dma_semaphore, #tpu.memory_space<semaphore_mem>>, %arg19: memref<!tpu.dma_semaphore, #tpu.memory_space<semaphore_mem>>, %arg20: memref<!tpu.dma_semaphore, #tpu.memory_space<semaphore_mem>>, %arg21: memref<!tpu.dma_semaphore, #tpu.memory_space<semaphore_mem>>, %arg22: memref<!tpu.dma_semaphore, #tpu.memory_space<semaphore_mem>>, %arg23: memref<!tpu.dma_semaphore, #tpu.memory_space<semaphore_mem>>, %arg24: memref<!tpu.dma_semaphore, #tpu.memory_space<semaphore_mem>>, %arg25: memref<!tpu.dma_semaphore, #tpu.memory_space<semaphore_mem>>, %arg26: memref<!tpu.dma_semaphore, #tpu.memory_space<semaphore_mem>>, %arg27: memref<!tpu.dma_semaphore, #tpu.memory_space<semaphore_mem>>, %arg28: memref<!tpu.dma_semaphore, #tpu.memory_space<semaphore_mem>>) attributes {dimension_semantics = [#tpu.dimension_semantics<core_parallel>, #tpu.dimension_semantics<subcore_parallel>], iteration_bounds = array<i64: 2, 16>, scalar_prefetch = 0 : i64, scratch_operands = 23 : i64, tpu.core_type = #tpu.core_type<sc_vector_subcore>, window_params = [{transform_indices = #map}, {transform_indices = #map1}, {transform_indices = #map1}, {transform_indices = #map1}]} {
    %mul3A = arith.constant 2 : i32
    %mul3A_0 = arith.muli %arg1, %mul3A : i32
    %add3A = arith.addi %mul3A_0, %arg0 : i32
    %dma_start3A = arith.constant 0 : i32
    %dma_start3A_1 = arith.constant 0 : i32
    %dma_start3A_2 = tpu.memref_slice %arg3[%add3A, %dma_start3A, %dma_start3A_1] : memref<32x250x40xi32, #tpu.memory_space<hbm>> -> memref<1x250x40xi32, #tpu.memory_space<hbm>>
    %dma_start3A_3 = tpu.memref_squeeze %dma_start3A_2 : memref<1x250x40xi32, #tpu.memory_space<hbm>> -> memref<250x40xi32, #tpu.memory_space<hbm>>
    %dma_start3A_4 = arith.constant 0 : i32
    %dma_start3A_5 = arith.constant 0 : i32
    %dma_start3A_6 = tpu.memref_slice %arg3[%add3A, %dma_start3A_4, %dma_start3A_5] : memref<32x250x40xi32, #tpu.memory_space<hbm>> -> memref<1x250x40xi32, #tpu.memory_space<hbm>>
    %dma_start3A_7 = tpu.memref_squeeze %dma_start3A_6 : memref<1x250x40xi32, #tpu.memory_space<hbm>> -> memref<250x40xi32, #tpu.memory_space<hbm>>
    tpu.enqueue_dma source(%dma_start3A_7 : memref<250x40xi32, #tpu.memory_space<hbm>>) target(%arg6 : memref<250x40xi32, #tpu.memory_space<vmem>>) target_semaphore(%arg27 : memref<!tpu.dma_semaphore, #tpu.memory_space<semaphore_mem>>)
    %dma_start3A_8 = arith.constant 0 : i32
    %dma_start3A_9 = arith.constant 0 : i32
    %dma_start3A_10 = tpu.memref_slice %arg4[%add3A, %dma_start3A_8, %dma_start3A_9] : memref<32x250x40xi32, #tpu.memory_space<hbm>> -> memref<1x250x40xi32, #tpu.memory_space<hbm>>
    %dma_start3A_11 = tpu.memref_squeeze %dma_start3A_10 : memref<1x250x40xi32, #tpu.memory_space<hbm>> -> memref<250x40xi32, #tpu.memory_space<hbm>>
    %dma_start3A_12 = arith.constant 0 : i32
    %dma_start3A_13 = arith.constant 0 : i32
    %dma_start3A_14 = tpu.memref_slice %arg4[%add3A, %dma_start3A_12, %dma_start3A_13] : memref<32x250x40xi32, #tpu.memory_space<hbm>> -> memref<1x250x40xi32, #tpu.memory_space<hbm>>
    %dma_start3A_15 = tpu.memref_squeeze %dma_start3A_14 : memref<1x250x40xi32, #tpu.memory_space<hbm>> -> memref<250x40xi32, #tpu.memory_space<hbm>>
    tpu.enqueue_dma source(%dma_start3A_15 : memref<250x40xi32, #tpu.memory_space<hbm>>) target(%arg7 : memref<250x40xi32, #tpu.memory_space<vmem>>) target_semaphore(%arg28 : memref<!tpu.dma_semaphore, #tpu.memory_space<semaphore_mem>>)
    %broadcast_in_dim3A = arith.constant 0.000000e+00 : f32
    %broadcast_in_dim3A_16 = vector.broadcast %broadcast_in_dim3A : f32 to vector<16xf32>
    %scan3A = arith.constant 0 : i32
    %scan3A_17 = arith.constant 0 : i32
    %scan3A_18 = arith.constant 160 : i32
    %scan3A_19 = arith.addi %scan3A_17, %scan3A_18 : i32
    %scan3A_20 = arith.constant 1 : i32
    scf.for %scan3A_105 = %scan3A_17 to %scan3A_19 step %scan3A_20  : i32 {
      %jit3A = arith.constant 4 : i32
      %div3A = arith.divsi %scan3A_105, %jit3A : i32
      %sign3A = arith.constant 0 : i32
      %sign3A_106 = arith.cmpi sgt, %scan3A_105, %sign3A : i32
      %sign3A_107 = arith.extui %sign3A_106 : i1 to i32
      %sign3A_108 = arith.constant 0 : i32
      %sign3A_109 = arith.cmpi slt, %scan3A_105, %sign3A_108 : i32
      %sign3A_110 = arith.extui %sign3A_109 : i1 to i32
      %sign3A_111 = arith.subi %sign3A_107, %sign3A_110 : i32
      %sign3A_112 = arith.constant 0 : i32
      %sign3A_113 = arith.cmpi sgt, %jit3A, %sign3A_112 : i32
      %sign3A_114 = arith.extui %sign3A_113 : i1 to i32
      %sign3A_115 = arith.constant 0 : i32
      %sign3A_116 = arith.cmpi slt, %jit3A, %sign3A_115 : i32
      %sign3A_117 = arith.extui %sign3A_116 : i1 to i32
      %sign3A_118 = arith.subi %sign3A_114, %sign3A_117 : i32
      %ne3A_119 = arith.cmpi ne, %sign3A_111, %sign3A_118 : i32
      %rem3A = arith.remsi %scan3A_105, %jit3A : i32
      %ne3A_120 = arith.constant 0 : i32
      %ne3A_121 = arith.cmpi ne, %rem3A, %ne3A_120 : i32
      %and3A = arith.andi %ne3A_119, %ne3A_121 : i1
      %sub3A = arith.constant 1 : i32
      %sub3A_122 = arith.subi %div3A, %sub3A : i32
      %select_n3A = arith.select %and3A, %sub3A_122, %div3A : i32
      %jit3A_123 = arith.constant 4 : i32
      %eq3A_124 = arith.constant 0 : i32
      %eq3A_125 = arith.cmpi eq, %jit3A_123, %eq3A_124 : i32
      %jit3A_126 = arith.constant 1 : i32
      %select_n3A_127 = arith.select %eq3A_125, %jit3A_126, %jit3A_123 : i32
      %rem3A_128 = arith.remsi %scan3A_105, %select_n3A_127 : i32
      %ne3A_129 = arith.constant 0 : i32
      %ne3A_130 = arith.cmpi ne, %rem3A_128, %ne3A_129 : i32
      %lt3A = arith.constant 0 : i32
      %lt3A_131 = arith.cmpi slt, %rem3A_128, %lt3A : i32
      %lt3A_132 = arith.constant 0 : i32
      %lt3A_133 = arith.cmpi slt, %select_n3A_127, %lt3A_132 : i32
      %ne3A_134 = arith.xori %lt3A_131, %lt3A_133 : i1
      %and3A_135 = arith.andi %ne3A_134, %ne3A_130 : i1
      %add3A_136 = arith.addi %rem3A_128, %select_n3A_127 : i32
      %select_n3A_137 = arith.select %and3A_135, %add3A_136, %rem3A_128 : i32
      %mul3A_138 = arith.constant 16 : i32
      %mul3A_139 = arith.muli %select_n3A_137, %mul3A_138 : i32
      %swap3A = arith.index_cast %select_n3A : i32 to index
      %swap3A_140 = arith.index_cast %mul3A_139 : i32 to index
      %swap3A_141 = tpu.vector_load %arg13[%swap3A, %swap3A_140] {strides = array<i32>} : memref<40x64xf32, #tpu.memory_space<vmem>>, vector<16xf32>,
      tpu.vector_store %arg13[%swap3A, %swap3A_140], %broadcast_in_dim3A_16 {strides = array<i32>} : memref<40x64xf32, #tpu.memory_space<vmem>>, vector<16xf32>,
    }
    %scan3A_21 = arith.constant 160 : i32
    %mul3A_22 = arith.constant 624 : i32
    %mul3A_23 = arith.muli %arg1, %mul3A_22 : i32
    %scan3A_24 = arith.constant 0 : i32
    %scan3A_25 = arith.constant 0 : i32
    %scan3A_26 = arith.constant 39 : i32
    %scan3A_27 = arith.addi %scan3A_25, %scan3A_26 : i32
    %scan3A_28 = arith.constant 1 : i32
    scf.for %scan3A_105 = %scan3A_25 to %scan3A_27 step %scan3A_28  : i32 {
      %mul3A_106 = arith.constant 16 : i32
      %mul3A_107 = arith.muli %scan3A_105, %mul3A_106 : i32
      %add3A_108 = arith.addi %mul3A_23, %mul3A_107 : i32
      "tpu.region"() ({
        %run_scoped3A = tpu.sem_alloc : memref<!tpu.dma_semaphore, #tpu.memory_space<semaphore_mem>>
        %dma_start3A_109 = arith.constant 0 : i32
        %dma_start3A_110 = arith.constant 0 : i32
        %dma_start3A_111 = tpu.memref_slice %arg13[%dma_start3A_109, %dma_start3A_110] : memref<40x64xf32, #tpu.memory_space<vmem>> -> memref<16x64xf32, #tpu.memory_space<vmem>>
        %dma_start3A_112 = arith.constant 0 : i32
        %dma_start3A_113 = tpu.memref_slice %arg14[%add3A_108, %dma_start3A_112] : memref<10000x64xf32, #tpu.memory_space<vmem_shared>> -> memref<16x64xf32, #tpu.memory_space<vmem_shared>>
        %dma_start3A_114 = arith.constant 0 : i32
        %dma_start3A_115 = tpu.memref_slice %arg14[%add3A_108, %dma_start3A_114] : memref<10000x64xf32, #tpu.memory_space<vmem_shared>> -> memref<16x64xf32, #tpu.memory_space<vmem_shared>>
        %dma_start3A_116 = arith.constant 0 : i32
        %dma_start3A_117 = arith.constant 0 : i32
        %dma_start3A_118 = tpu.memref_slice %arg13[%dma_start3A_116, %dma_start3A_117] : memref<40x64xf32, #tpu.memory_space<vmem>> -> memref<16x64xf32, #tpu.memory_space<vmem>>
        tpu.enqueue_dma source(%dma_start3A_118 : memref<16x64xf32, #tpu.memory_space<vmem>>) target(%dma_start3A_115 : memref<16x64xf32, #tpu.memory_space<vmem_shared>>) target_semaphore(%run_scoped3A : memref<!tpu.dma_semaphore, #tpu.memory_space<semaphore_mem>>)
        %dma_wait3A_119 = arith.constant 0 : i32
        %dma_wait3A_120 = arith.constant 0 : i32
        %dma_wait3A_121 = tpu.memref_slice %arg13[%dma_wait3A_119, %dma_wait3A_120] : memref<40x64xf32, #tpu.memory_space<vmem>> -> memref<16x64xf32, #tpu.memory_space<vmem>>
        %dma_wait3A_122 = arith.constant 0 : i32
        %dma_wait3A_123 = tpu.memref_slice %arg14[%add3A_108, %dma_wait3A_122] : memref<10000x64xf32, #tpu.memory_space<vmem_shared>> -> memref<16x64xf32, #tpu.memory_space<vmem_shared>>
        %dma_wait3A_124 = arith.constant 0 : i32
        %dma_wait3A_125 = tpu.memref_slice %arg14[%add3A_108, %dma_wait3A_124] : memref<10000x64xf32, #tpu.memory_space<vmem_shared>> -> memref<16x64xf32, #tpu.memory_space<vmem_shared>>
        %dma_wait3A_126 = arith.constant 0 : i32
        %dma_wait3A_127 = arith.constant 0 : i32
        %dma_wait3A_128 = tpu.memref_slice %arg13[%dma_wait3A_126, %dma_wait3A_127] : memref<40x64xf32, #tpu.memory_space<vmem>> -> memref<16x64xf32, #tpu.memory_space<vmem>>
        tpu.wait_dma2 semaphore(%run_scoped3A : memref<!tpu.dma_semaphore, #tpu.memory_space<semaphore_mem>>) src(%dma_wait3A_128 : memref<16x64xf32, #tpu.memory_space<vmem>>) dst(%dma_wait3A_125 : memref<16x64xf32, #tpu.memory_space<vmem_shared>>)
        tpu.yield
      }) : () -> ()
    }
    %scan3A_29 = arith.constant 39 : i32
    %eq3A = arith.constant 15 : i32
    %eq3A_30 = arith.cmpi eq, %arg1, %eq3A : i32
    %convert_element_type3A = arith.extui %eq3A_30 : i1 to i32
    %cond3A = arith.constant 0 : i32
    %cond3A_31 = arith.cmpi ne, %convert_element_type3A, %cond3A : i32
    scf.if %cond3A_31 {
      %scan3A_105 = arith.constant 0 : i32
      %scan3A_106 = arith.constant 39 : i32
      %mul3A_107 = arith.constant 16 : i32
      %mul3A_108 = arith.muli %scan3A_106, %mul3A_107 : i32
      %add3A_109 = arith.addi %mul3A_23, %mul3A_108 : i32
      "tpu.region"() ({
        %run_scoped3A = tpu.sem_alloc : memref<!tpu.dma_semaphore, #tpu.memory_space<semaphore_mem>>
        %dma_start3A_111 = arith.constant 0 : i32
        %dma_start3A_112 = arith.constant 0 : i32
        %dma_start3A_113 = tpu.memref_slice %arg13[%dma_start3A_111, %dma_start3A_112] : memref<40x64xf32, #tpu.memory_space<vmem>> -> memref<16x64xf32, #tpu.memory_space<vmem>>
        %dma_start3A_114 = arith.constant 0 : i32
        %dma_start3A_115 = tpu.memref_slice %arg14[%add3A_109, %dma_start3A_114] : memref<10000x64xf32, #tpu.memory_space<vmem_shared>> -> memref<16x64xf32, #tpu.memory_space<vmem_shared>>
        %dma_start3A_116 = arith.constant 0 : i32
        %dma_start3A_117 = tpu.memref_slice %arg14[%add3A_109, %dma_start3A_116] : memref<10000x64xf32, #tpu.memory_space<vmem_shared>> -> memref<16x64xf32, #tpu.memory_space<vmem_shared>>
        %dma_start3A_118 = arith.constant 0 : i32
        %dma_start3A_119 = arith.constant 0 : i32
        %dma_start3A_120 = tpu.memref_slice %arg13[%dma_start3A_118, %dma_start3A_119] : memref<40x64xf32, #tpu.memory_space<vmem>> -> memref<16x64xf32, #tpu.memory_space<vmem>>
        tpu.enqueue_dma source(%dma_start3A_120 : memref<16x64xf32, #tpu.memory_space<vmem>>) target(%dma_start3A_117 : memref<16x64xf32, #tpu.memory_space<vmem_shared>>) target_semaphore(%run_scoped3A : memref<!tpu.dma_semaphore, #tpu.memory_space<semaphore_mem>>)
        %dma_wait3A_121 = arith.constant 0 : i32
        %dma_wait3A_122 = arith.constant 0 : i32
        %dma_wait3A_123 = tpu.memref_slice %arg13[%dma_wait3A_121, %dma_wait3A_122] : memref<40x64xf32, #tpu.memory_space<vmem>> -> memref<16x64xf32, #tpu.memory_space<vmem>>
        %dma_wait3A_124 = arith.constant 0 : i32
        %dma_wait3A_125 = tpu.memref_slice %arg14[%add3A_109, %dma_wait3A_124] : memref<10000x64xf32, #tpu.memory_space<vmem_shared>> -> memref<16x64xf32, #tpu.memory_space<vmem_shared>>
        %dma_wait3A_126 = arith.constant 0 : i32
        %dma_wait3A_127 = tpu.memref_slice %arg14[%add3A_109, %dma_wait3A_126] : memref<10000x64xf32, #tpu.memory_space<vmem_shared>> -> memref<16x64xf32, #tpu.memory_space<vmem_shared>>
        %dma_wait3A_128 = arith.constant 0 : i32
        %dma_wait3A_129 = arith.constant 0 : i32
        %dma_wait3A_130 = tpu.memref_slice %arg13[%dma_wait3A_128, %dma_wait3A_129] : memref<40x64xf32, #tpu.memory_space<vmem>> -> memref<16x64xf32, #tpu.memory_space<vmem>>
        tpu.wait_dma2 semaphore(%run_scoped3A : memref<!tpu.dma_semaphore, #tpu.memory_space<semaphore_mem>>) src(%dma_wait3A_130 : memref<16x64xf32, #tpu.memory_space<vmem>>) dst(%dma_wait3A_127 : memref<16x64xf32, #tpu.memory_space<vmem_shared>>)
        tpu.yield
      }) : () -> ()
      %scan3A_110 = arith.constant 1 : i32
    } else {
    }
    %dma_wait3A = arith.constant 0 : i32
    %dma_wait3A_32 = arith.constant 0 : i32
    %dma_wait3A_33 = tpu.memref_slice %arg3[%add3A, %dma_wait3A, %dma_wait3A_32] : memref<32x250x40xi32, #tpu.memory_space<hbm>> -> memref<1x250x40xi32, #tpu.memory_space<hbm>>
    %dma_wait3A_34 = tpu.memref_squeeze %dma_wait3A_33 : memref<1x250x40xi32, #tpu.memory_space<hbm>> -> memref<250x40xi32, #tpu.memory_space<hbm>>
    %dma_wait3A_35 = arith.constant 0 : i32
    %dma_wait3A_36 = arith.constant 0 : i32
    %dma_wait3A_37 = tpu.memref_slice %arg3[%add3A, %dma_wait3A_35, %dma_wait3A_36] : memref<32x250x40xi32, #tpu.memory_space<hbm>> -> memref<1x250x40xi32, #tpu.memory_space<hbm>>
    %dma_wait3A_38 = tpu.memref_squeeze %dma_wait3A_37 : memref<1x250x40xi32, #tpu.memory_space<hbm>> -> memref<250x40xi32, #tpu.memory_space<hbm>>
    tpu.wait_dma2 semaphore(%arg27 : memref<!tpu.dma_semaphore, #tpu.memory_space<semaphore_mem>>) src(%dma_wait3A_38 : memref<250x40xi32, #tpu.memory_space<hbm>>) dst(%arg6 : memref<250x40xi32, #tpu.memory_space<vmem>>)
    %dma_wait3A_39 = arith.constant 0 : i32
    %dma_wait3A_40 = arith.constant 0 : i32
    %dma_wait3A_41 = tpu.memref_slice %arg4[%add3A, %dma_wait3A_39, %dma_wait3A_40] : memref<32x250x40xi32, #tpu.memory_space<hbm>> -> memref<1x250x40xi32, #tpu.memory_space<hbm>>
    %dma_wait3A_42 = tpu.memref_squeeze %dma_wait3A_41 : memref<1x250x40xi32, #tpu.memory_space<hbm>> -> memref<250x40xi32, #tpu.memory_space<hbm>>
    %dma_wait3A_43 = arith.constant 0 : i32
    %dma_wait3A_44 = arith.constant 0 : i32
    %dma_wait3A_45 = tpu.memref_slice %arg4[%add3A, %dma_wait3A_43, %dma_wait3A_44] : memref<32x250x40xi32, #tpu.memory_space<hbm>> -> memref<1x250x40xi32, #tpu.memory_space<hbm>>
    %dma_wait3A_46 = tpu.memref_squeeze %dma_wait3A_45 : memref<1x250x40xi32, #tpu.memory_space<hbm>> -> memref<250x40xi32, #tpu.memory_space<hbm>>
    tpu.wait_dma2 semaphore(%arg28 : memref<!tpu.dma_semaphore, #tpu.memory_space<semaphore_mem>>) src(%dma_wait3A_46 : memref<250x40xi32, #tpu.memory_space<hbm>>) dst(%arg7 : memref<250x40xi32, #tpu.memory_space<vmem>>)
    %barrier3A = arith.constant 0 : index
    tpu.barrier barrier_id(%barrier3A)
    %dma_start3A_47 = arith.constant 0 : i32
    %dma_start3A_48 = arith.constant 0 : i32
    %dma_start3A_49 = tpu.memref_slice %arg6[%dma_start3A_47, %dma_start3A_48] : memref<250x40xi32, #tpu.memory_space<vmem>> -> memref<1x40xi32, #tpu.memory_space<vmem>>
    %dma_start3A_50 = tpu.memref_squeeze %dma_start3A_49 : memref<1x40xi32, #tpu.memory_space<vmem>> -> memref<40xi32, #tpu.memory_space<vmem>>
    %dma_start3A_51 = arith.constant 0 : i32
    %dma_start3A_52 = arith.constant 0 : i32
    %dma_start3A_53 = tpu.memref_slice %arg2[%dma_start3A_51, %dma_start3A_52] : memref<10000x64xf32, #tpu.memory_space<hbm>> -> memref<10000x64xf32, #tpu.memory_space<hbm>>
    tpu.enqueue_indirect_dma source(%dma_start3A_53 : memref<10000x64xf32, #tpu.memory_space<hbm>>) target(%arg8 : memref<40x64xf32, #tpu.memory_space<vmem>>) offsets(%dma_start3A_50 : memref<40xi32, #tpu.memory_space<vmem>>) semaphore(%arg15 : memref<!tpu.dma_semaphore, #tpu.memory_space<semaphore_mem>>)
    %dma_start3A_54 = arith.constant 1 : i32
    %dma_start3A_55 = arith.constant 0 : i32
    %dma_start3A_56 = tpu.memref_slice %arg6[%dma_start3A_54, %dma_start3A_55] : memref<250x40xi32, #tpu.memory_space<vmem>> -> memref<1x40xi32, #tpu.memory_space<vmem>>
    %dma_start3A_57 = tpu.memref_squeeze %dma_start3A_56 : memref<1x40xi32, #tpu.memory_space<vmem>> -> memref<40xi32, #tpu.memory_space<vmem>>
    %dma_start3A_58 = arith.constant 0 : i32
    %dma_start3A_59 = arith.constant 0 : i32
    %dma_start3A_60 = tpu.memref_slice %arg2[%dma_start3A_58, %dma_start3A_59] : memref<10000x64xf32, #tpu.memory_space<hbm>> -> memref<10000x64xf32, #tpu.memory_space<hbm>>
    tpu.enqueue_indirect_dma source(%dma_start3A_60 : memref<10000x64xf32, #tpu.memory_space<hbm>>) target(%arg9 : memref<40x64xf32, #tpu.memory_space<vmem>>) offsets(%dma_start3A_57 : memref<40xi32, #tpu.memory_space<vmem>>) semaphore(%arg16 : memref<!tpu.dma_semaphore, #tpu.memory_space<semaphore_mem>>)
    %dma_start3A_61 = arith.constant 2 : i32
    %dma_start3A_62 = arith.constant 0 : i32
    %dma_start3A_63 = tpu.memref_slice %arg6[%dma_start3A_61, %dma_start3A_62] : memref<250x40xi32, #tpu.memory_space<vmem>> -> memref<1x40xi32, #tpu.memory_space<vmem>>
    %dma_start3A_64 = tpu.memref_squeeze %dma_start3A_63 : memref<1x40xi32, #tpu.memory_space<vmem>> -> memref<40xi32, #tpu.memory_space<vmem>>
    %dma_start3A_65 = arith.constant 0 : i32
    %dma_start3A_66 = arith.constant 0 : i32
    %dma_start3A_67 = tpu.memref_slice %arg2[%dma_start3A_65, %dma_start3A_66] : memref<10000x64xf32, #tpu.memory_space<hbm>> -> memref<10000x64xf32, #tpu.memory_space<hbm>>
    tpu.enqueue_indirect_dma source(%dma_start3A_67 : memref<10000x64xf32, #tpu.memory_space<hbm>>) target(%arg10 : memref<40x64xf32, #tpu.memory_space<vmem>>) offsets(%dma_start3A_64 : memref<40xi32, #tpu.memory_space<vmem>>) semaphore(%arg17 : memref<!tpu.dma_semaphore, #tpu.memory_space<semaphore_mem>>)
    %dma_start3A_68 = arith.constant 3 : i32
    %dma_start3A_69 = arith.constant 0 : i32
    %dma_start3A_70 = tpu.memref_slice %arg6[%dma_start3A_68, %dma_start3A_69] : memref<250x40xi32, #tpu.memory_space<vmem>> -> memref<1x40xi32, #tpu.memory_space<vmem>>
    %dma_start3A_71 = tpu.memref_squeeze %dma_start3A_70 : memref<1x40xi32, #tpu.memory_space<vmem>> -> memref<40xi32, #tpu.memory_space<vmem>>
    %dma_start3A_72 = arith.constant 0 : i32
    %dma_start3A_73 = arith.constant 0 : i32
    %dma_start3A_74 = tpu.memref_slice %arg2[%dma_start3A_72, %dma_start3A_73] : memref<10000x64xf32, #tpu.memory_space<hbm>> -> memref<10000x64xf32, #tpu.memory_space<hbm>>
    tpu.enqueue_indirect_dma source(%dma_start3A_74 : memref<10000x64xf32, #tpu.memory_space<hbm>>) target(%arg11 : memref<40x64xf32, #tpu.memory_space<vmem>>) offsets(%dma_start3A_71 : memref<40xi32, #tpu.memory_space<vmem>>) semaphore(%arg18 : memref<!tpu.dma_semaphore, #tpu.memory_space<semaphore_mem>>)
    %dma_start3A_75 = arith.constant 4 : i32
    %dma_start3A_76 = arith.constant 0 : i32
    %dma_start3A_77 = tpu.memref_slice %arg6[%dma_start3A_75, %dma_start3A_76] : memref<250x40xi32, #tpu.memory_space<vmem>> -> memref<1x40xi32, #tpu.memory_space<vmem>>
    %dma_start3A_78 = tpu.memref_squeeze %dma_start3A_77 : memref<1x40xi32, #tpu.memory_space<vmem>> -> memref<40xi32, #tpu.memory_space<vmem>>
    %dma_start3A_79 = arith.constant 0 : i32
    %dma_start3A_80 = arith.constant 0 : i32
    %dma_start3A_81 = tpu.memref_slice %arg2[%dma_start3A_79, %dma_start3A_80] : memref<10000x64xf32, #tpu.memory_space<hbm>> -> memref<10000x64xf32, #tpu.memory_space<hbm>>
    tpu.enqueue_indirect_dma source(%dma_start3A_81 : memref<10000x64xf32, #tpu.memory_space<hbm>>) target(%arg12 : memref<40x64xf32, #tpu.memory_space<vmem>>) offsets(%dma_start3A_78 : memref<40xi32, #tpu.memory_space<vmem>>) semaphore(%arg19 : memref<!tpu.dma_semaphore, #tpu.memory_space<semaphore_mem>>)
    %scan3A_82 = arith.constant 0 : i32
    %scan3A_83 = arith.constant 0 : i32
    %scan3A_84 = arith.constant 250 : i32
    %scan3A_85 = arith.addi %scan3A_83, %scan3A_84 : i32
    %scan3A_86 = arith.constant 1 : i32
    scf.for %scan3A_105 = %scan3A_83 to %scan3A_85 step %scan3A_86  : i32 {
      %jit3A = arith.constant 6 : i32
      %eq3A_106 = arith.constant 0 : i32
      %eq3A_107 = arith.cmpi eq, %jit3A, %eq3A_106 : i32
      %jit3A_108 = arith.constant 1 : i32
      %select_n3A = arith.select %eq3A_107, %jit3A_108, %jit3A : i32
      %rem3A = arith.remsi %scan3A_105, %select_n3A : i32
      %ne3A_109 = arith.constant 0 : i32
      %ne3A_110 = arith.cmpi ne, %rem3A, %ne3A_109 : i32
      %lt3A = arith.constant 0 : i32
      %lt3A_111 = arith.cmpi slt, %rem3A, %lt3A : i32
      %lt3A_112 = arith.constant 0 : i32
      %lt3A_113 = arith.cmpi slt, %select_n3A, %lt3A_112 : i32
      %ne3A_114 = arith.xori %lt3A_111, %lt3A_113 : i1
      %and3A = arith.andi %ne3A_114, %ne3A_110 : i1
      %add3A_115 = arith.addi %rem3A, %select_n3A : i32
      %select_n3A_116 = arith.select %and3A, %add3A_115, %rem3A : i32
      %eq3A_117 = arith.constant 0 : i32
      %eq3A_118 = arith.cmpi eq, %select_n3A_116, %eq3A_117 : i32
      %convert_element_type3A_119 = arith.extui %eq3A_118 : i1 to i32
      %cond3A_120 = arith.constant 0 : i32
      %cond3A_121 = arith.cmpi ne, %convert_element_type3A_119, %cond3A_120 : i32
      scf.if %cond3A_121 {
        %dma_wait3A_227 = arith.constant 0 : i32
        %dma_wait3A_228 = tpu.memref_slice %arg6[%scan3A_105, %dma_wait3A_227] : memref<250x40xi32, #tpu.memory_space<vmem>> -> memref<1x40xi32, #tpu.memory_space<vmem>>
        %dma_wait3A_229 = tpu.memref_squeeze %dma_wait3A_228 : memref<1x40xi32, #tpu.memory_space<vmem>> -> memref<40xi32, #tpu.memory_space<vmem>>
        %dma_wait3A_230 = arith.constant 0 : i32
        %dma_wait3A_231 = arith.constant 0 : i32
        %dma_wait3A_232 = tpu.memref_slice %arg2[%dma_wait3A_230, %dma_wait3A_231] : memref<10000x64xf32, #tpu.memory_space<hbm>> -> memref<10000x64xf32, #tpu.memory_space<hbm>>
        tpu.wait_indirect_dma semaphore(%arg15 : memref<!tpu.dma_semaphore, #tpu.memory_space<semaphore_mem>>) src(%dma_wait3A_232 : memref<10000x64xf32, #tpu.memory_space<hbm>>) dst(%arg8 : memref<40x64xf32, #tpu.memory_space<vmem>>)
        %dma_start3A_233 = arith.constant 0 : i32
        %dma_start3A_234 = tpu.memref_slice %arg7[%scan3A_105, %dma_start3A_233] : memref<250x40xi32, #tpu.memory_space<vmem>> -> memref<1x40xi32, #tpu.memory_space<vmem>>
        %dma_start3A_235 = tpu.memref_squeeze %dma_start3A_234 : memref<1x40xi32, #tpu.memory_space<vmem>> -> memref<40xi32, #tpu.memory_space<vmem>>
        %dma_start3A_236 = arith.constant 0 : i32
        %dma_start3A_237 = arith.constant 0 : i32
        %dma_start3A_238 = tpu.memref_slice %arg14[%dma_start3A_236, %dma_start3A_237] : memref<10000x64xf32, #tpu.memory_space<vmem_shared>> -> memref<10000x64xf32, #tpu.memory_space<vmem_shared>>
        tpu.enqueue_indirect_dma source(%arg8 : memref<40x64xf32, #tpu.memory_space<vmem>>) target(%dma_start3A_238 : memref<10000x64xf32, #tpu.memory_space<vmem_shared>>) offsets(%dma_start3A_235 : memref<40xi32, #tpu.memory_space<vmem>>) semaphore(%arg21 : memref<!tpu.dma_semaphore, #tpu.memory_space<semaphore_mem>>) {add = true}
        %ge3A = arith.constant 1 : i32
        %ge3A_239 = arith.cmpi sge, %scan3A_105, %ge3A : i32
        %convert_element_type3A_240 = arith.extui %ge3A_239 : i1 to i32
        %cond3A_241 = arith.constant 0 : i32
        %cond3A_242 = arith.cmpi ne, %convert_element_type3A_240, %cond3A_241 : i32
        scf.if %cond3A_242 {
          %sub3A = arith.constant 1 : i32
          %sub3A_250 = arith.subi %scan3A_105, %sub3A : i32
          %dma_wait3A_251 = arith.constant 0 : i32
          %dma_wait3A_252 = tpu.memref_slice %arg7[%sub3A_250, %dma_wait3A_251] : memref<250x40xi32, #tpu.memory_space<vmem>> -> memref<1x40xi32, #tpu.memory_space<vmem>>
          %dma_wait3A_253 = tpu.memref_squeeze %dma_wait3A_252 : memref<1x40xi32, #tpu.memory_space<vmem>> -> memref<40xi32, #tpu.memory_space<vmem>>
          %dma_wait3A_254 = arith.constant 0 : i32
          %dma_wait3A_255 = arith.constant 0 : i32
          %dma_wait3A_256 = tpu.memref_slice %arg14[%dma_wait3A_254, %dma_wait3A_255] : memref<10000x64xf32, #tpu.memory_space<vmem_shared>> -> memref<10000x64xf32, #tpu.memory_space<vmem_shared>>
          tpu.wait_indirect_dma semaphore(%arg26 : memref<!tpu.dma_semaphore, #tpu.memory_space<semaphore_mem>>) src(%arg13 : memref<40x64xf32, #tpu.memory_space<vmem>>) dst(%dma_wait3A_256 : memref<10000x64xf32, #tpu.memory_space<vmem_shared>>)
        } else {
        }
        %add3A_243 = arith.constant 5 : i32
        %add3A_244 = arith.addi %scan3A_105, %add3A_243 : i32
        %lt3A_245 = arith.constant 250 : i32
        %lt3A_246 = arith.cmpi slt, %add3A_244, %lt3A_245 : i32
        %convert_element_type3A_247 = arith.extui %lt3A_246 : i1 to i32
        %cond3A_248 = arith.constant 0 : i32
        %cond3A_249 = arith.cmpi ne, %convert_element_type3A_247, %cond3A_248 : i32
        scf.if %cond3A_249 {
          %add3A_250 = arith.constant 5 : i32
          %add3A_251 = arith.addi %scan3A_105, %add3A_250 : i32
          %dma_start3A_252 = arith.constant 0 : i32
          %dma_start3A_253 = tpu.memref_slice %arg6[%add3A_251, %dma_start3A_252] : memref<250x40xi32, #tpu.memory_space<vmem>> -> memref<1x40xi32, #tpu.memory_space<vmem>>
          %dma_start3A_254 = tpu.memref_squeeze %dma_start3A_253 : memref<1x40xi32, #tpu.memory_space<vmem>> -> memref<40xi32, #tpu.memory_space<vmem>>
          %dma_start3A_255 = arith.constant 0 : i32
          %dma_start3A_256 = arith.constant 0 : i32
          %dma_start3A_257 = tpu.memref_slice %arg2[%dma_start3A_255, %dma_start3A_256] : memref<10000x64xf32, #tpu.memory_space<hbm>> -> memref<10000x64xf32, #tpu.memory_space<hbm>>
          tpu.enqueue_indirect_dma source(%dma_start3A_257 : memref<10000x64xf32, #tpu.memory_space<hbm>>) target(%arg13 : memref<40x64xf32, #tpu.memory_space<vmem>>) offsets(%dma_start3A_254 : memref<40xi32, #tpu.memory_space<vmem>>) semaphore(%arg20 : memref<!tpu.dma_semaphore, #tpu.memory_space<semaphore_mem>>)
        } else {
        }
      } else {
      }
      %jit3A_122 = arith.constant 6 : i32
      %eq3A_123 = arith.constant 0 : i32
      %eq3A_124 = arith.cmpi eq, %jit3A_122, %eq3A_123 : i32
      %jit3A_125 = arith.constant 1 : i32
      %select_n3A_126 = arith.select %eq3A_124, %jit3A_125, %jit3A_122 : i32
      %rem3A_127 = arith.remsi %scan3A_105, %select_n3A_126 : i32
      %ne3A_128 = arith.constant 0 : i32
      %ne3A_129 = arith.cmpi ne, %rem3A_127, %ne3A_128 : i32
      %lt3A_130 = arith.constant 0 : i32
      %lt3A_131 = arith.cmpi slt, %rem3A_127, %lt3A_130 : i32
      %lt3A_132 = arith.constant 0 : i32
      %lt3A_133 = arith.cmpi slt, %select_n3A_126, %lt3A_132 : i32
      %ne3A_134 = arith.xori %lt3A_131, %lt3A_133 : i1
      %and3A_135 = arith.andi %ne3A_134, %ne3A_129 : i1
      %add3A_136 = arith.addi %rem3A_127, %select_n3A_126 : i32
      %select_n3A_137 = arith.select %and3A_135, %add3A_136, %rem3A_127 : i32
      %eq3A_138 = arith.constant 1 : i32
      %eq3A_139 = arith.cmpi eq, %select_n3A_137, %eq3A_138 : i32
      %convert_element_type3A_140 = arith.extui %eq3A_139 : i1 to i32
      %cond3A_141 = arith.constant 0 : i32
      %cond3A_142 = arith.cmpi ne, %convert_element_type3A_140, %cond3A_141 : i32
      scf.if %cond3A_142 {
        %dma_wait3A_227 = arith.constant 0 : i32
        %dma_wait3A_228 = tpu.memref_slice %arg6[%scan3A_105, %dma_wait3A_227] : memref<250x40xi32, #tpu.memory_space<vmem>> -> memref<1x40xi32, #tpu.memory_space<vmem>>
        %dma_wait3A_229 = tpu.memref_squeeze %dma_wait3A_228 : memref<1x40xi32, #tpu.memory_space<vmem>> -> memref<40xi32, #tpu.memory_space<vmem>>
        %dma_wait3A_230 = arith.constant 0 : i32
        %dma_wait3A_231 = arith.constant 0 : i32
        %dma_wait3A_232 = tpu.memref_slice %arg2[%dma_wait3A_230, %dma_wait3A_231] : memref<10000x64xf32, #tpu.memory_space<hbm>> -> memref<10000x64xf32, #tpu.memory_space<hbm>>
        tpu.wait_indirect_dma semaphore(%arg16 : memref<!tpu.dma_semaphore, #tpu.memory_space<semaphore_mem>>) src(%dma_wait3A_232 : memref<10000x64xf32, #tpu.memory_space<hbm>>) dst(%arg9 : memref<40x64xf32, #tpu.memory_space<vmem>>)
        %dma_start3A_233 = arith.constant 0 : i32
        %dma_start3A_234 = tpu.memref_slice %arg7[%scan3A_105, %dma_start3A_233] : memref<250x40xi32, #tpu.memory_space<vmem>> -> memref<1x40xi32, #tpu.memory_space<vmem>>
        %dma_start3A_235 = tpu.memref_squeeze %dma_start3A_234 : memref<1x40xi32, #tpu.memory_space<vmem>> -> memref<40xi32, #tpu.memory_space<vmem>>
        %dma_start3A_236 = arith.constant 0 : i32
        %dma_start3A_237 = arith.constant 0 : i32
        %dma_start3A_238 = tpu.memref_slice %arg14[%dma_start3A_236, %dma_start3A_237] : memref<10000x64xf32, #tpu.memory_space<vmem_shared>> -> memref<10000x64xf32, #tpu.memory_space<vmem_shared>>
        tpu.enqueue_indirect_dma source(%arg9 : memref<40x64xf32, #tpu.memory_space<vmem>>) target(%dma_start3A_238 : memref<10000x64xf32, #tpu.memory_space<vmem_shared>>) offsets(%dma_start3A_235 : memref<40xi32, #tpu.memory_space<vmem>>) semaphore(%arg22 : memref<!tpu.dma_semaphore, #tpu.memory_space<semaphore_mem>>) {add = true}
        %ge3A = arith.constant 1 : i32
        %ge3A_239 = arith.cmpi sge, %scan3A_105, %ge3A : i32
        %convert_element_type3A_240 = arith.extui %ge3A_239 : i1 to i32
        %cond3A_241 = arith.constant 0 : i32
        %cond3A_242 = arith.cmpi ne, %convert_element_type3A_240, %cond3A_241 : i32
        scf.if %cond3A_242 {
          %sub3A = arith.constant 1 : i32
          %sub3A_250 = arith.subi %scan3A_105, %sub3A : i32
          %dma_wait3A_251 = arith.constant 0 : i32
          %dma_wait3A_252 = tpu.memref_slice %arg7[%sub3A_250, %dma_wait3A_251] : memref<250x40xi32, #tpu.memory_space<vmem>> -> memref<1x40xi32, #tpu.memory_space<vmem>>
          %dma_wait3A_253 = tpu.memref_squeeze %dma_wait3A_252 : memref<1x40xi32, #tpu.memory_space<vmem>> -> memref<40xi32, #tpu.memory_space<vmem>>
          %dma_wait3A_254 = arith.constant 0 : i32
          %dma_wait3A_255 = arith.constant 0 : i32
          %dma_wait3A_256 = tpu.memref_slice %arg14[%dma_wait3A_254, %dma_wait3A_255] : memref<10000x64xf32, #tpu.memory_space<vmem_shared>> -> memref<10000x64xf32, #tpu.memory_space<vmem_shared>>
          tpu.wait_indirect_dma semaphore(%arg21 : memref<!tpu.dma_semaphore, #tpu.memory_space<semaphore_mem>>) src(%arg8 : memref<40x64xf32, #tpu.memory_space<vmem>>) dst(%dma_wait3A_256 : memref<10000x64xf32, #tpu.memory_space<vmem_shared>>)
        } else {
        }
        %add3A_243 = arith.constant 5 : i32
        %add3A_244 = arith.addi %scan3A_105, %add3A_243 : i32
        %lt3A_245 = arith.constant 250 : i32
        %lt3A_246 = arith.cmpi slt, %add3A_244, %lt3A_245 : i32
        %convert_element_type3A_247 = arith.extui %lt3A_246 : i1 to i32
        %cond3A_248 = arith.constant 0 : i32
        %cond3A_249 = arith.cmpi ne, %convert_element_type3A_247, %cond3A_248 : i32
        scf.if %cond3A_249 {
          %add3A_250 = arith.constant 5 : i32
          %add3A_251 = arith.addi %scan3A_105, %add3A_250 : i32
          %dma_start3A_252 = arith.constant 0 : i32
          %dma_start3A_253 = tpu.memref_slice %arg6[%add3A_251, %dma_start3A_252] : memref<250x40xi32, #tpu.memory_space<vmem>> -> memref<1x40xi32, #tpu.memory_space<vmem>>
          %dma_start3A_254 = tpu.memref_squeeze %dma_start3A_253 : memref<1x40xi32, #tpu.memory_space<vmem>> -> memref<40xi32, #tpu.memory_space<vmem>>
          %dma_start3A_255 = arith.constant 0 : i32
          %dma_start3A_256 = arith.constant 0 : i32
          %dma_start3A_257 = tpu.memref_slice %arg2[%dma_start3A_255, %dma_start3A_256] : memref<10000x64xf32, #tpu.memory_space<hbm>> -> memref<10000x64xf32, #tpu.memory_space<hbm>>
          tpu.enqueue_indirect_dma source(%dma_start3A_257 : memref<10000x64xf32, #tpu.memory_space<hbm>>) target(%arg8 : memref<40x64xf32, #tpu.memory_space<vmem>>) offsets(%dma_start3A_254 : memref<40xi32, #tpu.memory_space<vmem>>) semaphore(%arg15 : memref<!tpu.dma_semaphore, #tpu.memory_space<semaphore_mem>>)
        } else {
        }
      } else {
      }
      %jit3A_143 = arith.constant 6 : i32
      %eq3A_144 = arith.constant 0 : i32
      %eq3A_145 = arith.cmpi eq, %jit3A_143, %eq3A_144 : i32
      %jit3A_146 = arith.constant 1 : i32
      %select_n3A_147 = arith.select %eq3A_145, %jit3A_146, %jit3A_143 : i32
      %rem3A_148 = arith.remsi %scan3A_105, %select_n3A_147 : i32
      %ne3A_149 = arith.constant 0 : i32
      %ne3A_150 = arith.cmpi ne, %rem3A_148, %ne3A_149 : i32
      %lt3A_151 = arith.constant 0 : i32
      %lt3A_152 = arith.cmpi slt, %rem3A_148, %lt3A_151 : i32
      %lt3A_153 = arith.constant 0 : i32
      %lt3A_154 = arith.cmpi slt, %select_n3A_147, %lt3A_153 : i32
      %ne3A_155 = arith.xori %lt3A_152, %lt3A_154 : i1
      %and3A_156 = arith.andi %ne3A_155, %ne3A_150 : i1
      %add3A_157 = arith.addi %rem3A_148, %select_n3A_147 : i32
      %select_n3A_158 = arith.select %and3A_156, %add3A_157, %rem3A_148 : i32
      %eq3A_159 = arith.constant 2 : i32
      %eq3A_160 = arith.cmpi eq, %select_n3A_158, %eq3A_159 : i32
      %convert_element_type3A_161 = arith.extui %eq3A_160 : i1 to i32
      %cond3A_162 = arith.constant 0 : i32
      %cond3A_163 = arith.cmpi ne, %convert_element_type3A_161, %cond3A_162 : i32
      scf.if %cond3A_163 {
        %dma_wait3A_227 = arith.constant 0 : i32
        %dma_wait3A_228 = tpu.memref_slice %arg6[%scan3A_105, %dma_wait3A_227] : memref<250x40xi32, #tpu.memory_space<vmem>> -> memref<1x40xi32, #tpu.memory_space<vmem>>
        %dma_wait3A_229 = tpu.memref_squeeze %dma_wait3A_228 : memref<1x40xi32, #tpu.memory_space<vmem>> -> memref<40xi32, #tpu.memory_space<vmem>>
        %dma_wait3A_230 = arith.constant 0 : i32
        %dma_wait3A_231 = arith.constant 0 : i32
        %dma_wait3A_232 = tpu.memref_slice %arg2[%dma_wait3A_230, %dma_wait3A_231] : memref<10000x64xf32, #tpu.memory_space<hbm>> -> memref<10000x64xf32, #tpu.memory_space<hbm>>
        tpu.wait_indirect_dma semaphore(%arg17 : memref<!tpu.dma_semaphore, #tpu.memory_space<semaphore_mem>>) src(%dma_wait3A_232 : memref<10000x64xf32, #tpu.memory_space<hbm>>) dst(%arg10 : memref<40x64xf32, #tpu.memory_space<vmem>>)
        %dma_start3A_233 = arith.constant 0 : i32
        %dma_start3A_234 = tpu.memref_slice %arg7[%scan3A_105, %dma_start3A_233] : memref<250x40xi32, #tpu.memory_space<vmem>> -> memref<1x40xi32, #tpu.memory_space<vmem>>
        %dma_start3A_235 = tpu.memref_squeeze %dma_start3A_234 : memref<1x40xi32, #tpu.memory_space<vmem>> -> memref<40xi32, #tpu.memory_space<vmem>>
        %dma_start3A_236 = arith.constant 0 : i32
        %dma_start3A_237 = arith.constant 0 : i32
        %dma_start3A_238 = tpu.memref_slice %arg14[%dma_start3A_236, %dma_start3A_237] : memref<10000x64xf32, #tpu.memory_space<vmem_shared>> -> memref<10000x64xf32, #tpu.memory_space<vmem_shared>>
        tpu.enqueue_indirect_dma source(%arg10 : memref<40x64xf32, #tpu.memory_space<vmem>>) target(%dma_start3A_238 : memref<10000x64xf32, #tpu.memory_space<vmem_shared>>) offsets(%dma_start3A_235 : memref<40xi32, #tpu.memory_space<vmem>>) semaphore(%arg23 : memref<!tpu.dma_semaphore, #tpu.memory_space<semaphore_mem>>) {add = true}
        %ge3A = arith.constant 1 : i32
        %ge3A_239 = arith.cmpi sge, %scan3A_105, %ge3A : i32
        %convert_element_type3A_240 = arith.extui %ge3A_239 : i1 to i32
        %cond3A_241 = arith.constant 0 : i32
        %cond3A_242 = arith.cmpi ne, %convert_element_type3A_240, %cond3A_241 : i32
        scf.if %cond3A_242 {
          %sub3A = arith.constant 1 : i32
          %sub3A_250 = arith.subi %scan3A_105, %sub3A : i32
          %dma_wait3A_251 = arith.constant 0 : i32
          %dma_wait3A_252 = tpu.memref_slice %arg7[%sub3A_250, %dma_wait3A_251] : memref<250x40xi32, #tpu.memory_space<vmem>> -> memref<1x40xi32, #tpu.memory_space<vmem>>
          %dma_wait3A_253 = tpu.memref_squeeze %dma_wait3A_252 : memref<1x40xi32, #tpu.memory_space<vmem>> -> memref<40xi32, #tpu.memory_space<vmem>>
          %dma_wait3A_254 = arith.constant 0 : i32
          %dma_wait3A_255 = arith.constant 0 : i32
          %dma_wait3A_256 = tpu.memref_slice %arg14[%dma_wait3A_254, %dma_wait3A_255] : memref<10000x64xf32, #tpu.memory_space<vmem_shared>> -> memref<10000x64xf32, #tpu.memory_space<vmem_shared>>
          tpu.wait_indirect_dma semaphore(%arg22 : memref<!tpu.dma_semaphore, #tpu.memory_space<semaphore_mem>>) src(%arg9 : memref<40x64xf32, #tpu.memory_space<vmem>>) dst(%dma_wait3A_256 : memref<10000x64xf32, #tpu.memory_space<vmem_shared>>)
        } else {
        }
        %add3A_243 = arith.constant 5 : i32
        %add3A_244 = arith.addi %scan3A_105, %add3A_243 : i32
        %lt3A_245 = arith.constant 250 : i32
        %lt3A_246 = arith.cmpi slt, %add3A_244, %lt3A_245 : i32
        %convert_element_type3A_247 = arith.extui %lt3A_246 : i1 to i32
        %cond3A_248 = arith.constant 0 : i32
        %cond3A_249 = arith.cmpi ne, %convert_element_type3A_247, %cond3A_248 : i32
        scf.if %cond3A_249 {
          %add3A_250 = arith.constant 5 : i32
          %add3A_251 = arith.addi %scan3A_105, %add3A_250 : i32
          %dma_start3A_252 = arith.constant 0 : i32
          %dma_start3A_253 = tpu.memref_slice %arg6[%add3A_251, %dma_start3A_252] : memref<250x40xi32, #tpu.memory_space<vmem>> -> memref<1x40xi32, #tpu.memory_space<vmem>>
          %dma_start3A_254 = tpu.memref_squeeze %dma_start3A_253 : memref<1x40xi32, #tpu.memory_space<vmem>> -> memref<40xi32, #tpu.memory_space<vmem>>
          %dma_start3A_255 = arith.constant 0 : i32
          %dma_start3A_256 = arith.constant 0 : i32
          %dma_start3A_257 = tpu.memref_slice %arg2[%dma_start3A_255, %dma_start3A_256] : memref<10000x64xf32, #tpu.memory_space<hbm>> -> memref<10000x64xf32, #tpu.memory_space<hbm>>
          tpu.enqueue_indirect_dma source(%dma_start3A_257 : memref<10000x64xf32, #tpu.memory_space<hbm>>) target(%arg9 : memref<40x64xf32, #tpu.memory_space<vmem>>) offsets(%dma_start3A_254 : memref<40xi32, #tpu.memory_space<vmem>>) semaphore(%arg16 : memref<!tpu.dma_semaphore, #tpu.memory_space<semaphore_mem>>)
        } else {
        }
      } else {
      }
      %jit3A_164 = arith.constant 6 : i32
      %eq3A_165 = arith.constant 0 : i32
      %eq3A_166 = arith.cmpi eq, %jit3A_164, %eq3A_165 : i32
      %jit3A_167 = arith.constant 1 : i32
      %select_n3A_168 = arith.select %eq3A_166, %jit3A_167, %jit3A_164 : i32
      %rem3A_169 = arith.remsi %scan3A_105, %select_n3A_168 : i32
      %ne3A_170 = arith.constant 0 : i32
      %ne3A_171 = arith.cmpi ne, %rem3A_169, %ne3A_170 : i32
      %lt3A_172 = arith.constant 0 : i32
      %lt3A_173 = arith.cmpi slt, %rem3A_169, %lt3A_172 : i32
      %lt3A_174 = arith.constant 0 : i32
      %lt3A_175 = arith.cmpi slt, %select_n3A_168, %lt3A_174 : i32
      %ne3A_176 = arith.xori %lt3A_173, %lt3A_175 : i1
      %and3A_177 = arith.andi %ne3A_176, %ne3A_171 : i1
      %add3A_178 = arith.addi %rem3A_169, %select_n3A_168 : i32
      %select_n3A_179 = arith.select %and3A_177, %add3A_178, %rem3A_169 : i32
      %eq3A_180 = arith.constant 3 : i32
      %eq3A_181 = arith.cmpi eq, %select_n3A_179, %eq3A_180 : i32
      %convert_element_type3A_182 = arith.extui %eq3A_181 : i1 to i32
      %cond3A_183 = arith.constant 0 : i32
      %cond3A_184 = arith.cmpi ne, %convert_element_type3A_182, %cond3A_183 : i32
      scf.if %cond3A_184 {
        %dma_wait3A_227 = arith.constant 0 : i32
        %dma_wait3A_228 = tpu.memref_slice %arg6[%scan3A_105, %dma_wait3A_227] : memref<250x40xi32, #tpu.memory_space<vmem>> -> memref<1x40xi32, #tpu.memory_space<vmem>>
        %dma_wait3A_229 = tpu.memref_squeeze %dma_wait3A_228 : memref<1x40xi32, #tpu.memory_space<vmem>> -> memref<40xi32, #tpu.memory_space<vmem>>
        %dma_wait3A_230 = arith.constant 0 : i32
        %dma_wait3A_231 = arith.constant 0 : i32
        %dma_wait3A_232 = tpu.memref_slice %arg2[%dma_wait3A_230, %dma_wait3A_231] : memref<10000x64xf32, #tpu.memory_space<hbm>> -> memref<10000x64xf32, #tpu.memory_space<hbm>>
        tpu.wait_indirect_dma semaphore(%arg18 : memref<!tpu.dma_semaphore, #tpu.memory_space<semaphore_mem>>) src(%dma_wait3A_232 : memref<10000x64xf32, #tpu.memory_space<hbm>>) dst(%arg11 : memref<40x64xf32, #tpu.memory_space<vmem>>)
        %dma_start3A_233 = arith.constant 0 : i32
        %dma_start3A_234 = tpu.memref_slice %arg7[%scan3A_105, %dma_start3A_233] : memref<250x40xi32, #tpu.memory_space<vmem>> -> memref<1x40xi32, #tpu.memory_space<vmem>>
        %dma_start3A_235 = tpu.memref_squeeze %dma_start3A_234 : memref<1x40xi32, #tpu.memory_space<vmem>> -> memref<40xi32, #tpu.memory_space<vmem>>
        %dma_start3A_236 = arith.constant 0 : i32
        %dma_start3A_237 = arith.constant 0 : i32
        %dma_start3A_238 = tpu.memref_slice %arg14[%dma_start3A_236, %dma_start3A_237] : memref<10000x64xf32, #tpu.memory_space<vmem_shared>> -> memref<10000x64xf32, #tpu.memory_space<vmem_shared>>
        tpu.enqueue_indirect_dma source(%arg11 : memref<40x64xf32, #tpu.memory_space<vmem>>) target(%dma_start3A_238 : memref<10000x64xf32, #tpu.memory_space<vmem_shared>>) offsets(%dma_start3A_235 : memref<40xi32, #tpu.memory_space<vmem>>) semaphore(%arg24 : memref<!tpu.dma_semaphore, #tpu.memory_space<semaphore_mem>>) {add = true}
        %ge3A = arith.constant 1 : i32
        %ge3A_239 = arith.cmpi sge, %scan3A_105, %ge3A : i32
        %convert_element_type3A_240 = arith.extui %ge3A_239 : i1 to i32
        %cond3A_241 = arith.constant 0 : i32
        %cond3A_242 = arith.cmpi ne, %convert_element_type3A_240, %cond3A_241 : i32
        scf.if %cond3A_242 {
          %sub3A = arith.constant 1 : i32
          %sub3A_250 = arith.subi %scan3A_105, %sub3A : i32
          %dma_wait3A_251 = arith.constant 0 : i32
          %dma_wait3A_252 = tpu.memref_slice %arg7[%sub3A_250, %dma_wait3A_251] : memref<250x40xi32, #tpu.memory_space<vmem>> -> memref<1x40xi32, #tpu.memory_space<vmem>>
          %dma_wait3A_253 = tpu.memref_squeeze %dma_wait3A_252 : memref<1x40xi32, #tpu.memory_space<vmem>> -> memref<40xi32, #tpu.memory_space<vmem>>
          %dma_wait3A_254 = arith.constant 0 : i32
          %dma_wait3A_255 = arith.constant 0 : i32
          %dma_wait3A_256 = tpu.memref_slice %arg14[%dma_wait3A_254, %dma_wait3A_255] : memref<10000x64xf32, #tpu.memory_space<vmem_shared>> -> memref<10000x64xf32, #tpu.memory_space<vmem_shared>>
          tpu.wait_indirect_dma semaphore(%arg23 : memref<!tpu.dma_semaphore, #tpu.memory_space<semaphore_mem>>) src(%arg10 : memref<40x64xf32, #tpu.memory_space<vmem>>) dst(%dma_wait3A_256 : memref<10000x64xf32, #tpu.memory_space<vmem_shared>>)
        } else {
        }
        %add3A_243 = arith.constant 5 : i32
        %add3A_244 = arith.addi %scan3A_105, %add3A_243 : i32
        %lt3A_245 = arith.constant 250 : i32
        %lt3A_246 = arith.cmpi slt, %add3A_244, %lt3A_245 : i32
        %convert_element_type3A_247 = arith.extui %lt3A_246 : i1 to i32
        %cond3A_248 = arith.constant 0 : i32
        %cond3A_249 = arith.cmpi ne, %convert_element_type3A_247, %cond3A_248 : i32
        scf.if %cond3A_249 {
          %add3A_250 = arith.constant 5 : i32
          %add3A_251 = arith.addi %scan3A_105, %add3A_250 : i32
          %dma_start3A_252 = arith.constant 0 : i32
          %dma_start3A_253 = tpu.memref_slice %arg6[%add3A_251, %dma_start3A_252] : memref<250x40xi32, #tpu.memory_space<vmem>> -> memref<1x40xi32, #tpu.memory_space<vmem>>
          %dma_start3A_254 = tpu.memref_squeeze %dma_start3A_253 : memref<1x40xi32, #tpu.memory_space<vmem>> -> memref<40xi32, #tpu.memory_space<vmem>>
          %dma_start3A_255 = arith.constant 0 : i32
          %dma_start3A_256 = arith.constant 0 : i32
          %dma_start3A_257 = tpu.memref_slice %arg2[%dma_start3A_255, %dma_start3A_256] : memref<10000x64xf32, #tpu.memory_space<hbm>> -> memref<10000x64xf32, #tpu.memory_space<hbm>>
          tpu.enqueue_indirect_dma source(%dma_start3A_257 : memref<10000x64xf32, #tpu.memory_space<hbm>>) target(%arg10 : memref<40x64xf32, #tpu.memory_space<vmem>>) offsets(%dma_start3A_254 : memref<40xi32, #tpu.memory_space<vmem>>) semaphore(%arg17 : memref<!tpu.dma_semaphore, #tpu.memory_space<semaphore_mem>>)
        } else {
        }
      } else {
      }
      %jit3A_185 = arith.constant 6 : i32
      %eq3A_186 = arith.constant 0 : i32
      %eq3A_187 = arith.cmpi eq, %jit3A_185, %eq3A_186 : i32
      %jit3A_188 = arith.constant 1 : i32
      %select_n3A_189 = arith.select %eq3A_187, %jit3A_188, %jit3A_185 : i32
      %rem3A_190 = arith.remsi %scan3A_105, %select_n3A_189 : i32
      %ne3A_191 = arith.constant 0 : i32
      %ne3A_192 = arith.cmpi ne, %rem3A_190, %ne3A_191 : i32
      %lt3A_193 = arith.constant 0 : i32
      %lt3A_194 = arith.cmpi slt, %rem3A_190, %lt3A_193 : i32
      %lt3A_195 = arith.constant 0 : i32
      %lt3A_196 = arith.cmpi slt, %select_n3A_189, %lt3A_195 : i32
      %ne3A_197 = arith.xori %lt3A_194, %lt3A_196 : i1
      %and3A_198 = arith.andi %ne3A_197, %ne3A_192 : i1
      %add3A_199 = arith.addi %rem3A_190, %select_n3A_189 : i32
      %select_n3A_200 = arith.select %and3A_198, %add3A_199, %rem3A_190 : i32
      %eq3A_201 = arith.constant 4 : i32
      %eq3A_202 = arith.cmpi eq, %select_n3A_200, %eq3A_201 : i32
      %convert_element_type3A_203 = arith.extui %eq3A_202 : i1 to i32
      %cond3A_204 = arith.constant 0 : i32
      %cond3A_205 = arith.cmpi ne, %convert_element_type3A_203, %cond3A_204 : i32
      scf.if %cond3A_205 {
        %dma_wait3A_227 = arith.constant 0 : i32
        %dma_wait3A_228 = tpu.memref_slice %arg6[%scan3A_105, %dma_wait3A_227] : memref<250x40xi32, #tpu.memory_space<vmem>> -> memref<1x40xi32, #tpu.memory_space<vmem>>
        %dma_wait3A_229 = tpu.memref_squeeze %dma_wait3A_228 : memref<1x40xi32, #tpu.memory_space<vmem>> -> memref<40xi32, #tpu.memory_space<vmem>>
        %dma_wait3A_230 = arith.constant 0 : i32
        %dma_wait3A_231 = arith.constant 0 : i32
        %dma_wait3A_232 = tpu.memref_slice %arg2[%dma_wait3A_230, %dma_wait3A_231] : memref<10000x64xf32, #tpu.memory_space<hbm>> -> memref<10000x64xf32, #tpu.memory_space<hbm>>
        tpu.wait_indirect_dma semaphore(%arg19 : memref<!tpu.dma_semaphore, #tpu.memory_space<semaphore_mem>>) src(%dma_wait3A_232 : memref<10000x64xf32, #tpu.memory_space<hbm>>) dst(%arg12 : memref<40x64xf32, #tpu.memory_space<vmem>>)
        %dma_start3A_233 = arith.constant 0 : i32
        %dma_start3A_234 = tpu.memref_slice %arg7[%scan3A_105, %dma_start3A_233] : memref<250x40xi32, #tpu.memory_space<vmem>> -> memref<1x40xi32, #tpu.memory_space<vmem>>
        %dma_start3A_235 = tpu.memref_squeeze %dma_start3A_234 : memref<1x40xi32, #tpu.memory_space<vmem>> -> memref<40xi32, #tpu.memory_space<vmem>>
        %dma_start3A_236 = arith.constant 0 : i32
        %dma_start3A_237 = arith.constant 0 : i32
        %dma_start3A_238 = tpu.memref_slice %arg14[%dma_start3A_236, %dma_start3A_237] : memref<10000x64xf32, #tpu.memory_space<vmem_shared>> -> memref<10000x64xf32, #tpu.memory_space<vmem_shared>>
        tpu.enqueue_indirect_dma source(%arg12 : memref<40x64xf32, #tpu.memory_space<vmem>>) target(%dma_start3A_238 : memref<10000x64xf32, #tpu.memory_space<vmem_shared>>) offsets(%dma_start3A_235 : memref<40xi32, #tpu.memory_space<vmem>>) semaphore(%arg25 : memref<!tpu.dma_semaphore, #tpu.memory_space<semaphore_mem>>) {add = true}
        %ge3A = arith.constant 1 : i32
        %ge3A_239 = arith.cmpi sge, %scan3A_105, %ge3A : i32
        %convert_element_type3A_240 = arith.extui %ge3A_239 : i1 to i32
        %cond3A_241 = arith.constant 0 : i32
        %cond3A_242 = arith.cmpi ne, %convert_element_type3A_240, %cond3A_241 : i32
        scf.if %cond3A_242 {
          %sub3A = arith.constant 1 : i32
          %sub3A_250 = arith.subi %scan3A_105, %sub3A : i32
          %dma_wait3A_251 = arith.constant 0 : i32
          %dma_wait3A_252 = tpu.memref_slice %arg7[%sub3A_250, %dma_wait3A_251] : memref<250x40xi32, #tpu.memory_space<vmem>> -> memref<1x40xi32, #tpu.memory_space<vmem>>
          %dma_wait3A_253 = tpu.memref_squeeze %dma_wait3A_252 : memref<1x40xi32, #tpu.memory_space<vmem>> -> memref<40xi32, #tpu.memory_space<vmem>>
          %dma_wait3A_254 = arith.constant 0 : i32
          %dma_wait3A_255 = arith.constant 0 : i32
          %dma_wait3A_256 = tpu.memref_slice %arg14[%dma_wait3A_254, %dma_wait3A_255] : memref<10000x64xf32, #tpu.memory_space<vmem_shared>> -> memref<10000x64xf32, #tpu.memory_space<vmem_shared>>
          tpu.wait_indirect_dma semaphore(%arg24 : memref<!tpu.dma_semaphore, #tpu.memory_space<semaphore_mem>>) src(%arg11 : memref<40x64xf32, #tpu.memory_space<vmem>>) dst(%dma_wait3A_256 : memref<10000x64xf32, #tpu.memory_space<vmem_shared>>)
        } else {
        }
        %add3A_243 = arith.constant 5 : i32
        %add3A_244 = arith.addi %scan3A_105, %add3A_243 : i32
        %lt3A_245 = arith.constant 250 : i32
        %lt3A_246 = arith.cmpi slt, %add3A_244, %lt3A_245 : i32
        %convert_element_type3A_247 = arith.extui %lt3A_246 : i1 to i32
        %cond3A_248 = arith.constant 0 : i32
        %cond3A_249 = arith.cmpi ne, %convert_element_type3A_247, %cond3A_248 : i32
        scf.if %cond3A_249 {
          %add3A_250 = arith.constant 5 : i32
          %add3A_251 = arith.addi %scan3A_105, %add3A_250 : i32
          %dma_start3A_252 = arith.constant 0 : i32
          %dma_start3A_253 = tpu.memref_slice %arg6[%add3A_251, %dma_start3A_252] : memref<250x40xi32, #tpu.memory_space<vmem>> -> memref<1x40xi32, #tpu.memory_space<vmem>>
          %dma_start3A_254 = tpu.memref_squeeze %dma_start3A_253 : memref<1x40xi32, #tpu.memory_space<vmem>> -> memref<40xi32, #tpu.memory_space<vmem>>
          %dma_start3A_255 = arith.constant 0 : i32
          %dma_start3A_256 = arith.constant 0 : i32
          %dma_start3A_257 = tpu.memref_slice %arg2[%dma_start3A_255, %dma_start3A_256] : memref<10000x64xf32, #tpu.memory_space<hbm>> -> memref<10000x64xf32, #tpu.memory_space<hbm>>
          tpu.enqueue_indirect_dma source(%dma_start3A_257 : memref<10000x64xf32, #tpu.memory_space<hbm>>) target(%arg11 : memref<40x64xf32, #tpu.memory_space<vmem>>) offsets(%dma_start3A_254 : memref<40xi32, #tpu.memory_space<vmem>>) semaphore(%arg18 : memref<!tpu.dma_semaphore, #tpu.memory_space<semaphore_mem>>)
        } else {
        }
      } else {
      }
      %jit3A_206 = arith.constant 6 : i32
      %eq3A_207 = arith.constant 0 : i32
      %eq3A_208 = arith.cmpi eq, %jit3A_206, %eq3A_207 : i32
      %jit3A_209 = arith.constant 1 : i32
      %select_n3A_210 = arith.select %eq3A_208, %jit3A_209, %jit3A_206 : i32
      %rem3A_211 = arith.remsi %scan3A_105, %select_n3A_210 : i32
      %ne3A_212 = arith.constant 0 : i32
      %ne3A_213 = arith.cmpi ne, %rem3A_211, %ne3A_212 : i32
      %lt3A_214 = arith.constant 0 : i32
      %lt3A_215 = arith.cmpi slt, %rem3A_211, %lt3A_214 : i32
      %lt3A_216 = arith.constant 0 : i32
      %lt3A_217 = arith.cmpi slt, %select_n3A_210, %lt3A_216 : i32
      %ne3A_218 = arith.xori %lt3A_215, %lt3A_217 : i1
      %and3A_219 = arith.andi %ne3A_218, %ne3A_213 : i1
      %add3A_220 = arith.addi %rem3A_211, %select_n3A_210 : i32
      %select_n3A_221 = arith.select %and3A_219, %add3A_220, %rem3A_211 : i32
      %eq3A_222 = arith.constant 5 : i32
      %eq3A_223 = arith.cmpi eq, %select_n3A_221, %eq3A_222 : i32
      %convert_element_type3A_224 = arith.extui %eq3A_223 : i1 to i32
      %cond3A_225 = arith.constant 0 : i32
      %cond3A_226 = arith.cmpi ne, %convert_element_type3A_224, %cond3A_225 : i32
      scf.if %cond3A_226 {
        %dma_wait3A_227 = arith.constant 0 : i32
        %dma_wait3A_228 = tpu.memref_slice %arg6[%scan3A_105, %dma_wait3A_227] : memref<250x40xi32, #tpu.memory_space<vmem>> -> memref<1x40xi32, #tpu.memory_space<vmem>>
        %dma_wait3A_229 = tpu.memref_squeeze %dma_wait3A_228 : memref<1x40xi32, #tpu.memory_space<vmem>> -> memref<40xi32, #tpu.memory_space<vmem>>
        %dma_wait3A_230 = arith.constant 0 : i32
        %dma_wait3A_231 = arith.constant 0 : i32
        %dma_wait3A_232 = tpu.memref_slice %arg2[%dma_wait3A_230, %dma_wait3A_231] : memref<10000x64xf32, #tpu.memory_space<hbm>> -> memref<10000x64xf32, #tpu.memory_space<hbm>>
        tpu.wait_indirect_dma semaphore(%arg20 : memref<!tpu.dma_semaphore, #tpu.memory_space<semaphore_mem>>) src(%dma_wait3A_232 : memref<10000x64xf32, #tpu.memory_space<hbm>>) dst(%arg13 : memref<40x64xf32, #tpu.memory_space<vmem>>)
        %dma_start3A_233 = arith.constant 0 : i32
        %dma_start3A_234 = tpu.memref_slice %arg7[%scan3A_105, %dma_start3A_233] : memref<250x40xi32, #tpu.memory_space<vmem>> -> memref<1x40xi32, #tpu.memory_space<vmem>>
        %dma_start3A_235 = tpu.memref_squeeze %dma_start3A_234 : memref<1x40xi32, #tpu.memory_space<vmem>> -> memref<40xi32, #tpu.memory_space<vmem>>
        %dma_start3A_236 = arith.constant 0 : i32
        %dma_start3A_237 = arith.constant 0 : i32
        %dma_start3A_238 = tpu.memref_slice %arg14[%dma_start3A_236, %dma_start3A_237] : memref<10000x64xf32, #tpu.memory_space<vmem_shared>> -> memref<10000x64xf32, #tpu.memory_space<vmem_shared>>
        tpu.enqueue_indirect_dma source(%arg13 : memref<40x64xf32, #tpu.memory_space<vmem>>) target(%dma_start3A_238 : memref<10000x64xf32, #tpu.memory_space<vmem_shared>>) offsets(%dma_start3A_235 : memref<40xi32, #tpu.memory_space<vmem>>) semaphore(%arg26 : memref<!tpu.dma_semaphore, #tpu.memory_space<semaphore_mem>>) {add = true}
        %ge3A = arith.constant 1 : i32
        %ge3A_239 = arith.cmpi sge, %scan3A_105, %ge3A : i32
        %convert_element_type3A_240 = arith.extui %ge3A_239 : i1 to i32
        %cond3A_241 = arith.constant 0 : i32
        %cond3A_242 = arith.cmpi ne, %convert_element_type3A_240, %cond3A_241 : i32
        scf.if %cond3A_242 {
          %sub3A = arith.constant 1 : i32
          %sub3A_250 = arith.subi %scan3A_105, %sub3A : i32
          %dma_wait3A_251 = arith.constant 0 : i32
          %dma_wait3A_252 = tpu.memref_slice %arg7[%sub3A_250, %dma_wait3A_251] : memref<250x40xi32, #tpu.memory_space<vmem>> -> memref<1x40xi32, #tpu.memory_space<vmem>>
          %dma_wait3A_253 = tpu.memref_squeeze %dma_wait3A_252 : memref<1x40xi32, #tpu.memory_space<vmem>> -> memref<40xi32, #tpu.memory_space<vmem>>
          %dma_wait3A_254 = arith.constant 0 : i32
          %dma_wait3A_255 = arith.constant 0 : i32
          %dma_wait3A_256 = tpu.memref_slice %arg14[%dma_wait3A_254, %dma_wait3A_255] : memref<10000x64xf32, #tpu.memory_space<vmem_shared>> -> memref<10000x64xf32, #tpu.memory_space<vmem_shared>>
          tpu.wait_indirect_dma semaphore(%arg25 : memref<!tpu.dma_semaphore, #tpu.memory_space<semaphore_mem>>) src(%arg12 : memref<40x64xf32, #tpu.memory_space<vmem>>) dst(%dma_wait3A_256 : memref<10000x64xf32, #tpu.memory_space<vmem_shared>>)
        } else {
        }
        %add3A_243 = arith.constant 5 : i32
        %add3A_244 = arith.addi %scan3A_105, %add3A_243 : i32
        %lt3A_245 = arith.constant 250 : i32
        %lt3A_246 = arith.cmpi slt, %add3A_244, %lt3A_245 : i32
        %convert_element_type3A_247 = arith.extui %lt3A_246 : i1 to i32
        %cond3A_248 = arith.constant 0 : i32
        %cond3A_249 = arith.cmpi ne, %convert_element_type3A_247, %cond3A_248 : i32
        scf.if %cond3A_249 {
          %add3A_250 = arith.constant 5 : i32
          %add3A_251 = arith.addi %scan3A_105, %add3A_250 : i32
          %dma_start3A_252 = arith.constant 0 : i32
          %dma_start3A_253 = tpu.memref_slice %arg6[%add3A_251, %dma_start3A_252] : memref<250x40xi32, #tpu.memory_space<vmem>> -> memref<1x40xi32, #tpu.memory_space<vmem>>
          %dma_start3A_254 = tpu.memref_squeeze %dma_start3A_253 : memref<1x40xi32, #tpu.memory_space<vmem>> -> memref<40xi32, #tpu.memory_space<vmem>>
          %dma_start3A_255 = arith.constant 0 : i32
          %dma_start3A_256 = arith.constant 0 : i32
          %dma_start3A_257 = tpu.memref_slice %arg2[%dma_start3A_255, %dma_start3A_256] : memref<10000x64xf32, #tpu.memory_space<hbm>> -> memref<10000x64xf32, #tpu.memory_space<hbm>>
          tpu.enqueue_indirect_dma source(%dma_start3A_257 : memref<10000x64xf32, #tpu.memory_space<hbm>>) target(%arg12 : memref<40x64xf32, #tpu.memory_space<vmem>>) offsets(%dma_start3A_254 : memref<40xi32, #tpu.memory_space<vmem>>) semaphore(%arg19 : memref<!tpu.dma_semaphore, #tpu.memory_space<semaphore_mem>>)
        } else {
        }
      } else {
      }
    }
    %scan3A_87 = arith.constant 250 : i32
    %dma_wait3A_88 = arith.constant 249 : i32
    %dma_wait3A_89 = arith.constant 0 : i32
    %dma_wait3A_90 = tpu.memref_slice %arg7[%dma_wait3A_88, %dma_wait3A_89] : memref<250x40xi32, #tpu.memory_space<vmem>> -> memref<1x40xi32, #tpu.memory_space<vmem>>
    %dma_wait3A_91 = tpu.memref_squeeze %dma_wait3A_90 : memref<1x40xi32, #tpu.memory_space<vmem>> -> memref<40xi32, #tpu.memory_space<vmem>>
    %dma_wait3A_92 = arith.constant 0 : i32
    %dma_wait3A_93 = arith.constant 0 : i32
    %dma_wait3A_94 = tpu.memref_slice %arg14[%dma_wait3A_92, %dma_wait3A_93] : memref<10000x64xf32, #tpu.memory_space<vmem_shared>> -> memref<10000x64xf32, #tpu.memory_space<vmem_shared>>
    tpu.wait_indirect_dma semaphore(%arg24 : memref<!tpu.dma_semaphore, #tpu.memory_space<semaphore_mem>>) src(%arg11 : memref<40x64xf32, #tpu.memory_space<vmem>>) dst(%dma_wait3A_94 : memref<10000x64xf32, #tpu.memory_space<vmem_shared>>)
    %barrier3A_95 = arith.constant 0 : index
    tpu.barrier barrier_id(%barrier3A_95)
    %ne3A = arith.constant 15 : i32
    %ne3A_96 = arith.cmpi ne, %arg1, %ne3A : i32
    %convert_element_type3A_97 = arith.extui %ne3A_96 : i1 to i32
    %cond3A_98 = arith.constant 0 : i32
    %cond3A_99 = arith.cmpi ne, %convert_element_type3A_97, %cond3A_98 : i32
    scf.if %cond3A_99 {
      "tpu.region"() ({
        %run_scoped3A = tpu.sem_alloc : memref<!tpu.dma_semaphore, #tpu.memory_space<semaphore_mem>>
        %dma_start3A_105 = arith.constant 0 : i32
        %dma_start3A_106 = tpu.memref_slice %arg5[%arg0, %mul3A_23, %dma_start3A_105] : memref<2x10000x64xf32, #tpu.memory_space<hbm>> -> memref<1x624x64xf32, #tpu.memory_space<hbm>>
        %dma_start3A_107 = tpu.memref_squeeze %dma_start3A_106 : memref<1x624x64xf32, #tpu.memory_space<hbm>> -> memref<624x64xf32, #tpu.memory_space<hbm>>
        %dma_start3A_108 = arith.constant 0 : i32
        %dma_start3A_109 = tpu.memref_slice %arg14[%mul3A_23, %dma_start3A_108] : memref<10000x64xf32, #tpu.memory_space<vmem_shared>> -> memref<624x64xf32, #tpu.memory_space<vmem_shared>>
        tpu.enqueue_dma source(%dma_start3A_109 : memref<624x64xf32, #tpu.memory_space<vmem_shared>>) target(%dma_start3A_107 : memref<624x64xf32, #tpu.memory_space<hbm>>) target_semaphore(%run_scoped3A : memref<!tpu.dma_semaphore, #tpu.memory_space<semaphore_mem>>)
        %dma_wait3A_110 = arith.constant 0 : i32
        %dma_wait3A_111 = tpu.memref_slice %arg5[%arg0, %mul3A_23, %dma_wait3A_110] : memref<2x10000x64xf32, #tpu.memory_space<hbm>> -> memref<1x624x64xf32, #tpu.memory_space<hbm>>
        %dma_wait3A_112 = tpu.memref_squeeze %dma_wait3A_111 : memref<1x624x64xf32, #tpu.memory_space<hbm>> -> memref<624x64xf32, #tpu.memory_space<hbm>>
        %dma_wait3A_113 = arith.constant 0 : i32
        %dma_wait3A_114 = tpu.memref_slice %arg14[%mul3A_23, %dma_wait3A_113] : memref<10000x64xf32, #tpu.memory_space<vmem_shared>> -> memref<624x64xf32, #tpu.memory_space<vmem_shared>>
        tpu.wait_dma2 semaphore(%run_scoped3A : memref<!tpu.dma_semaphore, #tpu.memory_space<semaphore_mem>>) src(%dma_wait3A_114 : memref<624x64xf32, #tpu.memory_space<vmem_shared>>) dst(%dma_wait3A_112 : memref<624x64xf32, #tpu.memory_space<hbm>>)
        tpu.yield
      }) : () -> ()
    } else {
    }
    %eq3A_100 = arith.constant 15 : i32
    %eq3A_101 = arith.cmpi eq, %arg1, %eq3A_100 : i32
    %convert_element_type3A_102 = arith.extui %eq3A_101 : i1 to i32
    %cond3A_103 = arith.constant 0 : i32
    %cond3A_104 = arith.cmpi ne, %convert_element_type3A_102, %cond3A_103 : i32
    scf.if %cond3A_104 {
      "tpu.region"() ({
        %run_scoped3A = tpu.sem_alloc : memref<!tpu.dma_semaphore, #tpu.memory_space<semaphore_mem>>
        %dma_start3A_105 = arith.constant 0 : i32
        %dma_start3A_106 = tpu.memref_slice %arg5[%arg0, %mul3A_23, %dma_start3A_105] : memref<2x10000x64xf32, #tpu.memory_space<hbm>> -> memref<1x640x64xf32, #tpu.memory_space<hbm>>
        %dma_start3A_107 = tpu.memref_squeeze %dma_start3A_106 : memref<1x640x64xf32, #tpu.memory_space<hbm>> -> memref<640x64xf32, #tpu.memory_space<hbm>>
        %dma_start3A_108 = arith.constant 0 : i32
        %dma_start3A_109 = tpu.memref_slice %arg14[%mul3A_23, %dma_start3A_108] : memref<10000x64xf32, #tpu.memory_space<vmem_shared>> -> memref<640x64xf32, #tpu.memory_space<vmem_shared>>
        tpu.enqueue_dma source(%dma_start3A_109 : memref<640x64xf32, #tpu.memory_space<vmem_shared>>) target(%dma_start3A_107 : memref<640x64xf32, #tpu.memory_space<hbm>>) target_semaphore(%run_scoped3A : memref<!tpu.dma_semaphore, #tpu.memory_space<semaphore_mem>>)
        %dma_wait3A_110 = arith.constant 0 : i32
        %dma_wait3A_111 = tpu.memref_slice %arg5[%arg0, %mul3A_23, %dma_wait3A_110] : memref<2x10000x64xf32, #tpu.memory_space<hbm>> -> memref<1x640x64xf32, #tpu.memory_space<hbm>>
        %dma_wait3A_112 = tpu.memref_squeeze %dma_wait3A_111 : memref<1x640x64xf32, #tpu.memory_space<hbm>> -> memref<640x64xf32, #tpu.memory_space<hbm>>
        %dma_wait3A_113 = arith.constant 0 : i32
        %dma_wait3A_114 = tpu.memref_slice %arg14[%mul3A_23, %dma_wait3A_113] : memref<10000x64xf32, #tpu.memory_space<vmem_shared>> -> memref<640x64xf32, #tpu.memory_space<vmem_shared>>
        tpu.wait_dma2 semaphore(%run_scoped3A : memref<!tpu.dma_semaphore, #tpu.memory_space<semaphore_mem>>) src(%dma_wait3A_114 : memref<640x64xf32, #tpu.memory_space<vmem_shared>>) dst(%dma_wait3A_112 : memref<640x64xf32, #tpu.memory_space<hbm>>)
        tpu.yield
      }) : () -> ()
    } else {
    }
    return
  }
}

#map = affine_map<(d0, d1) -> (0, 0)>
#map1 = affine_map<(d0, d1) -> (0, 0, 0)>
module attributes {stable_mosaic.version = 14 : i64} {
  func.func @_seg(%arg0: i32, %arg1: i32, %arg2: memref<10000x128xf32, #tpu.memory_space<hbm>>, %arg3: memref<32x250x40xi32, #tpu.memory_space<hbm>>, %arg4: memref<32x250x40xi32, #tpu.memory_space<hbm>>, %arg5: memref<2x10000x128xf32, #tpu.memory_space<hbm>>, %arg6: memref<250x40xi32, #tpu.memory_space<vmem>>, %arg7: memref<250x40xi32, #tpu.memory_space<vmem>>, %arg8: memref<40x128xf32, #tpu.memory_space<vmem>>, %arg9: memref<40x128xf32, #tpu.memory_space<vmem>>, %arg10: memref<40x128xf32, #tpu.memory_space<vmem>>, %arg11: memref<40x128xf32, #tpu.memory_space<vmem>>, %arg12: memref<40x128xf32, #tpu.memory_space<vmem>>, %arg13: memref<40x128xf32, #tpu.memory_space<vmem>>, %arg14: memref<10000x128xf32, #tpu.memory_space<vmem_shared>>, %arg15: memref<!tpu.dma_semaphore, #tpu.memory_space<semaphore_mem>>, %arg16: memref<!tpu.dma_semaphore, #tpu.memory_space<semaphore_mem>>, %arg17: memref<!tpu.dma_semaphore, #tpu.memory_space<semaphore_mem>>, %arg18: memref<!tpu.dma_semaphore, #tpu.memory_space<semaphore_mem>>, %arg19: memref<!tpu.dma_semaphore, #tpu.memory_space<semaphore_mem>>, %arg20: memref<!tpu.dma_semaphore, #tpu.memory_space<semaphore_mem>>, %arg21: memref<!tpu.dma_semaphore, #tpu.memory_space<semaphore_mem>>, %arg22: memref<!tpu.dma_semaphore, #tpu.memory_space<semaphore_mem>>, %arg23: memref<!tpu.dma_semaphore, #tpu.memory_space<semaphore_mem>>, %arg24: memref<!tpu.dma_semaphore, #tpu.memory_space<semaphore_mem>>, %arg25: memref<!tpu.dma_semaphore, #tpu.memory_space<semaphore_mem>>, %arg26: memref<!tpu.dma_semaphore, #tpu.memory_space<semaphore_mem>>, %arg27: memref<!tpu.dma_semaphore, #tpu.memory_space<semaphore_mem>>, %arg28: memref<!tpu.dma_semaphore, #tpu.memory_space<semaphore_mem>>) attributes {dimension_semantics = [#tpu.dimension_semantics<core_parallel>, #tpu.dimension_semantics<subcore_parallel>], iteration_bounds = array<i64: 2, 16>, scalar_prefetch = 0 : i64, scratch_operands = 23 : i64, tpu.core_type = #tpu.core_type<sc_vector_subcore>, window_params = [{transform_indices = #map}, {transform_indices = #map1}, {transform_indices = #map1}, {transform_indices = #map1}]} {
    %mul3A = arith.constant 2 : i32
    %mul3A_0 = arith.muli %arg1, %mul3A : i32
    %add3A = arith.addi %mul3A_0, %arg0 : i32
    %dma_start3A = arith.constant 0 : i32
    %dma_start3A_1 = arith.constant 0 : i32
    %dma_start3A_2 = tpu.memref_slice %arg3[%add3A, %dma_start3A, %dma_start3A_1] : memref<32x250x40xi32, #tpu.memory_space<hbm>> -> memref<1x250x40xi32, #tpu.memory_space<hbm>>
    %dma_start3A_3 = tpu.memref_squeeze %dma_start3A_2 : memref<1x250x40xi32, #tpu.memory_space<hbm>> -> memref<250x40xi32, #tpu.memory_space<hbm>>
    %dma_start3A_4 = arith.constant 0 : i32
    %dma_start3A_5 = arith.constant 0 : i32
    %dma_start3A_6 = tpu.memref_slice %arg3[%add3A, %dma_start3A_4, %dma_start3A_5] : memref<32x250x40xi32, #tpu.memory_space<hbm>> -> memref<1x250x40xi32, #tpu.memory_space<hbm>>
    %dma_start3A_7 = tpu.memref_squeeze %dma_start3A_6 : memref<1x250x40xi32, #tpu.memory_space<hbm>> -> memref<250x40xi32, #tpu.memory_space<hbm>>
    tpu.enqueue_dma source(%dma_start3A_7 : memref<250x40xi32, #tpu.memory_space<hbm>>) target(%arg6 : memref<250x40xi32, #tpu.memory_space<vmem>>) target_semaphore(%arg27 : memref<!tpu.dma_semaphore, #tpu.memory_space<semaphore_mem>>)
    %dma_start3A_8 = arith.constant 0 : i32
    %dma_start3A_9 = arith.constant 0 : i32
    %dma_start3A_10 = tpu.memref_slice %arg4[%add3A, %dma_start3A_8, %dma_start3A_9] : memref<32x250x40xi32, #tpu.memory_space<hbm>> -> memref<1x250x40xi32, #tpu.memory_space<hbm>>
    %dma_start3A_11 = tpu.memref_squeeze %dma_start3A_10 : memref<1x250x40xi32, #tpu.memory_space<hbm>> -> memref<250x40xi32, #tpu.memory_space<hbm>>
    %dma_start3A_12 = arith.constant 0 : i32
    %dma_start3A_13 = arith.constant 0 : i32
    %dma_start3A_14 = tpu.memref_slice %arg4[%add3A, %dma_start3A_12, %dma_start3A_13] : memref<32x250x40xi32, #tpu.memory_space<hbm>> -> memref<1x250x40xi32, #tpu.memory_space<hbm>>
    %dma_start3A_15 = tpu.memref_squeeze %dma_start3A_14 : memref<1x250x40xi32, #tpu.memory_space<hbm>> -> memref<250x40xi32, #tpu.memory_space<hbm>>
    tpu.enqueue_dma source(%dma_start3A_15 : memref<250x40xi32, #tpu.memory_space<hbm>>) target(%arg7 : memref<250x40xi32, #tpu.memory_space<vmem>>) target_semaphore(%arg28 : memref<!tpu.dma_semaphore, #tpu.memory_space<semaphore_mem>>)
    %broadcast_in_dim3A = arith.constant 0.000000e+00 : f32
    %broadcast_in_dim3A_16 = vector.broadcast %broadcast_in_dim3A : f32 to vector<16xf32>
    %scan3A = arith.constant 0 : i32
    %scan3A_17 = arith.constant 0 : i32
    %scan3A_18 = arith.constant 320 : i32
    %scan3A_19 = arith.addi %scan3A_17, %scan3A_18 : i32
    %scan3A_20 = arith.constant 1 : i32
    scf.for %scan3A_105 = %scan3A_17 to %scan3A_19 step %scan3A_20  : i32 {
      %jit3A = arith.constant 8 : i32
      %div3A = arith.divsi %scan3A_105, %jit3A : i32
      %sign3A = arith.constant 0 : i32
      %sign3A_106 = arith.cmpi sgt, %scan3A_105, %sign3A : i32
      %sign3A_107 = arith.extui %sign3A_106 : i1 to i32
      %sign3A_108 = arith.constant 0 : i32
      %sign3A_109 = arith.cmpi slt, %scan3A_105, %sign3A_108 : i32
      %sign3A_110 = arith.extui %sign3A_109 : i1 to i32
      %sign3A_111 = arith.subi %sign3A_107, %sign3A_110 : i32
      %sign3A_112 = arith.constant 0 : i32
      %sign3A_113 = arith.cmpi sgt, %jit3A, %sign3A_112 : i32
      %sign3A_114 = arith.extui %sign3A_113 : i1 to i32
      %sign3A_115 = arith.constant 0 : i32
      %sign3A_116 = arith.cmpi slt, %jit3A, %sign3A_115 : i32
      %sign3A_117 = arith.extui %sign3A_116 : i1 to i32
      %sign3A_118 = arith.subi %sign3A_114, %sign3A_117 : i32
      %ne3A_119 = arith.cmpi ne, %sign3A_111, %sign3A_118 : i32
      %rem3A = arith.remsi %scan3A_105, %jit3A : i32
      %ne3A_120 = arith.constant 0 : i32
      %ne3A_121 = arith.cmpi ne, %rem3A, %ne3A_120 : i32
      %and3A = arith.andi %ne3A_119, %ne3A_121 : i1
      %sub3A = arith.constant 1 : i32
      %sub3A_122 = arith.subi %div3A, %sub3A : i32
      %select_n3A = arith.select %and3A, %sub3A_122, %div3A : i32
      %jit3A_123 = arith.constant 8 : i32
      %eq3A_124 = arith.constant 0 : i32
      %eq3A_125 = arith.cmpi eq, %jit3A_123, %eq3A_124 : i32
      %jit3A_126 = arith.constant 1 : i32
      %select_n3A_127 = arith.select %eq3A_125, %jit3A_126, %jit3A_123 : i32
      %rem3A_128 = arith.remsi %scan3A_105, %select_n3A_127 : i32
      %ne3A_129 = arith.constant 0 : i32
      %ne3A_130 = arith.cmpi ne, %rem3A_128, %ne3A_129 : i32
      %lt3A = arith.constant 0 : i32
      %lt3A_131 = arith.cmpi slt, %rem3A_128, %lt3A : i32
      %lt3A_132 = arith.constant 0 : i32
      %lt3A_133 = arith.cmpi slt, %select_n3A_127, %lt3A_132 : i32
      %ne3A_134 = arith.xori %lt3A_131, %lt3A_133 : i1
      %and3A_135 = arith.andi %ne3A_134, %ne3A_130 : i1
      %add3A_136 = arith.addi %rem3A_128, %select_n3A_127 : i32
      %select_n3A_137 = arith.select %and3A_135, %add3A_136, %rem3A_128 : i32
      %mul3A_138 = arith.constant 16 : i32
      %mul3A_139 = arith.muli %select_n3A_137, %mul3A_138 : i32
      %swap3A = arith.index_cast %select_n3A : i32 to index
      %swap3A_140 = arith.index_cast %mul3A_139 : i32 to index
      %swap3A_141 = tpu.vector_load %arg13[%swap3A, %swap3A_140] {strides = array<i32>} : memref<40x128xf32, #tpu.memory_space<vmem>>, vector<16xf32>,
      tpu.vector_store %arg13[%swap3A, %swap3A_140], %broadcast_in_dim3A_16 {strides = array<i32>} : memref<40x128xf32, #tpu.memory_space<vmem>>, vector<16xf32>,
    }
    %scan3A_21 = arith.constant 320 : i32
    %mul3A_22 = arith.constant 624 : i32
    %mul3A_23 = arith.muli %arg1, %mul3A_22 : i32
    %scan3A_24 = arith.constant 0 : i32
    %scan3A_25 = arith.constant 0 : i32
    %scan3A_26 = arith.constant 39 : i32
    %scan3A_27 = arith.addi %scan3A_25, %scan3A_26 : i32
    %scan3A_28 = arith.constant 1 : i32
    scf.for %scan3A_105 = %scan3A_25 to %scan3A_27 step %scan3A_28  : i32 {
      %mul3A_106 = arith.constant 16 : i32
      %mul3A_107 = arith.muli %scan3A_105, %mul3A_106 : i32
      %add3A_108 = arith.addi %mul3A_23, %mul3A_107 : i32
      "tpu.region"() ({
        %run_scoped3A = tpu.sem_alloc : memref<!tpu.dma_semaphore, #tpu.memory_space<semaphore_mem>>
        %dma_start3A_109 = arith.constant 0 : i32
        %dma_start3A_110 = arith.constant 0 : i32
        %dma_start3A_111 = tpu.memref_slice %arg13[%dma_start3A_109, %dma_start3A_110] : memref<40x128xf32, #tpu.memory_space<vmem>> -> memref<16x128xf32, #tpu.memory_space<vmem>>
        %dma_start3A_112 = arith.constant 0 : i32
        %dma_start3A_113 = tpu.memref_slice %arg14[%add3A_108, %dma_start3A_112] : memref<10000x128xf32, #tpu.memory_space<vmem_shared>> -> memref<16x128xf32, #tpu.memory_space<vmem_shared>>
        %dma_start3A_114 = arith.constant 0 : i32
        %dma_start3A_115 = tpu.memref_slice %arg14[%add3A_108, %dma_start3A_114] : memref<10000x128xf32, #tpu.memory_space<vmem_shared>> -> memref<16x128xf32, #tpu.memory_space<vmem_shared>>
        %dma_start3A_116 = arith.constant 0 : i32
        %dma_start3A_117 = arith.constant 0 : i32
        %dma_start3A_118 = tpu.memref_slice %arg13[%dma_start3A_116, %dma_start3A_117] : memref<40x128xf32, #tpu.memory_space<vmem>> -> memref<16x128xf32, #tpu.memory_space<vmem>>
        tpu.enqueue_dma source(%dma_start3A_118 : memref<16x128xf32, #tpu.memory_space<vmem>>) target(%dma_start3A_115 : memref<16x128xf32, #tpu.memory_space<vmem_shared>>) target_semaphore(%run_scoped3A : memref<!tpu.dma_semaphore, #tpu.memory_space<semaphore_mem>>)
        %dma_wait3A_119 = arith.constant 0 : i32
        %dma_wait3A_120 = arith.constant 0 : i32
        %dma_wait3A_121 = tpu.memref_slice %arg13[%dma_wait3A_119, %dma_wait3A_120] : memref<40x128xf32, #tpu.memory_space<vmem>> -> memref<16x128xf32, #tpu.memory_space<vmem>>
        %dma_wait3A_122 = arith.constant 0 : i32
        %dma_wait3A_123 = tpu.memref_slice %arg14[%add3A_108, %dma_wait3A_122] : memref<10000x128xf32, #tpu.memory_space<vmem_shared>> -> memref<16x128xf32, #tpu.memory_space<vmem_shared>>
        %dma_wait3A_124 = arith.constant 0 : i32
        %dma_wait3A_125 = tpu.memref_slice %arg14[%add3A_108, %dma_wait3A_124] : memref<10000x128xf32, #tpu.memory_space<vmem_shared>> -> memref<16x128xf32, #tpu.memory_space<vmem_shared>>
        %dma_wait3A_126 = arith.constant 0 : i32
        %dma_wait3A_127 = arith.constant 0 : i32
        %dma_wait3A_128 = tpu.memref_slice %arg13[%dma_wait3A_126, %dma_wait3A_127] : memref<40x128xf32, #tpu.memory_space<vmem>> -> memref<16x128xf32, #tpu.memory_space<vmem>>
        tpu.wait_dma2 semaphore(%run_scoped3A : memref<!tpu.dma_semaphore, #tpu.memory_space<semaphore_mem>>) src(%dma_wait3A_128 : memref<16x128xf32, #tpu.memory_space<vmem>>) dst(%dma_wait3A_125 : memref<16x128xf32, #tpu.memory_space<vmem_shared>>)
        tpu.yield
      }) : () -> ()
    }
    %scan3A_29 = arith.constant 39 : i32
    %eq3A = arith.constant 15 : i32
    %eq3A_30 = arith.cmpi eq, %arg1, %eq3A : i32
    %convert_element_type3A = arith.extui %eq3A_30 : i1 to i32
    %cond3A = arith.constant 0 : i32
    %cond3A_31 = arith.cmpi ne, %convert_element_type3A, %cond3A : i32
    scf.if %cond3A_31 {
      %scan3A_105 = arith.constant 0 : i32
      %scan3A_106 = arith.constant 39 : i32
      %mul3A_107 = arith.constant 16 : i32
      %mul3A_108 = arith.muli %scan3A_106, %mul3A_107 : i32
      %add3A_109 = arith.addi %mul3A_23, %mul3A_108 : i32
      "tpu.region"() ({
        %run_scoped3A = tpu.sem_alloc : memref<!tpu.dma_semaphore, #tpu.memory_space<semaphore_mem>>
        %dma_start3A_111 = arith.constant 0 : i32
        %dma_start3A_112 = arith.constant 0 : i32
        %dma_start3A_113 = tpu.memref_slice %arg13[%dma_start3A_111, %dma_start3A_112] : memref<40x128xf32, #tpu.memory_space<vmem>> -> memref<16x128xf32, #tpu.memory_space<vmem>>
        %dma_start3A_114 = arith.constant 0 : i32
        %dma_start3A_115 = tpu.memref_slice %arg14[%add3A_109, %dma_start3A_114] : memref<10000x128xf32, #tpu.memory_space<vmem_shared>> -> memref<16x128xf32, #tpu.memory_space<vmem_shared>>
        %dma_start3A_116 = arith.constant 0 : i32
        %dma_start3A_117 = tpu.memref_slice %arg14[%add3A_109, %dma_start3A_116] : memref<10000x128xf32, #tpu.memory_space<vmem_shared>> -> memref<16x128xf32, #tpu.memory_space<vmem_shared>>
        %dma_start3A_118 = arith.constant 0 : i32
        %dma_start3A_119 = arith.constant 0 : i32
        %dma_start3A_120 = tpu.memref_slice %arg13[%dma_start3A_118, %dma_start3A_119] : memref<40x128xf32, #tpu.memory_space<vmem>> -> memref<16x128xf32, #tpu.memory_space<vmem>>
        tpu.enqueue_dma source(%dma_start3A_120 : memref<16x128xf32, #tpu.memory_space<vmem>>) target(%dma_start3A_117 : memref<16x128xf32, #tpu.memory_space<vmem_shared>>) target_semaphore(%run_scoped3A : memref<!tpu.dma_semaphore, #tpu.memory_space<semaphore_mem>>)
        %dma_wait3A_121 = arith.constant 0 : i32
        %dma_wait3A_122 = arith.constant 0 : i32
        %dma_wait3A_123 = tpu.memref_slice %arg13[%dma_wait3A_121, %dma_wait3A_122] : memref<40x128xf32, #tpu.memory_space<vmem>> -> memref<16x128xf32, #tpu.memory_space<vmem>>
        %dma_wait3A_124 = arith.constant 0 : i32
        %dma_wait3A_125 = tpu.memref_slice %arg14[%add3A_109, %dma_wait3A_124] : memref<10000x128xf32, #tpu.memory_space<vmem_shared>> -> memref<16x128xf32, #tpu.memory_space<vmem_shared>>
        %dma_wait3A_126 = arith.constant 0 : i32
        %dma_wait3A_127 = tpu.memref_slice %arg14[%add3A_109, %dma_wait3A_126] : memref<10000x128xf32, #tpu.memory_space<vmem_shared>> -> memref<16x128xf32, #tpu.memory_space<vmem_shared>>
        %dma_wait3A_128 = arith.constant 0 : i32
        %dma_wait3A_129 = arith.constant 0 : i32
        %dma_wait3A_130 = tpu.memref_slice %arg13[%dma_wait3A_128, %dma_wait3A_129] : memref<40x128xf32, #tpu.memory_space<vmem>> -> memref<16x128xf32, #tpu.memory_space<vmem>>
        tpu.wait_dma2 semaphore(%run_scoped3A : memref<!tpu.dma_semaphore, #tpu.memory_space<semaphore_mem>>) src(%dma_wait3A_130 : memref<16x128xf32, #tpu.memory_space<vmem>>) dst(%dma_wait3A_127 : memref<16x128xf32, #tpu.memory_space<vmem_shared>>)
        tpu.yield
      }) : () -> ()
      %scan3A_110 = arith.constant 1 : i32
    } else {
    }
    %dma_wait3A = arith.constant 0 : i32
    %dma_wait3A_32 = arith.constant 0 : i32
    %dma_wait3A_33 = tpu.memref_slice %arg3[%add3A, %dma_wait3A, %dma_wait3A_32] : memref<32x250x40xi32, #tpu.memory_space<hbm>> -> memref<1x250x40xi32, #tpu.memory_space<hbm>>
    %dma_wait3A_34 = tpu.memref_squeeze %dma_wait3A_33 : memref<1x250x40xi32, #tpu.memory_space<hbm>> -> memref<250x40xi32, #tpu.memory_space<hbm>>
    %dma_wait3A_35 = arith.constant 0 : i32
    %dma_wait3A_36 = arith.constant 0 : i32
    %dma_wait3A_37 = tpu.memref_slice %arg3[%add3A, %dma_wait3A_35, %dma_wait3A_36] : memref<32x250x40xi32, #tpu.memory_space<hbm>> -> memref<1x250x40xi32, #tpu.memory_space<hbm>>
    %dma_wait3A_38 = tpu.memref_squeeze %dma_wait3A_37 : memref<1x250x40xi32, #tpu.memory_space<hbm>> -> memref<250x40xi32, #tpu.memory_space<hbm>>
    tpu.wait_dma2 semaphore(%arg27 : memref<!tpu.dma_semaphore, #tpu.memory_space<semaphore_mem>>) src(%dma_wait3A_38 : memref<250x40xi32, #tpu.memory_space<hbm>>) dst(%arg6 : memref<250x40xi32, #tpu.memory_space<vmem>>)
    %dma_wait3A_39 = arith.constant 0 : i32
    %dma_wait3A_40 = arith.constant 0 : i32
    %dma_wait3A_41 = tpu.memref_slice %arg4[%add3A, %dma_wait3A_39, %dma_wait3A_40] : memref<32x250x40xi32, #tpu.memory_space<hbm>> -> memref<1x250x40xi32, #tpu.memory_space<hbm>>
    %dma_wait3A_42 = tpu.memref_squeeze %dma_wait3A_41 : memref<1x250x40xi32, #tpu.memory_space<hbm>> -> memref<250x40xi32, #tpu.memory_space<hbm>>
    %dma_wait3A_43 = arith.constant 0 : i32
    %dma_wait3A_44 = arith.constant 0 : i32
    %dma_wait3A_45 = tpu.memref_slice %arg4[%add3A, %dma_wait3A_43, %dma_wait3A_44] : memref<32x250x40xi32, #tpu.memory_space<hbm>> -> memref<1x250x40xi32, #tpu.memory_space<hbm>>
    %dma_wait3A_46 = tpu.memref_squeeze %dma_wait3A_45 : memref<1x250x40xi32, #tpu.memory_space<hbm>> -> memref<250x40xi32, #tpu.memory_space<hbm>>
    tpu.wait_dma2 semaphore(%arg28 : memref<!tpu.dma_semaphore, #tpu.memory_space<semaphore_mem>>) src(%dma_wait3A_46 : memref<250x40xi32, #tpu.memory_space<hbm>>) dst(%arg7 : memref<250x40xi32, #tpu.memory_space<vmem>>)
    %barrier3A = arith.constant 0 : index
    tpu.barrier barrier_id(%barrier3A)
    %dma_start3A_47 = arith.constant 0 : i32
    %dma_start3A_48 = arith.constant 0 : i32
    %dma_start3A_49 = tpu.memref_slice %arg6[%dma_start3A_47, %dma_start3A_48] : memref<250x40xi32, #tpu.memory_space<vmem>> -> memref<1x40xi32, #tpu.memory_space<vmem>>
    %dma_start3A_50 = tpu.memref_squeeze %dma_start3A_49 : memref<1x40xi32, #tpu.memory_space<vmem>> -> memref<40xi32, #tpu.memory_space<vmem>>
    %dma_start3A_51 = arith.constant 0 : i32
    %dma_start3A_52 = arith.constant 0 : i32
    %dma_start3A_53 = tpu.memref_slice %arg2[%dma_start3A_51, %dma_start3A_52] : memref<10000x128xf32, #tpu.memory_space<hbm>> -> memref<10000x128xf32, #tpu.memory_space<hbm>>
    tpu.enqueue_indirect_dma source(%dma_start3A_53 : memref<10000x128xf32, #tpu.memory_space<hbm>>) target(%arg8 : memref<40x128xf32, #tpu.memory_space<vmem>>) offsets(%dma_start3A_50 : memref<40xi32, #tpu.memory_space<vmem>>) semaphore(%arg15 : memref<!tpu.dma_semaphore, #tpu.memory_space<semaphore_mem>>)
    %dma_start3A_54 = arith.constant 1 : i32
    %dma_start3A_55 = arith.constant 0 : i32
    %dma_start3A_56 = tpu.memref_slice %arg6[%dma_start3A_54, %dma_start3A_55] : memref<250x40xi32, #tpu.memory_space<vmem>> -> memref<1x40xi32, #tpu.memory_space<vmem>>
    %dma_start3A_57 = tpu.memref_squeeze %dma_start3A_56 : memref<1x40xi32, #tpu.memory_space<vmem>> -> memref<40xi32, #tpu.memory_space<vmem>>
    %dma_start3A_58 = arith.constant 0 : i32
    %dma_start3A_59 = arith.constant 0 : i32
    %dma_start3A_60 = tpu.memref_slice %arg2[%dma_start3A_58, %dma_start3A_59] : memref<10000x128xf32, #tpu.memory_space<hbm>> -> memref<10000x128xf32, #tpu.memory_space<hbm>>
    tpu.enqueue_indirect_dma source(%dma_start3A_60 : memref<10000x128xf32, #tpu.memory_space<hbm>>) target(%arg9 : memref<40x128xf32, #tpu.memory_space<vmem>>) offsets(%dma_start3A_57 : memref<40xi32, #tpu.memory_space<vmem>>) semaphore(%arg16 : memref<!tpu.dma_semaphore, #tpu.memory_space<semaphore_mem>>)
    %dma_start3A_61 = arith.constant 2 : i32
    %dma_start3A_62 = arith.constant 0 : i32
    %dma_start3A_63 = tpu.memref_slice %arg6[%dma_start3A_61, %dma_start3A_62] : memref<250x40xi32, #tpu.memory_space<vmem>> -> memref<1x40xi32, #tpu.memory_space<vmem>>
    %dma_start3A_64 = tpu.memref_squeeze %dma_start3A_63 : memref<1x40xi32, #tpu.memory_space<vmem>> -> memref<40xi32, #tpu.memory_space<vmem>>
    %dma_start3A_65 = arith.constant 0 : i32
    %dma_start3A_66 = arith.constant 0 : i32
    %dma_start3A_67 = tpu.memref_slice %arg2[%dma_start3A_65, %dma_start3A_66] : memref<10000x128xf32, #tpu.memory_space<hbm>> -> memref<10000x128xf32, #tpu.memory_space<hbm>>
    tpu.enqueue_indirect_dma source(%dma_start3A_67 : memref<10000x128xf32, #tpu.memory_space<hbm>>) target(%arg10 : memref<40x128xf32, #tpu.memory_space<vmem>>) offsets(%dma_start3A_64 : memref<40xi32, #tpu.memory_space<vmem>>) semaphore(%arg17 : memref<!tpu.dma_semaphore, #tpu.memory_space<semaphore_mem>>)
    %dma_start3A_68 = arith.constant 3 : i32
    %dma_start3A_69 = arith.constant 0 : i32
    %dma_start3A_70 = tpu.memref_slice %arg6[%dma_start3A_68, %dma_start3A_69] : memref<250x40xi32, #tpu.memory_space<vmem>> -> memref<1x40xi32, #tpu.memory_space<vmem>>
    %dma_start3A_71 = tpu.memref_squeeze %dma_start3A_70 : memref<1x40xi32, #tpu.memory_space<vmem>> -> memref<40xi32, #tpu.memory_space<vmem>>
    %dma_start3A_72 = arith.constant 0 : i32
    %dma_start3A_73 = arith.constant 0 : i32
    %dma_start3A_74 = tpu.memref_slice %arg2[%dma_start3A_72, %dma_start3A_73] : memref<10000x128xf32, #tpu.memory_space<hbm>> -> memref<10000x128xf32, #tpu.memory_space<hbm>>
    tpu.enqueue_indirect_dma source(%dma_start3A_74 : memref<10000x128xf32, #tpu.memory_space<hbm>>) target(%arg11 : memref<40x128xf32, #tpu.memory_space<vmem>>) offsets(%dma_start3A_71 : memref<40xi32, #tpu.memory_space<vmem>>) semaphore(%arg18 : memref<!tpu.dma_semaphore, #tpu.memory_space<semaphore_mem>>)
    %dma_start3A_75 = arith.constant 4 : i32
    %dma_start3A_76 = arith.constant 0 : i32
    %dma_start3A_77 = tpu.memref_slice %arg6[%dma_start3A_75, %dma_start3A_76] : memref<250x40xi32, #tpu.memory_space<vmem>> -> memref<1x40xi32, #tpu.memory_space<vmem>>
    %dma_start3A_78 = tpu.memref_squeeze %dma_start3A_77 : memref<1x40xi32, #tpu.memory_space<vmem>> -> memref<40xi32, #tpu.memory_space<vmem>>
    %dma_start3A_79 = arith.constant 0 : i32
    %dma_start3A_80 = arith.constant 0 : i32
    %dma_start3A_81 = tpu.memref_slice %arg2[%dma_start3A_79, %dma_start3A_80] : memref<10000x128xf32, #tpu.memory_space<hbm>> -> memref<10000x128xf32, #tpu.memory_space<hbm>>
    tpu.enqueue_indirect_dma source(%dma_start3A_81 : memref<10000x128xf32, #tpu.memory_space<hbm>>) target(%arg12 : memref<40x128xf32, #tpu.memory_space<vmem>>) offsets(%dma_start3A_78 : memref<40xi32, #tpu.memory_space<vmem>>) semaphore(%arg19 : memref<!tpu.dma_semaphore, #tpu.memory_space<semaphore_mem>>)
    %scan3A_82 = arith.constant 0 : i32
    %scan3A_83 = arith.constant 0 : i32
    %scan3A_84 = arith.constant 250 : i32
    %scan3A_85 = arith.addi %scan3A_83, %scan3A_84 : i32
    %scan3A_86 = arith.constant 1 : i32
    scf.for %scan3A_105 = %scan3A_83 to %scan3A_85 step %scan3A_86  : i32 {
      %jit3A = arith.constant 6 : i32
      %eq3A_106 = arith.constant 0 : i32
      %eq3A_107 = arith.cmpi eq, %jit3A, %eq3A_106 : i32
      %jit3A_108 = arith.constant 1 : i32
      %select_n3A = arith.select %eq3A_107, %jit3A_108, %jit3A : i32
      %rem3A = arith.remsi %scan3A_105, %select_n3A : i32
      %ne3A_109 = arith.constant 0 : i32
      %ne3A_110 = arith.cmpi ne, %rem3A, %ne3A_109 : i32
      %lt3A = arith.constant 0 : i32
      %lt3A_111 = arith.cmpi slt, %rem3A, %lt3A : i32
      %lt3A_112 = arith.constant 0 : i32
      %lt3A_113 = arith.cmpi slt, %select_n3A, %lt3A_112 : i32
      %ne3A_114 = arith.xori %lt3A_111, %lt3A_113 : i1
      %and3A = arith.andi %ne3A_114, %ne3A_110 : i1
      %add3A_115 = arith.addi %rem3A, %select_n3A : i32
      %select_n3A_116 = arith.select %and3A, %add3A_115, %rem3A : i32
      %eq3A_117 = arith.constant 0 : i32
      %eq3A_118 = arith.cmpi eq, %select_n3A_116, %eq3A_117 : i32
      %convert_element_type3A_119 = arith.extui %eq3A_118 : i1 to i32
      %cond3A_120 = arith.constant 0 : i32
      %cond3A_121 = arith.cmpi ne, %convert_element_type3A_119, %cond3A_120 : i32
      scf.if %cond3A_121 {
        %dma_wait3A_227 = arith.constant 0 : i32
        %dma_wait3A_228 = tpu.memref_slice %arg6[%scan3A_105, %dma_wait3A_227] : memref<250x40xi32, #tpu.memory_space<vmem>> -> memref<1x40xi32, #tpu.memory_space<vmem>>
        %dma_wait3A_229 = tpu.memref_squeeze %dma_wait3A_228 : memref<1x40xi32, #tpu.memory_space<vmem>> -> memref<40xi32, #tpu.memory_space<vmem>>
        %dma_wait3A_230 = arith.constant 0 : i32
        %dma_wait3A_231 = arith.constant 0 : i32
        %dma_wait3A_232 = tpu.memref_slice %arg2[%dma_wait3A_230, %dma_wait3A_231] : memref<10000x128xf32, #tpu.memory_space<hbm>> -> memref<10000x128xf32, #tpu.memory_space<hbm>>
        tpu.wait_indirect_dma semaphore(%arg15 : memref<!tpu.dma_semaphore, #tpu.memory_space<semaphore_mem>>) src(%dma_wait3A_232 : memref<10000x128xf32, #tpu.memory_space<hbm>>) dst(%arg8 : memref<40x128xf32, #tpu.memory_space<vmem>>)
        %dma_start3A_233 = arith.constant 0 : i32
        %dma_start3A_234 = tpu.memref_slice %arg7[%scan3A_105, %dma_start3A_233] : memref<250x40xi32, #tpu.memory_space<vmem>> -> memref<1x40xi32, #tpu.memory_space<vmem>>
        %dma_start3A_235 = tpu.memref_squeeze %dma_start3A_234 : memref<1x40xi32, #tpu.memory_space<vmem>> -> memref<40xi32, #tpu.memory_space<vmem>>
        %dma_start3A_236 = arith.constant 0 : i32
        %dma_start3A_237 = arith.constant 0 : i32
        %dma_start3A_238 = tpu.memref_slice %arg14[%dma_start3A_236, %dma_start3A_237] : memref<10000x128xf32, #tpu.memory_space<vmem_shared>> -> memref<10000x128xf32, #tpu.memory_space<vmem_shared>>
        tpu.enqueue_indirect_dma source(%arg8 : memref<40x128xf32, #tpu.memory_space<vmem>>) target(%dma_start3A_238 : memref<10000x128xf32, #tpu.memory_space<vmem_shared>>) offsets(%dma_start3A_235 : memref<40xi32, #tpu.memory_space<vmem>>) semaphore(%arg21 : memref<!tpu.dma_semaphore, #tpu.memory_space<semaphore_mem>>) {add = true}
        %ge3A = arith.constant 1 : i32
        %ge3A_239 = arith.cmpi sge, %scan3A_105, %ge3A : i32
        %convert_element_type3A_240 = arith.extui %ge3A_239 : i1 to i32
        %cond3A_241 = arith.constant 0 : i32
        %cond3A_242 = arith.cmpi ne, %convert_element_type3A_240, %cond3A_241 : i32
        scf.if %cond3A_242 {
          %sub3A = arith.constant 1 : i32
          %sub3A_250 = arith.subi %scan3A_105, %sub3A : i32
          %dma_wait3A_251 = arith.constant 0 : i32
          %dma_wait3A_252 = tpu.memref_slice %arg7[%sub3A_250, %dma_wait3A_251] : memref<250x40xi32, #tpu.memory_space<vmem>> -> memref<1x40xi32, #tpu.memory_space<vmem>>
          %dma_wait3A_253 = tpu.memref_squeeze %dma_wait3A_252 : memref<1x40xi32, #tpu.memory_space<vmem>> -> memref<40xi32, #tpu.memory_space<vmem>>
          %dma_wait3A_254 = arith.constant 0 : i32
          %dma_wait3A_255 = arith.constant 0 : i32
          %dma_wait3A_256 = tpu.memref_slice %arg14[%dma_wait3A_254, %dma_wait3A_255] : memref<10000x128xf32, #tpu.memory_space<vmem_shared>> -> memref<10000x128xf32, #tpu.memory_space<vmem_shared>>
          tpu.wait_indirect_dma semaphore(%arg26 : memref<!tpu.dma_semaphore, #tpu.memory_space<semaphore_mem>>) src(%arg13 : memref<40x128xf32, #tpu.memory_space<vmem>>) dst(%dma_wait3A_256 : memref<10000x128xf32, #tpu.memory_space<vmem_shared>>)
        } else {
        }
        %add3A_243 = arith.constant 5 : i32
        %add3A_244 = arith.addi %scan3A_105, %add3A_243 : i32
        %lt3A_245 = arith.constant 250 : i32
        %lt3A_246 = arith.cmpi slt, %add3A_244, %lt3A_245 : i32
        %convert_element_type3A_247 = arith.extui %lt3A_246 : i1 to i32
        %cond3A_248 = arith.constant 0 : i32
        %cond3A_249 = arith.cmpi ne, %convert_element_type3A_247, %cond3A_248 : i32
        scf.if %cond3A_249 {
          %add3A_250 = arith.constant 5 : i32
          %add3A_251 = arith.addi %scan3A_105, %add3A_250 : i32
          %dma_start3A_252 = arith.constant 0 : i32
          %dma_start3A_253 = tpu.memref_slice %arg6[%add3A_251, %dma_start3A_252] : memref<250x40xi32, #tpu.memory_space<vmem>> -> memref<1x40xi32, #tpu.memory_space<vmem>>
          %dma_start3A_254 = tpu.memref_squeeze %dma_start3A_253 : memref<1x40xi32, #tpu.memory_space<vmem>> -> memref<40xi32, #tpu.memory_space<vmem>>
          %dma_start3A_255 = arith.constant 0 : i32
          %dma_start3A_256 = arith.constant 0 : i32
          %dma_start3A_257 = tpu.memref_slice %arg2[%dma_start3A_255, %dma_start3A_256] : memref<10000x128xf32, #tpu.memory_space<hbm>> -> memref<10000x128xf32, #tpu.memory_space<hbm>>
          tpu.enqueue_indirect_dma source(%dma_start3A_257 : memref<10000x128xf32, #tpu.memory_space<hbm>>) target(%arg13 : memref<40x128xf32, #tpu.memory_space<vmem>>) offsets(%dma_start3A_254 : memref<40xi32, #tpu.memory_space<vmem>>) semaphore(%arg20 : memref<!tpu.dma_semaphore, #tpu.memory_space<semaphore_mem>>)
        } else {
        }
      } else {
      }
      %jit3A_122 = arith.constant 6 : i32
      %eq3A_123 = arith.constant 0 : i32
      %eq3A_124 = arith.cmpi eq, %jit3A_122, %eq3A_123 : i32
      %jit3A_125 = arith.constant 1 : i32
      %select_n3A_126 = arith.select %eq3A_124, %jit3A_125, %jit3A_122 : i32
      %rem3A_127 = arith.remsi %scan3A_105, %select_n3A_126 : i32
      %ne3A_128 = arith.constant 0 : i32
      %ne3A_129 = arith.cmpi ne, %rem3A_127, %ne3A_128 : i32
      %lt3A_130 = arith.constant 0 : i32
      %lt3A_131 = arith.cmpi slt, %rem3A_127, %lt3A_130 : i32
      %lt3A_132 = arith.constant 0 : i32
      %lt3A_133 = arith.cmpi slt, %select_n3A_126, %lt3A_132 : i32
      %ne3A_134 = arith.xori %lt3A_131, %lt3A_133 : i1
      %and3A_135 = arith.andi %ne3A_134, %ne3A_129 : i1
      %add3A_136 = arith.addi %rem3A_127, %select_n3A_126 : i32
      %select_n3A_137 = arith.select %and3A_135, %add3A_136, %rem3A_127 : i32
      %eq3A_138 = arith.constant 1 : i32
      %eq3A_139 = arith.cmpi eq, %select_n3A_137, %eq3A_138 : i32
      %convert_element_type3A_140 = arith.extui %eq3A_139 : i1 to i32
      %cond3A_141 = arith.constant 0 : i32
      %cond3A_142 = arith.cmpi ne, %convert_element_type3A_140, %cond3A_141 : i32
      scf.if %cond3A_142 {
        %dma_wait3A_227 = arith.constant 0 : i32
        %dma_wait3A_228 = tpu.memref_slice %arg6[%scan3A_105, %dma_wait3A_227] : memref<250x40xi32, #tpu.memory_space<vmem>> -> memref<1x40xi32, #tpu.memory_space<vmem>>
        %dma_wait3A_229 = tpu.memref_squeeze %dma_wait3A_228 : memref<1x40xi32, #tpu.memory_space<vmem>> -> memref<40xi32, #tpu.memory_space<vmem>>
        %dma_wait3A_230 = arith.constant 0 : i32
        %dma_wait3A_231 = arith.constant 0 : i32
        %dma_wait3A_232 = tpu.memref_slice %arg2[%dma_wait3A_230, %dma_wait3A_231] : memref<10000x128xf32, #tpu.memory_space<hbm>> -> memref<10000x128xf32, #tpu.memory_space<hbm>>
        tpu.wait_indirect_dma semaphore(%arg16 : memref<!tpu.dma_semaphore, #tpu.memory_space<semaphore_mem>>) src(%dma_wait3A_232 : memref<10000x128xf32, #tpu.memory_space<hbm>>) dst(%arg9 : memref<40x128xf32, #tpu.memory_space<vmem>>)
        %dma_start3A_233 = arith.constant 0 : i32
        %dma_start3A_234 = tpu.memref_slice %arg7[%scan3A_105, %dma_start3A_233] : memref<250x40xi32, #tpu.memory_space<vmem>> -> memref<1x40xi32, #tpu.memory_space<vmem>>
        %dma_start3A_235 = tpu.memref_squeeze %dma_start3A_234 : memref<1x40xi32, #tpu.memory_space<vmem>> -> memref<40xi32, #tpu.memory_space<vmem>>
        %dma_start3A_236 = arith.constant 0 : i32
        %dma_start3A_237 = arith.constant 0 : i32
        %dma_start3A_238 = tpu.memref_slice %arg14[%dma_start3A_236, %dma_start3A_237] : memref<10000x128xf32, #tpu.memory_space<vmem_shared>> -> memref<10000x128xf32, #tpu.memory_space<vmem_shared>>
        tpu.enqueue_indirect_dma source(%arg9 : memref<40x128xf32, #tpu.memory_space<vmem>>) target(%dma_start3A_238 : memref<10000x128xf32, #tpu.memory_space<vmem_shared>>) offsets(%dma_start3A_235 : memref<40xi32, #tpu.memory_space<vmem>>) semaphore(%arg22 : memref<!tpu.dma_semaphore, #tpu.memory_space<semaphore_mem>>) {add = true}
        %ge3A = arith.constant 1 : i32
        %ge3A_239 = arith.cmpi sge, %scan3A_105, %ge3A : i32
        %convert_element_type3A_240 = arith.extui %ge3A_239 : i1 to i32
        %cond3A_241 = arith.constant 0 : i32
        %cond3A_242 = arith.cmpi ne, %convert_element_type3A_240, %cond3A_241 : i32
        scf.if %cond3A_242 {
          %sub3A = arith.constant 1 : i32
          %sub3A_250 = arith.subi %scan3A_105, %sub3A : i32
          %dma_wait3A_251 = arith.constant 0 : i32
          %dma_wait3A_252 = tpu.memref_slice %arg7[%sub3A_250, %dma_wait3A_251] : memref<250x40xi32, #tpu.memory_space<vmem>> -> memref<1x40xi32, #tpu.memory_space<vmem>>
          %dma_wait3A_253 = tpu.memref_squeeze %dma_wait3A_252 : memref<1x40xi32, #tpu.memory_space<vmem>> -> memref<40xi32, #tpu.memory_space<vmem>>
          %dma_wait3A_254 = arith.constant 0 : i32
          %dma_wait3A_255 = arith.constant 0 : i32
          %dma_wait3A_256 = tpu.memref_slice %arg14[%dma_wait3A_254, %dma_wait3A_255] : memref<10000x128xf32, #tpu.memory_space<vmem_shared>> -> memref<10000x128xf32, #tpu.memory_space<vmem_shared>>
          tpu.wait_indirect_dma semaphore(%arg21 : memref<!tpu.dma_semaphore, #tpu.memory_space<semaphore_mem>>) src(%arg8 : memref<40x128xf32, #tpu.memory_space<vmem>>) dst(%dma_wait3A_256 : memref<10000x128xf32, #tpu.memory_space<vmem_shared>>)
        } else {
        }
        %add3A_243 = arith.constant 5 : i32
        %add3A_244 = arith.addi %scan3A_105, %add3A_243 : i32
        %lt3A_245 = arith.constant 250 : i32
        %lt3A_246 = arith.cmpi slt, %add3A_244, %lt3A_245 : i32
        %convert_element_type3A_247 = arith.extui %lt3A_246 : i1 to i32
        %cond3A_248 = arith.constant 0 : i32
        %cond3A_249 = arith.cmpi ne, %convert_element_type3A_247, %cond3A_248 : i32
        scf.if %cond3A_249 {
          %add3A_250 = arith.constant 5 : i32
          %add3A_251 = arith.addi %scan3A_105, %add3A_250 : i32
          %dma_start3A_252 = arith.constant 0 : i32
          %dma_start3A_253 = tpu.memref_slice %arg6[%add3A_251, %dma_start3A_252] : memref<250x40xi32, #tpu.memory_space<vmem>> -> memref<1x40xi32, #tpu.memory_space<vmem>>
          %dma_start3A_254 = tpu.memref_squeeze %dma_start3A_253 : memref<1x40xi32, #tpu.memory_space<vmem>> -> memref<40xi32, #tpu.memory_space<vmem>>
          %dma_start3A_255 = arith.constant 0 : i32
          %dma_start3A_256 = arith.constant 0 : i32
          %dma_start3A_257 = tpu.memref_slice %arg2[%dma_start3A_255, %dma_start3A_256] : memref<10000x128xf32, #tpu.memory_space<hbm>> -> memref<10000x128xf32, #tpu.memory_space<hbm>>
          tpu.enqueue_indirect_dma source(%dma_start3A_257 : memref<10000x128xf32, #tpu.memory_space<hbm>>) target(%arg8 : memref<40x128xf32, #tpu.memory_space<vmem>>) offsets(%dma_start3A_254 : memref<40xi32, #tpu.memory_space<vmem>>) semaphore(%arg15 : memref<!tpu.dma_semaphore, #tpu.memory_space<semaphore_mem>>)
        } else {
        }
      } else {
      }
      %jit3A_143 = arith.constant 6 : i32
      %eq3A_144 = arith.constant 0 : i32
      %eq3A_145 = arith.cmpi eq, %jit3A_143, %eq3A_144 : i32
      %jit3A_146 = arith.constant 1 : i32
      %select_n3A_147 = arith.select %eq3A_145, %jit3A_146, %jit3A_143 : i32
      %rem3A_148 = arith.remsi %scan3A_105, %select_n3A_147 : i32
      %ne3A_149 = arith.constant 0 : i32
      %ne3A_150 = arith.cmpi ne, %rem3A_148, %ne3A_149 : i32
      %lt3A_151 = arith.constant 0 : i32
      %lt3A_152 = arith.cmpi slt, %rem3A_148, %lt3A_151 : i32
      %lt3A_153 = arith.constant 0 : i32
      %lt3A_154 = arith.cmpi slt, %select_n3A_147, %lt3A_153 : i32
      %ne3A_155 = arith.xori %lt3A_152, %lt3A_154 : i1
      %and3A_156 = arith.andi %ne3A_155, %ne3A_150 : i1
      %add3A_157 = arith.addi %rem3A_148, %select_n3A_147 : i32
      %select_n3A_158 = arith.select %and3A_156, %add3A_157, %rem3A_148 : i32
      %eq3A_159 = arith.constant 2 : i32
      %eq3A_160 = arith.cmpi eq, %select_n3A_158, %eq3A_159 : i32
      %convert_element_type3A_161 = arith.extui %eq3A_160 : i1 to i32
      %cond3A_162 = arith.constant 0 : i32
      %cond3A_163 = arith.cmpi ne, %convert_element_type3A_161, %cond3A_162 : i32
      scf.if %cond3A_163 {
        %dma_wait3A_227 = arith.constant 0 : i32
        %dma_wait3A_228 = tpu.memref_slice %arg6[%scan3A_105, %dma_wait3A_227] : memref<250x40xi32, #tpu.memory_space<vmem>> -> memref<1x40xi32, #tpu.memory_space<vmem>>
        %dma_wait3A_229 = tpu.memref_squeeze %dma_wait3A_228 : memref<1x40xi32, #tpu.memory_space<vmem>> -> memref<40xi32, #tpu.memory_space<vmem>>
        %dma_wait3A_230 = arith.constant 0 : i32
        %dma_wait3A_231 = arith.constant 0 : i32
        %dma_wait3A_232 = tpu.memref_slice %arg2[%dma_wait3A_230, %dma_wait3A_231] : memref<10000x128xf32, #tpu.memory_space<hbm>> -> memref<10000x128xf32, #tpu.memory_space<hbm>>
        tpu.wait_indirect_dma semaphore(%arg17 : memref<!tpu.dma_semaphore, #tpu.memory_space<semaphore_mem>>) src(%dma_wait3A_232 : memref<10000x128xf32, #tpu.memory_space<hbm>>) dst(%arg10 : memref<40x128xf32, #tpu.memory_space<vmem>>)
        %dma_start3A_233 = arith.constant 0 : i32
        %dma_start3A_234 = tpu.memref_slice %arg7[%scan3A_105, %dma_start3A_233] : memref<250x40xi32, #tpu.memory_space<vmem>> -> memref<1x40xi32, #tpu.memory_space<vmem>>
        %dma_start3A_235 = tpu.memref_squeeze %dma_start3A_234 : memref<1x40xi32, #tpu.memory_space<vmem>> -> memref<40xi32, #tpu.memory_space<vmem>>
        %dma_start3A_236 = arith.constant 0 : i32
        %dma_start3A_237 = arith.constant 0 : i32
        %dma_start3A_238 = tpu.memref_slice %arg14[%dma_start3A_236, %dma_start3A_237] : memref<10000x128xf32, #tpu.memory_space<vmem_shared>> -> memref<10000x128xf32, #tpu.memory_space<vmem_shared>>
        tpu.enqueue_indirect_dma source(%arg10 : memref<40x128xf32, #tpu.memory_space<vmem>>) target(%dma_start3A_238 : memref<10000x128xf32, #tpu.memory_space<vmem_shared>>) offsets(%dma_start3A_235 : memref<40xi32, #tpu.memory_space<vmem>>) semaphore(%arg23 : memref<!tpu.dma_semaphore, #tpu.memory_space<semaphore_mem>>) {add = true}
        %ge3A = arith.constant 1 : i32
        %ge3A_239 = arith.cmpi sge, %scan3A_105, %ge3A : i32
        %convert_element_type3A_240 = arith.extui %ge3A_239 : i1 to i32
        %cond3A_241 = arith.constant 0 : i32
        %cond3A_242 = arith.cmpi ne, %convert_element_type3A_240, %cond3A_241 : i32
        scf.if %cond3A_242 {
          %sub3A = arith.constant 1 : i32
          %sub3A_250 = arith.subi %scan3A_105, %sub3A : i32
          %dma_wait3A_251 = arith.constant 0 : i32
          %dma_wait3A_252 = tpu.memref_slice %arg7[%sub3A_250, %dma_wait3A_251] : memref<250x40xi32, #tpu.memory_space<vmem>> -> memref<1x40xi32, #tpu.memory_space<vmem>>
          %dma_wait3A_253 = tpu.memref_squeeze %dma_wait3A_252 : memref<1x40xi32, #tpu.memory_space<vmem>> -> memref<40xi32, #tpu.memory_space<vmem>>
          %dma_wait3A_254 = arith.constant 0 : i32
          %dma_wait3A_255 = arith.constant 0 : i32
          %dma_wait3A_256 = tpu.memref_slice %arg14[%dma_wait3A_254, %dma_wait3A_255] : memref<10000x128xf32, #tpu.memory_space<vmem_shared>> -> memref<10000x128xf32, #tpu.memory_space<vmem_shared>>
          tpu.wait_indirect_dma semaphore(%arg22 : memref<!tpu.dma_semaphore, #tpu.memory_space<semaphore_mem>>) src(%arg9 : memref<40x128xf32, #tpu.memory_space<vmem>>) dst(%dma_wait3A_256 : memref<10000x128xf32, #tpu.memory_space<vmem_shared>>)
        } else {
        }
        %add3A_243 = arith.constant 5 : i32
        %add3A_244 = arith.addi %scan3A_105, %add3A_243 : i32
        %lt3A_245 = arith.constant 250 : i32
        %lt3A_246 = arith.cmpi slt, %add3A_244, %lt3A_245 : i32
        %convert_element_type3A_247 = arith.extui %lt3A_246 : i1 to i32
        %cond3A_248 = arith.constant 0 : i32
        %cond3A_249 = arith.cmpi ne, %convert_element_type3A_247, %cond3A_248 : i32
        scf.if %cond3A_249 {
          %add3A_250 = arith.constant 5 : i32
          %add3A_251 = arith.addi %scan3A_105, %add3A_250 : i32
          %dma_start3A_252 = arith.constant 0 : i32
          %dma_start3A_253 = tpu.memref_slice %arg6[%add3A_251, %dma_start3A_252] : memref<250x40xi32, #tpu.memory_space<vmem>> -> memref<1x40xi32, #tpu.memory_space<vmem>>
          %dma_start3A_254 = tpu.memref_squeeze %dma_start3A_253 : memref<1x40xi32, #tpu.memory_space<vmem>> -> memref<40xi32, #tpu.memory_space<vmem>>
          %dma_start3A_255 = arith.constant 0 : i32
          %dma_start3A_256 = arith.constant 0 : i32
          %dma_start3A_257 = tpu.memref_slice %arg2[%dma_start3A_255, %dma_start3A_256] : memref<10000x128xf32, #tpu.memory_space<hbm>> -> memref<10000x128xf32, #tpu.memory_space<hbm>>
          tpu.enqueue_indirect_dma source(%dma_start3A_257 : memref<10000x128xf32, #tpu.memory_space<hbm>>) target(%arg9 : memref<40x128xf32, #tpu.memory_space<vmem>>) offsets(%dma_start3A_254 : memref<40xi32, #tpu.memory_space<vmem>>) semaphore(%arg16 : memref<!tpu.dma_semaphore, #tpu.memory_space<semaphore_mem>>)
        } else {
        }
      } else {
      }
      %jit3A_164 = arith.constant 6 : i32
      %eq3A_165 = arith.constant 0 : i32
      %eq3A_166 = arith.cmpi eq, %jit3A_164, %eq3A_165 : i32
      %jit3A_167 = arith.constant 1 : i32
      %select_n3A_168 = arith.select %eq3A_166, %jit3A_167, %jit3A_164 : i32
      %rem3A_169 = arith.remsi %scan3A_105, %select_n3A_168 : i32
      %ne3A_170 = arith.constant 0 : i32
      %ne3A_171 = arith.cmpi ne, %rem3A_169, %ne3A_170 : i32
      %lt3A_172 = arith.constant 0 : i32
      %lt3A_173 = arith.cmpi slt, %rem3A_169, %lt3A_172 : i32
      %lt3A_174 = arith.constant 0 : i32
      %lt3A_175 = arith.cmpi slt, %select_n3A_168, %lt3A_174 : i32
      %ne3A_176 = arith.xori %lt3A_173, %lt3A_175 : i1
      %and3A_177 = arith.andi %ne3A_176, %ne3A_171 : i1
      %add3A_178 = arith.addi %rem3A_169, %select_n3A_168 : i32
      %select_n3A_179 = arith.select %and3A_177, %add3A_178, %rem3A_169 : i32
      %eq3A_180 = arith.constant 3 : i32
      %eq3A_181 = arith.cmpi eq, %select_n3A_179, %eq3A_180 : i32
      %convert_element_type3A_182 = arith.extui %eq3A_181 : i1 to i32
      %cond3A_183 = arith.constant 0 : i32
      %cond3A_184 = arith.cmpi ne, %convert_element_type3A_182, %cond3A_183 : i32
      scf.if %cond3A_184 {
        %dma_wait3A_227 = arith.constant 0 : i32
        %dma_wait3A_228 = tpu.memref_slice %arg6[%scan3A_105, %dma_wait3A_227] : memref<250x40xi32, #tpu.memory_space<vmem>> -> memref<1x40xi32, #tpu.memory_space<vmem>>
        %dma_wait3A_229 = tpu.memref_squeeze %dma_wait3A_228 : memref<1x40xi32, #tpu.memory_space<vmem>> -> memref<40xi32, #tpu.memory_space<vmem>>
        %dma_wait3A_230 = arith.constant 0 : i32
        %dma_wait3A_231 = arith.constant 0 : i32
        %dma_wait3A_232 = tpu.memref_slice %arg2[%dma_wait3A_230, %dma_wait3A_231] : memref<10000x128xf32, #tpu.memory_space<hbm>> -> memref<10000x128xf32, #tpu.memory_space<hbm>>
        tpu.wait_indirect_dma semaphore(%arg18 : memref<!tpu.dma_semaphore, #tpu.memory_space<semaphore_mem>>) src(%dma_wait3A_232 : memref<10000x128xf32, #tpu.memory_space<hbm>>) dst(%arg11 : memref<40x128xf32, #tpu.memory_space<vmem>>)
        %dma_start3A_233 = arith.constant 0 : i32
        %dma_start3A_234 = tpu.memref_slice %arg7[%scan3A_105, %dma_start3A_233] : memref<250x40xi32, #tpu.memory_space<vmem>> -> memref<1x40xi32, #tpu.memory_space<vmem>>
        %dma_start3A_235 = tpu.memref_squeeze %dma_start3A_234 : memref<1x40xi32, #tpu.memory_space<vmem>> -> memref<40xi32, #tpu.memory_space<vmem>>
        %dma_start3A_236 = arith.constant 0 : i32
        %dma_start3A_237 = arith.constant 0 : i32
        %dma_start3A_238 = tpu.memref_slice %arg14[%dma_start3A_236, %dma_start3A_237] : memref<10000x128xf32, #tpu.memory_space<vmem_shared>> -> memref<10000x128xf32, #tpu.memory_space<vmem_shared>>
        tpu.enqueue_indirect_dma source(%arg11 : memref<40x128xf32, #tpu.memory_space<vmem>>) target(%dma_start3A_238 : memref<10000x128xf32, #tpu.memory_space<vmem_shared>>) offsets(%dma_start3A_235 : memref<40xi32, #tpu.memory_space<vmem>>) semaphore(%arg24 : memref<!tpu.dma_semaphore, #tpu.memory_space<semaphore_mem>>) {add = true}
        %ge3A = arith.constant 1 : i32
        %ge3A_239 = arith.cmpi sge, %scan3A_105, %ge3A : i32
        %convert_element_type3A_240 = arith.extui %ge3A_239 : i1 to i32
        %cond3A_241 = arith.constant 0 : i32
        %cond3A_242 = arith.cmpi ne, %convert_element_type3A_240, %cond3A_241 : i32
        scf.if %cond3A_242 {
          %sub3A = arith.constant 1 : i32
          %sub3A_250 = arith.subi %scan3A_105, %sub3A : i32
          %dma_wait3A_251 = arith.constant 0 : i32
          %dma_wait3A_252 = tpu.memref_slice %arg7[%sub3A_250, %dma_wait3A_251] : memref<250x40xi32, #tpu.memory_space<vmem>> -> memref<1x40xi32, #tpu.memory_space<vmem>>
          %dma_wait3A_253 = tpu.memref_squeeze %dma_wait3A_252 : memref<1x40xi32, #tpu.memory_space<vmem>> -> memref<40xi32, #tpu.memory_space<vmem>>
          %dma_wait3A_254 = arith.constant 0 : i32
          %dma_wait3A_255 = arith.constant 0 : i32
          %dma_wait3A_256 = tpu.memref_slice %arg14[%dma_wait3A_254, %dma_wait3A_255] : memref<10000x128xf32, #tpu.memory_space<vmem_shared>> -> memref<10000x128xf32, #tpu.memory_space<vmem_shared>>
          tpu.wait_indirect_dma semaphore(%arg23 : memref<!tpu.dma_semaphore, #tpu.memory_space<semaphore_mem>>) src(%arg10 : memref<40x128xf32, #tpu.memory_space<vmem>>) dst(%dma_wait3A_256 : memref<10000x128xf32, #tpu.memory_space<vmem_shared>>)
        } else {
        }
        %add3A_243 = arith.constant 5 : i32
        %add3A_244 = arith.addi %scan3A_105, %add3A_243 : i32
        %lt3A_245 = arith.constant 250 : i32
        %lt3A_246 = arith.cmpi slt, %add3A_244, %lt3A_245 : i32
        %convert_element_type3A_247 = arith.extui %lt3A_246 : i1 to i32
        %cond3A_248 = arith.constant 0 : i32
        %cond3A_249 = arith.cmpi ne, %convert_element_type3A_247, %cond3A_248 : i32
        scf.if %cond3A_249 {
          %add3A_250 = arith.constant 5 : i32
          %add3A_251 = arith.addi %scan3A_105, %add3A_250 : i32
          %dma_start3A_252 = arith.constant 0 : i32
          %dma_start3A_253 = tpu.memref_slice %arg6[%add3A_251, %dma_start3A_252] : memref<250x40xi32, #tpu.memory_space<vmem>> -> memref<1x40xi32, #tpu.memory_space<vmem>>
          %dma_start3A_254 = tpu.memref_squeeze %dma_start3A_253 : memref<1x40xi32, #tpu.memory_space<vmem>> -> memref<40xi32, #tpu.memory_space<vmem>>
          %dma_start3A_255 = arith.constant 0 : i32
          %dma_start3A_256 = arith.constant 0 : i32
          %dma_start3A_257 = tpu.memref_slice %arg2[%dma_start3A_255, %dma_start3A_256] : memref<10000x128xf32, #tpu.memory_space<hbm>> -> memref<10000x128xf32, #tpu.memory_space<hbm>>
          tpu.enqueue_indirect_dma source(%dma_start3A_257 : memref<10000x128xf32, #tpu.memory_space<hbm>>) target(%arg10 : memref<40x128xf32, #tpu.memory_space<vmem>>) offsets(%dma_start3A_254 : memref<40xi32, #tpu.memory_space<vmem>>) semaphore(%arg17 : memref<!tpu.dma_semaphore, #tpu.memory_space<semaphore_mem>>)
        } else {
        }
      } else {
      }
      %jit3A_185 = arith.constant 6 : i32
      %eq3A_186 = arith.constant 0 : i32
      %eq3A_187 = arith.cmpi eq, %jit3A_185, %eq3A_186 : i32
      %jit3A_188 = arith.constant 1 : i32
      %select_n3A_189 = arith.select %eq3A_187, %jit3A_188, %jit3A_185 : i32
      %rem3A_190 = arith.remsi %scan3A_105, %select_n3A_189 : i32
      %ne3A_191 = arith.constant 0 : i32
      %ne3A_192 = arith.cmpi ne, %rem3A_190, %ne3A_191 : i32
      %lt3A_193 = arith.constant 0 : i32
      %lt3A_194 = arith.cmpi slt, %rem3A_190, %lt3A_193 : i32
      %lt3A_195 = arith.constant 0 : i32
      %lt3A_196 = arith.cmpi slt, %select_n3A_189, %lt3A_195 : i32
      %ne3A_197 = arith.xori %lt3A_194, %lt3A_196 : i1
      %and3A_198 = arith.andi %ne3A_197, %ne3A_192 : i1
      %add3A_199 = arith.addi %rem3A_190, %select_n3A_189 : i32
      %select_n3A_200 = arith.select %and3A_198, %add3A_199, %rem3A_190 : i32
      %eq3A_201 = arith.constant 4 : i32
      %eq3A_202 = arith.cmpi eq, %select_n3A_200, %eq3A_201 : i32
      %convert_element_type3A_203 = arith.extui %eq3A_202 : i1 to i32
      %cond3A_204 = arith.constant 0 : i32
      %cond3A_205 = arith.cmpi ne, %convert_element_type3A_203, %cond3A_204 : i32
      scf.if %cond3A_205 {
        %dma_wait3A_227 = arith.constant 0 : i32
        %dma_wait3A_228 = tpu.memref_slice %arg6[%scan3A_105, %dma_wait3A_227] : memref<250x40xi32, #tpu.memory_space<vmem>> -> memref<1x40xi32, #tpu.memory_space<vmem>>
        %dma_wait3A_229 = tpu.memref_squeeze %dma_wait3A_228 : memref<1x40xi32, #tpu.memory_space<vmem>> -> memref<40xi32, #tpu.memory_space<vmem>>
        %dma_wait3A_230 = arith.constant 0 : i32
        %dma_wait3A_231 = arith.constant 0 : i32
        %dma_wait3A_232 = tpu.memref_slice %arg2[%dma_wait3A_230, %dma_wait3A_231] : memref<10000x128xf32, #tpu.memory_space<hbm>> -> memref<10000x128xf32, #tpu.memory_space<hbm>>
        tpu.wait_indirect_dma semaphore(%arg19 : memref<!tpu.dma_semaphore, #tpu.memory_space<semaphore_mem>>) src(%dma_wait3A_232 : memref<10000x128xf32, #tpu.memory_space<hbm>>) dst(%arg12 : memref<40x128xf32, #tpu.memory_space<vmem>>)
        %dma_start3A_233 = arith.constant 0 : i32
        %dma_start3A_234 = tpu.memref_slice %arg7[%scan3A_105, %dma_start3A_233] : memref<250x40xi32, #tpu.memory_space<vmem>> -> memref<1x40xi32, #tpu.memory_space<vmem>>
        %dma_start3A_235 = tpu.memref_squeeze %dma_start3A_234 : memref<1x40xi32, #tpu.memory_space<vmem>> -> memref<40xi32, #tpu.memory_space<vmem>>
        %dma_start3A_236 = arith.constant 0 : i32
        %dma_start3A_237 = arith.constant 0 : i32
        %dma_start3A_238 = tpu.memref_slice %arg14[%dma_start3A_236, %dma_start3A_237] : memref<10000x128xf32, #tpu.memory_space<vmem_shared>> -> memref<10000x128xf32, #tpu.memory_space<vmem_shared>>
        tpu.enqueue_indirect_dma source(%arg12 : memref<40x128xf32, #tpu.memory_space<vmem>>) target(%dma_start3A_238 : memref<10000x128xf32, #tpu.memory_space<vmem_shared>>) offsets(%dma_start3A_235 : memref<40xi32, #tpu.memory_space<vmem>>) semaphore(%arg25 : memref<!tpu.dma_semaphore, #tpu.memory_space<semaphore_mem>>) {add = true}
        %ge3A = arith.constant 1 : i32
        %ge3A_239 = arith.cmpi sge, %scan3A_105, %ge3A : i32
        %convert_element_type3A_240 = arith.extui %ge3A_239 : i1 to i32
        %cond3A_241 = arith.constant 0 : i32
        %cond3A_242 = arith.cmpi ne, %convert_element_type3A_240, %cond3A_241 : i32
        scf.if %cond3A_242 {
          %sub3A = arith.constant 1 : i32
          %sub3A_250 = arith.subi %scan3A_105, %sub3A : i32
          %dma_wait3A_251 = arith.constant 0 : i32
          %dma_wait3A_252 = tpu.memref_slice %arg7[%sub3A_250, %dma_wait3A_251] : memref<250x40xi32, #tpu.memory_space<vmem>> -> memref<1x40xi32, #tpu.memory_space<vmem>>
          %dma_wait3A_253 = tpu.memref_squeeze %dma_wait3A_252 : memref<1x40xi32, #tpu.memory_space<vmem>> -> memref<40xi32, #tpu.memory_space<vmem>>
          %dma_wait3A_254 = arith.constant 0 : i32
          %dma_wait3A_255 = arith.constant 0 : i32
          %dma_wait3A_256 = tpu.memref_slice %arg14[%dma_wait3A_254, %dma_wait3A_255] : memref<10000x128xf32, #tpu.memory_space<vmem_shared>> -> memref<10000x128xf32, #tpu.memory_space<vmem_shared>>
          tpu.wait_indirect_dma semaphore(%arg24 : memref<!tpu.dma_semaphore, #tpu.memory_space<semaphore_mem>>) src(%arg11 : memref<40x128xf32, #tpu.memory_space<vmem>>) dst(%dma_wait3A_256 : memref<10000x128xf32, #tpu.memory_space<vmem_shared>>)
        } else {
        }
        %add3A_243 = arith.constant 5 : i32
        %add3A_244 = arith.addi %scan3A_105, %add3A_243 : i32
        %lt3A_245 = arith.constant 250 : i32
        %lt3A_246 = arith.cmpi slt, %add3A_244, %lt3A_245 : i32
        %convert_element_type3A_247 = arith.extui %lt3A_246 : i1 to i32
        %cond3A_248 = arith.constant 0 : i32
        %cond3A_249 = arith.cmpi ne, %convert_element_type3A_247, %cond3A_248 : i32
        scf.if %cond3A_249 {
          %add3A_250 = arith.constant 5 : i32
          %add3A_251 = arith.addi %scan3A_105, %add3A_250 : i32
          %dma_start3A_252 = arith.constant 0 : i32
          %dma_start3A_253 = tpu.memref_slice %arg6[%add3A_251, %dma_start3A_252] : memref<250x40xi32, #tpu.memory_space<vmem>> -> memref<1x40xi32, #tpu.memory_space<vmem>>
          %dma_start3A_254 = tpu.memref_squeeze %dma_start3A_253 : memref<1x40xi32, #tpu.memory_space<vmem>> -> memref<40xi32, #tpu.memory_space<vmem>>
          %dma_start3A_255 = arith.constant 0 : i32
          %dma_start3A_256 = arith.constant 0 : i32
          %dma_start3A_257 = tpu.memref_slice %arg2[%dma_start3A_255, %dma_start3A_256] : memref<10000x128xf32, #tpu.memory_space<hbm>> -> memref<10000x128xf32, #tpu.memory_space<hbm>>
          tpu.enqueue_indirect_dma source(%dma_start3A_257 : memref<10000x128xf32, #tpu.memory_space<hbm>>) target(%arg11 : memref<40x128xf32, #tpu.memory_space<vmem>>) offsets(%dma_start3A_254 : memref<40xi32, #tpu.memory_space<vmem>>) semaphore(%arg18 : memref<!tpu.dma_semaphore, #tpu.memory_space<semaphore_mem>>)
        } else {
        }
      } else {
      }
      %jit3A_206 = arith.constant 6 : i32
      %eq3A_207 = arith.constant 0 : i32
      %eq3A_208 = arith.cmpi eq, %jit3A_206, %eq3A_207 : i32
      %jit3A_209 = arith.constant 1 : i32
      %select_n3A_210 = arith.select %eq3A_208, %jit3A_209, %jit3A_206 : i32
      %rem3A_211 = arith.remsi %scan3A_105, %select_n3A_210 : i32
      %ne3A_212 = arith.constant 0 : i32
      %ne3A_213 = arith.cmpi ne, %rem3A_211, %ne3A_212 : i32
      %lt3A_214 = arith.constant 0 : i32
      %lt3A_215 = arith.cmpi slt, %rem3A_211, %lt3A_214 : i32
      %lt3A_216 = arith.constant 0 : i32
      %lt3A_217 = arith.cmpi slt, %select_n3A_210, %lt3A_216 : i32
      %ne3A_218 = arith.xori %lt3A_215, %lt3A_217 : i1
      %and3A_219 = arith.andi %ne3A_218, %ne3A_213 : i1
      %add3A_220 = arith.addi %rem3A_211, %select_n3A_210 : i32
      %select_n3A_221 = arith.select %and3A_219, %add3A_220, %rem3A_211 : i32
      %eq3A_222 = arith.constant 5 : i32
      %eq3A_223 = arith.cmpi eq, %select_n3A_221, %eq3A_222 : i32
      %convert_element_type3A_224 = arith.extui %eq3A_223 : i1 to i32
      %cond3A_225 = arith.constant 0 : i32
      %cond3A_226 = arith.cmpi ne, %convert_element_type3A_224, %cond3A_225 : i32
      scf.if %cond3A_226 {
        %dma_wait3A_227 = arith.constant 0 : i32
        %dma_wait3A_228 = tpu.memref_slice %arg6[%scan3A_105, %dma_wait3A_227] : memref<250x40xi32, #tpu.memory_space<vmem>> -> memref<1x40xi32, #tpu.memory_space<vmem>>
        %dma_wait3A_229 = tpu.memref_squeeze %dma_wait3A_228 : memref<1x40xi32, #tpu.memory_space<vmem>> -> memref<40xi32, #tpu.memory_space<vmem>>
        %dma_wait3A_230 = arith.constant 0 : i32
        %dma_wait3A_231 = arith.constant 0 : i32
        %dma_wait3A_232 = tpu.memref_slice %arg2[%dma_wait3A_230, %dma_wait3A_231] : memref<10000x128xf32, #tpu.memory_space<hbm>> -> memref<10000x128xf32, #tpu.memory_space<hbm>>
        tpu.wait_indirect_dma semaphore(%arg20 : memref<!tpu.dma_semaphore, #tpu.memory_space<semaphore_mem>>) src(%dma_wait3A_232 : memref<10000x128xf32, #tpu.memory_space<hbm>>) dst(%arg13 : memref<40x128xf32, #tpu.memory_space<vmem>>)
        %dma_start3A_233 = arith.constant 0 : i32
        %dma_start3A_234 = tpu.memref_slice %arg7[%scan3A_105, %dma_start3A_233] : memref<250x40xi32, #tpu.memory_space<vmem>> -> memref<1x40xi32, #tpu.memory_space<vmem>>
        %dma_start3A_235 = tpu.memref_squeeze %dma_start3A_234 : memref<1x40xi32, #tpu.memory_space<vmem>> -> memref<40xi32, #tpu.memory_space<vmem>>
        %dma_start3A_236 = arith.constant 0 : i32
        %dma_start3A_237 = arith.constant 0 : i32
        %dma_start3A_238 = tpu.memref_slice %arg14[%dma_start3A_236, %dma_start3A_237] : memref<10000x128xf32, #tpu.memory_space<vmem_shared>> -> memref<10000x128xf32, #tpu.memory_space<vmem_shared>>
        tpu.enqueue_indirect_dma source(%arg13 : memref<40x128xf32, #tpu.memory_space<vmem>>) target(%dma_start3A_238 : memref<10000x128xf32, #tpu.memory_space<vmem_shared>>) offsets(%dma_start3A_235 : memref<40xi32, #tpu.memory_space<vmem>>) semaphore(%arg26 : memref<!tpu.dma_semaphore, #tpu.memory_space<semaphore_mem>>) {add = true}
        %ge3A = arith.constant 1 : i32
        %ge3A_239 = arith.cmpi sge, %scan3A_105, %ge3A : i32
        %convert_element_type3A_240 = arith.extui %ge3A_239 : i1 to i32
        %cond3A_241 = arith.constant 0 : i32
        %cond3A_242 = arith.cmpi ne, %convert_element_type3A_240, %cond3A_241 : i32
        scf.if %cond3A_242 {
          %sub3A = arith.constant 1 : i32
          %sub3A_250 = arith.subi %scan3A_105, %sub3A : i32
          %dma_wait3A_251 = arith.constant 0 : i32
          %dma_wait3A_252 = tpu.memref_slice %arg7[%sub3A_250, %dma_wait3A_251] : memref<250x40xi32, #tpu.memory_space<vmem>> -> memref<1x40xi32, #tpu.memory_space<vmem>>
          %dma_wait3A_253 = tpu.memref_squeeze %dma_wait3A_252 : memref<1x40xi32, #tpu.memory_space<vmem>> -> memref<40xi32, #tpu.memory_space<vmem>>
          %dma_wait3A_254 = arith.constant 0 : i32
          %dma_wait3A_255 = arith.constant 0 : i32
          %dma_wait3A_256 = tpu.memref_slice %arg14[%dma_wait3A_254, %dma_wait3A_255] : memref<10000x128xf32, #tpu.memory_space<vmem_shared>> -> memref<10000x128xf32, #tpu.memory_space<vmem_shared>>
          tpu.wait_indirect_dma semaphore(%arg25 : memref<!tpu.dma_semaphore, #tpu.memory_space<semaphore_mem>>) src(%arg12 : memref<40x128xf32, #tpu.memory_space<vmem>>) dst(%dma_wait3A_256 : memref<10000x128xf32, #tpu.memory_space<vmem_shared>>)
        } else {
        }
        %add3A_243 = arith.constant 5 : i32
        %add3A_244 = arith.addi %scan3A_105, %add3A_243 : i32
        %lt3A_245 = arith.constant 250 : i32
        %lt3A_246 = arith.cmpi slt, %add3A_244, %lt3A_245 : i32
        %convert_element_type3A_247 = arith.extui %lt3A_246 : i1 to i32
        %cond3A_248 = arith.constant 0 : i32
        %cond3A_249 = arith.cmpi ne, %convert_element_type3A_247, %cond3A_248 : i32
        scf.if %cond3A_249 {
          %add3A_250 = arith.constant 5 : i32
          %add3A_251 = arith.addi %scan3A_105, %add3A_250 : i32
          %dma_start3A_252 = arith.constant 0 : i32
          %dma_start3A_253 = tpu.memref_slice %arg6[%add3A_251, %dma_start3A_252] : memref<250x40xi32, #tpu.memory_space<vmem>> -> memref<1x40xi32, #tpu.memory_space<vmem>>
          %dma_start3A_254 = tpu.memref_squeeze %dma_start3A_253 : memref<1x40xi32, #tpu.memory_space<vmem>> -> memref<40xi32, #tpu.memory_space<vmem>>
          %dma_start3A_255 = arith.constant 0 : i32
          %dma_start3A_256 = arith.constant 0 : i32
          %dma_start3A_257 = tpu.memref_slice %arg2[%dma_start3A_255, %dma_start3A_256] : memref<10000x128xf32, #tpu.memory_space<hbm>> -> memref<10000x128xf32, #tpu.memory_space<hbm>>
          tpu.enqueue_indirect_dma source(%dma_start3A_257 : memref<10000x128xf32, #tpu.memory_space<hbm>>) target(%arg12 : memref<40x128xf32, #tpu.memory_space<vmem>>) offsets(%dma_start3A_254 : memref<40xi32, #tpu.memory_space<vmem>>) semaphore(%arg19 : memref<!tpu.dma_semaphore, #tpu.memory_space<semaphore_mem>>)
        } else {
        }
      } else {
      }
    }
    %scan3A_87 = arith.constant 250 : i32
    %dma_wait3A_88 = arith.constant 249 : i32
    %dma_wait3A_89 = arith.constant 0 : i32
    %dma_wait3A_90 = tpu.memref_slice %arg7[%dma_wait3A_88, %dma_wait3A_89] : memref<250x40xi32, #tpu.memory_space<vmem>> -> memref<1x40xi32, #tpu.memory_space<vmem>>
    %dma_wait3A_91 = tpu.memref_squeeze %dma_wait3A_90 : memref<1x40xi32, #tpu.memory_space<vmem>> -> memref<40xi32, #tpu.memory_space<vmem>>
    %dma_wait3A_92 = arith.constant 0 : i32
    %dma_wait3A_93 = arith.constant 0 : i32
    %dma_wait3A_94 = tpu.memref_slice %arg14[%dma_wait3A_92, %dma_wait3A_93] : memref<10000x128xf32, #tpu.memory_space<vmem_shared>> -> memref<10000x128xf32, #tpu.memory_space<vmem_shared>>
    tpu.wait_indirect_dma semaphore(%arg24 : memref<!tpu.dma_semaphore, #tpu.memory_space<semaphore_mem>>) src(%arg11 : memref<40x128xf32, #tpu.memory_space<vmem>>) dst(%dma_wait3A_94 : memref<10000x128xf32, #tpu.memory_space<vmem_shared>>)
    %barrier3A_95 = arith.constant 0 : index
    tpu.barrier barrier_id(%barrier3A_95)
    %ne3A = arith.constant 15 : i32
    %ne3A_96 = arith.cmpi ne, %arg1, %ne3A : i32
    %convert_element_type3A_97 = arith.extui %ne3A_96 : i1 to i32
    %cond3A_98 = arith.constant 0 : i32
    %cond3A_99 = arith.cmpi ne, %convert_element_type3A_97, %cond3A_98 : i32
    scf.if %cond3A_99 {
      "tpu.region"() ({
        %run_scoped3A = tpu.sem_alloc : memref<!tpu.dma_semaphore, #tpu.memory_space<semaphore_mem>>
        %dma_start3A_105 = arith.constant 0 : i32
        %dma_start3A_106 = tpu.memref_slice %arg5[%arg0, %mul3A_23, %dma_start3A_105] : memref<2x10000x128xf32, #tpu.memory_space<hbm>> -> memref<1x624x128xf32, #tpu.memory_space<hbm>>
        %dma_start3A_107 = tpu.memref_squeeze %dma_start3A_106 : memref<1x624x128xf32, #tpu.memory_space<hbm>> -> memref<624x128xf32, #tpu.memory_space<hbm>>
        %dma_start3A_108 = arith.constant 0 : i32
        %dma_start3A_109 = tpu.memref_slice %arg14[%mul3A_23, %dma_start3A_108] : memref<10000x128xf32, #tpu.memory_space<vmem_shared>> -> memref<624x128xf32, #tpu.memory_space<vmem_shared>>
        tpu.enqueue_dma source(%dma_start3A_109 : memref<624x128xf32, #tpu.memory_space<vmem_shared>>) target(%dma_start3A_107 : memref<624x128xf32, #tpu.memory_space<hbm>>) target_semaphore(%run_scoped3A : memref<!tpu.dma_semaphore, #tpu.memory_space<semaphore_mem>>)
        %dma_wait3A_110 = arith.constant 0 : i32
        %dma_wait3A_111 = tpu.memref_slice %arg5[%arg0, %mul3A_23, %dma_wait3A_110] : memref<2x10000x128xf32, #tpu.memory_space<hbm>> -> memref<1x624x128xf32, #tpu.memory_space<hbm>>
        %dma_wait3A_112 = tpu.memref_squeeze %dma_wait3A_111 : memref<1x624x128xf32, #tpu.memory_space<hbm>> -> memref<624x128xf32, #tpu.memory_space<hbm>>
        %dma_wait3A_113 = arith.constant 0 : i32
        %dma_wait3A_114 = tpu.memref_slice %arg14[%mul3A_23, %dma_wait3A_113] : memref<10000x128xf32, #tpu.memory_space<vmem_shared>> -> memref<624x128xf32, #tpu.memory_space<vmem_shared>>
        tpu.wait_dma2 semaphore(%run_scoped3A : memref<!tpu.dma_semaphore, #tpu.memory_space<semaphore_mem>>) src(%dma_wait3A_114 : memref<624x128xf32, #tpu.memory_space<vmem_shared>>) dst(%dma_wait3A_112 : memref<624x128xf32, #tpu.memory_space<hbm>>)
        tpu.yield
      }) : () -> ()
    } else {
    }
    %eq3A_100 = arith.constant 15 : i32
    %eq3A_101 = arith.cmpi eq, %arg1, %eq3A_100 : i32
    %convert_element_type3A_102 = arith.extui %eq3A_101 : i1 to i32
    %cond3A_103 = arith.constant 0 : i32
    %cond3A_104 = arith.cmpi ne, %convert_element_type3A_102, %cond3A_103 : i32
    scf.if %cond3A_104 {
      "tpu.region"() ({
        %run_scoped3A = tpu.sem_alloc : memref<!tpu.dma_semaphore, #tpu.memory_space<semaphore_mem>>
        %dma_start3A_105 = arith.constant 0 : i32
        %dma_start3A_106 = tpu.memref_slice %arg5[%arg0, %mul3A_23, %dma_start3A_105] : memref<2x10000x128xf32, #tpu.memory_space<hbm>> -> memref<1x640x128xf32, #tpu.memory_space<hbm>>
        %dma_start3A_107 = tpu.memref_squeeze %dma_start3A_106 : memref<1x640x128xf32, #tpu.memory_space<hbm>> -> memref<640x128xf32, #tpu.memory_space<hbm>>
        %dma_start3A_108 = arith.constant 0 : i32
        %dma_start3A_109 = tpu.memref_slice %arg14[%mul3A_23, %dma_start3A_108] : memref<10000x128xf32, #tpu.memory_space<vmem_shared>> -> memref<640x128xf32, #tpu.memory_space<vmem_shared>>
        tpu.enqueue_dma source(%dma_start3A_109 : memref<640x128xf32, #tpu.memory_space<vmem_shared>>) target(%dma_start3A_107 : memref<640x128xf32, #tpu.memory_space<hbm>>) target_semaphore(%run_scoped3A : memref<!tpu.dma_semaphore, #tpu.memory_space<semaphore_mem>>)
        %dma_wait3A_110 = arith.constant 0 : i32
        %dma_wait3A_111 = tpu.memref_slice %arg5[%arg0, %mul3A_23, %dma_wait3A_110] : memref<2x10000x128xf32, #tpu.memory_space<hbm>> -> memref<1x640x128xf32, #tpu.memory_space<hbm>>
        %dma_wait3A_112 = tpu.memref_squeeze %dma_wait3A_111 : memref<1x640x128xf32, #tpu.memory_space<hbm>> -> memref<640x128xf32, #tpu.memory_space<hbm>>
        %dma_wait3A_113 = arith.constant 0 : i32
        %dma_wait3A_114 = tpu.memref_slice %arg14[%mul3A_23, %dma_wait3A_113] : memref<10000x128xf32, #tpu.memory_space<vmem_shared>> -> memref<640x128xf32, #tpu.memory_space<vmem_shared>>
        tpu.wait_dma2 semaphore(%run_scoped3A : memref<!tpu.dma_semaphore, #tpu.memory_space<semaphore_mem>>) src(%dma_wait3A_114 : memref<640x128xf32, #tpu.memory_space<vmem_shared>>) dst(%dma_wait3A_112 : memref<640x128xf32, #tpu.memory_space<hbm>>)
        tpu.yield
      }) : () -> ()
    } else {
    }
    return
  }
}

#map = affine_map<(d0, d1) -> (0, 0)>
#map1 = affine_map<(d0, d1) -> (0, 0, 0)>
module attributes {stable_mosaic.version = 14 : i64} {
  func.func @_seg(%arg0: i32, %arg1: i32, %arg2: memref<10000x128xf32, #tpu.memory_space<hbm>>, %arg3: memref<32x250x40xi32, #tpu.memory_space<hbm>>, %arg4: memref<32x250x40xi32, #tpu.memory_space<hbm>>, %arg5: memref<2x10000x128xf32, #tpu.memory_space<hbm>>, %arg6: memref<250x40xi32, #tpu.memory_space<vmem>>, %arg7: memref<250x40xi32, #tpu.memory_space<vmem>>, %arg8: memref<40x128xf32, #tpu.memory_space<vmem>>, %arg9: memref<40x128xf32, #tpu.memory_space<vmem>>, %arg10: memref<40x128xf32, #tpu.memory_space<vmem>>, %arg11: memref<40x128xf32, #tpu.memory_space<vmem>>, %arg12: memref<40x128xf32, #tpu.memory_space<vmem>>, %arg13: memref<40x128xf32, #tpu.memory_space<vmem>>, %arg14: memref<10000x128xf32, #tpu.memory_space<vmem_shared>>, %arg15: memref<!tpu.dma_semaphore, #tpu.memory_space<semaphore_mem>>, %arg16: memref<!tpu.dma_semaphore, #tpu.memory_space<semaphore_mem>>, %arg17: memref<!tpu.dma_semaphore, #tpu.memory_space<semaphore_mem>>, %arg18: memref<!tpu.dma_semaphore, #tpu.memory_space<semaphore_mem>>, %arg19: memref<!tpu.dma_semaphore, #tpu.memory_space<semaphore_mem>>, %arg20: memref<!tpu.dma_semaphore, #tpu.memory_space<semaphore_mem>>, %arg21: memref<!tpu.dma_semaphore, #tpu.memory_space<semaphore_mem>>, %arg22: memref<!tpu.dma_semaphore, #tpu.memory_space<semaphore_mem>>, %arg23: memref<!tpu.dma_semaphore, #tpu.memory_space<semaphore_mem>>, %arg24: memref<!tpu.dma_semaphore, #tpu.memory_space<semaphore_mem>>, %arg25: memref<!tpu.dma_semaphore, #tpu.memory_space<semaphore_mem>>, %arg26: memref<!tpu.dma_semaphore, #tpu.memory_space<semaphore_mem>>, %arg27: memref<!tpu.dma_semaphore, #tpu.memory_space<semaphore_mem>>, %arg28: memref<!tpu.dma_semaphore, #tpu.memory_space<semaphore_mem>>) attributes {dimension_semantics = [#tpu.dimension_semantics<core_parallel>, #tpu.dimension_semantics<subcore_parallel>], iteration_bounds = array<i64: 2, 16>, scalar_prefetch = 0 : i64, scratch_operands = 23 : i64, tpu.core_type = #tpu.core_type<sc_vector_subcore>, window_params = [{transform_indices = #map}, {transform_indices = #map1}, {transform_indices = #map1}, {transform_indices = #map1}]} {
    %mul3A = arith.constant 2 : i32
    %mul3A_0 = arith.muli %arg1, %mul3A : i32
    %add3A = arith.addi %mul3A_0, %arg0 : i32
    %dma_start3A = arith.constant 0 : i32
    %dma_start3A_1 = arith.constant 0 : i32
    %dma_start3A_2 = tpu.memref_slice %arg3[%add3A, %dma_start3A, %dma_start3A_1] : memref<32x250x40xi32, #tpu.memory_space<hbm>> -> memref<1x250x40xi32, #tpu.memory_space<hbm>>
    %dma_start3A_3 = tpu.memref_squeeze %dma_start3A_2 : memref<1x250x40xi32, #tpu.memory_space<hbm>> -> memref<250x40xi32, #tpu.memory_space<hbm>>
    %dma_start3A_4 = arith.constant 0 : i32
    %dma_start3A_5 = arith.constant 0 : i32
    %dma_start3A_6 = tpu.memref_slice %arg3[%add3A, %dma_start3A_4, %dma_start3A_5] : memref<32x250x40xi32, #tpu.memory_space<hbm>> -> memref<1x250x40xi32, #tpu.memory_space<hbm>>
    %dma_start3A_7 = tpu.memref_squeeze %dma_start3A_6 : memref<1x250x40xi32, #tpu.memory_space<hbm>> -> memref<250x40xi32, #tpu.memory_space<hbm>>
    tpu.enqueue_dma source(%dma_start3A_7 : memref<250x40xi32, #tpu.memory_space<hbm>>) target(%arg6 : memref<250x40xi32, #tpu.memory_space<vmem>>) target_semaphore(%arg27 : memref<!tpu.dma_semaphore, #tpu.memory_space<semaphore_mem>>)
    %dma_start3A_8 = arith.constant 0 : i32
    %dma_start3A_9 = arith.constant 0 : i32
    %dma_start3A_10 = tpu.memref_slice %arg4[%add3A, %dma_start3A_8, %dma_start3A_9] : memref<32x250x40xi32, #tpu.memory_space<hbm>> -> memref<1x250x40xi32, #tpu.memory_space<hbm>>
    %dma_start3A_11 = tpu.memref_squeeze %dma_start3A_10 : memref<1x250x40xi32, #tpu.memory_space<hbm>> -> memref<250x40xi32, #tpu.memory_space<hbm>>
    %dma_start3A_12 = arith.constant 0 : i32
    %dma_start3A_13 = arith.constant 0 : i32
    %dma_start3A_14 = tpu.memref_slice %arg4[%add3A, %dma_start3A_12, %dma_start3A_13] : memref<32x250x40xi32, #tpu.memory_space<hbm>> -> memref<1x250x40xi32, #tpu.memory_space<hbm>>
    %dma_start3A_15 = tpu.memref_squeeze %dma_start3A_14 : memref<1x250x40xi32, #tpu.memory_space<hbm>> -> memref<250x40xi32, #tpu.memory_space<hbm>>
    tpu.enqueue_dma source(%dma_start3A_15 : memref<250x40xi32, #tpu.memory_space<hbm>>) target(%arg7 : memref<250x40xi32, #tpu.memory_space<vmem>>) target_semaphore(%arg28 : memref<!tpu.dma_semaphore, #tpu.memory_space<semaphore_mem>>)
    %broadcast_in_dim3A = arith.constant 0.000000e+00 : f32
    %broadcast_in_dim3A_16 = vector.broadcast %broadcast_in_dim3A : f32 to vector<16xf32>
    %scan3A = arith.constant 0 : i32
    %scan3A_17 = arith.constant 0 : i32
    %scan3A_18 = arith.constant 320 : i32
    %scan3A_19 = arith.addi %scan3A_17, %scan3A_18 : i32
    %scan3A_20 = arith.constant 1 : i32
    scf.for %scan3A_105 = %scan3A_17 to %scan3A_19 step %scan3A_20  : i32 {
      %jit3A = arith.constant 8 : i32
      %div3A = arith.divsi %scan3A_105, %jit3A : i32
      %sign3A = arith.constant 0 : i32
      %sign3A_106 = arith.cmpi sgt, %scan3A_105, %sign3A : i32
      %sign3A_107 = arith.extui %sign3A_106 : i1 to i32
      %sign3A_108 = arith.constant 0 : i32
      %sign3A_109 = arith.cmpi slt, %scan3A_105, %sign3A_108 : i32
      %sign3A_110 = arith.extui %sign3A_109 : i1 to i32
      %sign3A_111 = arith.subi %sign3A_107, %sign3A_110 : i32
      %sign3A_112 = arith.constant 0 : i32
      %sign3A_113 = arith.cmpi sgt, %jit3A, %sign3A_112 : i32
      %sign3A_114 = arith.extui %sign3A_113 : i1 to i32
      %sign3A_115 = arith.constant 0 : i32
      %sign3A_116 = arith.cmpi slt, %jit3A, %sign3A_115 : i32
      %sign3A_117 = arith.extui %sign3A_116 : i1 to i32
      %sign3A_118 = arith.subi %sign3A_114, %sign3A_117 : i32
      %ne3A_119 = arith.cmpi ne, %sign3A_111, %sign3A_118 : i32
      %rem3A = arith.remsi %scan3A_105, %jit3A : i32
      %ne3A_120 = arith.constant 0 : i32
      %ne3A_121 = arith.cmpi ne, %rem3A, %ne3A_120 : i32
      %and3A = arith.andi %ne3A_119, %ne3A_121 : i1
      %sub3A = arith.constant 1 : i32
      %sub3A_122 = arith.subi %div3A, %sub3A : i32
      %select_n3A = arith.select %and3A, %sub3A_122, %div3A : i32
      %jit3A_123 = arith.constant 8 : i32
      %eq3A_124 = arith.constant 0 : i32
      %eq3A_125 = arith.cmpi eq, %jit3A_123, %eq3A_124 : i32
      %jit3A_126 = arith.constant 1 : i32
      %select_n3A_127 = arith.select %eq3A_125, %jit3A_126, %jit3A_123 : i32
      %rem3A_128 = arith.remsi %scan3A_105, %select_n3A_127 : i32
      %ne3A_129 = arith.constant 0 : i32
      %ne3A_130 = arith.cmpi ne, %rem3A_128, %ne3A_129 : i32
      %lt3A = arith.constant 0 : i32
      %lt3A_131 = arith.cmpi slt, %rem3A_128, %lt3A : i32
      %lt3A_132 = arith.constant 0 : i32
      %lt3A_133 = arith.cmpi slt, %select_n3A_127, %lt3A_132 : i32
      %ne3A_134 = arith.xori %lt3A_131, %lt3A_133 : i1
      %and3A_135 = arith.andi %ne3A_134, %ne3A_130 : i1
      %add3A_136 = arith.addi %rem3A_128, %select_n3A_127 : i32
      %select_n3A_137 = arith.select %and3A_135, %add3A_136, %rem3A_128 : i32
      %mul3A_138 = arith.constant 16 : i32
      %mul3A_139 = arith.muli %select_n3A_137, %mul3A_138 : i32
      %swap3A = arith.index_cast %select_n3A : i32 to index
      %swap3A_140 = arith.index_cast %mul3A_139 : i32 to index
      %swap3A_141 = tpu.vector_load %arg13[%swap3A, %swap3A_140] {strides = array<i32>} : memref<40x128xf32, #tpu.memory_space<vmem>>, vector<16xf32>,
      tpu.vector_store %arg13[%swap3A, %swap3A_140], %broadcast_in_dim3A_16 {strides = array<i32>} : memref<40x128xf32, #tpu.memory_space<vmem>>, vector<16xf32>,
    }
    %scan3A_21 = arith.constant 320 : i32
    %mul3A_22 = arith.constant 624 : i32
    %mul3A_23 = arith.muli %arg1, %mul3A_22 : i32
    %scan3A_24 = arith.constant 0 : i32
    %scan3A_25 = arith.constant 0 : i32
    %scan3A_26 = arith.constant 39 : i32
    %scan3A_27 = arith.addi %scan3A_25, %scan3A_26 : i32
    %scan3A_28 = arith.constant 1 : i32
    scf.for %scan3A_105 = %scan3A_25 to %scan3A_27 step %scan3A_28  : i32 {
      %mul3A_106 = arith.constant 16 : i32
      %mul3A_107 = arith.muli %scan3A_105, %mul3A_106 : i32
      %add3A_108 = arith.addi %mul3A_23, %mul3A_107 : i32
      "tpu.region"() ({
        %run_scoped3A = tpu.sem_alloc : memref<!tpu.dma_semaphore, #tpu.memory_space<semaphore_mem>>
        %dma_start3A_109 = arith.constant 0 : i32
        %dma_start3A_110 = arith.constant 0 : i32
        %dma_start3A_111 = tpu.memref_slice %arg13[%dma_start3A_109, %dma_start3A_110] : memref<40x128xf32, #tpu.memory_space<vmem>> -> memref<16x128xf32, #tpu.memory_space<vmem>>
        %dma_start3A_112 = arith.constant 0 : i32
        %dma_start3A_113 = tpu.memref_slice %arg14[%add3A_108, %dma_start3A_112] : memref<10000x128xf32, #tpu.memory_space<vmem_shared>> -> memref<16x128xf32, #tpu.memory_space<vmem_shared>>
        %dma_start3A_114 = arith.constant 0 : i32
        %dma_start3A_115 = tpu.memref_slice %arg14[%add3A_108, %dma_start3A_114] : memref<10000x128xf32, #tpu.memory_space<vmem_shared>> -> memref<16x128xf32, #tpu.memory_space<vmem_shared>>
        %dma_start3A_116 = arith.constant 0 : i32
        %dma_start3A_117 = arith.constant 0 : i32
        %dma_start3A_118 = tpu.memref_slice %arg13[%dma_start3A_116, %dma_start3A_117] : memref<40x128xf32, #tpu.memory_space<vmem>> -> memref<16x128xf32, #tpu.memory_space<vmem>>
        tpu.enqueue_dma source(%dma_start3A_118 : memref<16x128xf32, #tpu.memory_space<vmem>>) target(%dma_start3A_115 : memref<16x128xf32, #tpu.memory_space<vmem_shared>>) target_semaphore(%run_scoped3A : memref<!tpu.dma_semaphore, #tpu.memory_space<semaphore_mem>>)
        %dma_wait3A_119 = arith.constant 0 : i32
        %dma_wait3A_120 = arith.constant 0 : i32
        %dma_wait3A_121 = tpu.memref_slice %arg13[%dma_wait3A_119, %dma_wait3A_120] : memref<40x128xf32, #tpu.memory_space<vmem>> -> memref<16x128xf32, #tpu.memory_space<vmem>>
        %dma_wait3A_122 = arith.constant 0 : i32
        %dma_wait3A_123 = tpu.memref_slice %arg14[%add3A_108, %dma_wait3A_122] : memref<10000x128xf32, #tpu.memory_space<vmem_shared>> -> memref<16x128xf32, #tpu.memory_space<vmem_shared>>
        %dma_wait3A_124 = arith.constant 0 : i32
        %dma_wait3A_125 = tpu.memref_slice %arg14[%add3A_108, %dma_wait3A_124] : memref<10000x128xf32, #tpu.memory_space<vmem_shared>> -> memref<16x128xf32, #tpu.memory_space<vmem_shared>>
        %dma_wait3A_126 = arith.constant 0 : i32
        %dma_wait3A_127 = arith.constant 0 : i32
        %dma_wait3A_128 = tpu.memref_slice %arg13[%dma_wait3A_126, %dma_wait3A_127] : memref<40x128xf32, #tpu.memory_space<vmem>> -> memref<16x128xf32, #tpu.memory_space<vmem>>
        tpu.wait_dma2 semaphore(%run_scoped3A : memref<!tpu.dma_semaphore, #tpu.memory_space<semaphore_mem>>) src(%dma_wait3A_128 : memref<16x128xf32, #tpu.memory_space<vmem>>) dst(%dma_wait3A_125 : memref<16x128xf32, #tpu.memory_space<vmem_shared>>)
        tpu.yield
      }) : () -> ()
    }
    %scan3A_29 = arith.constant 39 : i32
    %eq3A = arith.constant 15 : i32
    %eq3A_30 = arith.cmpi eq, %arg1, %eq3A : i32
    %convert_element_type3A = arith.extui %eq3A_30 : i1 to i32
    %cond3A = arith.constant 0 : i32
    %cond3A_31 = arith.cmpi ne, %convert_element_type3A, %cond3A : i32
    scf.if %cond3A_31 {
      %scan3A_105 = arith.constant 0 : i32
      %scan3A_106 = arith.constant 39 : i32
      %mul3A_107 = arith.constant 16 : i32
      %mul3A_108 = arith.muli %scan3A_106, %mul3A_107 : i32
      %add3A_109 = arith.addi %mul3A_23, %mul3A_108 : i32
      "tpu.region"() ({
        %run_scoped3A = tpu.sem_alloc : memref<!tpu.dma_semaphore, #tpu.memory_space<semaphore_mem>>
        %dma_start3A_111 = arith.constant 0 : i32
        %dma_start3A_112 = arith.constant 0 : i32
        %dma_start3A_113 = tpu.memref_slice %arg13[%dma_start3A_111, %dma_start3A_112] : memref<40x128xf32, #tpu.memory_space<vmem>> -> memref<16x128xf32, #tpu.memory_space<vmem>>
        %dma_start3A_114 = arith.constant 0 : i32
        %dma_start3A_115 = tpu.memref_slice %arg14[%add3A_109, %dma_start3A_114] : memref<10000x128xf32, #tpu.memory_space<vmem_shared>> -> memref<16x128xf32, #tpu.memory_space<vmem_shared>>
        %dma_start3A_116 = arith.constant 0 : i32
        %dma_start3A_117 = tpu.memref_slice %arg14[%add3A_109, %dma_start3A_116] : memref<10000x128xf32, #tpu.memory_space<vmem_shared>> -> memref<16x128xf32, #tpu.memory_space<vmem_shared>>
        %dma_start3A_118 = arith.constant 0 : i32
        %dma_start3A_119 = arith.constant 0 : i32
        %dma_start3A_120 = tpu.memref_slice %arg13[%dma_start3A_118, %dma_start3A_119] : memref<40x128xf32, #tpu.memory_space<vmem>> -> memref<16x128xf32, #tpu.memory_space<vmem>>
        tpu.enqueue_dma source(%dma_start3A_120 : memref<16x128xf32, #tpu.memory_space<vmem>>) target(%dma_start3A_117 : memref<16x128xf32, #tpu.memory_space<vmem_shared>>) target_semaphore(%run_scoped3A : memref<!tpu.dma_semaphore, #tpu.memory_space<semaphore_mem>>)
        %dma_wait3A_121 = arith.constant 0 : i32
        %dma_wait3A_122 = arith.constant 0 : i32
        %dma_wait3A_123 = tpu.memref_slice %arg13[%dma_wait3A_121, %dma_wait3A_122] : memref<40x128xf32, #tpu.memory_space<vmem>> -> memref<16x128xf32, #tpu.memory_space<vmem>>
        %dma_wait3A_124 = arith.constant 0 : i32
        %dma_wait3A_125 = tpu.memref_slice %arg14[%add3A_109, %dma_wait3A_124] : memref<10000x128xf32, #tpu.memory_space<vmem_shared>> -> memref<16x128xf32, #tpu.memory_space<vmem_shared>>
        %dma_wait3A_126 = arith.constant 0 : i32
        %dma_wait3A_127 = tpu.memref_slice %arg14[%add3A_109, %dma_wait3A_126] : memref<10000x128xf32, #tpu.memory_space<vmem_shared>> -> memref<16x128xf32, #tpu.memory_space<vmem_shared>>
        %dma_wait3A_128 = arith.constant 0 : i32
        %dma_wait3A_129 = arith.constant 0 : i32
        %dma_wait3A_130 = tpu.memref_slice %arg13[%dma_wait3A_128, %dma_wait3A_129] : memref<40x128xf32, #tpu.memory_space<vmem>> -> memref<16x128xf32, #tpu.memory_space<vmem>>
        tpu.wait_dma2 semaphore(%run_scoped3A : memref<!tpu.dma_semaphore, #tpu.memory_space<semaphore_mem>>) src(%dma_wait3A_130 : memref<16x128xf32, #tpu.memory_space<vmem>>) dst(%dma_wait3A_127 : memref<16x128xf32, #tpu.memory_space<vmem_shared>>)
        tpu.yield
      }) : () -> ()
      %scan3A_110 = arith.constant 1 : i32
    } else {
    }
    %dma_wait3A = arith.constant 0 : i32
    %dma_wait3A_32 = arith.constant 0 : i32
    %dma_wait3A_33 = tpu.memref_slice %arg3[%add3A, %dma_wait3A, %dma_wait3A_32] : memref<32x250x40xi32, #tpu.memory_space<hbm>> -> memref<1x250x40xi32, #tpu.memory_space<hbm>>
    %dma_wait3A_34 = tpu.memref_squeeze %dma_wait3A_33 : memref<1x250x40xi32, #tpu.memory_space<hbm>> -> memref<250x40xi32, #tpu.memory_space<hbm>>
    %dma_wait3A_35 = arith.constant 0 : i32
    %dma_wait3A_36 = arith.constant 0 : i32
    %dma_wait3A_37 = tpu.memref_slice %arg3[%add3A, %dma_wait3A_35, %dma_wait3A_36] : memref<32x250x40xi32, #tpu.memory_space<hbm>> -> memref<1x250x40xi32, #tpu.memory_space<hbm>>
    %dma_wait3A_38 = tpu.memref_squeeze %dma_wait3A_37 : memref<1x250x40xi32, #tpu.memory_space<hbm>> -> memref<250x40xi32, #tpu.memory_space<hbm>>
    tpu.wait_dma2 semaphore(%arg27 : memref<!tpu.dma_semaphore, #tpu.memory_space<semaphore_mem>>) src(%dma_wait3A_38 : memref<250x40xi32, #tpu.memory_space<hbm>>) dst(%arg6 : memref<250x40xi32, #tpu.memory_space<vmem>>)
    %dma_wait3A_39 = arith.constant 0 : i32
    %dma_wait3A_40 = arith.constant 0 : i32
    %dma_wait3A_41 = tpu.memref_slice %arg4[%add3A, %dma_wait3A_39, %dma_wait3A_40] : memref<32x250x40xi32, #tpu.memory_space<hbm>> -> memref<1x250x40xi32, #tpu.memory_space<hbm>>
    %dma_wait3A_42 = tpu.memref_squeeze %dma_wait3A_41 : memref<1x250x40xi32, #tpu.memory_space<hbm>> -> memref<250x40xi32, #tpu.memory_space<hbm>>
    %dma_wait3A_43 = arith.constant 0 : i32
    %dma_wait3A_44 = arith.constant 0 : i32
    %dma_wait3A_45 = tpu.memref_slice %arg4[%add3A, %dma_wait3A_43, %dma_wait3A_44] : memref<32x250x40xi32, #tpu.memory_space<hbm>> -> memref<1x250x40xi32, #tpu.memory_space<hbm>>
    %dma_wait3A_46 = tpu.memref_squeeze %dma_wait3A_45 : memref<1x250x40xi32, #tpu.memory_space<hbm>> -> memref<250x40xi32, #tpu.memory_space<hbm>>
    tpu.wait_dma2 semaphore(%arg28 : memref<!tpu.dma_semaphore, #tpu.memory_space<semaphore_mem>>) src(%dma_wait3A_46 : memref<250x40xi32, #tpu.memory_space<hbm>>) dst(%arg7 : memref<250x40xi32, #tpu.memory_space<vmem>>)
    %barrier3A = arith.constant 0 : index
    tpu.barrier barrier_id(%barrier3A)
    %dma_start3A_47 = arith.constant 0 : i32
    %dma_start3A_48 = arith.constant 0 : i32
    %dma_start3A_49 = tpu.memref_slice %arg6[%dma_start3A_47, %dma_start3A_48] : memref<250x40xi32, #tpu.memory_space<vmem>> -> memref<1x40xi32, #tpu.memory_space<vmem>>
    %dma_start3A_50 = tpu.memref_squeeze %dma_start3A_49 : memref<1x40xi32, #tpu.memory_space<vmem>> -> memref<40xi32, #tpu.memory_space<vmem>>
    %dma_start3A_51 = arith.constant 0 : i32
    %dma_start3A_52 = arith.constant 0 : i32
    %dma_start3A_53 = tpu.memref_slice %arg2[%dma_start3A_51, %dma_start3A_52] : memref<10000x128xf32, #tpu.memory_space<hbm>> -> memref<10000x128xf32, #tpu.memory_space<hbm>>
    tpu.enqueue_indirect_dma source(%dma_start3A_53 : memref<10000x128xf32, #tpu.memory_space<hbm>>) target(%arg8 : memref<40x128xf32, #tpu.memory_space<vmem>>) offsets(%dma_start3A_50 : memref<40xi32, #tpu.memory_space<vmem>>) semaphore(%arg15 : memref<!tpu.dma_semaphore, #tpu.memory_space<semaphore_mem>>)
    %dma_start3A_54 = arith.constant 1 : i32
    %dma_start3A_55 = arith.constant 0 : i32
    %dma_start3A_56 = tpu.memref_slice %arg6[%dma_start3A_54, %dma_start3A_55] : memref<250x40xi32, #tpu.memory_space<vmem>> -> memref<1x40xi32, #tpu.memory_space<vmem>>
    %dma_start3A_57 = tpu.memref_squeeze %dma_start3A_56 : memref<1x40xi32, #tpu.memory_space<vmem>> -> memref<40xi32, #tpu.memory_space<vmem>>
    %dma_start3A_58 = arith.constant 0 : i32
    %dma_start3A_59 = arith.constant 0 : i32
    %dma_start3A_60 = tpu.memref_slice %arg2[%dma_start3A_58, %dma_start3A_59] : memref<10000x128xf32, #tpu.memory_space<hbm>> -> memref<10000x128xf32, #tpu.memory_space<hbm>>
    tpu.enqueue_indirect_dma source(%dma_start3A_60 : memref<10000x128xf32, #tpu.memory_space<hbm>>) target(%arg9 : memref<40x128xf32, #tpu.memory_space<vmem>>) offsets(%dma_start3A_57 : memref<40xi32, #tpu.memory_space<vmem>>) semaphore(%arg16 : memref<!tpu.dma_semaphore, #tpu.memory_space<semaphore_mem>>)
    %dma_start3A_61 = arith.constant 2 : i32
    %dma_start3A_62 = arith.constant 0 : i32
    %dma_start3A_63 = tpu.memref_slice %arg6[%dma_start3A_61, %dma_start3A_62] : memref<250x40xi32, #tpu.memory_space<vmem>> -> memref<1x40xi32, #tpu.memory_space<vmem>>
    %dma_start3A_64 = tpu.memref_squeeze %dma_start3A_63 : memref<1x40xi32, #tpu.memory_space<vmem>> -> memref<40xi32, #tpu.memory_space<vmem>>
    %dma_start3A_65 = arith.constant 0 : i32
    %dma_start3A_66 = arith.constant 0 : i32
    %dma_start3A_67 = tpu.memref_slice %arg2[%dma_start3A_65, %dma_start3A_66] : memref<10000x128xf32, #tpu.memory_space<hbm>> -> memref<10000x128xf32, #tpu.memory_space<hbm>>
    tpu.enqueue_indirect_dma source(%dma_start3A_67 : memref<10000x128xf32, #tpu.memory_space<hbm>>) target(%arg10 : memref<40x128xf32, #tpu.memory_space<vmem>>) offsets(%dma_start3A_64 : memref<40xi32, #tpu.memory_space<vmem>>) semaphore(%arg17 : memref<!tpu.dma_semaphore, #tpu.memory_space<semaphore_mem>>)
    %dma_start3A_68 = arith.constant 3 : i32
    %dma_start3A_69 = arith.constant 0 : i32
    %dma_start3A_70 = tpu.memref_slice %arg6[%dma_start3A_68, %dma_start3A_69] : memref<250x40xi32, #tpu.memory_space<vmem>> -> memref<1x40xi32, #tpu.memory_space<vmem>>
    %dma_start3A_71 = tpu.memref_squeeze %dma_start3A_70 : memref<1x40xi32, #tpu.memory_space<vmem>> -> memref<40xi32, #tpu.memory_space<vmem>>
    %dma_start3A_72 = arith.constant 0 : i32
    %dma_start3A_73 = arith.constant 0 : i32
    %dma_start3A_74 = tpu.memref_slice %arg2[%dma_start3A_72, %dma_start3A_73] : memref<10000x128xf32, #tpu.memory_space<hbm>> -> memref<10000x128xf32, #tpu.memory_space<hbm>>
    tpu.enqueue_indirect_dma source(%dma_start3A_74 : memref<10000x128xf32, #tpu.memory_space<hbm>>) target(%arg11 : memref<40x128xf32, #tpu.memory_space<vmem>>) offsets(%dma_start3A_71 : memref<40xi32, #tpu.memory_space<vmem>>) semaphore(%arg18 : memref<!tpu.dma_semaphore, #tpu.memory_space<semaphore_mem>>)
    %dma_start3A_75 = arith.constant 4 : i32
    %dma_start3A_76 = arith.constant 0 : i32
    %dma_start3A_77 = tpu.memref_slice %arg6[%dma_start3A_75, %dma_start3A_76] : memref<250x40xi32, #tpu.memory_space<vmem>> -> memref<1x40xi32, #tpu.memory_space<vmem>>
    %dma_start3A_78 = tpu.memref_squeeze %dma_start3A_77 : memref<1x40xi32, #tpu.memory_space<vmem>> -> memref<40xi32, #tpu.memory_space<vmem>>
    %dma_start3A_79 = arith.constant 0 : i32
    %dma_start3A_80 = arith.constant 0 : i32
    %dma_start3A_81 = tpu.memref_slice %arg2[%dma_start3A_79, %dma_start3A_80] : memref<10000x128xf32, #tpu.memory_space<hbm>> -> memref<10000x128xf32, #tpu.memory_space<hbm>>
    tpu.enqueue_indirect_dma source(%dma_start3A_81 : memref<10000x128xf32, #tpu.memory_space<hbm>>) target(%arg12 : memref<40x128xf32, #tpu.memory_space<vmem>>) offsets(%dma_start3A_78 : memref<40xi32, #tpu.memory_space<vmem>>) semaphore(%arg19 : memref<!tpu.dma_semaphore, #tpu.memory_space<semaphore_mem>>)
    %scan3A_82 = arith.constant 0 : i32
    %scan3A_83 = arith.constant 0 : i32
    %scan3A_84 = arith.constant 250 : i32
    %scan3A_85 = arith.addi %scan3A_83, %scan3A_84 : i32
    %scan3A_86 = arith.constant 1 : i32
    scf.for %scan3A_105 = %scan3A_83 to %scan3A_85 step %scan3A_86  : i32 {
      %jit3A = arith.constant 6 : i32
      %eq3A_106 = arith.constant 0 : i32
      %eq3A_107 = arith.cmpi eq, %jit3A, %eq3A_106 : i32
      %jit3A_108 = arith.constant 1 : i32
      %select_n3A = arith.select %eq3A_107, %jit3A_108, %jit3A : i32
      %rem3A = arith.remsi %scan3A_105, %select_n3A : i32
      %ne3A_109 = arith.constant 0 : i32
      %ne3A_110 = arith.cmpi ne, %rem3A, %ne3A_109 : i32
      %lt3A = arith.constant 0 : i32
      %lt3A_111 = arith.cmpi slt, %rem3A, %lt3A : i32
      %lt3A_112 = arith.constant 0 : i32
      %lt3A_113 = arith.cmpi slt, %select_n3A, %lt3A_112 : i32
      %ne3A_114 = arith.xori %lt3A_111, %lt3A_113 : i1
      %and3A = arith.andi %ne3A_114, %ne3A_110 : i1
      %add3A_115 = arith.addi %rem3A, %select_n3A : i32
      %select_n3A_116 = arith.select %and3A, %add3A_115, %rem3A : i32
      %eq3A_117 = arith.constant 0 : i32
      %eq3A_118 = arith.cmpi eq, %select_n3A_116, %eq3A_117 : i32
      %convert_element_type3A_119 = arith.extui %eq3A_118 : i1 to i32
      %cond3A_120 = arith.constant 0 : i32
      %cond3A_121 = arith.cmpi ne, %convert_element_type3A_119, %cond3A_120 : i32
      scf.if %cond3A_121 {
        %dma_wait3A_227 = arith.constant 0 : i32
        %dma_wait3A_228 = tpu.memref_slice %arg6[%scan3A_105, %dma_wait3A_227] : memref<250x40xi32, #tpu.memory_space<vmem>> -> memref<1x40xi32, #tpu.memory_space<vmem>>
        %dma_wait3A_229 = tpu.memref_squeeze %dma_wait3A_228 : memref<1x40xi32, #tpu.memory_space<vmem>> -> memref<40xi32, #tpu.memory_space<vmem>>
        %dma_wait3A_230 = arith.constant 0 : i32
        %dma_wait3A_231 = arith.constant 0 : i32
        %dma_wait3A_232 = tpu.memref_slice %arg2[%dma_wait3A_230, %dma_wait3A_231] : memref<10000x128xf32, #tpu.memory_space<hbm>> -> memref<10000x128xf32, #tpu.memory_space<hbm>>
        tpu.wait_indirect_dma semaphore(%arg15 : memref<!tpu.dma_semaphore, #tpu.memory_space<semaphore_mem>>) src(%dma_wait3A_232 : memref<10000x128xf32, #tpu.memory_space<hbm>>) dst(%arg8 : memref<40x128xf32, #tpu.memory_space<vmem>>)
        %dma_start3A_233 = arith.constant 0 : i32
        %dma_start3A_234 = tpu.memref_slice %arg7[%scan3A_105, %dma_start3A_233] : memref<250x40xi32, #tpu.memory_space<vmem>> -> memref<1x40xi32, #tpu.memory_space<vmem>>
        %dma_start3A_235 = tpu.memref_squeeze %dma_start3A_234 : memref<1x40xi32, #tpu.memory_space<vmem>> -> memref<40xi32, #tpu.memory_space<vmem>>
        %dma_start3A_236 = arith.constant 0 : i32
        %dma_start3A_237 = arith.constant 0 : i32
        %dma_start3A_238 = tpu.memref_slice %arg14[%dma_start3A_236, %dma_start3A_237] : memref<10000x128xf32, #tpu.memory_space<vmem_shared>> -> memref<10000x128xf32, #tpu.memory_space<vmem_shared>>
        tpu.enqueue_indirect_dma source(%arg8 : memref<40x128xf32, #tpu.memory_space<vmem>>) target(%dma_start3A_238 : memref<10000x128xf32, #tpu.memory_space<vmem_shared>>) offsets(%dma_start3A_235 : memref<40xi32, #tpu.memory_space<vmem>>) semaphore(%arg21 : memref<!tpu.dma_semaphore, #tpu.memory_space<semaphore_mem>>) {add = true}
        %ge3A = arith.constant 1 : i32
        %ge3A_239 = arith.cmpi sge, %scan3A_105, %ge3A : i32
        %convert_element_type3A_240 = arith.extui %ge3A_239 : i1 to i32
        %cond3A_241 = arith.constant 0 : i32
        %cond3A_242 = arith.cmpi ne, %convert_element_type3A_240, %cond3A_241 : i32
        scf.if %cond3A_242 {
          %sub3A = arith.constant 1 : i32
          %sub3A_250 = arith.subi %scan3A_105, %sub3A : i32
          %dma_wait3A_251 = arith.constant 0 : i32
          %dma_wait3A_252 = tpu.memref_slice %arg7[%sub3A_250, %dma_wait3A_251] : memref<250x40xi32, #tpu.memory_space<vmem>> -> memref<1x40xi32, #tpu.memory_space<vmem>>
          %dma_wait3A_253 = tpu.memref_squeeze %dma_wait3A_252 : memref<1x40xi32, #tpu.memory_space<vmem>> -> memref<40xi32, #tpu.memory_space<vmem>>
          %dma_wait3A_254 = arith.constant 0 : i32
          %dma_wait3A_255 = arith.constant 0 : i32
          %dma_wait3A_256 = tpu.memref_slice %arg14[%dma_wait3A_254, %dma_wait3A_255] : memref<10000x128xf32, #tpu.memory_space<vmem_shared>> -> memref<10000x128xf32, #tpu.memory_space<vmem_shared>>
          tpu.wait_indirect_dma semaphore(%arg26 : memref<!tpu.dma_semaphore, #tpu.memory_space<semaphore_mem>>) src(%arg13 : memref<40x128xf32, #tpu.memory_space<vmem>>) dst(%dma_wait3A_256 : memref<10000x128xf32, #tpu.memory_space<vmem_shared>>)
        } else {
        }
        %add3A_243 = arith.constant 5 : i32
        %add3A_244 = arith.addi %scan3A_105, %add3A_243 : i32
        %lt3A_245 = arith.constant 250 : i32
        %lt3A_246 = arith.cmpi slt, %add3A_244, %lt3A_245 : i32
        %convert_element_type3A_247 = arith.extui %lt3A_246 : i1 to i32
        %cond3A_248 = arith.constant 0 : i32
        %cond3A_249 = arith.cmpi ne, %convert_element_type3A_247, %cond3A_248 : i32
        scf.if %cond3A_249 {
          %add3A_250 = arith.constant 5 : i32
          %add3A_251 = arith.addi %scan3A_105, %add3A_250 : i32
          %dma_start3A_252 = arith.constant 0 : i32
          %dma_start3A_253 = tpu.memref_slice %arg6[%add3A_251, %dma_start3A_252] : memref<250x40xi32, #tpu.memory_space<vmem>> -> memref<1x40xi32, #tpu.memory_space<vmem>>
          %dma_start3A_254 = tpu.memref_squeeze %dma_start3A_253 : memref<1x40xi32, #tpu.memory_space<vmem>> -> memref<40xi32, #tpu.memory_space<vmem>>
          %dma_start3A_255 = arith.constant 0 : i32
          %dma_start3A_256 = arith.constant 0 : i32
          %dma_start3A_257 = tpu.memref_slice %arg2[%dma_start3A_255, %dma_start3A_256] : memref<10000x128xf32, #tpu.memory_space<hbm>> -> memref<10000x128xf32, #tpu.memory_space<hbm>>
          tpu.enqueue_indirect_dma source(%dma_start3A_257 : memref<10000x128xf32, #tpu.memory_space<hbm>>) target(%arg13 : memref<40x128xf32, #tpu.memory_space<vmem>>) offsets(%dma_start3A_254 : memref<40xi32, #tpu.memory_space<vmem>>) semaphore(%arg20 : memref<!tpu.dma_semaphore, #tpu.memory_space<semaphore_mem>>)
        } else {
        }
      } else {
      }
      %jit3A_122 = arith.constant 6 : i32
      %eq3A_123 = arith.constant 0 : i32
      %eq3A_124 = arith.cmpi eq, %jit3A_122, %eq3A_123 : i32
      %jit3A_125 = arith.constant 1 : i32
      %select_n3A_126 = arith.select %eq3A_124, %jit3A_125, %jit3A_122 : i32
      %rem3A_127 = arith.remsi %scan3A_105, %select_n3A_126 : i32
      %ne3A_128 = arith.constant 0 : i32
      %ne3A_129 = arith.cmpi ne, %rem3A_127, %ne3A_128 : i32
      %lt3A_130 = arith.constant 0 : i32
      %lt3A_131 = arith.cmpi slt, %rem3A_127, %lt3A_130 : i32
      %lt3A_132 = arith.constant 0 : i32
      %lt3A_133 = arith.cmpi slt, %select_n3A_126, %lt3A_132 : i32
      %ne3A_134 = arith.xori %lt3A_131, %lt3A_133 : i1
      %and3A_135 = arith.andi %ne3A_134, %ne3A_129 : i1
      %add3A_136 = arith.addi %rem3A_127, %select_n3A_126 : i32
      %select_n3A_137 = arith.select %and3A_135, %add3A_136, %rem3A_127 : i32
      %eq3A_138 = arith.constant 1 : i32
      %eq3A_139 = arith.cmpi eq, %select_n3A_137, %eq3A_138 : i32
      %convert_element_type3A_140 = arith.extui %eq3A_139 : i1 to i32
      %cond3A_141 = arith.constant 0 : i32
      %cond3A_142 = arith.cmpi ne, %convert_element_type3A_140, %cond3A_141 : i32
      scf.if %cond3A_142 {
        %dma_wait3A_227 = arith.constant 0 : i32
        %dma_wait3A_228 = tpu.memref_slice %arg6[%scan3A_105, %dma_wait3A_227] : memref<250x40xi32, #tpu.memory_space<vmem>> -> memref<1x40xi32, #tpu.memory_space<vmem>>
        %dma_wait3A_229 = tpu.memref_squeeze %dma_wait3A_228 : memref<1x40xi32, #tpu.memory_space<vmem>> -> memref<40xi32, #tpu.memory_space<vmem>>
        %dma_wait3A_230 = arith.constant 0 : i32
        %dma_wait3A_231 = arith.constant 0 : i32
        %dma_wait3A_232 = tpu.memref_slice %arg2[%dma_wait3A_230, %dma_wait3A_231] : memref<10000x128xf32, #tpu.memory_space<hbm>> -> memref<10000x128xf32, #tpu.memory_space<hbm>>
        tpu.wait_indirect_dma semaphore(%arg16 : memref<!tpu.dma_semaphore, #tpu.memory_space<semaphore_mem>>) src(%dma_wait3A_232 : memref<10000x128xf32, #tpu.memory_space<hbm>>) dst(%arg9 : memref<40x128xf32, #tpu.memory_space<vmem>>)
        %dma_start3A_233 = arith.constant 0 : i32
        %dma_start3A_234 = tpu.memref_slice %arg7[%scan3A_105, %dma_start3A_233] : memref<250x40xi32, #tpu.memory_space<vmem>> -> memref<1x40xi32, #tpu.memory_space<vmem>>
        %dma_start3A_235 = tpu.memref_squeeze %dma_start3A_234 : memref<1x40xi32, #tpu.memory_space<vmem>> -> memref<40xi32, #tpu.memory_space<vmem>>
        %dma_start3A_236 = arith.constant 0 : i32
        %dma_start3A_237 = arith.constant 0 : i32
        %dma_start3A_238 = tpu.memref_slice %arg14[%dma_start3A_236, %dma_start3A_237] : memref<10000x128xf32, #tpu.memory_space<vmem_shared>> -> memref<10000x128xf32, #tpu.memory_space<vmem_shared>>
        tpu.enqueue_indirect_dma source(%arg9 : memref<40x128xf32, #tpu.memory_space<vmem>>) target(%dma_start3A_238 : memref<10000x128xf32, #tpu.memory_space<vmem_shared>>) offsets(%dma_start3A_235 : memref<40xi32, #tpu.memory_space<vmem>>) semaphore(%arg22 : memref<!tpu.dma_semaphore, #tpu.memory_space<semaphore_mem>>) {add = true}
        %ge3A = arith.constant 1 : i32
        %ge3A_239 = arith.cmpi sge, %scan3A_105, %ge3A : i32
        %convert_element_type3A_240 = arith.extui %ge3A_239 : i1 to i32
        %cond3A_241 = arith.constant 0 : i32
        %cond3A_242 = arith.cmpi ne, %convert_element_type3A_240, %cond3A_241 : i32
        scf.if %cond3A_242 {
          %sub3A = arith.constant 1 : i32
          %sub3A_250 = arith.subi %scan3A_105, %sub3A : i32
          %dma_wait3A_251 = arith.constant 0 : i32
          %dma_wait3A_252 = tpu.memref_slice %arg7[%sub3A_250, %dma_wait3A_251] : memref<250x40xi32, #tpu.memory_space<vmem>> -> memref<1x40xi32, #tpu.memory_space<vmem>>
          %dma_wait3A_253 = tpu.memref_squeeze %dma_wait3A_252 : memref<1x40xi32, #tpu.memory_space<vmem>> -> memref<40xi32, #tpu.memory_space<vmem>>
          %dma_wait3A_254 = arith.constant 0 : i32
          %dma_wait3A_255 = arith.constant 0 : i32
          %dma_wait3A_256 = tpu.memref_slice %arg14[%dma_wait3A_254, %dma_wait3A_255] : memref<10000x128xf32, #tpu.memory_space<vmem_shared>> -> memref<10000x128xf32, #tpu.memory_space<vmem_shared>>
          tpu.wait_indirect_dma semaphore(%arg21 : memref<!tpu.dma_semaphore, #tpu.memory_space<semaphore_mem>>) src(%arg8 : memref<40x128xf32, #tpu.memory_space<vmem>>) dst(%dma_wait3A_256 : memref<10000x128xf32, #tpu.memory_space<vmem_shared>>)
        } else {
        }
        %add3A_243 = arith.constant 5 : i32
        %add3A_244 = arith.addi %scan3A_105, %add3A_243 : i32
        %lt3A_245 = arith.constant 250 : i32
        %lt3A_246 = arith.cmpi slt, %add3A_244, %lt3A_245 : i32
        %convert_element_type3A_247 = arith.extui %lt3A_246 : i1 to i32
        %cond3A_248 = arith.constant 0 : i32
        %cond3A_249 = arith.cmpi ne, %convert_element_type3A_247, %cond3A_248 : i32
        scf.if %cond3A_249 {
          %add3A_250 = arith.constant 5 : i32
          %add3A_251 = arith.addi %scan3A_105, %add3A_250 : i32
          %dma_start3A_252 = arith.constant 0 : i32
          %dma_start3A_253 = tpu.memref_slice %arg6[%add3A_251, %dma_start3A_252] : memref<250x40xi32, #tpu.memory_space<vmem>> -> memref<1x40xi32, #tpu.memory_space<vmem>>
          %dma_start3A_254 = tpu.memref_squeeze %dma_start3A_253 : memref<1x40xi32, #tpu.memory_space<vmem>> -> memref<40xi32, #tpu.memory_space<vmem>>
          %dma_start3A_255 = arith.constant 0 : i32
          %dma_start3A_256 = arith.constant 0 : i32
          %dma_start3A_257 = tpu.memref_slice %arg2[%dma_start3A_255, %dma_start3A_256] : memref<10000x128xf32, #tpu.memory_space<hbm>> -> memref<10000x128xf32, #tpu.memory_space<hbm>>
          tpu.enqueue_indirect_dma source(%dma_start3A_257 : memref<10000x128xf32, #tpu.memory_space<hbm>>) target(%arg8 : memref<40x128xf32, #tpu.memory_space<vmem>>) offsets(%dma_start3A_254 : memref<40xi32, #tpu.memory_space<vmem>>) semaphore(%arg15 : memref<!tpu.dma_semaphore, #tpu.memory_space<semaphore_mem>>)
        } else {
        }
      } else {
      }
      %jit3A_143 = arith.constant 6 : i32
      %eq3A_144 = arith.constant 0 : i32
      %eq3A_145 = arith.cmpi eq, %jit3A_143, %eq3A_144 : i32
      %jit3A_146 = arith.constant 1 : i32
      %select_n3A_147 = arith.select %eq3A_145, %jit3A_146, %jit3A_143 : i32
      %rem3A_148 = arith.remsi %scan3A_105, %select_n3A_147 : i32
      %ne3A_149 = arith.constant 0 : i32
      %ne3A_150 = arith.cmpi ne, %rem3A_148, %ne3A_149 : i32
      %lt3A_151 = arith.constant 0 : i32
      %lt3A_152 = arith.cmpi slt, %rem3A_148, %lt3A_151 : i32
      %lt3A_153 = arith.constant 0 : i32
      %lt3A_154 = arith.cmpi slt, %select_n3A_147, %lt3A_153 : i32
      %ne3A_155 = arith.xori %lt3A_152, %lt3A_154 : i1
      %and3A_156 = arith.andi %ne3A_155, %ne3A_150 : i1
      %add3A_157 = arith.addi %rem3A_148, %select_n3A_147 : i32
      %select_n3A_158 = arith.select %and3A_156, %add3A_157, %rem3A_148 : i32
      %eq3A_159 = arith.constant 2 : i32
      %eq3A_160 = arith.cmpi eq, %select_n3A_158, %eq3A_159 : i32
      %convert_element_type3A_161 = arith.extui %eq3A_160 : i1 to i32
      %cond3A_162 = arith.constant 0 : i32
      %cond3A_163 = arith.cmpi ne, %convert_element_type3A_161, %cond3A_162 : i32
      scf.if %cond3A_163 {
        %dma_wait3A_227 = arith.constant 0 : i32
        %dma_wait3A_228 = tpu.memref_slice %arg6[%scan3A_105, %dma_wait3A_227] : memref<250x40xi32, #tpu.memory_space<vmem>> -> memref<1x40xi32, #tpu.memory_space<vmem>>
        %dma_wait3A_229 = tpu.memref_squeeze %dma_wait3A_228 : memref<1x40xi32, #tpu.memory_space<vmem>> -> memref<40xi32, #tpu.memory_space<vmem>>
        %dma_wait3A_230 = arith.constant 0 : i32
        %dma_wait3A_231 = arith.constant 0 : i32
        %dma_wait3A_232 = tpu.memref_slice %arg2[%dma_wait3A_230, %dma_wait3A_231] : memref<10000x128xf32, #tpu.memory_space<hbm>> -> memref<10000x128xf32, #tpu.memory_space<hbm>>
        tpu.wait_indirect_dma semaphore(%arg17 : memref<!tpu.dma_semaphore, #tpu.memory_space<semaphore_mem>>) src(%dma_wait3A_232 : memref<10000x128xf32, #tpu.memory_space<hbm>>) dst(%arg10 : memref<40x128xf32, #tpu.memory_space<vmem>>)
        %dma_start3A_233 = arith.constant 0 : i32
        %dma_start3A_234 = tpu.memref_slice %arg7[%scan3A_105, %dma_start3A_233] : memref<250x40xi32, #tpu.memory_space<vmem>> -> memref<1x40xi32, #tpu.memory_space<vmem>>
        %dma_start3A_235 = tpu.memref_squeeze %dma_start3A_234 : memref<1x40xi32, #tpu.memory_space<vmem>> -> memref<40xi32, #tpu.memory_space<vmem>>
        %dma_start3A_236 = arith.constant 0 : i32
        %dma_start3A_237 = arith.constant 0 : i32
        %dma_start3A_238 = tpu.memref_slice %arg14[%dma_start3A_236, %dma_start3A_237] : memref<10000x128xf32, #tpu.memory_space<vmem_shared>> -> memref<10000x128xf32, #tpu.memory_space<vmem_shared>>
        tpu.enqueue_indirect_dma source(%arg10 : memref<40x128xf32, #tpu.memory_space<vmem>>) target(%dma_start3A_238 : memref<10000x128xf32, #tpu.memory_space<vmem_shared>>) offsets(%dma_start3A_235 : memref<40xi32, #tpu.memory_space<vmem>>) semaphore(%arg23 : memref<!tpu.dma_semaphore, #tpu.memory_space<semaphore_mem>>) {add = true}
        %ge3A = arith.constant 1 : i32
        %ge3A_239 = arith.cmpi sge, %scan3A_105, %ge3A : i32
        %convert_element_type3A_240 = arith.extui %ge3A_239 : i1 to i32
        %cond3A_241 = arith.constant 0 : i32
        %cond3A_242 = arith.cmpi ne, %convert_element_type3A_240, %cond3A_241 : i32
        scf.if %cond3A_242 {
          %sub3A = arith.constant 1 : i32
          %sub3A_250 = arith.subi %scan3A_105, %sub3A : i32
          %dma_wait3A_251 = arith.constant 0 : i32
          %dma_wait3A_252 = tpu.memref_slice %arg7[%sub3A_250, %dma_wait3A_251] : memref<250x40xi32, #tpu.memory_space<vmem>> -> memref<1x40xi32, #tpu.memory_space<vmem>>
          %dma_wait3A_253 = tpu.memref_squeeze %dma_wait3A_252 : memref<1x40xi32, #tpu.memory_space<vmem>> -> memref<40xi32, #tpu.memory_space<vmem>>
          %dma_wait3A_254 = arith.constant 0 : i32
          %dma_wait3A_255 = arith.constant 0 : i32
          %dma_wait3A_256 = tpu.memref_slice %arg14[%dma_wait3A_254, %dma_wait3A_255] : memref<10000x128xf32, #tpu.memory_space<vmem_shared>> -> memref<10000x128xf32, #tpu.memory_space<vmem_shared>>
          tpu.wait_indirect_dma semaphore(%arg22 : memref<!tpu.dma_semaphore, #tpu.memory_space<semaphore_mem>>) src(%arg9 : memref<40x128xf32, #tpu.memory_space<vmem>>) dst(%dma_wait3A_256 : memref<10000x128xf32, #tpu.memory_space<vmem_shared>>)
        } else {
        }
        %add3A_243 = arith.constant 5 : i32
        %add3A_244 = arith.addi %scan3A_105, %add3A_243 : i32
        %lt3A_245 = arith.constant 250 : i32
        %lt3A_246 = arith.cmpi slt, %add3A_244, %lt3A_245 : i32
        %convert_element_type3A_247 = arith.extui %lt3A_246 : i1 to i32
        %cond3A_248 = arith.constant 0 : i32
        %cond3A_249 = arith.cmpi ne, %convert_element_type3A_247, %cond3A_248 : i32
        scf.if %cond3A_249 {
          %add3A_250 = arith.constant 5 : i32
          %add3A_251 = arith.addi %scan3A_105, %add3A_250 : i32
          %dma_start3A_252 = arith.constant 0 : i32
          %dma_start3A_253 = tpu.memref_slice %arg6[%add3A_251, %dma_start3A_252] : memref<250x40xi32, #tpu.memory_space<vmem>> -> memref<1x40xi32, #tpu.memory_space<vmem>>
          %dma_start3A_254 = tpu.memref_squeeze %dma_start3A_253 : memref<1x40xi32, #tpu.memory_space<vmem>> -> memref<40xi32, #tpu.memory_space<vmem>>
          %dma_start3A_255 = arith.constant 0 : i32
          %dma_start3A_256 = arith.constant 0 : i32
          %dma_start3A_257 = tpu.memref_slice %arg2[%dma_start3A_255, %dma_start3A_256] : memref<10000x128xf32, #tpu.memory_space<hbm>> -> memref<10000x128xf32, #tpu.memory_space<hbm>>
          tpu.enqueue_indirect_dma source(%dma_start3A_257 : memref<10000x128xf32, #tpu.memory_space<hbm>>) target(%arg9 : memref<40x128xf32, #tpu.memory_space<vmem>>) offsets(%dma_start3A_254 : memref<40xi32, #tpu.memory_space<vmem>>) semaphore(%arg16 : memref<!tpu.dma_semaphore, #tpu.memory_space<semaphore_mem>>)
        } else {
        }
      } else {
      }
      %jit3A_164 = arith.constant 6 : i32
      %eq3A_165 = arith.constant 0 : i32
      %eq3A_166 = arith.cmpi eq, %jit3A_164, %eq3A_165 : i32
      %jit3A_167 = arith.constant 1 : i32
      %select_n3A_168 = arith.select %eq3A_166, %jit3A_167, %jit3A_164 : i32
      %rem3A_169 = arith.remsi %scan3A_105, %select_n3A_168 : i32
      %ne3A_170 = arith.constant 0 : i32
      %ne3A_171 = arith.cmpi ne, %rem3A_169, %ne3A_170 : i32
      %lt3A_172 = arith.constant 0 : i32
      %lt3A_173 = arith.cmpi slt, %rem3A_169, %lt3A_172 : i32
      %lt3A_174 = arith.constant 0 : i32
      %lt3A_175 = arith.cmpi slt, %select_n3A_168, %lt3A_174 : i32
      %ne3A_176 = arith.xori %lt3A_173, %lt3A_175 : i1
      %and3A_177 = arith.andi %ne3A_176, %ne3A_171 : i1
      %add3A_178 = arith.addi %rem3A_169, %select_n3A_168 : i32
      %select_n3A_179 = arith.select %and3A_177, %add3A_178, %rem3A_169 : i32
      %eq3A_180 = arith.constant 3 : i32
      %eq3A_181 = arith.cmpi eq, %select_n3A_179, %eq3A_180 : i32
      %convert_element_type3A_182 = arith.extui %eq3A_181 : i1 to i32
      %cond3A_183 = arith.constant 0 : i32
      %cond3A_184 = arith.cmpi ne, %convert_element_type3A_182, %cond3A_183 : i32
      scf.if %cond3A_184 {
        %dma_wait3A_227 = arith.constant 0 : i32
        %dma_wait3A_228 = tpu.memref_slice %arg6[%scan3A_105, %dma_wait3A_227] : memref<250x40xi32, #tpu.memory_space<vmem>> -> memref<1x40xi32, #tpu.memory_space<vmem>>
        %dma_wait3A_229 = tpu.memref_squeeze %dma_wait3A_228 : memref<1x40xi32, #tpu.memory_space<vmem>> -> memref<40xi32, #tpu.memory_space<vmem>>
        %dma_wait3A_230 = arith.constant 0 : i32
        %dma_wait3A_231 = arith.constant 0 : i32
        %dma_wait3A_232 = tpu.memref_slice %arg2[%dma_wait3A_230, %dma_wait3A_231] : memref<10000x128xf32, #tpu.memory_space<hbm>> -> memref<10000x128xf32, #tpu.memory_space<hbm>>
        tpu.wait_indirect_dma semaphore(%arg18 : memref<!tpu.dma_semaphore, #tpu.memory_space<semaphore_mem>>) src(%dma_wait3A_232 : memref<10000x128xf32, #tpu.memory_space<hbm>>) dst(%arg11 : memref<40x128xf32, #tpu.memory_space<vmem>>)
        %dma_start3A_233 = arith.constant 0 : i32
        %dma_start3A_234 = tpu.memref_slice %arg7[%scan3A_105, %dma_start3A_233] : memref<250x40xi32, #tpu.memory_space<vmem>> -> memref<1x40xi32, #tpu.memory_space<vmem>>
        %dma_start3A_235 = tpu.memref_squeeze %dma_start3A_234 : memref<1x40xi32, #tpu.memory_space<vmem>> -> memref<40xi32, #tpu.memory_space<vmem>>
        %dma_start3A_236 = arith.constant 0 : i32
        %dma_start3A_237 = arith.constant 0 : i32
        %dma_start3A_238 = tpu.memref_slice %arg14[%dma_start3A_236, %dma_start3A_237] : memref<10000x128xf32, #tpu.memory_space<vmem_shared>> -> memref<10000x128xf32, #tpu.memory_space<vmem_shared>>
        tpu.enqueue_indirect_dma source(%arg11 : memref<40x128xf32, #tpu.memory_space<vmem>>) target(%dma_start3A_238 : memref<10000x128xf32, #tpu.memory_space<vmem_shared>>) offsets(%dma_start3A_235 : memref<40xi32, #tpu.memory_space<vmem>>) semaphore(%arg24 : memref<!tpu.dma_semaphore, #tpu.memory_space<semaphore_mem>>) {add = true}
        %ge3A = arith.constant 1 : i32
        %ge3A_239 = arith.cmpi sge, %scan3A_105, %ge3A : i32
        %convert_element_type3A_240 = arith.extui %ge3A_239 : i1 to i32
        %cond3A_241 = arith.constant 0 : i32
        %cond3A_242 = arith.cmpi ne, %convert_element_type3A_240, %cond3A_241 : i32
        scf.if %cond3A_242 {
          %sub3A = arith.constant 1 : i32
          %sub3A_250 = arith.subi %scan3A_105, %sub3A : i32
          %dma_wait3A_251 = arith.constant 0 : i32
          %dma_wait3A_252 = tpu.memref_slice %arg7[%sub3A_250, %dma_wait3A_251] : memref<250x40xi32, #tpu.memory_space<vmem>> -> memref<1x40xi32, #tpu.memory_space<vmem>>
          %dma_wait3A_253 = tpu.memref_squeeze %dma_wait3A_252 : memref<1x40xi32, #tpu.memory_space<vmem>> -> memref<40xi32, #tpu.memory_space<vmem>>
          %dma_wait3A_254 = arith.constant 0 : i32
          %dma_wait3A_255 = arith.constant 0 : i32
          %dma_wait3A_256 = tpu.memref_slice %arg14[%dma_wait3A_254, %dma_wait3A_255] : memref<10000x128xf32, #tpu.memory_space<vmem_shared>> -> memref<10000x128xf32, #tpu.memory_space<vmem_shared>>
          tpu.wait_indirect_dma semaphore(%arg23 : memref<!tpu.dma_semaphore, #tpu.memory_space<semaphore_mem>>) src(%arg10 : memref<40x128xf32, #tpu.memory_space<vmem>>) dst(%dma_wait3A_256 : memref<10000x128xf32, #tpu.memory_space<vmem_shared>>)
        } else {
        }
        %add3A_243 = arith.constant 5 : i32
        %add3A_244 = arith.addi %scan3A_105, %add3A_243 : i32
        %lt3A_245 = arith.constant 250 : i32
        %lt3A_246 = arith.cmpi slt, %add3A_244, %lt3A_245 : i32
        %convert_element_type3A_247 = arith.extui %lt3A_246 : i1 to i32
        %cond3A_248 = arith.constant 0 : i32
        %cond3A_249 = arith.cmpi ne, %convert_element_type3A_247, %cond3A_248 : i32
        scf.if %cond3A_249 {
          %add3A_250 = arith.constant 5 : i32
          %add3A_251 = arith.addi %scan3A_105, %add3A_250 : i32
          %dma_start3A_252 = arith.constant 0 : i32
          %dma_start3A_253 = tpu.memref_slice %arg6[%add3A_251, %dma_start3A_252] : memref<250x40xi32, #tpu.memory_space<vmem>> -> memref<1x40xi32, #tpu.memory_space<vmem>>
          %dma_start3A_254 = tpu.memref_squeeze %dma_start3A_253 : memref<1x40xi32, #tpu.memory_space<vmem>> -> memref<40xi32, #tpu.memory_space<vmem>>
          %dma_start3A_255 = arith.constant 0 : i32
          %dma_start3A_256 = arith.constant 0 : i32
          %dma_start3A_257 = tpu.memref_slice %arg2[%dma_start3A_255, %dma_start3A_256] : memref<10000x128xf32, #tpu.memory_space<hbm>> -> memref<10000x128xf32, #tpu.memory_space<hbm>>
          tpu.enqueue_indirect_dma source(%dma_start3A_257 : memref<10000x128xf32, #tpu.memory_space<hbm>>) target(%arg10 : memref<40x128xf32, #tpu.memory_space<vmem>>) offsets(%dma_start3A_254 : memref<40xi32, #tpu.memory_space<vmem>>) semaphore(%arg17 : memref<!tpu.dma_semaphore, #tpu.memory_space<semaphore_mem>>)
        } else {
        }
      } else {
      }
      %jit3A_185 = arith.constant 6 : i32
      %eq3A_186 = arith.constant 0 : i32
      %eq3A_187 = arith.cmpi eq, %jit3A_185, %eq3A_186 : i32
      %jit3A_188 = arith.constant 1 : i32
      %select_n3A_189 = arith.select %eq3A_187, %jit3A_188, %jit3A_185 : i32
      %rem3A_190 = arith.remsi %scan3A_105, %select_n3A_189 : i32
      %ne3A_191 = arith.constant 0 : i32
      %ne3A_192 = arith.cmpi ne, %rem3A_190, %ne3A_191 : i32
      %lt3A_193 = arith.constant 0 : i32
      %lt3A_194 = arith.cmpi slt, %rem3A_190, %lt3A_193 : i32
      %lt3A_195 = arith.constant 0 : i32
      %lt3A_196 = arith.cmpi slt, %select_n3A_189, %lt3A_195 : i32
      %ne3A_197 = arith.xori %lt3A_194, %lt3A_196 : i1
      %and3A_198 = arith.andi %ne3A_197, %ne3A_192 : i1
      %add3A_199 = arith.addi %rem3A_190, %select_n3A_189 : i32
      %select_n3A_200 = arith.select %and3A_198, %add3A_199, %rem3A_190 : i32
      %eq3A_201 = arith.constant 4 : i32
      %eq3A_202 = arith.cmpi eq, %select_n3A_200, %eq3A_201 : i32
      %convert_element_type3A_203 = arith.extui %eq3A_202 : i1 to i32
      %cond3A_204 = arith.constant 0 : i32
      %cond3A_205 = arith.cmpi ne, %convert_element_type3A_203, %cond3A_204 : i32
      scf.if %cond3A_205 {
        %dma_wait3A_227 = arith.constant 0 : i32
        %dma_wait3A_228 = tpu.memref_slice %arg6[%scan3A_105, %dma_wait3A_227] : memref<250x40xi32, #tpu.memory_space<vmem>> -> memref<1x40xi32, #tpu.memory_space<vmem>>
        %dma_wait3A_229 = tpu.memref_squeeze %dma_wait3A_228 : memref<1x40xi32, #tpu.memory_space<vmem>> -> memref<40xi32, #tpu.memory_space<vmem>>
        %dma_wait3A_230 = arith.constant 0 : i32
        %dma_wait3A_231 = arith.constant 0 : i32
        %dma_wait3A_232 = tpu.memref_slice %arg2[%dma_wait3A_230, %dma_wait3A_231] : memref<10000x128xf32, #tpu.memory_space<hbm>> -> memref<10000x128xf32, #tpu.memory_space<hbm>>
        tpu.wait_indirect_dma semaphore(%arg19 : memref<!tpu.dma_semaphore, #tpu.memory_space<semaphore_mem>>) src(%dma_wait3A_232 : memref<10000x128xf32, #tpu.memory_space<hbm>>) dst(%arg12 : memref<40x128xf32, #tpu.memory_space<vmem>>)
        %dma_start3A_233 = arith.constant 0 : i32
        %dma_start3A_234 = tpu.memref_slice %arg7[%scan3A_105, %dma_start3A_233] : memref<250x40xi32, #tpu.memory_space<vmem>> -> memref<1x40xi32, #tpu.memory_space<vmem>>
        %dma_start3A_235 = tpu.memref_squeeze %dma_start3A_234 : memref<1x40xi32, #tpu.memory_space<vmem>> -> memref<40xi32, #tpu.memory_space<vmem>>
        %dma_start3A_236 = arith.constant 0 : i32
        %dma_start3A_237 = arith.constant 0 : i32
        %dma_start3A_238 = tpu.memref_slice %arg14[%dma_start3A_236, %dma_start3A_237] : memref<10000x128xf32, #tpu.memory_space<vmem_shared>> -> memref<10000x128xf32, #tpu.memory_space<vmem_shared>>
        tpu.enqueue_indirect_dma source(%arg12 : memref<40x128xf32, #tpu.memory_space<vmem>>) target(%dma_start3A_238 : memref<10000x128xf32, #tpu.memory_space<vmem_shared>>) offsets(%dma_start3A_235 : memref<40xi32, #tpu.memory_space<vmem>>) semaphore(%arg25 : memref<!tpu.dma_semaphore, #tpu.memory_space<semaphore_mem>>) {add = true}
        %ge3A = arith.constant 1 : i32
        %ge3A_239 = arith.cmpi sge, %scan3A_105, %ge3A : i32
        %convert_element_type3A_240 = arith.extui %ge3A_239 : i1 to i32
        %cond3A_241 = arith.constant 0 : i32
        %cond3A_242 = arith.cmpi ne, %convert_element_type3A_240, %cond3A_241 : i32
        scf.if %cond3A_242 {
          %sub3A = arith.constant 1 : i32
          %sub3A_250 = arith.subi %scan3A_105, %sub3A : i32
          %dma_wait3A_251 = arith.constant 0 : i32
          %dma_wait3A_252 = tpu.memref_slice %arg7[%sub3A_250, %dma_wait3A_251] : memref<250x40xi32, #tpu.memory_space<vmem>> -> memref<1x40xi32, #tpu.memory_space<vmem>>
          %dma_wait3A_253 = tpu.memref_squeeze %dma_wait3A_252 : memref<1x40xi32, #tpu.memory_space<vmem>> -> memref<40xi32, #tpu.memory_space<vmem>>
          %dma_wait3A_254 = arith.constant 0 : i32
          %dma_wait3A_255 = arith.constant 0 : i32
          %dma_wait3A_256 = tpu.memref_slice %arg14[%dma_wait3A_254, %dma_wait3A_255] : memref<10000x128xf32, #tpu.memory_space<vmem_shared>> -> memref<10000x128xf32, #tpu.memory_space<vmem_shared>>
          tpu.wait_indirect_dma semaphore(%arg24 : memref<!tpu.dma_semaphore, #tpu.memory_space<semaphore_mem>>) src(%arg11 : memref<40x128xf32, #tpu.memory_space<vmem>>) dst(%dma_wait3A_256 : memref<10000x128xf32, #tpu.memory_space<vmem_shared>>)
        } else {
        }
        %add3A_243 = arith.constant 5 : i32
        %add3A_244 = arith.addi %scan3A_105, %add3A_243 : i32
        %lt3A_245 = arith.constant 250 : i32
        %lt3A_246 = arith.cmpi slt, %add3A_244, %lt3A_245 : i32
        %convert_element_type3A_247 = arith.extui %lt3A_246 : i1 to i32
        %cond3A_248 = arith.constant 0 : i32
        %cond3A_249 = arith.cmpi ne, %convert_element_type3A_247, %cond3A_248 : i32
        scf.if %cond3A_249 {
          %add3A_250 = arith.constant 5 : i32
          %add3A_251 = arith.addi %scan3A_105, %add3A_250 : i32
          %dma_start3A_252 = arith.constant 0 : i32
          %dma_start3A_253 = tpu.memref_slice %arg6[%add3A_251, %dma_start3A_252] : memref<250x40xi32, #tpu.memory_space<vmem>> -> memref<1x40xi32, #tpu.memory_space<vmem>>
          %dma_start3A_254 = tpu.memref_squeeze %dma_start3A_253 : memref<1x40xi32, #tpu.memory_space<vmem>> -> memref<40xi32, #tpu.memory_space<vmem>>
          %dma_start3A_255 = arith.constant 0 : i32
          %dma_start3A_256 = arith.constant 0 : i32
          %dma_start3A_257 = tpu.memref_slice %arg2[%dma_start3A_255, %dma_start3A_256] : memref<10000x128xf32, #tpu.memory_space<hbm>> -> memref<10000x128xf32, #tpu.memory_space<hbm>>
          tpu.enqueue_indirect_dma source(%dma_start3A_257 : memref<10000x128xf32, #tpu.memory_space<hbm>>) target(%arg11 : memref<40x128xf32, #tpu.memory_space<vmem>>) offsets(%dma_start3A_254 : memref<40xi32, #tpu.memory_space<vmem>>) semaphore(%arg18 : memref<!tpu.dma_semaphore, #tpu.memory_space<semaphore_mem>>)
        } else {
        }
      } else {
      }
      %jit3A_206 = arith.constant 6 : i32
      %eq3A_207 = arith.constant 0 : i32
      %eq3A_208 = arith.cmpi eq, %jit3A_206, %eq3A_207 : i32
      %jit3A_209 = arith.constant 1 : i32
      %select_n3A_210 = arith.select %eq3A_208, %jit3A_209, %jit3A_206 : i32
      %rem3A_211 = arith.remsi %scan3A_105, %select_n3A_210 : i32
      %ne3A_212 = arith.constant 0 : i32
      %ne3A_213 = arith.cmpi ne, %rem3A_211, %ne3A_212 : i32
      %lt3A_214 = arith.constant 0 : i32
      %lt3A_215 = arith.cmpi slt, %rem3A_211, %lt3A_214 : i32
      %lt3A_216 = arith.constant 0 : i32
      %lt3A_217 = arith.cmpi slt, %select_n3A_210, %lt3A_216 : i32
      %ne3A_218 = arith.xori %lt3A_215, %lt3A_217 : i1
      %and3A_219 = arith.andi %ne3A_218, %ne3A_213 : i1
      %add3A_220 = arith.addi %rem3A_211, %select_n3A_210 : i32
      %select_n3A_221 = arith.select %and3A_219, %add3A_220, %rem3A_211 : i32
      %eq3A_222 = arith.constant 5 : i32
      %eq3A_223 = arith.cmpi eq, %select_n3A_221, %eq3A_222 : i32
      %convert_element_type3A_224 = arith.extui %eq3A_223 : i1 to i32
      %cond3A_225 = arith.constant 0 : i32
      %cond3A_226 = arith.cmpi ne, %convert_element_type3A_224, %cond3A_225 : i32
      scf.if %cond3A_226 {
        %dma_wait3A_227 = arith.constant 0 : i32
        %dma_wait3A_228 = tpu.memref_slice %arg6[%scan3A_105, %dma_wait3A_227] : memref<250x40xi32, #tpu.memory_space<vmem>> -> memref<1x40xi32, #tpu.memory_space<vmem>>
        %dma_wait3A_229 = tpu.memref_squeeze %dma_wait3A_228 : memref<1x40xi32, #tpu.memory_space<vmem>> -> memref<40xi32, #tpu.memory_space<vmem>>
        %dma_wait3A_230 = arith.constant 0 : i32
        %dma_wait3A_231 = arith.constant 0 : i32
        %dma_wait3A_232 = tpu.memref_slice %arg2[%dma_wait3A_230, %dma_wait3A_231] : memref<10000x128xf32, #tpu.memory_space<hbm>> -> memref<10000x128xf32, #tpu.memory_space<hbm>>
        tpu.wait_indirect_dma semaphore(%arg20 : memref<!tpu.dma_semaphore, #tpu.memory_space<semaphore_mem>>) src(%dma_wait3A_232 : memref<10000x128xf32, #tpu.memory_space<hbm>>) dst(%arg13 : memref<40x128xf32, #tpu.memory_space<vmem>>)
        %dma_start3A_233 = arith.constant 0 : i32
        %dma_start3A_234 = tpu.memref_slice %arg7[%scan3A_105, %dma_start3A_233] : memref<250x40xi32, #tpu.memory_space<vmem>> -> memref<1x40xi32, #tpu.memory_space<vmem>>
        %dma_start3A_235 = tpu.memref_squeeze %dma_start3A_234 : memref<1x40xi32, #tpu.memory_space<vmem>> -> memref<40xi32, #tpu.memory_space<vmem>>
        %dma_start3A_236 = arith.constant 0 : i32
        %dma_start3A_237 = arith.constant 0 : i32
        %dma_start3A_238 = tpu.memref_slice %arg14[%dma_start3A_236, %dma_start3A_237] : memref<10000x128xf32, #tpu.memory_space<vmem_shared>> -> memref<10000x128xf32, #tpu.memory_space<vmem_shared>>
        tpu.enqueue_indirect_dma source(%arg13 : memref<40x128xf32, #tpu.memory_space<vmem>>) target(%dma_start3A_238 : memref<10000x128xf32, #tpu.memory_space<vmem_shared>>) offsets(%dma_start3A_235 : memref<40xi32, #tpu.memory_space<vmem>>) semaphore(%arg26 : memref<!tpu.dma_semaphore, #tpu.memory_space<semaphore_mem>>) {add = true}
        %ge3A = arith.constant 1 : i32
        %ge3A_239 = arith.cmpi sge, %scan3A_105, %ge3A : i32
        %convert_element_type3A_240 = arith.extui %ge3A_239 : i1 to i32
        %cond3A_241 = arith.constant 0 : i32
        %cond3A_242 = arith.cmpi ne, %convert_element_type3A_240, %cond3A_241 : i32
        scf.if %cond3A_242 {
          %sub3A = arith.constant 1 : i32
          %sub3A_250 = arith.subi %scan3A_105, %sub3A : i32
          %dma_wait3A_251 = arith.constant 0 : i32
          %dma_wait3A_252 = tpu.memref_slice %arg7[%sub3A_250, %dma_wait3A_251] : memref<250x40xi32, #tpu.memory_space<vmem>> -> memref<1x40xi32, #tpu.memory_space<vmem>>
          %dma_wait3A_253 = tpu.memref_squeeze %dma_wait3A_252 : memref<1x40xi32, #tpu.memory_space<vmem>> -> memref<40xi32, #tpu.memory_space<vmem>>
          %dma_wait3A_254 = arith.constant 0 : i32
          %dma_wait3A_255 = arith.constant 0 : i32
          %dma_wait3A_256 = tpu.memref_slice %arg14[%dma_wait3A_254, %dma_wait3A_255] : memref<10000x128xf32, #tpu.memory_space<vmem_shared>> -> memref<10000x128xf32, #tpu.memory_space<vmem_shared>>
          tpu.wait_indirect_dma semaphore(%arg25 : memref<!tpu.dma_semaphore, #tpu.memory_space<semaphore_mem>>) src(%arg12 : memref<40x128xf32, #tpu.memory_space<vmem>>) dst(%dma_wait3A_256 : memref<10000x128xf32, #tpu.memory_space<vmem_shared>>)
        } else {
        }
        %add3A_243 = arith.constant 5 : i32
        %add3A_244 = arith.addi %scan3A_105, %add3A_243 : i32
        %lt3A_245 = arith.constant 250 : i32
        %lt3A_246 = arith.cmpi slt, %add3A_244, %lt3A_245 : i32
        %convert_element_type3A_247 = arith.extui %lt3A_246 : i1 to i32
        %cond3A_248 = arith.constant 0 : i32
        %cond3A_249 = arith.cmpi ne, %convert_element_type3A_247, %cond3A_248 : i32
        scf.if %cond3A_249 {
          %add3A_250 = arith.constant 5 : i32
          %add3A_251 = arith.addi %scan3A_105, %add3A_250 : i32
          %dma_start3A_252 = arith.constant 0 : i32
          %dma_start3A_253 = tpu.memref_slice %arg6[%add3A_251, %dma_start3A_252] : memref<250x40xi32, #tpu.memory_space<vmem>> -> memref<1x40xi32, #tpu.memory_space<vmem>>
          %dma_start3A_254 = tpu.memref_squeeze %dma_start3A_253 : memref<1x40xi32, #tpu.memory_space<vmem>> -> memref<40xi32, #tpu.memory_space<vmem>>
          %dma_start3A_255 = arith.constant 0 : i32
          %dma_start3A_256 = arith.constant 0 : i32
          %dma_start3A_257 = tpu.memref_slice %arg2[%dma_start3A_255, %dma_start3A_256] : memref<10000x128xf32, #tpu.memory_space<hbm>> -> memref<10000x128xf32, #tpu.memory_space<hbm>>
          tpu.enqueue_indirect_dma source(%dma_start3A_257 : memref<10000x128xf32, #tpu.memory_space<hbm>>) target(%arg12 : memref<40x128xf32, #tpu.memory_space<vmem>>) offsets(%dma_start3A_254 : memref<40xi32, #tpu.memory_space<vmem>>) semaphore(%arg19 : memref<!tpu.dma_semaphore, #tpu.memory_space<semaphore_mem>>)
        } else {
        }
      } else {
      }
    }
    %scan3A_87 = arith.constant 250 : i32
    %dma_wait3A_88 = arith.constant 249 : i32
    %dma_wait3A_89 = arith.constant 0 : i32
    %dma_wait3A_90 = tpu.memref_slice %arg7[%dma_wait3A_88, %dma_wait3A_89] : memref<250x40xi32, #tpu.memory_space<vmem>> -> memref<1x40xi32, #tpu.memory_space<vmem>>
    %dma_wait3A_91 = tpu.memref_squeeze %dma_wait3A_90 : memref<1x40xi32, #tpu.memory_space<vmem>> -> memref<40xi32, #tpu.memory_space<vmem>>
    %dma_wait3A_92 = arith.constant 0 : i32
    %dma_wait3A_93 = arith.constant 0 : i32
    %dma_wait3A_94 = tpu.memref_slice %arg14[%dma_wait3A_92, %dma_wait3A_93] : memref<10000x128xf32, #tpu.memory_space<vmem_shared>> -> memref<10000x128xf32, #tpu.memory_space<vmem_shared>>
    tpu.wait_indirect_dma semaphore(%arg24 : memref<!tpu.dma_semaphore, #tpu.memory_space<semaphore_mem>>) src(%arg11 : memref<40x128xf32, #tpu.memory_space<vmem>>) dst(%dma_wait3A_94 : memref<10000x128xf32, #tpu.memory_space<vmem_shared>>)
    %barrier3A_95 = arith.constant 0 : index
    tpu.barrier barrier_id(%barrier3A_95)
    %ne3A = arith.constant 15 : i32
    %ne3A_96 = arith.cmpi ne, %arg1, %ne3A : i32
    %convert_element_type3A_97 = arith.extui %ne3A_96 : i1 to i32
    %cond3A_98 = arith.constant 0 : i32
    %cond3A_99 = arith.cmpi ne, %convert_element_type3A_97, %cond3A_98 : i32
    scf.if %cond3A_99 {
      "tpu.region"() ({
        %run_scoped3A = tpu.sem_alloc : memref<!tpu.dma_semaphore, #tpu.memory_space<semaphore_mem>>
        %dma_start3A_105 = arith.constant 0 : i32
        %dma_start3A_106 = tpu.memref_slice %arg5[%arg0, %mul3A_23, %dma_start3A_105] : memref<2x10000x128xf32, #tpu.memory_space<hbm>> -> memref<1x624x128xf32, #tpu.memory_space<hbm>>
        %dma_start3A_107 = tpu.memref_squeeze %dma_start3A_106 : memref<1x624x128xf32, #tpu.memory_space<hbm>> -> memref<624x128xf32, #tpu.memory_space<hbm>>
        %dma_start3A_108 = arith.constant 0 : i32
        %dma_start3A_109 = tpu.memref_slice %arg14[%mul3A_23, %dma_start3A_108] : memref<10000x128xf32, #tpu.memory_space<vmem_shared>> -> memref<624x128xf32, #tpu.memory_space<vmem_shared>>
        tpu.enqueue_dma source(%dma_start3A_109 : memref<624x128xf32, #tpu.memory_space<vmem_shared>>) target(%dma_start3A_107 : memref<624x128xf32, #tpu.memory_space<hbm>>) target_semaphore(%run_scoped3A : memref<!tpu.dma_semaphore, #tpu.memory_space<semaphore_mem>>)
        %dma_wait3A_110 = arith.constant 0 : i32
        %dma_wait3A_111 = tpu.memref_slice %arg5[%arg0, %mul3A_23, %dma_wait3A_110] : memref<2x10000x128xf32, #tpu.memory_space<hbm>> -> memref<1x624x128xf32, #tpu.memory_space<hbm>>
        %dma_wait3A_112 = tpu.memref_squeeze %dma_wait3A_111 : memref<1x624x128xf32, #tpu.memory_space<hbm>> -> memref<624x128xf32, #tpu.memory_space<hbm>>
        %dma_wait3A_113 = arith.constant 0 : i32
        %dma_wait3A_114 = tpu.memref_slice %arg14[%mul3A_23, %dma_wait3A_113] : memref<10000x128xf32, #tpu.memory_space<vmem_shared>> -> memref<624x128xf32, #tpu.memory_space<vmem_shared>>
        tpu.wait_dma2 semaphore(%run_scoped3A : memref<!tpu.dma_semaphore, #tpu.memory_space<semaphore_mem>>) src(%dma_wait3A_114 : memref<624x128xf32, #tpu.memory_space<vmem_shared>>) dst(%dma_wait3A_112 : memref<624x128xf32, #tpu.memory_space<hbm>>)
        tpu.yield
      }) : () -> ()
    } else {
    }
    %eq3A_100 = arith.constant 15 : i32
    %eq3A_101 = arith.cmpi eq, %arg1, %eq3A_100 : i32
    %convert_element_type3A_102 = arith.extui %eq3A_101 : i1 to i32
    %cond3A_103 = arith.constant 0 : i32
    %cond3A_104 = arith.cmpi ne, %convert_element_type3A_102, %cond3A_103 : i32
    scf.if %cond3A_104 {
      "tpu.region"() ({
        %run_scoped3A = tpu.sem_alloc : memref<!tpu.dma_semaphore, #tpu.memory_space<semaphore_mem>>
        %dma_start3A_105 = arith.constant 0 : i32
        %dma_start3A_106 = tpu.memref_slice %arg5[%arg0, %mul3A_23, %dma_start3A_105] : memref<2x10000x128xf32, #tpu.memory_space<hbm>> -> memref<1x640x128xf32, #tpu.memory_space<hbm>>
        %dma_start3A_107 = tpu.memref_squeeze %dma_start3A_106 : memref<1x640x128xf32, #tpu.memory_space<hbm>> -> memref<640x128xf32, #tpu.memory_space<hbm>>
        %dma_start3A_108 = arith.constant 0 : i32
        %dma_start3A_109 = tpu.memref_slice %arg14[%mul3A_23, %dma_start3A_108] : memref<10000x128xf32, #tpu.memory_space<vmem_shared>> -> memref<640x128xf32, #tpu.memory_space<vmem_shared>>
        tpu.enqueue_dma source(%dma_start3A_109 : memref<640x128xf32, #tpu.memory_space<vmem_shared>>) target(%dma_start3A_107 : memref<640x128xf32, #tpu.memory_space<hbm>>) target_semaphore(%run_scoped3A : memref<!tpu.dma_semaphore, #tpu.memory_space<semaphore_mem>>)
        %dma_wait3A_110 = arith.constant 0 : i32
        %dma_wait3A_111 = tpu.memref_slice %arg5[%arg0, %mul3A_23, %dma_wait3A_110] : memref<2x10000x128xf32, #tpu.memory_space<hbm>> -> memref<1x640x128xf32, #tpu.memory_space<hbm>>
        %dma_wait3A_112 = tpu.memref_squeeze %dma_wait3A_111 : memref<1x640x128xf32, #tpu.memory_space<hbm>> -> memref<640x128xf32, #tpu.memory_space<hbm>>
        %dma_wait3A_113 = arith.constant 0 : i32
        %dma_wait3A_114 = tpu.memref_slice %arg14[%mul3A_23, %dma_wait3A_113] : memref<10000x128xf32, #tpu.memory_space<vmem_shared>> -> memref<640x128xf32, #tpu.memory_space<vmem_shared>>
        tpu.wait_dma2 semaphore(%run_scoped3A : memref<!tpu.dma_semaphore, #tpu.memory_space<semaphore_mem>>) src(%dma_wait3A_114 : memref<640x128xf32, #tpu.memory_space<vmem_shared>>) dst(%dma_wait3A_112 : memref<640x128xf32, #tpu.memory_space<hbm>>)
        tpu.yield
      }) : () -> ()
    } else {
    }
    return
  }
}

module attributes {stable_mosaic.version = 14 : i64} {
  func.func @_lin0_body(%arg0: i32, %arg1: memref<1000x128xf32, #tpu.memory_space<vmem>>, %arg2: memref<1000x1xf32, #tpu.memory_space<vmem>>, %arg3: memref<128x128xf32, #tpu.memory_space<vmem>>, %arg4: memref<1000x128xf32, #tpu.memory_space<vmem>>) attributes {dimension_semantics = [#tpu.dimension_semantics<arbitrary>], iteration_bounds = array<i64: 10>, scalar_prefetch = 0 : i64, scratch_operands = 0 : i64, tpu.core_type = #tpu.core_type<tc>, window_params = [{transform_indices = @transform_0, window_bounds = array<i64: 1000, 128>}, {transform_indices = @transform_1, window_bounds = array<i64: 1000, 1>}, {pipeline_mode = #tpu.pipeline_mode<synchronous>, transform_indices = @transform_2, window_bounds = array<i64: 128, 128>}, {transform_indices = @transform_3, window_bounds = array<i64: 1000, 128>}]} {
    %get3A = arith.constant 0 : index
    %get3A_0 = arith.constant 0 : index
    %get3A_1 = vector.load %arg1[%get3A, %get3A_0] : memref<1000x128xf32, #tpu.memory_space<vmem>>, vector<1000x128xf32>
    %get3A_2 = arith.constant 0 : index
    %get3A_3 = arith.constant 0 : index
    %get3A_4 = vector.load %arg2[%get3A_2, %get3A_3] : memref<1000x1xf32, #tpu.memory_space<vmem>>, vector<1000x1xf32>
    %mul3A = vector.broadcast %get3A_4 : vector<1000x1xf32> to vector<1000x128xf32>
    %mul3A_5 = arith.mulf %get3A_1, %mul3A : vector<1000x128xf32>
    %get3A_6 = arith.constant 0 : index
    %get3A_7 = arith.constant 0 : index
    %get3A_8 = vector.load %arg3[%get3A_6, %get3A_7] : memref<128x128xf32, #tpu.memory_space<vmem>>, vector<128x128xf32>
    %dot_general3A = arith.constant dense<0.000000e+00> : vector<1000x128xf32>
    %dot_general3A_9 = tpu.matmul %mul3A_5, %get3A_8, %dot_general3A {dimension_numbers = #tpu.dot_dimension_numbers<[1], [0], [0], [1], [0, 0, 1, 1], [], []>, transpose_lhs_hint = false} : vector<1000x128xf32>, vector<128x128xf32>, vector<1000x128xf32> -> vector<1000x128xf32>
    %swap3A = arith.constant 0 : index
    %swap3A_10 = arith.constant 0 : index
    %swap3A_11 = vector.load %arg4[%swap3A, %swap3A_10] : memref<1000x128xf32, #tpu.memory_space<vmem>>, vector<1000x128xf32>
    tpu.vector_store %arg4[%swap3A, %swap3A_10], %dot_general3A_9 {strides = array<i32>} : memref<1000x128xf32, #tpu.memory_space<vmem>>, vector<1000x128xf32>,
    return
  }
  func.func @transform_0(%arg0: i32) -> (i32, i32) {
    %c0_i32 = arith.constant 0 : i32
    %c0_i32_0 = arith.constant 0 : i32
    return %arg0, %c0_i32 : i32, i32
  }
  func.func @transform_1(%arg0: i32) -> (i32, i32) {
    %c0_i32 = arith.constant 0 : i32
    %c0_i32_0 = arith.constant 0 : i32
    return %arg0, %c0_i32 : i32, i32
  }
  func.func @transform_2(%arg0: i32) -> (i32, i32) {
    %c0_i32 = arith.constant 0 : i32
    %c0_i32_0 = arith.constant 0 : i32
    %c0_i32_1 = arith.constant 0 : i32
    return %c0_i32, %c0_i32_0 : i32, i32
  }
  func.func @transform_3(%arg0: i32) -> (i32, i32) {
    %c0_i32 = arith.constant 0 : i32
    %c0_i32_0 = arith.constant 0 : i32
    return %arg0, %c0_i32 : i32, i32
  }
}

module attributes {stable_mosaic.version = 14 : i64} {
  func.func @_linstats_body(%arg0: i32, %arg1: i32, %arg2: memref<1x1000x128xf32, #tpu.memory_space<vmem>>, %arg3: memref<1x1000x128xf32, #tpu.memory_space<vmem>>, %arg4: memref<1000x1xf32, #tpu.memory_space<vmem>>, %arg5: memref<128xf32, #tpu.memory_space<vmem>>, %arg6: memref<128xf32, #tpu.memory_space<vmem>>, %arg7: memref<128xf32, #tpu.memory_space<vmem>>, %arg8: memref<1000x1xf32, #tpu.memory_space<vmem>>, %arg9: memref<128x128xf32, #tpu.memory_space<vmem>>, %arg10: memref<1000x128xf32, #tpu.memory_space<vmem>>, %arg11: memref<2x128xf32, #tpu.memory_space<vmem>>, %arg12: memref<10x1000x128xf32, #tpu.memory_space<vmem>>) attributes {dimension_semantics = [#tpu.dimension_semantics<arbitrary>, #tpu.dimension_semantics<arbitrary>], iteration_bounds = array<i64: 2, 10>, scalar_prefetch = 0 : i64, scratch_operands = 2 : i64, tpu.core_type = #tpu.core_type<tc>, window_params = [{transform_indices = @transform_0, window_bounds = array<i64: 1, 1000, 128>}, {transform_indices = @transform_1, window_bounds = array<i64: 1, 1000, 128>}, {transform_indices = @transform_2, window_bounds = array<i64: 1000, 1>}, {pipeline_mode = #tpu.pipeline_mode<synchronous>, transform_indices = @transform_3, window_bounds = array<i64: 128>}, {pipeline_mode = #tpu.pipeline_mode<synchronous>, transform_indices = @transform_4, window_bounds = array<i64: 128>}, {pipeline_mode = #tpu.pipeline_mode<synchronous>, transform_indices = @transform_5, window_bounds = array<i64: 128>}, {transform_indices = @transform_6, window_bounds = array<i64: 1000, 1>}, {pipeline_mode = #tpu.pipeline_mode<synchronous>, transform_indices = @transform_7, window_bounds = array<i64: 128, 128>}, {transform_indices = @transform_8, window_bounds = array<i64: 1000, 128>}]} {
    %eq3A = arith.constant 0 : i32
    %eq3A_0 = arith.cmpi eq, %arg0, %eq3A : i32
    %convert_element_type3A = arith.extui %eq3A_0 : i1 to i32
    %cond3A = arith.constant 0 : i32
    %cond3A_1 = arith.cmpi ne, %convert_element_type3A, %cond3A : i32
    scf.if %cond3A_1 {
      %get3A = arith.constant 0 : index
      %get3A_7 = arith.constant 0 : index
      %get3A_8 = arith.constant 0 : index
      %get3A_9 = vector.load %arg2[%get3A, %get3A_7, %get3A_8] : memref<1x1000x128xf32, #tpu.memory_space<vmem>>, vector<1x1000x128xf32>
      %get3A_10 = vector.shape_cast %get3A_9 : vector<1x1000x128xf32> to vector<1000x128xf32>
      %get3A_11 = arith.constant 0 : index
      %get3A_12 = arith.constant 0 : index
      %get3A_13 = arith.constant 0 : index
      %get3A_14 = vector.load %arg3[%get3A_11, %get3A_12, %get3A_13] : memref<1x1000x128xf32, #tpu.memory_space<vmem>>, vector<1x1000x128xf32>
      %get3A_15 = vector.shape_cast %get3A_14 : vector<1x1000x128xf32> to vector<1000x128xf32>
      %add3A = arith.addf %get3A_10, %get3A_15 : vector<1000x128xf32>
      %get3A_16 = arith.constant 0 : index
      %get3A_17 = arith.constant 0 : index
      %get3A_18 = vector.load %arg4[%get3A_16, %get3A_17] : memref<1000x1xf32, #tpu.memory_space<vmem>>, vector<1000x1xf32>
      %mul3A = vector.broadcast %get3A_18 : vector<1000x1xf32> to vector<1000x128xf32>
      %mul3A_19 = arith.mulf %add3A, %mul3A : vector<1000x128xf32>
      %get3A_20 = arith.constant 0 : index
      %get3A_21 = vector.load %arg5[%get3A_20] : memref<128xf32, #tpu.memory_space<vmem>>, vector<128xf32>
      %broadcast_in_dim3A = vector.shape_cast %get3A_21 : vector<128xf32> to vector<1x128xf32>
      %add3A_22 = vector.broadcast %broadcast_in_dim3A : vector<1x128xf32> to vector<1000x128xf32>
      %add3A_23 = arith.addf %mul3A_19, %add3A_22 : vector<1000x128xf32>
      %swap3A = arith.index_cast %arg1 : i32 to index
      %swap3A_24 = arith.constant 0 : index
      %swap3A_25 = arith.constant 0 : index
      %swap3A_26 = vector.load %arg12[%swap3A, %swap3A_24, %swap3A_25] : memref<10x1000x128xf32, #tpu.memory_space<vmem>>, vector<1x1000x128xf32>
      %swap3A_27 = vector.shape_cast %swap3A_26 : vector<1x1000x128xf32> to vector<1000x128xf32>
      %swap3A_28 = vector.shape_cast %add3A_23 : vector<1000x128xf32> to vector<1x1000x128xf32>
      tpu.vector_store %arg12[%swap3A, %swap3A_24, %swap3A_25], %swap3A_28 {strides = array<i32>} : memref<10x1000x128xf32, #tpu.memory_space<vmem>>, vector<1x1000x128xf32>,
      %reduce_sum3A = arith.constant dense<0.000000e+00> : vector<128xf32>
      %reduce_sum3A_29 = vector.multi_reduction <add>, %add3A_23, %reduce_sum3A [0] : vector<1000x128xf32> to vector<128xf32>
      %mul3A_30 = arith.mulf %add3A_23, %add3A_23 : vector<1000x128xf32>
      %reduce_sum3A_31 = arith.constant dense<0.000000e+00> : vector<128xf32>
      %reduce_sum3A_32 = vector.multi_reduction <add>, %mul3A_30, %reduce_sum3A_31 [0] : vector<1000x128xf32> to vector<128xf32>
      %stack3A = vector.shape_cast %reduce_sum3A_29 : vector<128xf32> to vector<1x128xf32>
      %stack3A_33 = vector.shape_cast %reduce_sum3A_32 : vector<128xf32> to vector<1x128xf32>
      %stack3A_34 = tpu.concatenate %stack3A, %stack3A_33 in 0 : vector<1x128xf32>, vector<1x128xf32> -> vector<2x128xf32>
      %eq3A_35 = arith.constant 0 : i32
      %eq3A_36 = arith.cmpi eq, %arg1, %eq3A_35 : i32
      %convert_element_type3A_37 = arith.extui %eq3A_36 : i1 to i32
      %cond3A_38 = arith.constant 0 : i32
      %cond3A_39 = arith.cmpi ne, %convert_element_type3A_37, %cond3A_38 : i32
      scf.if %cond3A_39 {
        %swap3A_44 = arith.constant 0 : index
        %swap3A_45 = arith.constant 0 : index
        %swap3A_46 = vector.load %arg11[%swap3A_44, %swap3A_45] : memref<2x128xf32, #tpu.memory_space<vmem>>, vector<2x128xf32>
        tpu.vector_store %arg11[%swap3A_44, %swap3A_45], %stack3A_34 {strides = array<i32>} : memref<2x128xf32, #tpu.memory_space<vmem>>, vector<2x128xf32>,
      } else {
      }
      %gt3A = arith.constant 0 : i32
      %gt3A_40 = arith.cmpi sgt, %arg1, %gt3A : i32
      %convert_element_type3A_41 = arith.extui %gt3A_40 : i1 to i32
      %cond3A_42 = arith.constant 0 : i32
      %cond3A_43 = arith.cmpi ne, %convert_element_type3A_41, %cond3A_42 : i32
      scf.if %cond3A_43 {
        %get3A_44 = arith.constant 0 : index
        %get3A_45 = arith.constant 0 : index
        %get3A_46 = vector.load %arg11[%get3A_44, %get3A_45] : memref<2x128xf32, #tpu.memory_space<vmem>>, vector<2x128xf32>
        %add3A_47 = arith.addf %get3A_46, %stack3A_34 : vector<2x128xf32>
        %swap3A_48 = arith.constant 0 : index
        %swap3A_49 = arith.constant 0 : index
        %swap3A_50 = vector.load %arg11[%swap3A_48, %swap3A_49] : memref<2x128xf32, #tpu.memory_space<vmem>>, vector<2x128xf32>
        tpu.vector_store %arg11[%swap3A_48, %swap3A_49], %add3A_47 {strides = array<i32>} : memref<2x128xf32, #tpu.memory_space<vmem>>, vector<2x128xf32>,
      } else {
      }
    } else {
    }
    %eq3A_2 = arith.constant 1 : i32
    %eq3A_3 = arith.cmpi eq, %arg0, %eq3A_2 : i32
    %convert_element_type3A_4 = arith.extui %eq3A_3 : i1 to i32
    %cond3A_5 = arith.constant 0 : i32
    %cond3A_6 = arith.cmpi ne, %convert_element_type3A_4, %cond3A_5 : i32
    scf.if %cond3A_6 {
      %get3A = arith.index_cast %arg1 : i32 to index
      %get3A_7 = arith.constant 0 : index
      %get3A_8 = arith.constant 0 : index
      %get3A_9 = vector.load %arg12[%get3A, %get3A_7, %get3A_8] : memref<10x1000x128xf32, #tpu.memory_space<vmem>>, vector<1x1000x128xf32>
      %get3A_10 = vector.shape_cast %get3A_9 : vector<1x1000x128xf32> to vector<1000x128xf32>
      %get3A_11 = arith.constant 0 : index
      %get3A_12 = arith.constant 0 : index
      %get3A_13 = vector.load %arg11[%get3A_11, %get3A_12] : memref<2x128xf32, #tpu.memory_space<vmem>>, vector<2x128xf32>
      %slice3A = vector.extract_strided_slice %get3A_13 {offsets = [0, 0], sizes = [1, 128], strides = [1, 1]} : vector<2x128xf32> to vector<1x128xf32>
      %squeeze3A = vector.shape_cast %slice3A : vector<1x128xf32> to vector<128xf32>
      %div3A = arith.constant 1.000000e+04 : f32
      %div3A_14 = vector.broadcast %div3A : f32 to vector<128xf32>
      %div3A_15 = arith.divf %squeeze3A, %div3A_14 : vector<128xf32>
      %slice3A_16 = vector.extract_strided_slice %get3A_13 {offsets = [1, 0], sizes = [1, 128], strides = [1, 1]} : vector<2x128xf32> to vector<1x128xf32>
      %squeeze3A_17 = vector.shape_cast %slice3A_16 : vector<1x128xf32> to vector<128xf32>
      %div3A_18 = arith.constant 1.000000e+04 : f32
      %div3A_19 = vector.broadcast %div3A_18 : f32 to vector<128xf32>
      %div3A_20 = arith.divf %squeeze3A_17, %div3A_19 : vector<128xf32>
      %mul3A = arith.mulf %div3A_15, %div3A_15 : vector<128xf32>
      %sub3A = arith.subf %div3A_20, %mul3A : vector<128xf32>
      %max3A = arith.constant 0.000000e+00 : f32
      %max3A_21 = vector.broadcast %max3A : f32 to vector<128xf32>
      %max3A_22 = arith.maximumf %sub3A, %max3A_21 : vector<128xf32>
      %broadcast_in_dim3A = vector.shape_cast %div3A_15 : vector<128xf32> to vector<1x128xf32>
      %sub3A_23 = vector.broadcast %broadcast_in_dim3A : vector<1x128xf32> to vector<1000x128xf32>
      %sub3A_24 = arith.subf %get3A_10, %sub3A_23 : vector<1000x128xf32>
      %add3A = arith.constant 9.99999974E-6 : f32
      %add3A_25 = vector.broadcast %add3A : f32 to vector<128xf32>
      %add3A_26 = arith.addf %max3A_22, %add3A_25 : vector<128xf32>
      %rsqrt3A = math.rsqrt %add3A_26 : vector<128xf32>
      %broadcast_in_dim3A_27 = vector.shape_cast %rsqrt3A : vector<128xf32> to vector<1x128xf32>
      %mul3A_28 = vector.broadcast %broadcast_in_dim3A_27 : vector<1x128xf32> to vector<1000x128xf32>
      %mul3A_29 = arith.mulf %sub3A_24, %mul3A_28 : vector<1000x128xf32>
      %get3A_30 = arith.constant 0 : index
      %get3A_31 = vector.load %arg6[%get3A_30] : memref<128xf32, #tpu.memory_space<vmem>>, vector<128xf32>
      %broadcast_in_dim3A_32 = vector.shape_cast %get3A_31 : vector<128xf32> to vector<1x128xf32>
      %mul3A_33 = vector.broadcast %broadcast_in_dim3A_32 : vector<1x128xf32> to vector<1000x128xf32>
      %mul3A_34 = arith.mulf %mul3A_29, %mul3A_33 : vector<1000x128xf32>
      %get3A_35 = arith.constant 0 : index
      %get3A_36 = vector.load %arg7[%get3A_35] : memref<128xf32, #tpu.memory_space<vmem>>, vector<128xf32>
      %broadcast_in_dim3A_37 = vector.shape_cast %get3A_36 : vector<128xf32> to vector<1x128xf32>
      %add3A_38 = vector.broadcast %broadcast_in_dim3A_37 : vector<1x128xf32> to vector<1000x128xf32>
      %add3A_39 = arith.addf %mul3A_34, %add3A_38 : vector<1000x128xf32>
      %max3A_40 = arith.constant 0.000000e+00 : f32
      %max3A_41 = vector.broadcast %max3A_40 : f32 to vector<1000x128xf32>
      %max3A_42 = arith.maximumf %add3A_39, %max3A_41 : vector<1000x128xf32>
      %get3A_43 = arith.constant 0 : index
      %get3A_44 = arith.constant 0 : index
      %get3A_45 = vector.load %arg8[%get3A_43, %get3A_44] : memref<1000x1xf32, #tpu.memory_space<vmem>>, vector<1000x1xf32>
      %mul3A_46 = vector.broadcast %get3A_45 : vector<1000x1xf32> to vector<1000x128xf32>
      %mul3A_47 = arith.mulf %max3A_42, %mul3A_46 : vector<1000x128xf32>
      %get3A_48 = arith.constant 0 : index
      %get3A_49 = arith.constant 0 : index
      %get3A_50 = vector.load %arg9[%get3A_48, %get3A_49] : memref<128x128xf32, #tpu.memory_space<vmem>>, vector<128x128xf32>
      %dot_general3A = arith.constant dense<0.000000e+00> : vector<1000x128xf32>
      %dot_general3A_51 = tpu.matmul %mul3A_47, %get3A_50, %dot_general3A {dimension_numbers = #tpu.dot_dimension_numbers<[1], [0], [0], [1], [0, 0, 1, 1], [], []>, transpose_lhs_hint = false} : vector<1000x128xf32>, vector<128x128xf32>, vector<1000x128xf32> -> vector<1000x128xf32>
      %swap3A = arith.constant 0 : index
      %swap3A_52 = arith.constant 0 : index
      %swap3A_53 = vector.load %arg10[%swap3A, %swap3A_52] : memref<1000x128xf32, #tpu.memory_space<vmem>>, vector<1000x128xf32>
      tpu.vector_store %arg10[%swap3A, %swap3A_52], %dot_general3A_51 {strides = array<i32>} : memref<1000x128xf32, #tpu.memory_space<vmem>>, vector<1000x128xf32>,
    } else {
    }
    return
  }
  func.func @transform_0(%arg0: i32, %arg1: i32) -> (i32, i32, i32) {
    %eq3A = arith.constant 0 : i32
    %eq3A_0 = arith.cmpi eq, %arg0, %eq3A : i32
    %jit3A = arith.constant 0 : i32
    %select_n3A = arith.select %eq3A_0, %arg1, %jit3A : i32
    %c0_i32 = arith.constant 0 : i32
    %c0_i32_1 = arith.constant 0 : i32
    %c0_i32_2 = arith.constant 0 : i32
    return %c0_i32, %select_n3A, %c0_i32_1 : i32, i32, i32
  }
  func.func @transform_1(%arg0: i32, %arg1: i32) -> (i32, i32, i32) {
    %eq3A = arith.constant 0 : i32
    %eq3A_0 = arith.cmpi eq, %arg0, %eq3A : i32
    %jit3A = arith.constant 0 : i32
    %select_n3A = arith.select %eq3A_0, %arg1, %jit3A : i32
    %c1_i32 = arith.constant 1 : i32
    %c0_i32 = arith.constant 0 : i32
    %c0_i32_1 = arith.constant 0 : i32
    return %c1_i32, %select_n3A, %c0_i32 : i32, i32, i32
  }
  func.func @transform_2(%arg0: i32, %arg1: i32) -> (i32, i32) {
    %eq3A = arith.constant 0 : i32
    %eq3A_0 = arith.cmpi eq, %arg0, %eq3A : i32
    %jit3A = arith.constant 0 : i32
    %select_n3A = arith.select %eq3A_0, %arg1, %jit3A : i32
    %c0_i32 = arith.constant 0 : i32
    %c0_i32_1 = arith.constant 0 : i32
    return %select_n3A, %c0_i32 : i32, i32
  }
  func.func @transform_3(%arg0: i32, %arg1: i32) -> i32 {
    %c0_i32 = arith.constant 0 : i32
    %c0_i32_0 = arith.constant 0 : i32
    return %c0_i32 : i32
  }
  func.func @transform_4(%arg0: i32, %arg1: i32) -> i32 {
    %c0_i32 = arith.constant 0 : i32
    %c0_i32_0 = arith.constant 0 : i32
    return %c0_i32 : i32
  }
  func.func @transform_5(%arg0: i32, %arg1: i32) -> i32 {
    %c0_i32 = arith.constant 0 : i32
    %c0_i32_0 = arith.constant 0 : i32
    return %c0_i32 : i32
  }
  func.func @transform_6(%arg0: i32, %arg1: i32) -> (i32, i32) {
    %eq3A = arith.constant 1 : i32
    %eq3A_0 = arith.cmpi eq, %arg0, %eq3A : i32
    %jit3A = arith.constant 0 : i32
    %select_n3A = arith.select %eq3A_0, %arg1, %jit3A : i32
    %c0_i32 = arith.constant 0 : i32
    %c0_i32_1 = arith.constant 0 : i32
    return %select_n3A, %c0_i32 : i32, i32
  }
  func.func @transform_7(%arg0: i32, %arg1: i32) -> (i32, i32) {
    %c0_i32 = arith.constant 0 : i32
    %c0_i32_0 = arith.constant 0 : i32
    %c0_i32_1 = arith.constant 0 : i32
    return %c0_i32, %c0_i32_0 : i32, i32
  }
  func.func @transform_8(%arg0: i32, %arg1: i32) -> (i32, i32) {
    %c0_i32 = arith.constant 0 : i32
    %c0_i32_0 = arith.constant 0 : i32
    return %arg1, %c0_i32 : i32, i32
  }
}

module attributes {stable_mosaic.version = 14 : i64} {
  func.func @_linstats_body(%arg0: i32, %arg1: i32, %arg2: memref<1x1000x128xf32, #tpu.memory_space<vmem>>, %arg3: memref<1x1000x128xf32, #tpu.memory_space<vmem>>, %arg4: memref<1000x1xf32, #tpu.memory_space<vmem>>, %arg5: memref<128xf32, #tpu.memory_space<vmem>>, %arg6: memref<128xf32, #tpu.memory_space<vmem>>, %arg7: memref<128xf32, #tpu.memory_space<vmem>>, %arg8: memref<1000x1xf32, #tpu.memory_space<vmem>>, %arg9: memref<128x64xf32, #tpu.memory_space<vmem>>, %arg10: memref<1000x64xf32, #tpu.memory_space<vmem>>, %arg11: memref<2x128xf32, #tpu.memory_space<vmem>>, %arg12: memref<10x1000x128xf32, #tpu.memory_space<vmem>>) attributes {dimension_semantics = [#tpu.dimension_semantics<arbitrary>, #tpu.dimension_semantics<arbitrary>], iteration_bounds = array<i64: 2, 10>, scalar_prefetch = 0 : i64, scratch_operands = 2 : i64, tpu.core_type = #tpu.core_type<tc>, window_params = [{transform_indices = @transform_0, window_bounds = array<i64: 1, 1000, 128>}, {transform_indices = @transform_1, window_bounds = array<i64: 1, 1000, 128>}, {transform_indices = @transform_2, window_bounds = array<i64: 1000, 1>}, {pipeline_mode = #tpu.pipeline_mode<synchronous>, transform_indices = @transform_3, window_bounds = array<i64: 128>}, {pipeline_mode = #tpu.pipeline_mode<synchronous>, transform_indices = @transform_4, window_bounds = array<i64: 128>}, {pipeline_mode = #tpu.pipeline_mode<synchronous>, transform_indices = @transform_5, window_bounds = array<i64: 128>}, {transform_indices = @transform_6, window_bounds = array<i64: 1000, 1>}, {pipeline_mode = #tpu.pipeline_mode<synchronous>, transform_indices = @transform_7, window_bounds = array<i64: 128, 64>}, {transform_indices = @transform_8, window_bounds = array<i64: 1000, 64>}]} {
    %eq3A = arith.constant 0 : i32
    %eq3A_0 = arith.cmpi eq, %arg0, %eq3A : i32
    %convert_element_type3A = arith.extui %eq3A_0 : i1 to i32
    %cond3A = arith.constant 0 : i32
    %cond3A_1 = arith.cmpi ne, %convert_element_type3A, %cond3A : i32
    scf.if %cond3A_1 {
      %get3A = arith.constant 0 : index
      %get3A_7 = arith.constant 0 : index
      %get3A_8 = arith.constant 0 : index
      %get3A_9 = vector.load %arg2[%get3A, %get3A_7, %get3A_8] : memref<1x1000x128xf32, #tpu.memory_space<vmem>>, vector<1x1000x128xf32>
      %get3A_10 = vector.shape_cast %get3A_9 : vector<1x1000x128xf32> to vector<1000x128xf32>
      %get3A_11 = arith.constant 0 : index
      %get3A_12 = arith.constant 0 : index
      %get3A_13 = arith.constant 0 : index
      %get3A_14 = vector.load %arg3[%get3A_11, %get3A_12, %get3A_13] : memref<1x1000x128xf32, #tpu.memory_space<vmem>>, vector<1x1000x128xf32>
      %get3A_15 = vector.shape_cast %get3A_14 : vector<1x1000x128xf32> to vector<1000x128xf32>
      %add3A = arith.addf %get3A_10, %get3A_15 : vector<1000x128xf32>
      %get3A_16 = arith.constant 0 : index
      %get3A_17 = arith.constant 0 : index
      %get3A_18 = vector.load %arg4[%get3A_16, %get3A_17] : memref<1000x1xf32, #tpu.memory_space<vmem>>, vector<1000x1xf32>
      %mul3A = vector.broadcast %get3A_18 : vector<1000x1xf32> to vector<1000x128xf32>
      %mul3A_19 = arith.mulf %add3A, %mul3A : vector<1000x128xf32>
      %get3A_20 = arith.constant 0 : index
      %get3A_21 = vector.load %arg5[%get3A_20] : memref<128xf32, #tpu.memory_space<vmem>>, vector<128xf32>
      %broadcast_in_dim3A = vector.shape_cast %get3A_21 : vector<128xf32> to vector<1x128xf32>
      %add3A_22 = vector.broadcast %broadcast_in_dim3A : vector<1x128xf32> to vector<1000x128xf32>
      %add3A_23 = arith.addf %mul3A_19, %add3A_22 : vector<1000x128xf32>
      %swap3A = arith.index_cast %arg1 : i32 to index
      %swap3A_24 = arith.constant 0 : index
      %swap3A_25 = arith.constant 0 : index
      %swap3A_26 = vector.load %arg12[%swap3A, %swap3A_24, %swap3A_25] : memref<10x1000x128xf32, #tpu.memory_space<vmem>>, vector<1x1000x128xf32>
      %swap3A_27 = vector.shape_cast %swap3A_26 : vector<1x1000x128xf32> to vector<1000x128xf32>
      %swap3A_28 = vector.shape_cast %add3A_23 : vector<1000x128xf32> to vector<1x1000x128xf32>
      tpu.vector_store %arg12[%swap3A, %swap3A_24, %swap3A_25], %swap3A_28 {strides = array<i32>} : memref<10x1000x128xf32, #tpu.memory_space<vmem>>, vector<1x1000x128xf32>,
      %reduce_sum3A = arith.constant dense<0.000000e+00> : vector<128xf32>
      %reduce_sum3A_29 = vector.multi_reduction <add>, %add3A_23, %reduce_sum3A [0] : vector<1000x128xf32> to vector<128xf32>
      %mul3A_30 = arith.mulf %add3A_23, %add3A_23 : vector<1000x128xf32>
      %reduce_sum3A_31 = arith.constant dense<0.000000e+00> : vector<128xf32>
      %reduce_sum3A_32 = vector.multi_reduction <add>, %mul3A_30, %reduce_sum3A_31 [0] : vector<1000x128xf32> to vector<128xf32>
      %stack3A = vector.shape_cast %reduce_sum3A_29 : vector<128xf32> to vector<1x128xf32>
      %stack3A_33 = vector.shape_cast %reduce_sum3A_32 : vector<128xf32> to vector<1x128xf32>
      %stack3A_34 = tpu.concatenate %stack3A, %stack3A_33 in 0 : vector<1x128xf32>, vector<1x128xf32> -> vector<2x128xf32>
      %eq3A_35 = arith.constant 0 : i32
      %eq3A_36 = arith.cmpi eq, %arg1, %eq3A_35 : i32
      %convert_element_type3A_37 = arith.extui %eq3A_36 : i1 to i32
      %cond3A_38 = arith.constant 0 : i32
      %cond3A_39 = arith.cmpi ne, %convert_element_type3A_37, %cond3A_38 : i32
      scf.if %cond3A_39 {
        %swap3A_44 = arith.constant 0 : index
        %swap3A_45 = arith.constant 0 : index
        %swap3A_46 = vector.load %arg11[%swap3A_44, %swap3A_45] : memref<2x128xf32, #tpu.memory_space<vmem>>, vector<2x128xf32>
        tpu.vector_store %arg11[%swap3A_44, %swap3A_45], %stack3A_34 {strides = array<i32>} : memref<2x128xf32, #tpu.memory_space<vmem>>, vector<2x128xf32>,
      } else {
      }
      %gt3A = arith.constant 0 : i32
      %gt3A_40 = arith.cmpi sgt, %arg1, %gt3A : i32
      %convert_element_type3A_41 = arith.extui %gt3A_40 : i1 to i32
      %cond3A_42 = arith.constant 0 : i32
      %cond3A_43 = arith.cmpi ne, %convert_element_type3A_41, %cond3A_42 : i32
      scf.if %cond3A_43 {
        %get3A_44 = arith.constant 0 : index
        %get3A_45 = arith.constant 0 : index
        %get3A_46 = vector.load %arg11[%get3A_44, %get3A_45] : memref<2x128xf32, #tpu.memory_space<vmem>>, vector<2x128xf32>
        %add3A_47 = arith.addf %get3A_46, %stack3A_34 : vector<2x128xf32>
        %swap3A_48 = arith.constant 0 : index
        %swap3A_49 = arith.constant 0 : index
        %swap3A_50 = vector.load %arg11[%swap3A_48, %swap3A_49] : memref<2x128xf32, #tpu.memory_space<vmem>>, vector<2x128xf32>
        tpu.vector_store %arg11[%swap3A_48, %swap3A_49], %add3A_47 {strides = array<i32>} : memref<2x128xf32, #tpu.memory_space<vmem>>, vector<2x128xf32>,
      } else {
      }
    } else {
    }
    %eq3A_2 = arith.constant 1 : i32
    %eq3A_3 = arith.cmpi eq, %arg0, %eq3A_2 : i32
    %convert_element_type3A_4 = arith.extui %eq3A_3 : i1 to i32
    %cond3A_5 = arith.constant 0 : i32
    %cond3A_6 = arith.cmpi ne, %convert_element_type3A_4, %cond3A_5 : i32
    scf.if %cond3A_6 {
      %get3A = arith.index_cast %arg1 : i32 to index
      %get3A_7 = arith.constant 0 : index
      %get3A_8 = arith.constant 0 : index
      %get3A_9 = vector.load %arg12[%get3A, %get3A_7, %get3A_8] : memref<10x1000x128xf32, #tpu.memory_space<vmem>>, vector<1x1000x128xf32>
      %get3A_10 = vector.shape_cast %get3A_9 : vector<1x1000x128xf32> to vector<1000x128xf32>
      %get3A_11 = arith.constant 0 : index
      %get3A_12 = arith.constant 0 : index
      %get3A_13 = vector.load %arg11[%get3A_11, %get3A_12] : memref<2x128xf32, #tpu.memory_space<vmem>>, vector<2x128xf32>
      %slice3A = vector.extract_strided_slice %get3A_13 {offsets = [0, 0], sizes = [1, 128], strides = [1, 1]} : vector<2x128xf32> to vector<1x128xf32>
      %squeeze3A = vector.shape_cast %slice3A : vector<1x128xf32> to vector<128xf32>
      %div3A = arith.constant 1.000000e+04 : f32
      %div3A_14 = vector.broadcast %div3A : f32 to vector<128xf32>
      %div3A_15 = arith.divf %squeeze3A, %div3A_14 : vector<128xf32>
      %slice3A_16 = vector.extract_strided_slice %get3A_13 {offsets = [1, 0], sizes = [1, 128], strides = [1, 1]} : vector<2x128xf32> to vector<1x128xf32>
      %squeeze3A_17 = vector.shape_cast %slice3A_16 : vector<1x128xf32> to vector<128xf32>
      %div3A_18 = arith.constant 1.000000e+04 : f32
      %div3A_19 = vector.broadcast %div3A_18 : f32 to vector<128xf32>
      %div3A_20 = arith.divf %squeeze3A_17, %div3A_19 : vector<128xf32>
      %mul3A = arith.mulf %div3A_15, %div3A_15 : vector<128xf32>
      %sub3A = arith.subf %div3A_20, %mul3A : vector<128xf32>
      %max3A = arith.constant 0.000000e+00 : f32
      %max3A_21 = vector.broadcast %max3A : f32 to vector<128xf32>
      %max3A_22 = arith.maximumf %sub3A, %max3A_21 : vector<128xf32>
      %broadcast_in_dim3A = vector.shape_cast %div3A_15 : vector<128xf32> to vector<1x128xf32>
      %sub3A_23 = vector.broadcast %broadcast_in_dim3A : vector<1x128xf32> to vector<1000x128xf32>
      %sub3A_24 = arith.subf %get3A_10, %sub3A_23 : vector<1000x128xf32>
      %add3A = arith.constant 9.99999974E-6 : f32
      %add3A_25 = vector.broadcast %add3A : f32 to vector<128xf32>
      %add3A_26 = arith.addf %max3A_22, %add3A_25 : vector<128xf32>
      %rsqrt3A = math.rsqrt %add3A_26 : vector<128xf32>
      %broadcast_in_dim3A_27 = vector.shape_cast %rsqrt3A : vector<128xf32> to vector<1x128xf32>
      %mul3A_28 = vector.broadcast %broadcast_in_dim3A_27 : vector<1x128xf32> to vector<1000x128xf32>
      %mul3A_29 = arith.mulf %sub3A_24, %mul3A_28 : vector<1000x128xf32>
      %get3A_30 = arith.constant 0 : index
      %get3A_31 = vector.load %arg6[%get3A_30] : memref<128xf32, #tpu.memory_space<vmem>>, vector<128xf32>
      %broadcast_in_dim3A_32 = vector.shape_cast %get3A_31 : vector<128xf32> to vector<1x128xf32>
      %mul3A_33 = vector.broadcast %broadcast_in_dim3A_32 : vector<1x128xf32> to vector<1000x128xf32>
      %mul3A_34 = arith.mulf %mul3A_29, %mul3A_33 : vector<1000x128xf32>
      %get3A_35 = arith.constant 0 : index
      %get3A_36 = vector.load %arg7[%get3A_35] : memref<128xf32, #tpu.memory_space<vmem>>, vector<128xf32>
      %broadcast_in_dim3A_37 = vector.shape_cast %get3A_36 : vector<128xf32> to vector<1x128xf32>
      %add3A_38 = vector.broadcast %broadcast_in_dim3A_37 : vector<1x128xf32> to vector<1000x128xf32>
      %add3A_39 = arith.addf %mul3A_34, %add3A_38 : vector<1000x128xf32>
      %max3A_40 = arith.constant 0.000000e+00 : f32
      %max3A_41 = vector.broadcast %max3A_40 : f32 to vector<1000x128xf32>
      %max3A_42 = arith.maximumf %add3A_39, %max3A_41 : vector<1000x128xf32>
      %get3A_43 = arith.constant 0 : index
      %get3A_44 = arith.constant 0 : index
      %get3A_45 = vector.load %arg8[%get3A_43, %get3A_44] : memref<1000x1xf32, #tpu.memory_space<vmem>>, vector<1000x1xf32>
      %mul3A_46 = vector.broadcast %get3A_45 : vector<1000x1xf32> to vector<1000x128xf32>
      %mul3A_47 = arith.mulf %max3A_42, %mul3A_46 : vector<1000x128xf32>
      %get3A_48 = arith.constant 0 : index
      %get3A_49 = arith.constant 0 : index
      %get3A_50 = vector.load %arg9[%get3A_48, %get3A_49] : memref<128x64xf32, #tpu.memory_space<vmem>>, vector<128x64xf32>
      %dot_general3A = arith.constant dense<0.000000e+00> : vector<1000x64xf32>
      %dot_general3A_51 = tpu.matmul %mul3A_47, %get3A_50, %dot_general3A {dimension_numbers = #tpu.dot_dimension_numbers<[1], [0], [0], [1], [0, 0, 1, 1], [], []>, transpose_lhs_hint = false} : vector<1000x128xf32>, vector<128x64xf32>, vector<1000x64xf32> -> vector<1000x64xf32>
      %swap3A = arith.constant 0 : index
      %swap3A_52 = arith.constant 0 : index
      %swap3A_53 = vector.load %arg10[%swap3A, %swap3A_52] : memref<1000x64xf32, #tpu.memory_space<vmem>>, vector<1000x64xf32>
      tpu.vector_store %arg10[%swap3A, %swap3A_52], %dot_general3A_51 {strides = array<i32>} : memref<1000x64xf32, #tpu.memory_space<vmem>>, vector<1000x64xf32>,
    } else {
    }
    return
  }
  func.func @transform_0(%arg0: i32, %arg1: i32) -> (i32, i32, i32) {
    %eq3A = arith.constant 0 : i32
    %eq3A_0 = arith.cmpi eq, %arg0, %eq3A : i32
    %jit3A = arith.constant 0 : i32
    %select_n3A = arith.select %eq3A_0, %arg1, %jit3A : i32
    %c0_i32 = arith.constant 0 : i32
    %c0_i32_1 = arith.constant 0 : i32
    %c0_i32_2 = arith.constant 0 : i32
    return %c0_i32, %select_n3A, %c0_i32_1 : i32, i32, i32
  }
  func.func @transform_1(%arg0: i32, %arg1: i32) -> (i32, i32, i32) {
    %eq3A = arith.constant 0 : i32
    %eq3A_0 = arith.cmpi eq, %arg0, %eq3A : i32
    %jit3A = arith.constant 0 : i32
    %select_n3A = arith.select %eq3A_0, %arg1, %jit3A : i32
    %c1_i32 = arith.constant 1 : i32
    %c0_i32 = arith.constant 0 : i32
    %c0_i32_1 = arith.constant 0 : i32
    return %c1_i32, %select_n3A, %c0_i32 : i32, i32, i32
  }
  func.func @transform_2(%arg0: i32, %arg1: i32) -> (i32, i32) {
    %eq3A = arith.constant 0 : i32
    %eq3A_0 = arith.cmpi eq, %arg0, %eq3A : i32
    %jit3A = arith.constant 0 : i32
    %select_n3A = arith.select %eq3A_0, %arg1, %jit3A : i32
    %c0_i32 = arith.constant 0 : i32
    %c0_i32_1 = arith.constant 0 : i32
    return %select_n3A, %c0_i32 : i32, i32
  }
  func.func @transform_3(%arg0: i32, %arg1: i32) -> i32 {
    %c0_i32 = arith.constant 0 : i32
    %c0_i32_0 = arith.constant 0 : i32
    return %c0_i32 : i32
  }
  func.func @transform_4(%arg0: i32, %arg1: i32) -> i32 {
    %c0_i32 = arith.constant 0 : i32
    %c0_i32_0 = arith.constant 0 : i32
    return %c0_i32 : i32
  }
  func.func @transform_5(%arg0: i32, %arg1: i32) -> i32 {
    %c0_i32 = arith.constant 0 : i32
    %c0_i32_0 = arith.constant 0 : i32
    return %c0_i32 : i32
  }
  func.func @transform_6(%arg0: i32, %arg1: i32) -> (i32, i32) {
    %eq3A = arith.constant 1 : i32
    %eq3A_0 = arith.cmpi eq, %arg0, %eq3A : i32
    %jit3A = arith.constant 0 : i32
    %select_n3A = arith.select %eq3A_0, %arg1, %jit3A : i32
    %c0_i32 = arith.constant 0 : i32
    %c0_i32_1 = arith.constant 0 : i32
    return %select_n3A, %c0_i32 : i32, i32
  }
  func.func @transform_7(%arg0: i32, %arg1: i32) -> (i32, i32) {
    %c0_i32 = arith.constant 0 : i32
    %c0_i32_0 = arith.constant 0 : i32
    %c0_i32_1 = arith.constant 0 : i32
    return %c0_i32, %c0_i32_0 : i32, i32
  }
  func.func @transform_8(%arg0: i32, %arg1: i32) -> (i32, i32) {
    %c0_i32 = arith.constant 0 : i32
    %c0_i32_0 = arith.constant 0 : i32
    return %arg1, %c0_i32 : i32, i32
  }
}

module attributes {stable_mosaic.version = 14 : i64} {
  func.func @_final_body(%arg0: i32, %arg1: memref<1x1000x64xf32, #tpu.memory_space<vmem>>, %arg2: memref<1x1000x64xf32, #tpu.memory_space<vmem>>, %arg3: memref<1000x1xf32, #tpu.memory_space<vmem>>, %arg4: memref<64xf32, #tpu.memory_space<vmem>>, %arg5: memref<1000x40xf32, #tpu.memory_space<vmem>>) attributes {dimension_semantics = [#tpu.dimension_semantics<arbitrary>], iteration_bounds = array<i64: 10>, scalar_prefetch = 0 : i64, scratch_operands = 0 : i64, tpu.core_type = #tpu.core_type<tc>, window_params = [{transform_indices = @transform_0, window_bounds = array<i64: 1, 1000, 64>}, {transform_indices = @transform_1, window_bounds = array<i64: 1, 1000, 64>}, {transform_indices = @transform_2, window_bounds = array<i64: 1000, 1>}, {pipeline_mode = #tpu.pipeline_mode<synchronous>, transform_indices = @transform_3, window_bounds = array<i64: 64>}, {transform_indices = @transform_4, window_bounds = array<i64: 1000, 40>}]} {
    %get3A = arith.constant 0 : index
    %get3A_0 = arith.constant 0 : index
    %get3A_1 = arith.constant 0 : index
    %get3A_2 = vector.load %arg1[%get3A, %get3A_0, %get3A_1] : memref<1x1000x64xf32, #tpu.memory_space<vmem>>, vector<1x1000x64xf32>
    %get3A_3 = vector.shape_cast %get3A_2 : vector<1x1000x64xf32> to vector<1000x64xf32>
    %get3A_4 = arith.constant 0 : index
    %get3A_5 = arith.constant 0 : index
    %get3A_6 = arith.constant 0 : index
    %get3A_7 = vector.load %arg2[%get3A_4, %get3A_5, %get3A_6] : memref<1x1000x64xf32, #tpu.memory_space<vmem>>, vector<1x1000x64xf32>
    %get3A_8 = vector.shape_cast %get3A_7 : vector<1x1000x64xf32> to vector<1000x64xf32>
    %add3A = arith.addf %get3A_3, %get3A_8 : vector<1000x64xf32>
    %get3A_9 = arith.constant 0 : index
    %get3A_10 = arith.constant 0 : index
    %get3A_11 = vector.load %arg3[%get3A_9, %get3A_10] : memref<1000x1xf32, #tpu.memory_space<vmem>>, vector<1000x1xf32>
    %mul3A = vector.broadcast %get3A_11 : vector<1000x1xf32> to vector<1000x64xf32>
    %mul3A_12 = arith.mulf %add3A, %mul3A : vector<1000x64xf32>
    %get3A_13 = arith.constant 0 : index
    %get3A_14 = vector.load %arg4[%get3A_13] : memref<64xf32, #tpu.memory_space<vmem>>, vector<64xf32>
    %broadcast_in_dim3A = vector.shape_cast %get3A_14 : vector<64xf32> to vector<1x64xf32>
    %add3A_15 = vector.broadcast %broadcast_in_dim3A : vector<1x64xf32> to vector<1000x64xf32>
    %add3A_16 = arith.addf %mul3A_12, %add3A_15 : vector<1000x64xf32>
    %slice3A = vector.extract_strided_slice %add3A_16 {offsets = [0, 0], sizes = [1000, 40], strides = [1, 1]} : vector<1000x64xf32> to vector<1000x40xf32>
    %swap3A = arith.constant 0 : index
    %swap3A_17 = arith.constant 0 : index
    %swap3A_18 = vector.load %arg5[%swap3A, %swap3A_17] : memref<1000x40xf32, #tpu.memory_space<vmem>>, vector<1000x40xf32>
    tpu.vector_store %arg5[%swap3A, %swap3A_17], %slice3A {strides = array<i32>} : memref<1000x40xf32, #tpu.memory_space<vmem>>, vector<1000x40xf32>,
    return
  }
  func.func @transform_0(%arg0: i32) -> (i32, i32, i32) {
    %c0_i32 = arith.constant 0 : i32
    %c0_i32_0 = arith.constant 0 : i32
    %c0_i32_1 = arith.constant 0 : i32
    return %c0_i32, %arg0, %c0_i32_0 : i32, i32, i32
  }
  func.func @transform_1(%arg0: i32) -> (i32, i32, i32) {
    %c1_i32 = arith.constant 1 : i32
    %c0_i32 = arith.constant 0 : i32
    %c0_i32_0 = arith.constant 0 : i32
    return %c1_i32, %arg0, %c0_i32 : i32, i32, i32
  }
  func.func @transform_2(%arg0: i32) -> (i32, i32) {
    %c0_i32 = arith.constant 0 : i32
    %c0_i32_0 = arith.constant 0 : i32
    return %arg0, %c0_i32 : i32, i32
  }
  func.func @transform_3(%arg0: i32) -> i32 {
    %c0_i32 = arith.constant 0 : i32
    %c0_i32_0 = arith.constant 0 : i32
    return %c0_i32 : i32
  }
  func.func @transform_4(%arg0: i32) -> (i32, i32) {
    %c0_i32 = arith.constant 0 : i32
    %c0_i32_0 = arith.constant 0 : i32
    return %arg0, %c0_i32 : i32, i32
  }
}

</mosaic_0001>

<sc_bundles>
// kernel: kernel.10.cloned.1.call-start
scs
__scs_entry_jumppad:
0x0: {  	(pc) =	sbr.rel $0x88, $3  }
0x1: {  	(tag) =	ssettag $0x0;
	lr =	simm.s32 $0x1  }
0x2: {  	[smem:$0x3F95] =	sst lr;
	_ =	strace $0xD0000000  }
0x3: {  	_ = 	snop  }
0x4: {  	_ = 	snop  }
0x5: {  	_ = 	snop  }
0x6: {  	_ = 	snop  }
0x7: {  	_ = 	snop  }
__scs_overlays_trampoline_lowered:
0x8: {  	[smem:$0x3FA4] =	sst s0  }
0x9: {  	[smem:$0x3FA5] =	sst s1  }
0xa: {  	[smem:$0x3FA6] =	sst s2  }
0xb: {  	[smem:$0x3FA7] =	sst s3  }
0xc: {  	[smem:$0x3FA8] =	sst s4  }
0xd: {  	[smem:$0x3FA9] =	sst s5  }
0xe: {  	[smem:$0x3FAA] =	sst s6  }
0xf: {  	[smem:$0x3FAB] =	sst s7  }
0x10: {  	[smem:$0x3FAC] =	sst s8  }
0x11: {  	[smem:$0x3FAD] =	sst s9;
	s0 =	simm.s32 @!p0 $0x0  }
0x12: {  	s1 =	sld [smem:$0x3F93];
	s0 =	simm.s32 @p0 $0x1  }
0x13: {  	[smem:$0x3FAE] =	sst s0;
	s0 =	simm.s32 @!p1 $0x0  }
0x14: {  	s2 =	sld [smem:$0x3F92];
	s0 =	simm.s32 @p1 $0x1  }
0x15: {  	[smem:$0x3FAF] =	sst s0;
	s0 =	simm.s32 @!p2 $0x0  }
0x16: {  	s3 =	sld [smem:$0x3FDB];
	s0 =	simm.s32 @p2 $0x1  }
0x17: {  	s4 =	simm.s32 $0x1BF5;
	[smem:$0x3FB1] =	sst s0  }
0x18: {  	s0 =	sld [smem:$0x3F94];
	_ =	swait.ge [sflag:s4], $0x0  }
0x19: {  	s7 =	sld [smem:$0x3F95]  }
0x1a: {  	s8 =	sadd.s32 $0xFFFFE003, lr  }
0x1b: {  	s9 =	sadd.s32 $0xFFFFFEF7, lr;
	s5 =	simm.s32 $0xFFFFFFFF;
	p2 =	slt.u32 s8, $0xFFFFF086  }
0x1c: {  	p1 =	slt.u32 s9, $0xF7A;
	s5 =	simm.s32 @!p2 $0x0  }
0x1d: {  	s5 =	simm.s32 @p1 $0x1;
	p0 =	seq.s32 s7, s2  }
0x1e: {  	s7 =	smul.u32 @!p0 $0xF7A, s2;
	p2 =	seq.s32 @!p0 s5, $0x0  }
0x1f: {  	s9 =	smul.u32 $0xF7A, s1;
	s8 =	simm.s32 @!p0 $0x1BF5;
	p2 =	por !p2, p0  }
0x20: {  	[sflag:s8] =	ssyncset.s32 @!p0 $0xFFFFF086;
	s6 =	sadd.s32 @!p0 s3, s7;
	s7 =	simm.s32 @!p0 $0x108  }
0x21: {  	s3 =	sadd.s32 s3, s9;
	s6 =	sadd.s32 @!p0 $0x88, s6;
	s7 =	simm.s32 @p2 $0x1082  }
0x22: {  	[simem:s7], [sflag:s8] =	dma.local @!p0 [hbm:s6], $0xF7A  }
0x23: {  	s9 =	sor.u32 $0xD0000000, s2;
	s6 =	simm.s32 $0x108;
	_ =	swait.ge @!p0 [sflag:s8], $0x0  }
0x24: {  	s3 =	sadd.s32 $0x88, s3;
	s6 =	simm.s32 @!p1 $0x1082;
	[sflag:s4] =	ssyncset.s32 $0xFFFFF086  }
0x25: {  	[simem:s6], [sflag:s4] =	dma.local [hbm:s3], $0xF7A  }
0x26: {  	[smem:$0x3F95] =	sst s1;
	(tag) =	ssettag s2;
	_ =	strace s9  }
0x27: {  	s1 =	sld [smem:$0x3FA5]  }
0x28: {  	s2 =	sld [smem:$0x3FA6]  }
0x29: {  	s4 =	sld [smem:$0x3FA8]  }
0x2a: {  	p0 =	seq.s32 s5, $0x0;
	s5 =	sld [smem:$0x3FA9]  }
0x2b: {  	s6 =	sld [smem:$0x3FAA]  }
0x2c: {  	s7 =	sld [smem:$0x3FAB]  }
0x2d: {  	s3 =	simm.s32 $0x108;
	s8 =	sld [smem:$0x3FAC]  }
0x2e: {  	s3 =	simm.s32 @!p0 $0x1082;
	s9 =	sld [smem:$0x3FAD]  }
0x2f: {  	lr =	sadd.s32 s0, s3;
	s0 =	sld [smem:$0x3FA4]  }
0x30: {  	s3 =	sld [smem:$0x3FA7]  }
0x31: {  	[smem:$0x3FB0] =	sst s10  }
0x32: {  	s10 =	sld [smem:$0x3FAE];
	_ =	sdelay $0x3  }
0x33: {  	p0 =	seq.s32 s10, $0x1;
	s10 =	sld [smem:$0x3FB0];
	_ =	sdelay $0x3  }
0x34: {  	[smem:$0x3FB0] =	sst s10  }
0x35: {  	s10 =	sld [smem:$0x3FAF];
	_ =	sdelay $0x3  }
0x36: {  	p1 =	seq.s32 s10, $0x1;
	s10 =	sld [smem:$0x3FB0];
	_ =	sdelay $0x3  }
0x37: {  	[smem:$0x3FB0] =	sst s10  }
0x38: {  	s10 =	sld [smem:$0x3FB1]  }
0x39: {  	_ = 	snop;
	(pc) =	sbr.ind lr, $3  }
0x3a: {  	_ = 	snop  }
0x3b: {  	_ = 	snop  }
0x3c: {  	p2 =	seq.s32 s10, $0x1;
	s10 =	sld [smem:$0x3FB0]  }
0x3d: {  	_ =	shalt  }
0x3e: {  	_ =	shalt  }
0x3f: {  	_ =	shalt  }
0x40: {  	_ =	shalt  }
0x41: {  	_ =	shalt  }
0x42: {  	_ =	shalt  }
0x43: {  	_ =	shalt  }
0x44: {  	_ =	shalt  }
0x45: {  	_ =	shalt  }
0x46: {  	_ =	shalt  }
0x47: {  	_ =	shalt  }
0x48: {  	_ =	shalt  }
0x49: {  	_ =	shalt  }
0x4a: {  	_ =	shalt  }
0x4b: {  	_ =	shalt  }
0x4c: {  	_ =	shalt  }
0x4d: {  	_ =	shalt  }
0x4e: {  	_ =	shalt  }
0x4f: {  	_ =	shalt  }
0x50: {  	_ =	shalt  }
0x51: {  	_ =	shalt  }
0x52: {  	_ =	shalt  }
0x53: {  	_ =	shalt  }
0x54: {  	_ =	shalt  }
0x55: {  	_ =	shalt  }
0x56: {  	_ =	shalt  }
0x57: {  	_ =	shalt  }
0x58: {  	_ =	shalt  }
0x59: {  	_ =	shalt  }
0x5a: {  	_ =	shalt  }
0x5b: {  	_ =	shalt  }
0x5c: {  	_ =	shalt  }
0x5d: {  	_ =	shalt  }
0x5e: {  	_ =	shalt  }
0x5f: {  	_ =	shalt  }
0x60: {  	_ =	shalt  }
0x61: {  	_ =	shalt  }
0x62: {  	_ =	shalt  }
0x63: {  	_ =	shalt  }
0x64: {  	_ =	shalt  }
0x65: {  	_ =	shalt  }
0x66: {  	_ =	shalt  }
0x67: {  	_ =	shalt  }
0x68: {  	_ =	shalt  }
0x69: {  	_ =	shalt  }
0x6a: {  	_ =	shalt  }
0x6b: {  	_ =	shalt  }
0x6c: {  	_ =	shalt  }
0x6d: {  	_ =	shalt  }
0x6e: {  	_ =	shalt  }
0x6f: {  	_ =	shalt  }
0x70: {  	_ =	shalt  }
0x71: {  	_ =	shalt  }
0x72: {  	_ =	shalt  }
0x73: {  	_ =	shalt  }
0x74: {  	_ =	shalt  }
0x75: {  	_ =	shalt  }
0x76: {  	_ =	shalt  }
0x77: {  	_ =	shalt  }
0x78: {  	_ =	shalt  }
0x79: {  	_ =	shalt  }
0x7a: {  	_ =	shalt  }
0x7b: {  	_ =	shalt  }
0x7c: {  	_ =	shalt  }
0x7d: {  	_ =	shalt  }
0x7e: {  	_ =	shalt  }
0x7f: {  	_ =	shalt  }
0x80: {  	_ =	shalt  }
0x81: {  	_ =	shalt  }
0x82: {  	_ =	shalt  }
0x83: {  	_ =	shalt  }
0x84: {  	_ =	shalt  }
0x85: {  	_ =	shalt  }
0x86: {  	_ =	shalt  }
0x87: {  	_ =	shalt  }
.Lfunc_end0:
.L_simem_size_0:
called_computation_lowered:
.L_overlay_start_0:
0x88: {  	s2 =	sld [smem:$0x3FD9]  }
0x89: {  	s3 =	sld [smem:$0x3FFE];
	_ =	sdelay $0x1  }
0x8a: {  	s1 =	srdreg.scid  }
0x8b: {  	s0 =	sand.u32 $0x1, s1  }
0x8c: {  	s17 =	sshll.u32 s0, $0xA;
	s2 =	sadd.s32 s3, s2  }
0x8d: {  	s2 =	sadd.s32 s2, s17  }
0x8e: {  	[smem:$0x3FBC] =	sst s2  }
0x8f: {  	_ = 	snop  }
0x90: {  	s2 =	sld [smem:$0x3FD0];
	(tm) =	ssettm $0x1  }
0x91: {  	s18 =	sld [smem:$0x3FFB];
	_ =	sdelay $0x3  }
0x92: {  	_ =	strace s18  }
0x93: {  	s3 =	sld [smem:$0x3FFC];
	_ =	sdelay $0x3  }
0x94: {  	_ =	strace s3  }
0x95: {  	s3 =	sld [smem:$0x3FFD];
	_ =	sdelay $0x3  }
0x96: {  	_ =	strace s3  }
0x97: {  	_ =	strace $0x8FFFFFFF  }
0x98: {  	s19 =	sld [smem:$0x3FDB];
	_ =	sdelay $0x1  }
0x99: {  	s4 =	simm.s32 $_scs_section_size  }
0x9a: {  	s5 =	simm.s32 $_size__tile_overlayer_lowered;
	s6 =	simm.s32 $_tile_overlayer_lowered  }
0x9b: {  	s22 =	simm.s32 $0x1BFF;
	s21 =	sshll.u32 s6, $0x1;
	s3 =	sadd.s32 s4, s19  }
0x9c: {  	s7 =	simm.s32 $0x0;
	s20 =	sshll.u32 s5, $0x1;
	s5 =	sadd.s32 s21, s3  }
0x9d: {  	[timem:s7], [sflag:s22] =	dma.local [hbm:s5], s20  }
0x9e: {  	_ =	swait.ge [sflag:s22], s20  }
0x9f: {  	s4 =	ssub.s32 $0x0, s20;
	[sflag:s22] =	ssyncset.done $0x0  }
0xa0: {  	[sflag:s22] =	ssyncadd.s32 s4;
	_ =	sdelay $0x1  }
0xa1: {  	s23 =	simm.s32 $0x1B8B  }
0xa2: {  	_ =	swait.ge [sflag:s23], $0x1  }
0xa3: {  	[sflag:s23] =	ssyncset.done $0x0  }
0xa4: {  	s25 =	simm.s32 $0x1B8E;
	s24 =	sld [smem:$0x3FFE];
	[sflag:s23] =	ssyncadd.s32 $0xFFFFFFFF  }
0xa5: {  	s26 =	simm.s32 $execute0_lowered;
	[smem:$0x3FD2] =	sst s25  }
0xa6: {  	s5 =	sshll.u32 s26, $0x1;
	_ =	strace $0x80000046;
	[dreg:$0x1] =	wrdreg $0xFFFFFFFF  }
0xa7: {  	s28 =	simm.s32 $_size_execute0_lowered;
	s3 =	sadd.s32 s3, s5;
	[dreg:$0x0] =	wrdreg $0x0  }
0xa8: {  	s5 =	sshll.u32 s28, $0x1;
	[dreg:$0x2] =	wrdreg s3  }
0xa9: {  	[dreg:$0x3] =	wrdreg s5  }
0xaa: {  	[dreg:$0x4] =	wrdreg $0xC0  }
0xab: {  	_ =	task [dreg:s7], $0x5FFFF  }
0xac: {  	[dreg:$0x1] =	wrdreg $0xFFFFFFFF  }
0xad: {  	[dreg:$0x0] =	wrdreg $0x60  }
0xae: {  	[dreg:$0x2] =	wrdreg s24  }
0xaf: {  	[dreg:$0x3] =	wrdreg s2  }
0xb0: {  	[dreg:$0x4] =	wrdreg $0xA0A00  }
0xb1: {  	[dreg:$0x5] =	wrdreg $0x9  }
0xb2: {  	_ =	task.clear_ibuf [dreg:s7], $0x6FFFF;
	_ =	strace $0x90000046  }
0xb3: {  	s29 =	simm.s32 $0x9;
	_ =	strace $0x80000048  }
0xb4: {  	_ =	swait.ge [sflag:s29], $0x1  }
0xb5: {  	[sflag:s29] =	ssyncadd.s32 $0xFFFFFFFF  }
0xb6: {  	_ =	strace $0x90000048  }
0xb7: {  	_ =	sfence  }
0xb8: {  	s30 =	sld [smem:$0x0];
	_ =	sdelay $0x2  }
0xb9: {  	s31 =	sshll.u32 s1, $0xD;
	s1 =	sshrl.u32 s1, $0x2  }
0xba: {  	s3 =	sand.u32 $0x4000, s31;
	s1 =	sadd.s32 s1, s30  }
0xbb: {  	s0 =	sor.u32 s3, s0;
	s1 =	sshll.u32 s1, $0x11  }
0xbc: {  	s0 =	sor.u32 s1, s0  }
0xbd: {  	s0 =	sadd.s32 $0x8F2B, s0  }
0xbe: {  	[sflag:s0] =	ssyncadd.remote.s32 $0x1  }
0xbf: {  	_ =	sfence.sel $0xFFFF  }
0xc0: {  	[dreg:$0x0] =	wrdreg $0xFFFFFFFF;
	(pc) =	sbr.abs _section_cstart, $3  }
0xc1: {  	[dreg:$0x1] =	wrdreg $0xFFFFFFFF  }
0xc2: {  	_ =	task.clear_ibuf [dreg:s7], $0x2FFFF;
	_ =	strace $0x9FFFFFFF  }
0xc3: {  	(tm) =	ssettm $0x7FFFFFFF  }
tec
execute0_lowered:
.L_overlay_start_1:
0x0: {  	(tag) =	ssettag $0x1  }
0x1: {  	s0 =	rddreg [dreg:$0x0]  }
0x2: {  	s1 =	rddreg [dreg:$0x1]  }
0x3: {  	s2 =	rddreg [dreg:$0x2];
	s4 =	simm.s32 $0x0;
	s3 =	srdreg.scid  }
0x4: {  	s26 =	stileid.u32;
	s25 =	simm.s32 $0x4E20;
	s30 =	simm.s32 $0x2  }
0x5: {  	s31 =	simm.s32 $0x0;
	[smem:$0x7FF] =	sst s4;
	s5 =	smul.u32 $0xA000, s26  }
0x6: {  	s28 =	sand.u32 $0x1, s3;
	s22 =	sadd.s32 $0x2A00, s0;
	s17 =	smul.u32 $0x280, s26  }
0x7: {  	s0 =	sadd.s32 $0xC800, s0;
	s24 =	smul.u32 $0x9C4, s26;
	_ =	strace $0x80000047  }
0x8: {  	s3 =	ssub.s32 $0x2, s28;
	p0 =	seq.s32 s28, $0x0;
	s29 =	smul.u32 $0x2710, s28  }
0x9: {  	s6 =	sshrl.u32 s3, $0x1;
	s5 =	sshrl.u32 s5, $0x2;
	s1 =	smov.u32 @p0 s22  }
0xa: {  	p0 =	seq.s32 s26, $0xF;
	s26 =	simm.s32 $0x3;
	s23 =	ssub.s32 s3, s6  }
0xb: {  	s3 =	sadd.s32 s17, s2;
	s2 =	sadd.s32 s5, s2;
	s4 =	sadd.s32 s17, s29  }
0xc: {  	[dreg:$0x4] =	wrdreg s2;
	s5 =	sadd.s32 $0x2800, s3;
	s6 =	sadd.s32 $0x5000, s3  }
0xd: {  	s7 =	sadd.s32 $0x7800, s3;
	s8 =	sadd.s32 $0xA000, s3;
	s9 =	sadd.s32 $0xC800, s3  }
0xe: {  	s10 =	sadd.s32 $0xF000, s3;
	s11 =	sadd.s32 $0x11800, s3;
	s12 =	sadd.s32 $0x14000, s3  }
0xf: {  	s13 =	sadd.s32 $0x16800, s3;
	s14 =	sadd.s32 $0x19000, s3;
	s15 =	sadd.s32 $0x1B800, s3  }
0x10: {  	s16 =	sadd.s32 $0x1E000, s3;
	s17 =	sadd.s32 $0x20800, s3;
	s4 =	sshrl.u32 s4, $0x3  }
0x11: {  	s2 =	sshrl.u32 s29, $0x3;
	s18 =	sadd.s32 $0x23000, s3;
	s20 =	sadd.s32 $0x25800, s3  }
0x12: {  	s22 =	smax.u32 s23, $0x1;
	s19 =	sadd.s32 s0, s4;
	s0 =	sadd.s32 s0, s2  }
0x13: {  	v0 =	vimm.f32 $0.0e+00;
	v1 =	vimm.f32 $1.000000000e+00;
	s23 =	sadd.s32 s1, s24;
	s24 =	simm.s32 $0x1;
	s21 =	sadd.s32 $0x4B0, s0  }
.LBB2_1:
0x14: {  	s0 =	simm.s32 $0x0  }
0x15: {  	[tilespmem:s0], [sflag:$0x1] =	stream.linear.gather [hbm4b:s23+s0], $0x4E20, $0x38;
	[tilespmem:$0xC8A0] =	vst v63  }
0x16: {  	s1 =	simm.s32 $0x0;
	s0 =	simm.s32 $0x40  }
.LBB2_2:
0x17: {  	p1 =	sne.s32 s0, $0x9FC0;
	[tilespmem:s1+$0x4E20] =	vst v0;
	s1 =	smov.u32 s0;
	s0 =	sadd.s32 $0x40, s0  }
.Ltmp0:
0x18: {  	(pc) =	sbr.rel @p1 .LBB2_2-.Ltmp0, $2  }
0x19: {  	_ =	sdelay $0x2  }
0x1a: {  	s1 =	sshra.s32 s1, $0x2  }
0x1b: {  	[tilespmem:s1+$0x4E20] =	vst v0  }
0x1c: {  	_ =	swait.ge [sflag:s24], $0x4E20  }
0x1d: {  	[sflag:s24] =	ssyncset.done $0x0  }
0x1e: {  	s1 =	simm.s32 $0x0;
	s0 =	simm.s32 $0x40;
	[sflag:s24] =	ssyncadd.s32 $0xFFFFB1E0  }
.LBB2_4:
0x1f: {  	p1 =	sne.s32 s0, $0x13840;
	v2 =	vld [tilespmem:s1+$0x0];
	_ =	sdelay $0x3  }
.Ltmp1:
0x20: {  	(pc) =	sbr.rel @p1 .LBB2_4-.Ltmp1, $2  }
0x21: {  	_ =	sdelay $0x2  }
0x22: {  	s1 =	sshra.s32 s0, $0x2;
	s0 =	sadd.s32 $0x40, s0;
	[tilespmem:v2+s25+$0x0] =	vst.idx.add.f32.msk $0xffff, v1  }
0x23: {  	v2 =	vld [tilespmem:s1+$0x0];
	_ =	sdelay $0x7  }
0x24: {  	s0 =	rddreg [dreg:$0x4];
	[tilespmem:v2+s25+$0x0] =	vst.idx.add.f32.msk $0xffff, v1  }
0x25: {  	[spmem:s0] =	stream.linear.scatter [tilespmem:s25], [sflag:$0x3], $0x2800, $0x38;
	[tilespmem:$0xC8A0] =	vst v63  }
0x26: {  	_ =	swait.ge [sflag:s26], $0x2800  }
0x27: {  	[sflag:s26] =	ssyncset.done $0x0  }
0x28: {  	[sflag:s26] =	ssyncadd.s32 $0xFFFFD800  }
0x29: {  	s4 =	simm.s32 $0x7620;
	[bflag:$0x0] =	sbarrier.arrive $0xFFFF  }
0x2a: {  	[tilespmem:s4], [sflag:$0x2] =	stream.linear.gather [spmem:s3], $0x280, $0x38;
	[tilespmem:$0xC8A0] =	vst v63  }
0x2b: {  	s1 =	simm.s32 $0x78A0  }
0x2c: {  	[tilespmem:s1], [sflag:$0x2] =	stream.linear.gather [spmem:s5], $0x280, $0x38;
	[tilespmem:$0xC8A0] =	vst v63  }
0x2d: {  	s2 =	simm.s32 $0x7B20  }
0x2e: {  	[tilespmem:s2], [sflag:$0x2] =	stream.linear.gather [spmem:s6], $0x280, $0x38;
	[tilespmem:$0xC8A0] =	vst v63  }
0x2f: {  	s4 =	simm.s32 $0x7DA0  }
0x30: {  	[tilespmem:s4], [sflag:$0x2] =	stream.linear.gather [spmem:s7], $0x280, $0x38;
	[tilespmem:$0xC8A0] =	vst v63  }
0x31: {  	s1 =	simm.s32 $0x8020  }
0x32: {  	[tilespmem:s1], [sflag:$0x2] =	stream.linear.gather [spmem:s8], $0x280, $0x38;
	[tilespmem:$0xC8A0] =	vst v63  }
0x33: {  	s2 =	simm.s32 $0x82A0  }
0x34: {  	[tilespmem:s2], [sflag:$0x2] =	stream.linear.gather [spmem:s9], $0x280, $0x38;
	[tilespmem:$0xC8A0] =	vst v63  }
0x35: {  	s4 =	simm.s32 $0x8520  }
0x36: {  	[tilespmem:s4], [sflag:$0x2] =	stream.linear.gather [spmem:s10], $0x280, $0x38;
	[tilespmem:$0xC8A0] =	vst v63  }
0x37: {  	s1 =	simm.s32 $0x87A0  }
0x38: {  	[tilespmem:s1], [sflag:$0x2] =	stream.linear.gather [spmem:s11], $0x280, $0x38;
	[tilespmem:$0xC8A0] =	vst v63  }
0x39: {  	s2 =	simm.s32 $0x8A20  }
0x3a: {  	[tilespmem:s2], [sflag:$0x2] =	stream.linear.gather [spmem:s12], $0x280, $0x38;
	[tilespmem:$0xC8A0] =	vst v63  }
0x3b: {  	s4 =	simm.s32 $0x8CA0  }
0x3c: {  	[tilespmem:s4], [sflag:$0x2] =	stream.linear.gather [spmem:s13], $0x280, $0x38;
	[tilespmem:$0xC8A0] =	vst v63  }
0x3d: {  	s1 =	simm.s32 $0x8F20  }
0x3e: {  	[tilespmem:s1], [sflag:$0x2] =	stream.linear.gather [spmem:s14], $0x280, $0x38;
	[tilespmem:$0xC8A0] =	vst v63  }
0x3f: {  	s2 =	simm.s32 $0x91A0  }
0x40: {  	[tilespmem:s2], [sflag:$0x2] =	stream.linear.gather [spmem:s15], $0x280, $0x38;
	[tilespmem:$0xC8A0] =	vst v63  }
0x41: {  	s4 =	simm.s32 $0x9420  }
0x42: {  	[tilespmem:s4], [sflag:$0x2] =	stream.linear.gather [spmem:s16], $0x280, $0x38;
	[tilespmem:$0xC8A0] =	vst v63  }
0x43: {  	s1 =	simm.s32 $0x96A0  }
0x44: {  	[tilespmem:s1], [sflag:$0x2] =	stream.linear.gather [spmem:s17], $0x280, $0x38;
	[tilespmem:$0xC8A0] =	vst v63  }
0x45: {  	s2 =	simm.s32 $0x9920  }
0x46: {  	[tilespmem:s2], [sflag:$0x2] =	stream.linear.gather [spmem:s18], $0x280, $0x38;
	[tilespmem:$0xC8A0] =	vst v63  }
0x47: {  	s4 =	simm.s32 $0x9BA0  }
0x48: {  	[tilespmem:s4], [sflag:$0x2] =	stream.linear.gather [spmem:s20], $0x280, $0x38;
	[tilespmem:$0xC8A0] =	vst v63  }
0x49: {  	_ =	swait.ge [sflag:s30], $0x280  }
0x4a: {  	[sflag:s30] =	ssyncset.done $0x0  }
0x4b: {  	[sflag:s30] =	ssyncadd.s32 $0xFFFFFD80  }
0x4c: {  	_ =	swait.ge [sflag:s30], $0x280  }
0x4d: {  	[sflag:s30] =	ssyncset.done $0x0  }
0x4e: {  	[sflag:s30] =	ssyncadd.s32 $0xFFFFFD80  }
0x4f: {  	_ =	swait.ge [sflag:s30], $0x280  }
0x50: {  	[sflag:s30] =	ssyncset.done $0x0  }
0x51: {  	[sflag:s30] =	ssyncadd.s32 $0xFFFFFD80  }
0x52: {  	_ =	swait.ge [sflag:s30], $0x280  }
0x53: {  	[sflag:s30] =	ssyncset.done $0x0  }
0x54: {  	[sflag:s30] =	ssyncadd.s32 $0xFFFFFD80  }
0x55: {  	_ =	swait.ge [sflag:s30], $0x280  }
0x56: {  	[sflag:s30] =	ssyncset.done $0x0  }
0x57: {  	[sflag:s30] =	ssyncadd.s32 $0xFFFFFD80  }
0x58: {  	_ =	swait.ge [sflag:s30], $0x280  }
0x59: {  	[sflag:s30] =	ssyncset.done $0x0  }
0x5a: {  	[sflag:s30] =	ssyncadd.s32 $0xFFFFFD80  }
0x5b: {  	_ =	swait.ge [sflag:s30], $0x280  }
0x5c: {  	[sflag:s30] =	ssyncset.done $0x0  }
0x5d: {  	[sflag:s30] =	ssyncadd.s32 $0xFFFFFD80  }
0x5e: {  	_ =	swait.ge [sflag:s30], $0x280  }
0x5f: {  	[sflag:s30] =	ssyncset.done $0x0  }
0x60: {  	[sflag:s30] =	ssyncadd.s32 $0xFFFFFD80  }
0x61: {  	_ =	swait.ge [sflag:s30], $0x280  }
0x62: {  	[sflag:s30] =	ssyncset.done $0x0  }
0x63: {  	[sflag:s30] =	ssyncadd.s32 $0xFFFFFD80  }
0x64: {  	_ =	swait.ge [sflag:s30], $0x280  }
0x65: {  	[sflag:s30] =	ssyncset.done $0x0  }
0x66: {  	[sflag:s30] =	ssyncadd.s32 $0xFFFFFD80  }
0x67: {  	_ =	swait.ge [sflag:s30], $0x280  }
0x68: {  	[sflag:s30] =	ssyncset.done $0x0  }
0x69: {  	[sflag:s30] =	ssyncadd.s32 $0xFFFFFD80  }
0x6a: {  	_ =	swait.ge [sflag:s30], $0x280  }
0x6b: {  	[sflag:s30] =	ssyncset.done $0x0  }
0x6c: {  	[sflag:s30] =	ssyncadd.s32 $0xFFFFFD80  }
0x6d: {  	_ =	swait.ge [sflag:s30], $0x280  }
0x6e: {  	[sflag:s30] =	ssyncset.done $0x0  }
0x6f: {  	[sflag:s30] =	ssyncadd.s32 $0xFFFFFD80  }
0x70: {  	_ =	swait.ge [sflag:s30], $0x280  }
0x71: {  	[sflag:s30] =	ssyncset.done $0x0  }
0x72: {  	[sflag:s30] =	ssyncadd.s32 $0xFFFFFD80  }
0x73: {  	_ =	swait.ge [sflag:s30], $0x280  }
0x74: {  	[sflag:s30] =	ssyncset.done $0x0  }
0x75: {  	[sflag:s30] =	ssyncadd.s32 $0xFFFFFD80  }
0x76: {  	_ =	swait.ge [sflag:s30], $0x280  }
0x77: {  	[sflag:s30] =	ssyncset.done $0x0  }
0x78: {  	s2 =	simm.s32 $0x0;
	[sflag:s30] =	ssyncadd.s32 $0xFFFFFD80  }
0x79: {  	v2 =	vld [tilespmem:s2+$0x7620]  }
0x7a: {  	v3 =	vld [tilespmem:s2+$0x78A0];
	_ =	sdelay $0x1  }
0x7b: {  	v4 =	vld [tilespmem:s2+$0x7B20];
	_ =	sdelay $0x1  }
0x7c: {  	v5 =	vld [tilespmem:s2+$0x7DA0]  }
0x7d: {  	v2 =	vadd.f32 v3, v2  }
0x7e: {  	v3 =	vld [tilespmem:s2+$0x8020]  }
0x7f: {  	v2 =	vadd.f32 v4, v2  }
0x80: {  	v4 =	vld [tilespmem:s2+$0x82A0]  }
0x81: {  	v2 =	vadd.f32 v5, v2  }
0x82: {  	v5 =	vld [tilespmem:s2+$0x8520]  }
0x83: {  	v2 =	vadd.f32 v3, v2  }
0x84: {  	v3 =	vld [tilespmem:s2+$0x87A0]  }
0x85: {  	s0 =	simm.s32 $0x10;
	v6 =	vld [tilespmem:s2+$0x8A20];
	v2 =	vadd.f32 v4, v2  }
0x86: {  	v7 =	vld [tilespmem:s0+$0x7620]  }
0x87: {  	v4 =	vld [tilespmem:s2+$0x8CA0];
	v2 =	vadd.f32 v5, v2  }
0x88: {  	v5 =	vld [tilespmem:s0+$0x78A0]  }
0x89: {  	v8 =	vld [tilespmem:s0+$0x7B20];
	v2 =	vadd.f32 v3, v2  }
0x8a: {  	v3 =	vld [tilespmem:s2+$0x8F20]  }
0x8b: {  	v9 =	vld [tilespmem:s0+$0x7DA0];
	v2 =	vadd.f32 v6, v2  }
0x8c: {  	v6 =	vld [tilespmem:s2+$0x91A0]  }
0x8d: {  	v5 =	vadd.f32 v5, v7;
	v7 =	vld [tilespmem:s0+$0x8020];
	v2 =	vadd.f32 v4, v2  }
0x8e: {  	v4 =	vld [tilespmem:s2+$0x9420]  }
0x8f: {  	v5 =	vadd.f32 v8, v5;
	v8 =	vld [tilespmem:s0+$0x82A0];
	v2 =	vadd.f32 v3, v2  }
0x90: {  	v3 =	vld [tilespmem:s2+$0x96A0]  }
0x91: {  	v5 =	vadd.f32 v9, v5;
	v9 =	vld [tilespmem:s0+$0x8520];
	v2 =	vadd.f32 v6, v2  }
0x92: {  	v6 =	vld [tilespmem:s2+$0x9920]  }
0x93: {  	v5 =	vadd.f32 v7, v5;
	v7 =	vld [tilespmem:s0+$0x87A0];
	v2 =	vadd.f32 v4, v2  }
0x94: {  	s1 =	simm.s32 $0x20;
	v4 =	vld [tilespmem:s2+$0x9BA0]  }
0x95: {  	v10 =	vld [tilespmem:s1+$0x7620];
	v5 =	vadd.f32 v8, v5;
	v2 =	vadd.f32 v3, v2  }
0x96: {  	v3 =	vld [tilespmem:s0+$0x8A20]  }
0x97: {  	v8 =	vld [tilespmem:s0+$0x8CA0];
	v5 =	vadd.f32 v9, v5;
	v2 =	vadd.f32 v6, v2  }
0x98: {  	v6 =	vld [tilespmem:s1+$0x78A0]  }
0x99: {  	v5 =	vadd.f32 v7, v5;
	v7 =	vld [tilespmem:s0+$0x8F20];
	v2 =	vadd.f32 v4, v2  }
0x9a: {  	v4 =	vld [tilespmem:s1+$0x7B20]  }
0x9b: {  	v12 =	vld [tilespmem:s1+$0x7DA0];
	v5 =	vadd.f32 v3, v5;
	v11 =	vmax.f32 v2, $1.000000000e+00  }
0x9c: {  	v9 =	vld [tilespmem:s0+$0x91A0];
	v3 =	vmul.f32 $5.000000000e-01, v11;
	v11 =	vshrl.u32 v11, $0x1  }
0x9d: {  	v6 =	vadd.f32 v6, v10;
	v5 =	vadd.f32 v8, v5;
	v8 =	vld [tilespmem:s0+$0x9420];
	v10 =	vsub.s32 $0x5F3759DF, v11  }
0x9e: {  	v11 =	vld [tilespmem:s1+$0x8020];
	v13 =	vmul.f32 v10, v3  }
0x9f: {  	v14 =	vld [tilespmem:s1+$0x82A0];
	v4 =	vadd.f32 v4, v6;
	v5 =	vadd.f32 v7, v5  }
0xa0: {  	v7 =	vld [tilespmem:s0+$0x96A0];
	v6 =	vmul.f32 v10, v13  }
0xa1: {  	v15 =	vld [tilespmem:s1+$0x8520];
	v4 =	vadd.f32 v12, v4;
	v5 =	vadd.f32 v9, v5  }
0xa2: {  	v13 =	vld [tilespmem:s0+$0x9920];
	v9 =	vsub.f32 $1.500000000e+00, v6  }
0xa3: {  	v11 =	vadd.f32 v11, v4;
	v8 =	vadd.f32 v8, v5;
	v4 =	vld [tilespmem:s0+$0x9BA0]  }
0xa4: {  	v6 =	vld [tilespmem:s1+$0x87A0];
	v9 =	vmul.f32 v10, v9  }
0xa5: {  	v5 =	vld [tilespmem:s1+$0x8CA0];
	v10 =	vadd.f32 v14, v11;
	v7 =	vadd.f32 v7, v8  }
0xa6: {  	s28 =	simm.s32 $0x30;
	v8 =	vld [tilespmem:s1+$0x8A20];
	v12 =	vmul.f32 v9, v3  }
0xa7: {  	s29 =	simm.s32 $0x100;
	v11 =	vld [tilespmem:s28+$0x7620];
	v10 =	vadd.f32 v15, v10;
	v7 =	vadd.f32 v13, v7  }
.LBB2_6:
0xa8: {  	p1 =	sne.s32 s29, $0x9C0;
	v13 =	vld [tilespmem:s28+$0x78A0];
	v12 =	vmul.f32 v12, v9;
	s4 =	smov.u32 s1;
	s1 =	smov.u32 s28  }
0xa9: {  	v6 =	vadd.f32 v6, v10;
	v10 =	vld [tilespmem:s4+$0x8F20];
	v7 =	vadd.f32 v4, v7  }
0xaa: {  	v4 =	vld [tilespmem:s1+$0x7B20];
	v12 =	vsub.f32 $1.500000000e+00, v12  }
0xab: {  	v6 =	vadd.f32 v8, v6;
	v8 =	vld [tilespmem:s4+$0x91A0];
	v14 =	vmax.f32 v7, $1.000000000e+00  }
0xac: {  	v15 =	vld [tilespmem:s1+$0x7DA0];
	v16 =	vmul.f32 $5.000000000e-01, v14;
	v14 =	vshrl.u32 v14, $0x1;
	v12 =	vmul.f32 v12, v9  }
0xad: {  	v9 =	vadd.f32 v13, v11;
	v5 =	vadd.f32 v5, v6;
	v6 =	vld [tilespmem:s4+$0x9420];
	v11 =	vsub.s32 $0x5F3759DF, v14  }
0xae: {  	v13 =	vld [tilespmem:s1+$0x8020];
	v14 =	vmul.f32 v11, v16;
	v17 =	vmul.f32 v12, v3;
	v3 =	vmov v16  }
0xaf: {  	v4 =	vadd.f32 v4, v9;
	v5 =	vadd.f32 v10, v5;
	v10 =	vld [tilespmem:s4+$0x96A0]  }
0xb0: {  	v16 =	vld [tilespmem:s1+$0x82A0];
	v9 =	vmul.f32 v11, v14;
	v14 =	vmul.f32 v17, v12  }
0xb1: {  	v4 =	vadd.f32 v15, v4;
	v5 =	vadd.f32 v8, v5;
	v15 =	vld [tilespmem:s4+$0x9920]  }
0xb2: {  	v17 =	vld [tilespmem:s1+$0x8520];
	v8 =	vsub.f32 $1.500000000e+00, v9;
	v14 =	vsub.f32 $1.500000000e+00, v14  }
.Ltmp2:
0xb3: {  	v13 =	vadd.f32 v13, v4;
	v18 =	vadd.f32 v6, v5;
	v4 =	vld [tilespmem:s4+$0x9BA0];
	(pc) =	sbr.rel @p1 .LBB2_6-.Ltmp2, $4  }
0xb4: {  	v6 =	vld [tilespmem:s1+$0x87A0];
	v9 =	vmul.f32 v11, v8;
	v11 =	vmul.f32 v14, v12  }
0xb5: {  	vm0 =	vgt.f32 v2, $0.0e+00;
	v2 =	vmovc v7;
	v13 =	vadd.f32 v16, v13;
	v5 =	vld [tilespmem:s1+$0x8CA0];
	v14 =	vadd.f32 v10, v18  }
0xb6: {  	s28 =	sshra.s32 s29, $0x2;
	v8 =	vld [tilespmem:s1+$0x8A20];
	v12 =	vmul.f32 v9, v3;
	v16 =	vnsel vm0, $0x0, v11  }
0xb7: {  	s29 =	sadd.s32 $0x40, s29;
	v11 =	vld [tilespmem:s28+$0x7620];
	v10 =	vadd.f32 v17, v13;
	v7 =	vadd.f32 v15, v14;
	[tilespmem:s2+$0x9E20] =	vst v16;
	s2 =	smov.u32 s0;
	s0 =	smov.u32 s4  }
0xb8: {  	v13 =	vld [tilespmem:s28+$0x78A0];
	_ =	sdelay $0x1  }
0xb9: {  	v12 =	vmul.f32 v12, v9;
	v14 =	vld [tilespmem:s28+$0x7B20];
	_ =	sdelay $0x1  }
0xba: {  	v15 =	vld [tilespmem:s28+$0x7DA0];
	v12 =	vsub.f32 $1.500000000e+00, v12  }
0xbb: {  	v11 =	vadd.f32 v13, v11  }
0xbc: {  	v32 =	vld [tilespmem:s28+$0x8020];
	v31 =	vmul.f32 v12, v9  }
0xbd: {  	v16 =	vld [tilespmem:s1+$0x8F20];
	v11 =	vadd.f32 v14, v11  }
0xbe: {  	v34 =	vld [tilespmem:s28+$0x82A0];
	v3 =	vmul.f32 v31, v3  }
0xbf: {  	v33 =	vld [tilespmem:s1+$0x91A0];
	v11 =	vadd.f32 v15, v11  }
0xc0: {  	v35 =	vld [tilespmem:s28+$0x8520];
	v3 =	vmul.f32 v3, v31  }
0xc1: {  	v17 =	vld [tilespmem:s1+$0x9420];
	v11 =	vadd.f32 v32, v11  }
0xc2: {  	v36 =	vld [tilespmem:s28+$0x87A0];
	v3 =	vsub.f32 $1.500000000e+00, v3  }
0xc3: {  	v18 =	vld [tilespmem:s1+$0x96A0];
	v11 =	vadd.f32 v34, v11  }
0xc4: {  	v38 =	vld [tilespmem:s28+$0x8A20];
	v3 =	vmul.f32 v3, v31  }
0xc5: {  	v37 =	vld [tilespmem:s1+$0x9920];
	vm0 =	vgt.f32 v2, $0.0e+00;
	v2 =	vadd.f32 v35, v11  }
0xc6: {  	v40 =	vld [tilespmem:s28+$0x8CA0];
	v6 =	vadd.f32 v6, v10;
	v3 =	vnsel vm0, $0x0, v3  }
0xc7: {  	v39 =	vld [tilespmem:s1+$0x9BA0];
	[tilespmem:s2+$0x9E20] =	vst v3;
	v2 =	vadd.f32 v36, v2  }
0xc8: {  	v3 =	vadd.f32 v8, v6;
	v41 =	vld [tilespmem:s28+$0x8F20]  }
0xc9: {  	v2 =	vadd.f32 v38, v2  }
0xca: {  	v42 =	vld [tilespmem:s28+$0x91A0];
	v3 =	vadd.f32 v5, v3  }
0xcb: {  	v2 =	vadd.f32 v40, v2  }
0xcc: {  	v43 =	vld [tilespmem:s28+$0x9420];
	v3 =	vadd.f32 v16, v3  }
0xcd: {  	v2 =	vadd.f32 v41, v2  }
0xce: {  	v44 =	vld [tilespmem:s28+$0x96A0];
	v3 =	vadd.f32 v33, v3  }
0xcf: {  	v2 =	vadd.f32 v42, v2  }
0xd0: {  	v45 =	vld [tilespmem:s28+$0x9920];
	v3 =	vadd.f32 v17, v3  }
0xd1: {  	v2 =	vadd.f32 v43, v2  }
0xd2: {  	v46 =	vld [tilespmem:s28+$0x9BA0];
	v3 =	vadd.f32 v18, v3  }
0xd3: {  	v4 =	vadd.f32 v4, v7;
	v2 =	vadd.f32 v44, v2  }
0xd4: {  	v3 =	vadd.f32 v37, v3  }
0xd5: {  	v47 =	vmax.f32 v4, $1.000000000e+00;
	v2 =	vadd.f32 v45, v2  }
0xd6: {  	v48 =	vmul.f32 $5.000000000e-01, v47;
	v6 =	vshrl.u32 v47, $0x1;
	v3 =	vadd.f32 v39, v3  }
0xd7: {  	v6 =	vsub.s32 $0x5F3759DF, v6;
	v2 =	vadd.f32 v46, v2  }
0xd8: {  	v49 =	vmul.f32 v6, v48;
	v50 =	vmax.f32 v3, $1.000000000e+00  }
0xd9: {  	v51 =	vmul.f32 $5.000000000e-01, v50;
	v8 =	vshrl.u32 v50, $0x1;
	v52 =	vmax.f32 v2, $1.000000000e+00  }
0xda: {  	v8 =	vsub.s32 $0x5F3759DF, v8;
	v53 =	vmul.f32 $5.000000000e-01, v52;
	v10 =	vshrl.u32 v52, $0x1  }
0xdb: {  	v54 =	vmul.f32 v8, v51;
	v10 =	vsub.s32 $0x5F3759DF, v10  }
0xdc: {  	v7 =	vmul.f32 v6, v49;
	v55 =	vmul.f32 v10, v53  }
0xdd: {  	v12 =	vmul.f32 v8, v54  }
0xde: {  	v7 =	vsub.f32 $1.500000000e+00, v7;
	v13 =	vmul.f32 v10, v55  }
0xdf: {  	v12 =	vsub.f32 $1.500000000e+00, v12  }
0xe0: {  	v6 =	vmul.f32 v6, v7;
	v56 =	vsub.f32 $1.500000000e+00, v13  }
0xe1: {  	v8 =	vmul.f32 v8, v12  }
0xe2: {  	v57 =	vmul.f32 v6, v48;
	v7 =	vmul.f32 v10, v56  }
0xe3: {  	v58 =	vmul.f32 v8, v51  }
0xe4: {  	v12 =	vmul.f32 v57, v6;
	v59 =	vmul.f32 v7, v53  }
0xe5: {  	v10 =	vmul.f32 v58, v8  }
0xe6: {  	v12 =	vsub.f32 $1.500000000e+00, v12;
	v13 =	vmul.f32 v59, v7  }
0xe7: {  	v10 =	vsub.f32 $1.500000000e+00, v10  }
0xe8: {  	v6 =	vmul.f32 v12, v6;
	v60 =	vsub.f32 $1.500000000e+00, v13  }
0xe9: {  	v8 =	vmul.f32 v10, v8  }
0xea: {  	v5 =	vmul.f32 v6, v48;
	v7 =	vmul.f32 v60, v7  }
0xeb: {  	v9 =	vmul.f32 v8, v51  }
0xec: {  	v5 =	vmul.f32 v5, v6;
	v61 =	vmul.f32 v7, v53  }
0xed: {  	v9 =	vmul.f32 v9, v8  }
0xee: {  	v5 =	vsub.f32 $1.500000000e+00, v5;
	v10 =	vmul.f32 v61, v7  }
0xef: {  	v9 =	vsub.f32 $1.500000000e+00, v9  }
0xf0: {  	v5 =	vmul.f32 v5, v6;
	v62 =	vsub.f32 $1.500000000e+00, v10  }
0xf1: {  	vm13 =	vgt.f32 v4, $0.0e+00;
	v63 =	vmul.f32 v9, v8  }
0xf2: {  	vm14 =	vgt.f32 v3, $0.0e+00;
	v5 =	vnsel vm13, $0x0, v5;
	v3 =	vmul.f32 v62, v7  }
0xf3: {  	vm15 =	vgt.f32 v2, $0.0e+00;
	[tilespmem:s0+$0x9E20] =	vst v5;
	v4 =	vnsel vm14, $0x0, v63  }
0xf4: {  	[tilespmem:s1+$0x9E20] =	vst v4;
	v2 =	vnsel vm15, $0x0, v3  }
0xf5: {  	s0 =	simm.s32 @p0 $0x0;
	s1 =	simm.s32 @p0 $0x9E20;
	[tilespmem:s28+$0x9E20] =	vst v2  }
0xf6: {  	[hbm4b:s21+s0] =	stream.linear.scatter @p0 [tilespmem:s1], [sflag:$0x3], $0x190, $0x38;
	[tilespmem:$0xC8A0] =	vst v63  }
0xf7: {  	s0 =	simm.s32 @p0 $0x3  }
0xf8: {  	s31 =	sadd.s32 $0x1, s31;
	_ =	swait.ge @p0 [sflag:s0], $0x190  }
0xf9: {  	p1 =	sne.s32 s31, s22;
	[sflag:s0] =	ssyncset.done @p0 $0x0  }
0xfa: {  	s1 =	simm.s32 @!p0 $0x9E20;
	[sflag:s0] =	ssyncadd.s32 @p0 $0xFFFFFE70;
	s0 =	simm.s32 @!p0 $0x0  }
0xfb: {  	[hbm4b:s19+s0] =	stream.linear.scatter @!p0 [tilespmem:s1], [sflag:$0x3], $0x280, $0x38;
	[tilespmem:$0xC8A0] =	vst v63  }
.Ltmp3:
0xfc: {  	_ = 	snop;
	(pc) =	sbr.rel @p1 .LBB2_1-.Ltmp3, $4  }
0xfd: {  	s0 =	simm.s32 @!p0 $0x3  }
0xfe: {  	_ =	swait.ge @!p0 [sflag:s0], $0x280  }
0xff: {  	[sflag:s0] =	ssyncset.done @!p0 $0x0  }
0x100: {  	[sflag:s0] =	ssyncadd.s32 @!p0 $0xFFFFFD80  }
0x101: {  	_ =	sfence.sel $0x180000  }
0x102: {  	[bflag:$0x0] =	sbarrier.arrive $0xFFFF  }
0x103: {  	_ =	strace $0x90000047  }
0x104: {  	s0 =	stileid.u32;
	[bflag:$0x2] =	sbarrier.arrive $0xFFFF  }
0x105: {  	p0 =	sne.s32 s0, $0x0;
	s0 =	rddreg [dreg:$0x3]  }
0x106: {  	s0 =	sadd.s32 @!p0 $0x100000, s0  }
0x107: {  	[sflag:s0] =	ssyncadd.tile.s32 @!p0 $0x1;
	_ =	shalt  }
.Lfunc_end2:
_tile_overlayer_lowered:
.L_overlay_start_2:
0x108: {  	(tag) =	ssettag $0x2  }
0x109: {  	s0 =	rddreg [dreg:$0x0];
	s2 =	stileid.u32  }
0x10a: {  	s1 =	rddreg [dreg:$0x1];
	p0 =	sne.s32 s2, $0x0  }
0x10b: {  	s3 =	rddreg [dreg:$0x2];
	[bflag:$0x3] =	sbarrier.arrive $0xFFFF;
	s2 =	simm.s32 @!p0 $0x1C03  }
0x10c: {  	[timem:s3], [sflag:s2] =	dma.local @!p0 [hbm:s0], s1  }
0x10d: {  	s0 =	simm.s32 @!p0 $0x3  }
0x10e: {  	_ =	swait.ge @!p0 [sflag:s0], s1  }
0x10f: {  	s1 =	ssub.s32 @!p0 $0x0, s1;
	[sflag:s0] =	ssyncset.done @!p0 $0x0  }
0x110: {  	[sflag:s0] =	ssyncadd.s32 @!p0 s1  }
0x111: {  	[bflag:$0x3] =	sbarrier.arrive $0xFFFF  }
0x112: {  	_ =	shalt  }

// kernel: kernel.13.cloned.1.call-start
scs
__scs_entry_jumppad:
0x0: {  	(pc) =	sbr.rel $0x88, $3  }
0x1: {  	(tag) =	ssettag $0x0;
	lr =	simm.s32 $0x1  }
0x2: {  	[smem:$0x3F95] =	sst lr;
	_ =	strace $0xD0000000  }
0x3: {  	_ = 	snop  }
0x4: {  	_ = 	snop  }
0x5: {  	_ = 	snop  }
0x6: {  	_ = 	snop  }
0x7: {  	_ = 	snop  }
__scs_overlays_trampoline_lowered:
0x8: {  	[smem:$0x3FA4] =	sst s0  }
0x9: {  	[smem:$0x3FA5] =	sst s1  }
0xa: {  	[smem:$0x3FA6] =	sst s2  }
0xb: {  	[smem:$0x3FA7] =	sst s3  }
0xc: {  	[smem:$0x3FA8] =	sst s4  }
0xd: {  	[smem:$0x3FA9] =	sst s5  }
0xe: {  	[smem:$0x3FAA] =	sst s6  }
0xf: {  	[smem:$0x3FAB] =	sst s7  }
0x10: {  	[smem:$0x3FAC] =	sst s8  }
0x11: {  	[smem:$0x3FAD] =	sst s9;
	s0 =	simm.s32 @!p0 $0x0  }
0x12: {  	s1 =	sld [smem:$0x3F93];
	s0 =	simm.s32 @p0 $0x1  }
0x13: {  	[smem:$0x3FAE] =	sst s0;
	s0 =	simm.s32 @!p1 $0x0  }
0x14: {  	s2 =	sld [smem:$0x3F92];
	s0 =	simm.s32 @p1 $0x1  }
0x15: {  	[smem:$0x3FAF] =	sst s0;
	s0 =	simm.s32 @!p2 $0x0  }
0x16: {  	s3 =	sld [smem:$0x3FDB];
	s0 =	simm.s32 @p2 $0x1  }
0x17: {  	s4 =	simm.s32 $0x1BF5;
	[smem:$0x3FB1] =	sst s0  }
0x18: {  	s0 =	sld [smem:$0x3F94];
	_ =	swait.ge [sflag:s4], $0x0  }
0x19: {  	s7 =	sld [smem:$0x3F95]  }
0x1a: {  	s8 =	sadd.s32 $0xFFFFE003, lr  }
0x1b: {  	s9 =	sadd.s32 $0xFFFFFEF7, lr;
	s5 =	simm.s32 $0xFFFFFFFF;
	p2 =	slt.u32 s8, $0xFFFFF086  }
0x1c: {  	p1 =	slt.u32 s9, $0xF7A;
	s5 =	simm.s32 @!p2 $0x0  }
0x1d: {  	s5 =	simm.s32 @p1 $0x1;
	p0 =	seq.s32 s7, s2  }
0x1e: {  	s7 =	smul.u32 @!p0 $0xF7A, s2;
	p2 =	seq.s32 @!p0 s5, $0x0  }
0x1f: {  	s9 =	smul.u32 $0xF7A, s1;
	s8 =	simm.s32 @!p0 $0x1BF5;
	p2 =	por !p2, p0  }
0x20: {  	[sflag:s8] =	ssyncset.s32 @!p0 $0xFFFFF086;
	s6 =	sadd.s32 @!p0 s3, s7;
	s7 =	simm.s32 @!p0 $0x108  }
0x21: {  	s3 =	sadd.s32 s3, s9;
	s6 =	sadd.s32 @!p0 $0x88, s6;
	s7 =	simm.s32 @p2 $0x1082  }
0x22: {  	[simem:s7], [sflag:s8] =	dma.local @!p0 [hbm:s6], $0xF7A  }
0x23: {  	s9 =	sor.u32 $0xD0000000, s2;
	s6 =	simm.s32 $0x108;
	_ =	swait.ge @!p0 [sflag:s8], $0x0  }
0x24: {  	s3 =	sadd.s32 $0x88, s3;
	s6 =	simm.s32 @!p1 $0x1082;
	[sflag:s4] =	ssyncset.s32 $0xFFFFF086  }
0x25: {  	[simem:s6], [sflag:s4] =	dma.local [hbm:s3], $0xF7A  }
0x26: {  	[smem:$0x3F95] =	sst s1;
	(tag) =	ssettag s2;
	_ =	strace s9  }
0x27: {  	s1 =	sld [smem:$0x3FA5]  }
0x28: {  	s2 =	sld [smem:$0x3FA6]  }
0x29: {  	s4 =	sld [smem:$0x3FA8]  }
0x2a: {  	p0 =	seq.s32 s5, $0x0;
	s5 =	sld [smem:$0x3FA9]  }
0x2b: {  	s6 =	sld [smem:$0x3FAA]  }
0x2c: {  	s7 =	sld [smem:$0x3FAB]  }
0x2d: {  	s3 =	simm.s32 $0x108;
	s8 =	sld [smem:$0x3FAC]  }
0x2e: {  	s3 =	simm.s32 @!p0 $0x1082;
	s9 =	sld [smem:$0x3FAD]  }
0x2f: {  	lr =	sadd.s32 s0, s3;
	s0 =	sld [smem:$0x3FA4]  }
0x30: {  	s3 =	sld [smem:$0x3FA7]  }
0x31: {  	[smem:$0x3FB0] =	sst s10  }
0x32: {  	s10 =	sld [smem:$0x3FAE];
	_ =	sdelay $0x3  }
0x33: {  	p0 =	seq.s32 s10, $0x1;
	s10 =	sld [smem:$0x3FB0];
	_ =	sdelay $0x3  }
0x34: {  	[smem:$0x3FB0] =	sst s10  }
0x35: {  	s10 =	sld [smem:$0x3FAF];
	_ =	sdelay $0x3  }
0x36: {  	p1 =	seq.s32 s10, $0x1;
	s10 =	sld [smem:$0x3FB0];
	_ =	sdelay $0x3  }
0x37: {  	[smem:$0x3FB0] =	sst s10  }
0x38: {  	s10 =	sld [smem:$0x3FB1]  }
0x39: {  	_ = 	snop;
	(pc) =	sbr.ind lr, $3  }
0x3a: {  	_ = 	snop  }
0x3b: {  	_ = 	snop  }
0x3c: {  	p2 =	seq.s32 s10, $0x1;
	s10 =	sld [smem:$0x3FB0]  }
0x3d: {  	_ =	shalt  }
0x3e: {  	_ =	shalt  }
0x3f: {  	_ =	shalt  }
0x40: {  	_ =	shalt  }
0x41: {  	_ =	shalt  }
0x42: {  	_ =	shalt  }
0x43: {  	_ =	shalt  }
0x44: {  	_ =	shalt  }
0x45: {  	_ =	shalt  }
0x46: {  	_ =	shalt  }
0x47: {  	_ =	shalt  }
0x48: {  	_ =	shalt  }
0x49: {  	_ =	shalt  }
0x4a: {  	_ =	shalt  }
0x4b: {  	_ =	shalt  }
0x4c: {  	_ =	shalt  }
0x4d: {  	_ =	shalt  }
0x4e: {  	_ =	shalt  }
0x4f: {  	_ =	shalt  }
0x50: {  	_ =	shalt  }
0x51: {  	_ =	shalt  }
0x52: {  	_ =	shalt  }
0x53: {  	_ =	shalt  }
0x54: {  	_ =	shalt  }
0x55: {  	_ =	shalt  }
0x56: {  	_ =	shalt  }
0x57: {  	_ =	shalt  }
0x58: {  	_ =	shalt  }
0x59: {  	_ =	shalt  }
0x5a: {  	_ =	shalt  }
0x5b: {  	_ =	shalt  }
0x5c: {  	_ =	shalt  }
0x5d: {  	_ =	shalt  }
0x5e: {  	_ =	shalt  }
0x5f: {  	_ =	shalt  }
0x60: {  	_ =	shalt  }
0x61: {  	_ =	shalt  }
0x62: {  	_ =	shalt  }
0x63: {  	_ =	shalt  }
0x64: {  	_ =	shalt  }
0x65: {  	_ =	shalt  }
0x66: {  	_ =	shalt  }
0x67: {  	_ =	shalt  }
0x68: {  	_ =	shalt  }
0x69: {  	_ =	shalt  }
0x6a: {  	_ =	shalt  }
0x6b: {  	_ =	shalt  }
0x6c: {  	_ =	shalt  }
0x6d: {  	_ =	shalt  }
0x6e: {  	_ =	shalt  }
0x6f: {  	_ =	shalt  }
0x70: {  	_ =	shalt  }
0x71: {  	_ =	shalt  }
0x72: {  	_ =	shalt  }
0x73: {  	_ =	shalt  }
0x74: {  	_ =	shalt  }
0x75: {  	_ =	shalt  }
0x76: {  	_ =	shalt  }
0x77: {  	_ =	shalt  }
0x78: {  	_ =	shalt  }
0x79: {  	_ =	shalt  }
0x7a: {  	_ =	shalt  }
0x7b: {  	_ =	shalt  }
0x7c: {  	_ =	shalt  }
0x7d: {  	_ =	shalt  }
0x7e: {  	_ =	shalt  }
0x7f: {  	_ =	shalt  }
0x80: {  	_ =	shalt  }
0x81: {  	_ =	shalt  }
0x82: {  	_ =	shalt  }
0x83: {  	_ =	shalt  }
0x84: {  	_ =	shalt  }
0x85: {  	_ =	shalt  }
0x86: {  	_ =	shalt  }
0x87: {  	_ =	shalt  }
.Lfunc_end0:
.L_simem_size_0:
called_computation.1_lowered:
.L_overlay_start_0:
0x88: {  	s2 =	sld [smem:$0x3FD9]  }
0x89: {  	s3 =	sld [smem:$0x3FFE];
	_ =	sdelay $0x1  }
0x8a: {  	s1 =	srdreg.scid  }
0x8b: {  	s0 =	sand.u32 $0x1, s1  }
0x8c: {  	s17 =	sshll.u32 s0, $0xA;
	s2 =	sadd.s32 s3, s2  }
0x8d: {  	s2 =	sadd.s32 s2, s17  }
0x8e: {  	[smem:$0x3FBC] =	sst s2  }
0x8f: {  	_ = 	snop  }
0x90: {  	s2 =	sld [smem:$0x3FD0];
	(tm) =	ssettm $0x1  }
0x91: {  	s18 =	sld [smem:$0x3FFB];
	_ =	sdelay $0x3  }
0x92: {  	_ =	strace s18  }
0x93: {  	s3 =	sld [smem:$0x3FFC];
	_ =	sdelay $0x3  }
0x94: {  	_ =	strace s3  }
0x95: {  	s3 =	sld [smem:$0x3FFD];
	_ =	sdelay $0x3  }
0x96: {  	_ =	strace s3  }
0x97: {  	_ =	strace $0x8FFFFFFF  }
0x98: {  	s19 =	sld [smem:$0x3FDB];
	_ =	sdelay $0x1  }
0x99: {  	s4 =	simm.s32 $_scs_section_size  }
0x9a: {  	s5 =	simm.s32 $_size__tile_overlayer_lowered;
	s6 =	simm.s32 $_tile_overlayer_lowered  }
0x9b: {  	s22 =	simm.s32 $0x1BFF;
	s21 =	sshll.u32 s6, $0x1;
	s3 =	sadd.s32 s4, s19  }
0x9c: {  	s7 =	simm.s32 $0x0;
	s20 =	sshll.u32 s5, $0x1;
	s5 =	sadd.s32 s21, s3  }
0x9d: {  	[timem:s7], [sflag:s22] =	dma.local [hbm:s5], s20  }
0x9e: {  	_ =	swait.ge [sflag:s22], s20  }
0x9f: {  	s4 =	ssub.s32 $0x0, s20;
	[sflag:s22] =	ssyncset.done $0x0  }
0xa0: {  	[sflag:s22] =	ssyncadd.s32 s4;
	_ =	sdelay $0x1  }
0xa1: {  	s23 =	simm.s32 $0x1B8B  }
0xa2: {  	_ =	swait.ge [sflag:s23], $0x1  }
0xa3: {  	[sflag:s23] =	ssyncset.done $0x0  }
0xa4: {  	s25 =	simm.s32 $0x1B8E;
	s24 =	sld [smem:$0x3FFE];
	[sflag:s23] =	ssyncadd.s32 $0xFFFFFFFF  }
0xa5: {  	s26 =	simm.s32 $execute0_lowered;
	[smem:$0x3FD2] =	sst s25  }
0xa6: {  	s5 =	sshll.u32 s26, $0x1;
	_ =	strace $0x80000049;
	[dreg:$0x1] =	wrdreg $0xFFFFFFFF  }
0xa7: {  	s28 =	simm.s32 $_size_execute0_lowered;
	s3 =	sadd.s32 s3, s5;
	[dreg:$0x0] =	wrdreg $0x0  }
0xa8: {  	s5 =	sshll.u32 s28, $0x1;
	[dreg:$0x2] =	wrdreg s3  }
0xa9: {  	[dreg:$0x3] =	wrdreg s5  }
0xaa: {  	[dreg:$0x4] =	wrdreg $0xC0  }
0xab: {  	_ =	task [dreg:s7], $0x5FFFF  }
0xac: {  	[dreg:$0x1] =	wrdreg $0xFFFFFFFF  }
0xad: {  	[dreg:$0x0] =	wrdreg $0x60  }
0xae: {  	[dreg:$0x2] =	wrdreg s24  }
0xaf: {  	[dreg:$0x3] =	wrdreg s2  }
0xb0: {  	[dreg:$0x4] =	wrdreg $0xC6200  }
0xb1: {  	[dreg:$0x5] =	wrdreg $0x9  }
0xb2: {  	_ =	task.clear_ibuf [dreg:s7], $0x6FFFF;
	_ =	strace $0x90000049  }
0xb3: {  	s29 =	simm.s32 $0x9;
	_ =	strace $0x8000004B  }
0xb4: {  	_ =	swait.ge [sflag:s29], $0x1  }
0xb5: {  	[sflag:s29] =	ssyncadd.s32 $0xFFFFFFFF  }
0xb6: {  	_ =	strace $0x9000004B  }
0xb7: {  	_ =	sfence  }
0xb8: {  	s30 =	sld [smem:$0x0];
	_ =	sdelay $0x2  }
0xb9: {  	s31 =	sshll.u32 s1, $0xD;
	s1 =	sshrl.u32 s1, $0x2  }
0xba: {  	s3 =	sand.u32 $0x4000, s31;
	s1 =	sadd.s32 s1, s30  }
0xbb: {  	s0 =	sor.u32 s3, s0;
	s1 =	sshll.u32 s1, $0x11  }
0xbc: {  	s0 =	sor.u32 s1, s0  }
0xbd: {  	s0 =	sadd.s32 $0x8F2B, s0  }
0xbe: {  	[sflag:s0] =	ssyncadd.remote.s32 $0x1  }
0xbf: {  	_ =	sfence.sel $0xFFFF  }
0xc0: {  	[dreg:$0x0] =	wrdreg $0xFFFFFFFF;
	(pc) =	sbr.abs _section_cstart, $3  }
0xc1: {  	[dreg:$0x1] =	wrdreg $0xFFFFFFFF  }
0xc2: {  	_ =	task.clear_ibuf [dreg:s7], $0x2FFFF;
	_ =	strace $0x9FFFFFFF  }
0xc3: {  	(tm) =	ssettm $0x7FFFFFFF  }
tec
execute0_lowered:
.L_overlay_start_1:
0x0: {  	(tag) =	ssettag $0x1  }
0x1: {  	s0 =	rddreg [dreg:$0x0]  }
0x2: {  	s1 =	rddreg [dreg:$0x1];
	s3 =	srdreg.scid  }
0x3: {  	s19 =	stileid.u32;
	s2 =	rddreg [dreg:$0x2]  }
0x4: {  	s13 =	simm.s32 $0xB220;
	s14 =	simm.s32 $0xF;
	s15 =	simm.s32 $0xD  }
0x5: {  	s16 =	simm.s32 $0xE;
	s17 =	simm.s32 $0x28;
	s18 =	simm.s32 $0x4E20  }
0x6: {  	s22 =	stileid.u32;
	s23 =	simm.s32 $0x8A20;
	s28 =	simm.s32 $0x9E20  }
0x7: {  	s29 =	simm.s32 $0x1;
	s30 =	simm.s32 $0xA;
	s31 =	simm.s32 $0x0  }
0x8: {  	s5 =	sand.u32 $0x1, s3;
	s4 =	sshll.u32 s19, $0x1;
	s7 =	smul.u32 $0x4E000, s19  }
0x9: {  	s3 =	simm.s32 $0x0;
	s11 =	smul.u32 $0x13800, s19;
	p0 =	sne.s32 s19, $0xF  }
0xa: {  	p1 =	seq.s32 s19, $0xF;
	s4 =	sor.u32 s5, s4;
	s10 =	smul.u32 $0x138800, s5  }
0xb: {  	[smem:$0x7FF] =	sst s3;
	s9 =	ssub.s32 $0x2, s5;
	s6 =	smul.u32 $0x4E2, s4  }
0xc: {  	_ =	strace $0x8000004A;
	s25 =	sshrl.u32 s9, $0x1;
	s7 =	sshrl.u32 s7, $0x2  }
0xd: {  	s4 =	sadd.s32 $0xC800, s0;
	s12 =	ssub.s32 s9, s25;
	s7 =	sadd.s32 s7, s2  }
0xe: {  	s26 =	sadd.s32 s11, s10;
	s10 =	sshrl.u32 s10, $0x3;
	s8 =	sadd.s32 s6, s0  }
.Ltmp0:
0xf: {  	s0 =	sadd.s32 $0x33A00, s0;
	s6 =	sadd.s32 s1, s6;
	(pc) =	sbr.rel .LBB2_1-.Ltmp0, $4  }
0x10: {  	s1 =	sshrl.u32 s26, $0x3;
	s26 =	simm.s32 $0xA0;
	s5 =	sadd.s32 $0x2A00, s8  }
0x11: {  	s8 =	sadd.s32 $0x138000, s2;
	s9 =	sadd.s32 s0, s1;
	s0 =	sadd.s32 s0, s10  }
0x12: {  	s1 =	sadd.s32 s11, s2;
	s10 =	sadd.s32 $0x24900, s0;
	s0 =	sadd.s32 $0x124800, s2  }
0x13: {  	v0 =	vimm.f32 $0.0e+00;
	s11 =	smax.u32 s12, $0x1;
	s25 =	sshrl.u32 @!p1 s1, $0x3;
	s24 =	sshrl.u32 @p1 s0, $0x3  }
.LBB2_12:
0x14: {  	_ =	swait.ge [sflag:s30], $0x1400  }
0x15: {  	[sflag:s30] =	ssyncset.done $0x0  }
0x16: {  	[sflag:s30] =	ssyncadd.s32 $0xFFFFEC00  }
0x17: {  	s0 =	simm.s32 @p1 $0x1FCF;
	[bflag:$0x0] =	sbarrier.arrive $0xFFFF  }
0x18: {  	[hbm:s10], [sflag:s0] =	dma.local @p1 [spmem:s24], $0x2800  }
0x19: {  	s0 =	simm.s32 @p1 $0xF  }
0x1a: {  	_ =	swait.ge @p1 [sflag:s0], $0x2800  }
0x1b: {  	s1 =	sshll.u32 @!p1 s22, $0x6;
	s31 =	sadd.s32 $0x1, s31;
	[sflag:s0] =	ssyncset.done @p1 $0x0  }
0x1c: {  	p2 =	sne.s32 s31, s11;
	[sflag:s0] =	ssyncadd.s32 @p1 $0xFFFFD800;
	s0 =	sor.u32 @!p1 $0x1C0F, s1  }
0x1d: {  	[hbm:s9], [sflag:s0] =	dma.local @!p1 [spmem:s25], $0x2700  }
.Ltmp1:
0x1e: {  	_ = 	snop;
	(pc) =	sbr.rel @!p2 .LBB2_13-.Ltmp1, $4  }
0x1f: {  	s0 =	simm.s32 @!p1 $0xF  }
0x20: {  	_ =	swait.ge @!p1 [sflag:s0], $0x2700  }
0x21: {  	[sflag:s0] =	ssyncset.done @!p1 $0x0  }
0x22: {  	[sflag:s0] =	ssyncadd.s32 @!p1 $0xFFFFD900  }
.LBB2_1:
0x23: {  	[tilespmem:s3], [sflag:$0xD] =	stream.linear.gather [hbm4b:s5+s3], $0x2710, $0x38;
	[tilespmem:$0x1FEA0] =	vst v63  }
0x24: {  	s0 =	simm.s32 $0x2710  }
0x25: {  	[tilespmem:s0], [sflag:$0xE] =	stream.linear.gather [hbm4b:s6+s3], $0x2710, $0x38;
	[tilespmem:$0x1FEA0] =	vst v63  }
0x26: {  	s1 =	simm.s32 $0x0;
	s0 =	simm.s32 $0x0  }
.LBB2_2:
0x27: {  	p2 =	sne.s32 s1, $0x4FC0  }
.Ltmp2:
0x28: {  	_ = 	snop;
	(pc) =	sbr.rel @p2 .LBB2_2-.Ltmp2, $4  }
0x29: {  	s12 =	sand.u32 $0x7E00, s1  }
0x2a: {  	s19 =	sand.u32 $0x70, s0;
	s12 =	sshrl.u32 s12, $0x2  }
0x2b: {  	s12 =	sor.u32 s19, s12  }
0x2c: {  	s0 =	sadd.s32 $0x10, s0;
	s1 =	sadd.s32 $0x40, s1;
	[tilespmem:s12+$0xB220] =	vst v0  }
0x2d: {  	s0 =	sadd.s32 $0x0, s7  }
0x2e: {  	[spmem:s0] =	stream.linear.scatter [tilespmem:s13], [sflag:$0xF], $0x800, $0x38;
	[tilespmem:$0x1FEA0] =	vst v63  }
0x2f: {  	s0 =	simm.s32 $0x2000;
	_ =	swait.ge [sflag:s14], $0x800  }
.LBB2_4:
0x30: {  	s1 =	sshra.s32 s0, $0x2;
	[sflag:s14] =	ssyncset.done $0x0;
	p2 =	sne.s32 s0, $0x4C000  }
.Ltmp3:
0x31: {  	s1 =	sadd.s32 s1, s7;
	[sflag:s14] =	ssyncadd.s32 $0xFFFFF800;
	(pc) =	sbr.rel @p2 .LBB2_4-.Ltmp3, $3  }
0x32: {  	[spmem:s1] =	stream.linear.scatter [tilespmem:s13], [sflag:$0xF], $0x800, $0x38;
	[tilespmem:$0x1FEA0] =	vst v63  }
0x33: {  	s0 =	sadd.s32 $0x2000, s0;
	_ =	sdelay $0x1  }
0x34: {  	_ =	swait.ge [sflag:s14], $0x800  }
0x35: {  	[sflag:s14] =	ssyncset.done $0x0  }
0x36: {  	s0 =	simm.s32 @!p0 $0xB220;
	[sflag:s14] =	ssyncadd.s32 $0xFFFFF800  }
0x37: {  	[spmem:s8] =	stream.linear.scatter @!p0 [tilespmem:s0], [sflag:$0xF], $0x800, $0x38;
	[tilespmem:$0x1FEA0] =	vst v63  }
0x38: {  	s0 =	simm.s32 @!p0 $0xF  }
0x39: {  	_ =	swait.ge @!p0 [sflag:s0], $0x800  }
0x3a: {  	[sflag:s0] =	ssyncset.done @!p0 $0x0  }
0x3b: {  	[sflag:s0] =	ssyncadd.s32 @!p0 $0xFFFFF800  }
0x3c: {  	_ =	swait.ge [sflag:s15], $0x2710  }
0x3d: {  	[sflag:s15] =	ssyncset.done $0x0  }
0x3e: {  	[sflag:s15] =	ssyncadd.s32 $0xFFFFD8F0  }
0x3f: {  	_ =	swait.ge [sflag:s16], $0x2710  }
0x40: {  	[sflag:s16] =	ssyncset.done $0x0  }
0x41: {  	[sflag:s16] =	ssyncadd.s32 $0xFFFFD8F0  }
0x42: {  	s1 =	simm.s32 $0x0;
	[bflag:$0x0] =	sbarrier.arrive $0xFFFF  }
0x43: {  	[tilespmem:s18], [sflag:$0x1] =	stream.indirect.gather [hbm4b:s4+s17], $0x80, s1, s17, $0xb8;
	[tilespmem:$0x1FEA0] =	vst v63  }
0x44: {  	s19 =	simm.s32 $0x6220  }
0x45: {  	[tilespmem:s19], [sflag:$0x2] =	stream.indirect.gather [hbm4b:s4+s17], $0x80, s17, s17, $0xb8;
	[tilespmem:$0x1FEA0] =	vst v63  }
0x46: {  	s20 =	simm.s32 $0x50;
	s12 =	simm.s32 $0x7620  }
0x47: {  	[tilespmem:s12], [sflag:$0x3] =	stream.indirect.gather [hbm4b:s4+s17], $0x80, s20, s17, $0xb8;
	[tilespmem:$0x1FEA0] =	vst v63  }
.Ltmp4:
0x48: {  	_ = 	snop;
	(pc) =	sbr.rel .LBB2_6-.Ltmp4, $4  }
0x49: {  	s21 =	simm.s32 $0x78  }
0x4a: {  	[tilespmem:s23], [sflag:$0x4] =	stream.indirect.gather [hbm4b:s4+s17], $0x80, s21, s17, $0xb8;
	[tilespmem:$0x1FEA0] =	vst v63  }
0x4b: {  	s19 =	simm.s32 $0x2710;
	s12 =	simm.s32 $0xC8  }
0x4c: {  	[tilespmem:s28], [sflag:$0x5] =	stream.indirect.gather [hbm4b:s4+s17], $0x80, s26, s17, $0xb8;
	[tilespmem:$0x1FEA0] =	vst v63  }
.LBB2_9:
0x4d: {  	p2 =	seq.s32 s0, $0x3  }
0x4e: {  	s20 =	simm.s32 @p2 $0x4  }
0x4f: {  	_ =	swait.ge @p2 [sflag:s20], $0x1400  }
0x50: {  	[sflag:s20] =	ssyncset.done @p2 $0x0  }
0x51: {  	s21 =	simm.s32 @p2 $0x8A20;
	[sflag:s20] =	ssyncadd.s32 @p2 $0xFFFFEC00;
	s20 =	simm.s32 @p2 $0x28  }
0x52: {  	[spmem:s2] =	stream.indirect.scatter.add.f32 @p2 [tilespmem:s21], [sflag:$0xA], $0x80, s19, s20, $0xb8;
	[tilespmem:$0x1FEA0] =	vst v63  }
0x53: {  	s20 =	simm.s32 @p2 $0x9  }
0x54: {  	p3 =	sgt.u32 @p2 s1, $0xF4;
	_ =	swait.ge @p2 [sflag:s20], $0x1400  }
0x55: {  	p3 =	por p3, !p2;
	[sflag:s20] =	ssyncset.done @p2 $0x0  }
0x56: {  	s21 =	simm.s32 @!p3 $0x7620;
	[sflag:s20] =	ssyncadd.s32 @p2 $0xFFFFEC00;
	s20 =	simm.s32 @!p3 $0x28  }
0x57: {  	[tilespmem:s21], [sflag:$0x3] =	stream.indirect.gather @!p3 [hbm4b:s4+s20], $0x80, s12, s20, $0xb8;
	[tilespmem:$0x1FEA0] =	vst v63  }
0x58: {  	p3 =	seq.s32 @!p2 s0, $0x4  }
0x59: {  	p4 =	por !p3, p2  }
0x5a: {  	s0 =	simm.s32 @!p4 $0x5  }
0x5b: {  	_ =	swait.ge @!p4 [sflag:s0], $0x1400  }
0x5c: {  	s20 =	simm.s32 @!p4 $0x9E20;
	[sflag:s0] =	ssyncset.done @!p4 $0x0  }
0x5d: {  	p5 =	sgt.u32 @!p4 s1, $0xF4;
	[sflag:s0] =	ssyncadd.s32 @!p4 $0xFFFFEC00;
	s0 =	simm.s32 @!p4 $0x28  }
0x5e: {  	[spmem:s2] =	stream.indirect.scatter.add.f32 @!p4 [tilespmem:s20], [sflag:$0xB], $0x80, s19, s0, $0xb8;
	[tilespmem:$0x1FEA0] =	vst v63  }
0x5f: {  	p5 =	por @!p2 p5, !p3;
	s0 =	simm.s32 @!p4 $0xA  }
0x60: {  	p5 =	por p5, p2;
	_ =	swait.ge @!p4 [sflag:s0], $0x1400  }
0x61: {  	s20 =	simm.s32 @!p5 $0x8A20;
	[sflag:s0] =	ssyncset.done @!p4 $0x0  }
0x62: {  	[sflag:s0] =	ssyncadd.s32 @!p4 $0xFFFFEC00;
	s0 =	simm.s32 @!p5 $0x28;
	p4 =	por p3, p2  }
0x63: {  	[tilespmem:s20], [sflag:$0x4] =	stream.indirect.gather @!p5 [hbm4b:s4+s0], $0x80, s12, s0, $0xb8;
	[tilespmem:$0x1FEA0] =	vst v63  }
0x64: {  	s0 =	simm.s32 @!p4 $0x6  }
0x65: {  	_ =	swait.ge @!p4 [sflag:s0], $0x1400  }
0x66: {  	[sflag:s0] =	ssyncset.done @!p4 $0x0  }
0x67: {  	s20 =	simm.s32 @!p4 $0xB220;
	[sflag:s0] =	ssyncadd.s32 @!p4 $0xFFFFEC00;
	s0 =	simm.s32 @!p4 $0x28  }
0x68: {  	[spmem:s2] =	stream.indirect.scatter.add.f32 @!p4 [tilespmem:s20], [sflag:$0xC], $0x80, s19, s0, $0xb8;
	[tilespmem:$0x1FEA0] =	vst v63  }
0x69: {  	p5 =	sgt.u32 @!p4 s1, $0xF4;
	s0 =	simm.s32 @!p4 $0xB  }
0x6a: {  	p3 =	por @!p2 p5, p3;
	_ =	swait.ge @!p4 [sflag:s0], $0x1400  }
0x6b: {  	p2 =	por p3, p2;
	[sflag:s0] =	ssyncset.done @!p4 $0x0  }
0x6c: {  	s20 =	simm.s32 @!p2 $0x9E20;
	[sflag:s0] =	ssyncadd.s32 @!p4 $0xFFFFEC00;
	s0 =	simm.s32 @!p2 $0x28  }
0x6d: {  	[tilespmem:s20], [sflag:$0x5] =	stream.indirect.gather @!p2 [hbm4b:s4+s0], $0x80, s12, s0, $0xb8;
	[tilespmem:$0x1FEA0] =	vst v63  }
.LBB2_11:
0x6e: {  	s1 =	sadd.s32 $0x1, s1  }
0x6f: {  	p2 =	sne.s32 s1, $0xFA  }
.Ltmp5:
0x70: {  	_ = 	snop;
	(pc) =	sbr.rel @!p2 .LBB2_12-.Ltmp5, $2  }
0x71: {  	_ =	sdelay $0x2  }
0x72: {  	s12 =	sadd.s32 $0x28, s12;
	s19 =	sadd.s32 $0x28, s19  }
.LBB2_6:
0x73: {  	s0 =	smul.u32 $0xAB, s1;
	_ =	sdelay $0x1  }
0x74: {  	s0 =	sshrl.u32 s0, $0xA  }
0x75: {  	s0 =	sand.u32 $0x3F, s0  }
0x76: {  	s0 =	smul.u32 $0x6, s0;
	_ =	sdelay $0x1  }
0x77: {  	s0 =	ssub.s32 s1, s0  }
0x78: {  	s0 =	sand.u32 $0xFF, s0  }
0x79: {  	p2 =	sgt.s32 s0, $0x2  }
.Ltmp6:
0x7a: {  	_ = 	snop;
	(pc) =	sbr.rel @p2 .LBB2_9-.Ltmp6, $1  }
0x7b: {  	_ =	sdelay $0x3  }
0x7c: {  	p2 =	seq.s32 s0, $0x0  }
.Ltmp7:
0x7d: {  	_ = 	snop;
	(pc) =	sbr.rel @p2 .LBB2_10-.Ltmp7, $1  }
0x7e: {  	_ =	sdelay $0x3  }
0x7f: {  	p2 =	seq.s32 s0, $0x1  }
0x80: {  	s0 =	simm.s32 @p2 $0x2  }
0x81: {  	_ =	swait.ge @p2 [sflag:s0], $0x1400  }
0x82: {  	[sflag:s0] =	ssyncset.done @p2 $0x0  }
0x83: {  	s20 =	simm.s32 @p2 $0x6220;
	[sflag:s0] =	ssyncadd.s32 @p2 $0xFFFFEC00;
	s0 =	simm.s32 @p2 $0x28  }
0x84: {  	[spmem:s2] =	stream.indirect.scatter.add.f32 @p2 [tilespmem:s20], [sflag:$0x8], $0x80, s19, s0, $0xb8;
	[tilespmem:$0x1FEA0] =	vst v63  }
0x85: {  	s0 =	simm.s32 @p2 $0x7  }
0x86: {  	p3 =	sgt.u32 @p2 s1, $0xF4;
	_ =	swait.ge @p2 [sflag:s0], $0x1400  }
0x87: {  	p3 =	por p3, !p2;
	[sflag:s0] =	ssyncset.done @p2 $0x0  }
0x88: {  	s20 =	simm.s32 @!p3 $0x4E20;
	[sflag:s0] =	ssyncadd.s32 @p2 $0xFFFFEC00;
	s0 =	simm.s32 @!p3 $0x28  }
0x89: {  	[tilespmem:s20], [sflag:$0x1] =	stream.indirect.gather @!p3 [hbm4b:s4+s0], $0x80, s12, s0, $0xb8;
	[tilespmem:$0x1FEA0] =	vst v63  }
0x8a: {  	s0 =	simm.s32 @!p2 $0x3  }
0x8b: {  	_ =	swait.ge @!p2 [sflag:s0], $0x1400  }
0x8c: {  	[sflag:s0] =	ssyncset.done @!p2 $0x0  }
0x8d: {  	s20 =	simm.s32 @!p2 $0x7620;
	[sflag:s0] =	ssyncadd.s32 @!p2 $0xFFFFEC00;
	s0 =	simm.s32 @!p2 $0x28  }
0x8e: {  	[spmem:s2] =	stream.indirect.scatter.add.f32 @!p2 [tilespmem:s20], [sflag:$0x9], $0x80, s19, s0, $0xb8;
	[tilespmem:$0x1FEA0] =	vst v63  }
.Ltmp8:
0x8f: {  	s0 =	simm.s32 @!p2 $0x8;
	(pc) =	sbr.rel .LBB2_11-.Ltmp8, $4  }
0x90: {  	p3 =	sgt.u32 @!p2 s1, $0xF4;
	_ =	swait.ge @!p2 [sflag:s0], $0x1400  }
0x91: {  	p3 =	por p3, p2;
	[sflag:s0] =	ssyncset.done @!p2 $0x0  }
0x92: {  	s20 =	simm.s32 @!p3 $0x6220;
	[sflag:s0] =	ssyncadd.s32 @!p2 $0xFFFFEC00;
	s0 =	simm.s32 @!p3 $0x28  }
0x93: {  	[tilespmem:s20], [sflag:$0x2] =	stream.indirect.gather @!p3 [hbm4b:s4+s0], $0x80, s12, s0, $0xb8;
	[tilespmem:$0x1FEA0] =	vst v63  }
.LBB2_10:
0x94: {  	_ =	swait.ge [sflag:s29], $0x1400  }
0x95: {  	[sflag:s29] =	ssyncset.done $0x0  }
0x96: {  	p2 =	seq.s32 s1, $0x0;
	[sflag:s29] =	ssyncadd.s32 $0xFFFFEC00  }
0x97: {  	[spmem:s2] =	stream.indirect.scatter.add.f32 [tilespmem:s18], [sflag:$0x7], $0x80, s19, s17, $0xb8;
	[tilespmem:$0x1FEA0] =	vst v63  }
.Ltmp9:
0x98: {  	s0 =	simm.s32 @!p2 $0xC;
	(pc) =	sbr.rel .LBB2_11-.Ltmp9, $4  }
0x99: {  	_ =	swait.ge @!p2 [sflag:s0], $0x1400  }
0x9a: {  	p3 =	sgt.u32 @!p2 s1, $0xF4;
	[sflag:s0] =	ssyncset.done @!p2 $0x0  }
0x9b: {  	p3 =	por p2, !p3;
	[sflag:s0] =	ssyncadd.s32 @!p2 $0xFFFFEC00  }
0x9c: {  	[tilespmem:s13], [sflag:$0x6] =	stream.indirect.gather @p3 [hbm4b:s4+s17], $0x80, s12, s17, $0xb8;
	[tilespmem:$0x1FEA0] =	vst v63  }
.LBB2_13:
0x9d: {  	_ =	sfence.sel $0x180000  }
0x9e: {  	[bflag:$0x0] =	sbarrier.arrive $0xFFFF  }
0x9f: {  	_ =	strace $0x9000004A  }
0xa0: {  	[bflag:$0x2] =	sbarrier.arrive $0xFFFF  }
0xa1: {  	p0 =	sne.s32 s22, $0x0;
	s0 =	rddreg [dreg:$0x3]  }
0xa2: {  	s0 =	sadd.s32 @!p0 $0x100000, s0  }
0xa3: {  	[sflag:s0] =	ssyncadd.tile.s32 @!p0 $0x1;
	_ =	shalt  }
.Lfunc_end2:
_tile_overlayer_lowered:
.L_overlay_start_2:
0xa4: {  	(tag) =	ssettag $0x2  }
0xa5: {  	s0 =	rddreg [dreg:$0x0];
	s2 =	stileid.u32  }
0xa6: {  	s1 =	rddreg [dreg:$0x1];
	p0 =	sne.s32 s2, $0x0  }
0xa7: {  	s3 =	rddreg [dreg:$0x2];
	[bflag:$0x3] =	sbarrier.arrive $0xFFFF;
	s2 =	simm.s32 @!p0 $0x1C0F  }
0xa8: {  	[timem:s3], [sflag:s2] =	dma.local @!p0 [hbm:s0], s1  }
0xa9: {  	s0 =	simm.s32 @!p0 $0xF  }
0xaa: {  	_ =	swait.ge @!p0 [sflag:s0], s1  }
0xab: {  	s1 =	ssub.s32 @!p0 $0x0, s1;
	[sflag:s0] =	ssyncset.done @!p0 $0x0  }
0xac: {  	[sflag:s0] =	ssyncadd.s32 @!p0 s1  }
0xad: {  	[bflag:$0x3] =	sbarrier.arrive $0xFFFF  }
0xae: {  	_ =	shalt  }

// kernel: kernel.16.cloned.1.call-start
scs
__scs_entry_jumppad:
0x0: {  	(pc) =	sbr.rel $0x88, $3  }
0x1: {  	(tag) =	ssettag $0x0;
	lr =	simm.s32 $0x1  }
0x2: {  	[smem:$0x3F95] =	sst lr;
	_ =	strace $0xD0000000  }
0x3: {  	_ = 	snop  }
0x4: {  	_ = 	snop  }
0x5: {  	_ = 	snop  }
0x6: {  	_ = 	snop  }
0x7: {  	_ = 	snop  }
__scs_overlays_trampoline_lowered:
0x8: {  	[smem:$0x3FA4] =	sst s0  }
0x9: {  	[smem:$0x3FA5] =	sst s1  }
0xa: {  	[smem:$0x3FA6] =	sst s2  }
0xb: {  	[smem:$0x3FA7] =	sst s3  }
0xc: {  	[smem:$0x3FA8] =	sst s4  }
0xd: {  	[smem:$0x3FA9] =	sst s5  }
0xe: {  	[smem:$0x3FAA] =	sst s6  }
0xf: {  	[smem:$0x3FAB] =	sst s7  }
0x10: {  	[smem:$0x3FAC] =	sst s8  }
0x11: {  	[smem:$0x3FAD] =	sst s9;
	s0 =	simm.s32 @!p0 $0x0  }
0x12: {  	s1 =	sld [smem:$0x3F93];
	s0 =	simm.s32 @p0 $0x1  }
0x13: {  	[smem:$0x3FAE] =	sst s0;
	s0 =	simm.s32 @!p1 $0x0  }
0x14: {  	s2 =	sld [smem:$0x3F92];
	s0 =	simm.s32 @p1 $0x1  }
0x15: {  	[smem:$0x3FAF] =	sst s0;
	s0 =	simm.s32 @!p2 $0x0  }
0x16: {  	s3 =	sld [smem:$0x3FDB];
	s0 =	simm.s32 @p2 $0x1  }
0x17: {  	s4 =	simm.s32 $0x1BF5;
	[smem:$0x3FB1] =	sst s0  }
0x18: {  	s0 =	sld [smem:$0x3F94];
	_ =	swait.ge [sflag:s4], $0x0  }
0x19: {  	s7 =	sld [smem:$0x3F95]  }
0x1a: {  	s8 =	sadd.s32 $0xFFFFE003, lr  }
0x1b: {  	s9 =	sadd.s32 $0xFFFFFEF7, lr;
	s5 =	simm.s32 $0xFFFFFFFF;
	p2 =	slt.u32 s8, $0xFFFFF086  }
0x1c: {  	p1 =	slt.u32 s9, $0xF7A;
	s5 =	simm.s32 @!p2 $0x0  }
0x1d: {  	s5 =	simm.s32 @p1 $0x1;
	p0 =	seq.s32 s7, s2  }
0x1e: {  	s7 =	smul.u32 @!p0 $0xF7A, s2;
	p2 =	seq.s32 @!p0 s5, $0x0  }
0x1f: {  	s9 =	smul.u32 $0xF7A, s1;
	s8 =	simm.s32 @!p0 $0x1BF5;
	p2 =	por !p2, p0  }
0x20: {  	[sflag:s8] =	ssyncset.s32 @!p0 $0xFFFFF086;
	s6 =	sadd.s32 @!p0 s3, s7;
	s7 =	simm.s32 @!p0 $0x108  }
0x21: {  	s3 =	sadd.s32 s3, s9;
	s6 =	sadd.s32 @!p0 $0x88, s6;
	s7 =	simm.s32 @p2 $0x1082  }
0x22: {  	[simem:s7], [sflag:s8] =	dma.local @!p0 [hbm:s6], $0xF7A  }
0x23: {  	s9 =	sor.u32 $0xD0000000, s2;
	s6 =	simm.s32 $0x108;
	_ =	swait.ge @!p0 [sflag:s8], $0x0  }
0x24: {  	s3 =	sadd.s32 $0x88, s3;
	s6 =	simm.s32 @!p1 $0x1082;
	[sflag:s4] =	ssyncset.s32 $0xFFFFF086  }
0x25: {  	[simem:s6], [sflag:s4] =	dma.local [hbm:s3], $0xF7A  }
0x26: {  	[smem:$0x3F95] =	sst s1;
	(tag) =	ssettag s2;
	_ =	strace s9  }
0x27: {  	s1 =	sld [smem:$0x3FA5]  }
0x28: {  	s2 =	sld [smem:$0x3FA6]  }
0x29: {  	s4 =	sld [smem:$0x3FA8]  }
0x2a: {  	p0 =	seq.s32 s5, $0x0;
	s5 =	sld [smem:$0x3FA9]  }
0x2b: {  	s6 =	sld [smem:$0x3FAA]  }
0x2c: {  	s7 =	sld [smem:$0x3FAB]  }
0x2d: {  	s3 =	simm.s32 $0x108;
	s8 =	sld [smem:$0x3FAC]  }
0x2e: {  	s3 =	simm.s32 @!p0 $0x1082;
	s9 =	sld [smem:$0x3FAD]  }
0x2f: {  	lr =	sadd.s32 s0, s3;
	s0 =	sld [smem:$0x3FA4]  }
0x30: {  	s3 =	sld [smem:$0x3FA7]  }
0x31: {  	[smem:$0x3FB0] =	sst s10  }
0x32: {  	s10 =	sld [smem:$0x3FAE];
	_ =	sdelay $0x3  }
0x33: {  	p0 =	seq.s32 s10, $0x1;
	s10 =	sld [smem:$0x3FB0];
	_ =	sdelay $0x3  }
0x34: {  	[smem:$0x3FB0] =	sst s10  }
0x35: {  	s10 =	sld [smem:$0x3FAF];
	_ =	sdelay $0x3  }
0x36: {  	p1 =	seq.s32 s10, $0x1;
	s10 =	sld [smem:$0x3FB0];
	_ =	sdelay $0x3  }
0x37: {  	[smem:$0x3FB0] =	sst s10  }
0x38: {  	s10 =	sld [smem:$0x3FB1]  }
0x39: {  	_ = 	snop;
	(pc) =	sbr.ind lr, $3  }
0x3a: {  	_ = 	snop  }
0x3b: {  	_ = 	snop  }
0x3c: {  	p2 =	seq.s32 s10, $0x1;
	s10 =	sld [smem:$0x3FB0]  }
0x3d: {  	_ =	shalt  }
0x3e: {  	_ =	shalt  }
0x3f: {  	_ =	shalt  }
0x40: {  	_ =	shalt  }
0x41: {  	_ =	shalt  }
0x42: {  	_ =	shalt  }
0x43: {  	_ =	shalt  }
0x44: {  	_ =	shalt  }
0x45: {  	_ =	shalt  }
0x46: {  	_ =	shalt  }
0x47: {  	_ =	shalt  }
0x48: {  	_ =	shalt  }
0x49: {  	_ =	shalt  }
0x4a: {  	_ =	shalt  }
0x4b: {  	_ =	shalt  }
0x4c: {  	_ =	shalt  }
0x4d: {  	_ =	shalt  }
0x4e: {  	_ =	shalt  }
0x4f: {  	_ =	shalt  }
0x50: {  	_ =	shalt  }
0x51: {  	_ =	shalt  }
0x52: {  	_ =	shalt  }
0x53: {  	_ =	shalt  }
0x54: {  	_ =	shalt  }
0x55: {  	_ =	shalt  }
0x56: {  	_ =	shalt  }
0x57: {  	_ =	shalt  }
0x58: {  	_ =	shalt  }
0x59: {  	_ =	shalt  }
0x5a: {  	_ =	shalt  }
0x5b: {  	_ =	shalt  }
0x5c: {  	_ =	shalt  }
0x5d: {  	_ =	shalt  }
0x5e: {  	_ =	shalt  }
0x5f: {  	_ =	shalt  }
0x60: {  	_ =	shalt  }
0x61: {  	_ =	shalt  }
0x62: {  	_ =	shalt  }
0x63: {  	_ =	shalt  }
0x64: {  	_ =	shalt  }
0x65: {  	_ =	shalt  }
0x66: {  	_ =	shalt  }
0x67: {  	_ =	shalt  }
0x68: {  	_ =	shalt  }
0x69: {  	_ =	shalt  }
0x6a: {  	_ =	shalt  }
0x6b: {  	_ =	shalt  }
0x6c: {  	_ =	shalt  }
0x6d: {  	_ =	shalt  }
0x6e: {  	_ =	shalt  }
0x6f: {  	_ =	shalt  }
0x70: {  	_ =	shalt  }
0x71: {  	_ =	shalt  }
0x72: {  	_ =	shalt  }
0x73: {  	_ =	shalt  }
0x74: {  	_ =	shalt  }
0x75: {  	_ =	shalt  }
0x76: {  	_ =	shalt  }
0x77: {  	_ =	shalt  }
0x78: {  	_ =	shalt  }
0x79: {  	_ =	shalt  }
0x7a: {  	_ =	shalt  }
0x7b: {  	_ =	shalt  }
0x7c: {  	_ =	shalt  }
0x7d: {  	_ =	shalt  }
0x7e: {  	_ =	shalt  }
0x7f: {  	_ =	shalt  }
0x80: {  	_ =	shalt  }
0x81: {  	_ =	shalt  }
0x82: {  	_ =	shalt  }
0x83: {  	_ =	shalt  }
0x84: {  	_ =	shalt  }
0x85: {  	_ =	shalt  }
0x86: {  	_ =	shalt  }
0x87: {  	_ =	shalt  }
.Lfunc_end0:
.L_simem_size_0:
called_computation.2_lowered:
.L_overlay_start_0:
0x88: {  	s2 =	sld [smem:$0x3FD9]  }
0x89: {  	s3 =	sld [smem:$0x3FFE];
	_ =	sdelay $0x1  }
0x8a: {  	s1 =	srdreg.scid  }
0x8b: {  	s0 =	sand.u32 $0x1, s1  }
0x8c: {  	s17 =	sshll.u32 s0, $0xA;
	s2 =	sadd.s32 s3, s2  }
0x8d: {  	s2 =	sadd.s32 s2, s17  }
0x8e: {  	[smem:$0x3FBC] =	sst s2  }
0x8f: {  	_ = 	snop  }
0x90: {  	s2 =	sld [smem:$0x3FD0];
	(tm) =	ssettm $0x1  }
0x91: {  	s18 =	sld [smem:$0x3FFB];
	_ =	sdelay $0x3  }
0x92: {  	_ =	strace s18  }
0x93: {  	s3 =	sld [smem:$0x3FFC];
	_ =	sdelay $0x3  }
0x94: {  	_ =	strace s3  }
0x95: {  	s3 =	sld [smem:$0x3FFD];
	_ =	sdelay $0x3  }
0x96: {  	_ =	strace s3  }
0x97: {  	_ =	strace $0x8FFFFFFF  }
0x98: {  	s19 =	sld [smem:$0x3FDB];
	_ =	sdelay $0x1  }
0x99: {  	s4 =	simm.s32 $_scs_section_size  }
0x9a: {  	s5 =	simm.s32 $_size__tile_overlayer_lowered;
	s6 =	simm.s32 $_tile_overlayer_lowered  }
0x9b: {  	s22 =	simm.s32 $0x1BFF;
	s21 =	sshll.u32 s6, $0x1;
	s3 =	sadd.s32 s4, s19  }
0x9c: {  	s7 =	simm.s32 $0x0;
	s20 =	sshll.u32 s5, $0x1;
	s5 =	sadd.s32 s21, s3  }
0x9d: {  	[timem:s7], [sflag:s22] =	dma.local [hbm:s5], s20  }
0x9e: {  	_ =	swait.ge [sflag:s22], s20  }
0x9f: {  	s4 =	ssub.s32 $0x0, s20;
	[sflag:s22] =	ssyncset.done $0x0  }
0xa0: {  	[sflag:s22] =	ssyncadd.s32 s4;
	_ =	sdelay $0x1  }
0xa1: {  	s23 =	simm.s32 $0x1B8B  }
0xa2: {  	_ =	swait.ge [sflag:s23], $0x1  }
0xa3: {  	[sflag:s23] =	ssyncset.done $0x0  }
0xa4: {  	s25 =	simm.s32 $0x1B8E;
	s24 =	sld [smem:$0x3FFE];
	[sflag:s23] =	ssyncadd.s32 $0xFFFFFFFF  }
0xa5: {  	s26 =	simm.s32 $execute0_lowered;
	[smem:$0x3FD2] =	sst s25  }
0xa6: {  	s5 =	sshll.u32 s26, $0x1;
	_ =	strace $0x8000004C;
	[dreg:$0x1] =	wrdreg $0xFFFFFFFF  }
0xa7: {  	s28 =	simm.s32 $_size_execute0_lowered;
	s3 =	sadd.s32 s3, s5;
	[dreg:$0x0] =	wrdreg $0x0  }
0xa8: {  	s5 =	sshll.u32 s28, $0x1;
	[dreg:$0x2] =	wrdreg s3  }
0xa9: {  	[dreg:$0x3] =	wrdreg s5  }
0xaa: {  	[dreg:$0x4] =	wrdreg $0xC0  }
0xab: {  	_ =	task [dreg:s7], $0x5FFFF  }
0xac: {  	[dreg:$0x1] =	wrdreg $0xFFFFFFFF  }
0xad: {  	[dreg:$0x0] =	wrdreg $0x60  }
0xae: {  	[dreg:$0x2] =	wrdreg s24  }
0xaf: {  	[dreg:$0x3] =	wrdreg s2  }
0xb0: {  	[dreg:$0x4] =	wrdreg $0xC6200  }
0xb1: {  	[dreg:$0x5] =	wrdreg $0x9  }
0xb2: {  	_ =	task.clear_ibuf [dreg:s7], $0x6FFFF;
	_ =	strace $0x9000004C  }
0xb3: {  	s29 =	simm.s32 $0x9;
	_ =	strace $0x8000004E  }
0xb4: {  	_ =	swait.ge [sflag:s29], $0x1  }
0xb5: {  	[sflag:s29] =	ssyncadd.s32 $0xFFFFFFFF  }
0xb6: {  	_ =	strace $0x9000004E  }
0xb7: {  	_ =	sfence  }
0xb8: {  	s30 =	sld [smem:$0x0];
	_ =	sdelay $0x2  }
0xb9: {  	s31 =	sshll.u32 s1, $0xD;
	s1 =	sshrl.u32 s1, $0x2  }
0xba: {  	s3 =	sand.u32 $0x4000, s31;
	s1 =	sadd.s32 s1, s30  }
0xbb: {  	s0 =	sor.u32 s3, s0;
	s1 =	sshll.u32 s1, $0x11  }
0xbc: {  	s0 =	sor.u32 s1, s0  }
0xbd: {  	s0 =	sadd.s32 $0x8F2B, s0  }
0xbe: {  	[sflag:s0] =	ssyncadd.remote.s32 $0x1  }
0xbf: {  	_ =	sfence.sel $0xFFFF  }
0xc0: {  	[dreg:$0x0] =	wrdreg $0xFFFFFFFF;
	(pc) =	sbr.abs _section_cstart, $3  }
0xc1: {  	[dreg:$0x1] =	wrdreg $0xFFFFFFFF  }
0xc2: {  	_ =	task.clear_ibuf [dreg:s7], $0x2FFFF;
	_ =	strace $0x9FFFFFFF  }
0xc3: {  	(tm) =	ssettm $0x7FFFFFFF  }
tec
execute0_lowered:
.L_overlay_start_1:
0x0: {  	(tag) =	ssettag $0x1  }
0x1: {  	s0 =	rddreg [dreg:$0x0]  }
0x2: {  	s1 =	rddreg [dreg:$0x1];
	s3 =	srdreg.scid  }
0x3: {  	s19 =	stileid.u32;
	s2 =	rddreg [dreg:$0x2]  }
0x4: {  	s13 =	simm.s32 $0xB220;
	s14 =	simm.s32 $0xF;
	s15 =	simm.s32 $0xD  }
0x5: {  	s16 =	simm.s32 $0xE;
	s17 =	simm.s32 $0x28;
	s18 =	simm.s32 $0x4E20  }
0x6: {  	s22 =	stileid.u32;
	s23 =	simm.s32 $0x8A20;
	s28 =	simm.s32 $0x9E20  }
0x7: {  	s29 =	simm.s32 $0x1;
	s30 =	simm.s32 $0xA;
	s31 =	simm.s32 $0x0  }
0x8: {  	s5 =	sand.u32 $0x1, s3;
	s4 =	sshll.u32 s19, $0x1;
	s7 =	smul.u32 $0x4E000, s19  }
0x9: {  	s3 =	simm.s32 $0x0;
	s11 =	smul.u32 $0x13800, s19;
	p0 =	sne.s32 s19, $0xF  }
0xa: {  	p1 =	seq.s32 s19, $0xF;
	s4 =	sor.u32 s5, s4;
	s10 =	smul.u32 $0x138800, s5  }
0xb: {  	[smem:$0x7FF] =	sst s3;
	s9 =	ssub.s32 $0x2, s5;
	s6 =	smul.u32 $0x4E2, s4  }
0xc: {  	_ =	strace $0x8000004D;
	s25 =	sshrl.u32 s9, $0x1;
	s7 =	sshrl.u32 s7, $0x2  }
0xd: {  	s4 =	sadd.s32 $0xC800, s0;
	s12 =	ssub.s32 s9, s25;
	s7 =	sadd.s32 s7, s2  }
0xe: {  	s26 =	sadd.s32 s11, s10;
	s10 =	sshrl.u32 s10, $0x3;
	s8 =	sadd.s32 s6, s0  }
.Ltmp0:
0xf: {  	s0 =	sadd.s32 $0x33A00, s0;
	s6 =	sadd.s32 s1, s6;
	(pc) =	sbr.rel .LBB2_1-.Ltmp0, $4  }
0x10: {  	s1 =	sshrl.u32 s26, $0x3;
	s26 =	simm.s32 $0xA0;
	s5 =	sadd.s32 $0x2A00, s8  }
0x11: {  	s8 =	sadd.s32 $0x138000, s2;
	s9 =	sadd.s32 s0, s1;
	s0 =	sadd.s32 s0, s10  }
0x12: {  	s1 =	sadd.s32 s11, s2;
	s10 =	sadd.s32 $0x24900, s0;
	s0 =	sadd.s32 $0x124800, s2  }
0x13: {  	v0 =	vimm.f32 $0.0e+00;
	s11 =	smax.u32 s12, $0x1;
	s25 =	sshrl.u32 @!p1 s1, $0x3;
	s24 =	sshrl.u32 @p1 s0, $0x3  }
.LBB2_12:
0x14: {  	_ =	swait.ge [sflag:s30], $0x1400  }
0x15: {  	[sflag:s30] =	ssyncset.done $0x0  }
0x16: {  	[sflag:s30] =	ssyncadd.s32 $0xFFFFEC00  }
0x17: {  	s0 =	simm.s32 @p1 $0x1FCF;
	[bflag:$0x0] =	sbarrier.arrive $0xFFFF  }
0x18: {  	[hbm:s10], [sflag:s0] =	dma.local @p1 [spmem:s24], $0x2800  }
0x19: {  	s0 =	simm.s32 @p1 $0xF  }
0x1a: {  	_ =	swait.ge @p1 [sflag:s0], $0x2800  }
0x1b: {  	s1 =	sshll.u32 @!p1 s22, $0x6;
	s31 =	sadd.s32 $0x1, s31;
	[sflag:s0] =	ssyncset.done @p1 $0x0  }
0x1c: {  	p2 =	sne.s32 s31, s11;
	[sflag:s0] =	ssyncadd.s32 @p1 $0xFFFFD800;
	s0 =	sor.u32 @!p1 $0x1C0F, s1  }
0x1d: {  	[hbm:s9], [sflag:s0] =	dma.local @!p1 [spmem:s25], $0x2700  }
.Ltmp1:
0x1e: {  	_ = 	snop;
	(pc) =	sbr.rel @!p2 .LBB2_13-.Ltmp1, $4  }
0x1f: {  	s0 =	simm.s32 @!p1 $0xF  }
0x20: {  	_ =	swait.ge @!p1 [sflag:s0], $0x2700  }
0x21: {  	[sflag:s0] =	ssyncset.done @!p1 $0x0  }
0x22: {  	[sflag:s0] =	ssyncadd.s32 @!p1 $0xFFFFD900  }
.LBB2_1:
0x23: {  	[tilespmem:s3], [sflag:$0xD] =	stream.linear.gather [hbm4b:s5+s3], $0x2710, $0x38;
	[tilespmem:$0x1FEA0] =	vst v63  }
0x24: {  	s0 =	simm.s32 $0x2710  }
0x25: {  	[tilespmem:s0], [sflag:$0xE] =	stream.linear.gather [hbm4b:s6+s3], $0x2710, $0x38;
	[tilespmem:$0x1FEA0] =	vst v63  }
0x26: {  	s1 =	simm.s32 $0x0;
	s0 =	simm.s32 $0x0  }
.LBB2_2:
0x27: {  	p2 =	sne.s32 s1, $0x4FC0  }
.Ltmp2:
0x28: {  	_ = 	snop;
	(pc) =	sbr.rel @p2 .LBB2_2-.Ltmp2, $4  }
0x29: {  	s12 =	sand.u32 $0x7E00, s1  }
0x2a: {  	s19 =	sand.u32 $0x70, s0;
	s12 =	sshrl.u32 s12, $0x2  }
0x2b: {  	s12 =	sor.u32 s19, s12  }
0x2c: {  	s0 =	sadd.s32 $0x10, s0;
	s1 =	sadd.s32 $0x40, s1;
	[tilespmem:s12+$0xB220] =	vst v0  }
0x2d: {  	s0 =	sadd.s32 $0x0, s7  }
0x2e: {  	[spmem:s0] =	stream.linear.scatter [tilespmem:s13], [sflag:$0xF], $0x800, $0x38;
	[tilespmem:$0x1FEA0] =	vst v63  }
0x2f: {  	s0 =	simm.s32 $0x2000;
	_ =	swait.ge [sflag:s14], $0x800  }
.LBB2_4:
0x30: {  	s1 =	sshra.s32 s0, $0x2;
	[sflag:s14] =	ssyncset.done $0x0;
	p2 =	sne.s32 s0, $0x4C000  }
.Ltmp3:
0x31: {  	s1 =	sadd.s32 s1, s7;
	[sflag:s14] =	ssyncadd.s32 $0xFFFFF800;
	(pc) =	sbr.rel @p2 .LBB2_4-.Ltmp3, $3  }
0x32: {  	[spmem:s1] =	stream.linear.scatter [tilespmem:s13], [sflag:$0xF], $0x800, $0x38;
	[tilespmem:$0x1FEA0] =	vst v63  }
0x33: {  	s0 =	sadd.s32 $0x2000, s0;
	_ =	sdelay $0x1  }
0x34: {  	_ =	swait.ge [sflag:s14], $0x800  }
0x35: {  	[sflag:s14] =	ssyncset.done $0x0  }
0x36: {  	s0 =	simm.s32 @!p0 $0xB220;
	[sflag:s14] =	ssyncadd.s32 $0xFFFFF800  }
0x37: {  	[spmem:s8] =	stream.linear.scatter @!p0 [tilespmem:s0], [sflag:$0xF], $0x800, $0x38;
	[tilespmem:$0x1FEA0] =	vst v63  }
0x38: {  	s0 =	simm.s32 @!p0 $0xF  }
0x39: {  	_ =	swait.ge @!p0 [sflag:s0], $0x800  }
0x3a: {  	[sflag:s0] =	ssyncset.done @!p0 $0x0  }
0x3b: {  	[sflag:s0] =	ssyncadd.s32 @!p0 $0xFFFFF800  }
0x3c: {  	_ =	swait.ge [sflag:s15], $0x2710  }
0x3d: {  	[sflag:s15] =	ssyncset.done $0x0  }
0x3e: {  	[sflag:s15] =	ssyncadd.s32 $0xFFFFD8F0  }
0x3f: {  	_ =	swait.ge [sflag:s16], $0x2710  }
0x40: {  	[sflag:s16] =	ssyncset.done $0x0  }
0x41: {  	[sflag:s16] =	ssyncadd.s32 $0xFFFFD8F0  }
0x42: {  	s1 =	simm.s32 $0x0;
	[bflag:$0x0] =	sbarrier.arrive $0xFFFF  }
0x43: {  	[tilespmem:s18], [sflag:$0x1] =	stream.indirect.gather [hbm4b:s4+s17], $0x80, s1, s17, $0xb8;
	[tilespmem:$0x1FEA0] =	vst v63  }
0x44: {  	s19 =	simm.s32 $0x6220  }
0x45: {  	[tilespmem:s19], [sflag:$0x2] =	stream.indirect.gather [hbm4b:s4+s17], $0x80, s17, s17, $0xb8;
	[tilespmem:$0x1FEA0] =	vst v63  }
0x46: {  	s20 =	simm.s32 $0x50;
	s12 =	simm.s32 $0x7620  }
0x47: {  	[tilespmem:s12], [sflag:$0x3] =	stream.indirect.gather [hbm4b:s4+s17], $0x80, s20, s17, $0xb8;
	[tilespmem:$0x1FEA0] =	vst v63  }
.Ltmp4:
0x48: {  	_ = 	snop;
	(pc) =	sbr.rel .LBB2_6-.Ltmp4, $4  }
0x49: {  	s21 =	simm.s32 $0x78  }
0x4a: {  	[tilespmem:s23], [sflag:$0x4] =	stream.indirect.gather [hbm4b:s4+s17], $0x80, s21, s17, $0xb8;
	[tilespmem:$0x1FEA0] =	vst v63  }
0x4b: {  	s19 =	simm.s32 $0x2710;
	s12 =	simm.s32 $0xC8  }
0x4c: {  	[tilespmem:s28], [sflag:$0x5] =	stream.indirect.gather [hbm4b:s4+s17], $0x80, s26, s17, $0xb8;
	[tilespmem:$0x1FEA0] =	vst v63  }
.LBB2_9:
0x4d: {  	p2 =	seq.s32 s0, $0x3  }
0x4e: {  	s20 =	simm.s32 @p2 $0x4  }
0x4f: {  	_ =	swait.ge @p2 [sflag:s20], $0x1400  }
0x50: {  	[sflag:s20] =	ssyncset.done @p2 $0x0  }
0x51: {  	s21 =	simm.s32 @p2 $0x8A20;
	[sflag:s20] =	ssyncadd.s32 @p2 $0xFFFFEC00;
	s20 =	simm.s32 @p2 $0x28  }
0x52: {  	[spmem:s2] =	stream.indirect.scatter.add.f32 @p2 [tilespmem:s21], [sflag:$0xA], $0x80, s19, s20, $0xb8;
	[tilespmem:$0x1FEA0] =	vst v63  }
0x53: {  	s20 =	simm.s32 @p2 $0x9  }
0x54: {  	p3 =	sgt.u32 @p2 s1, $0xF4;
	_ =	swait.ge @p2 [sflag:s20], $0x1400  }
0x55: {  	p3 =	por p3, !p2;
	[sflag:s20] =	ssyncset.done @p2 $0x0  }
0x56: {  	s21 =	simm.s32 @!p3 $0x7620;
	[sflag:s20] =	ssyncadd.s32 @p2 $0xFFFFEC00;
	s20 =	simm.s32 @!p3 $0x28  }
0x57: {  	[tilespmem:s21], [sflag:$0x3] =	stream.indirect.gather @!p3 [hbm4b:s4+s20], $0x80, s12, s20, $0xb8;
	[tilespmem:$0x1FEA0] =	vst v63  }
0x58: {  	p3 =	seq.s32 @!p2 s0, $0x4  }
0x59: {  	p4 =	por !p3, p2  }
0x5a: {  	s0 =	simm.s32 @!p4 $0x5  }
0x5b: {  	_ =	swait.ge @!p4 [sflag:s0], $0x1400  }
0x5c: {  	s20 =	simm.s32 @!p4 $0x9E20;
	[sflag:s0] =	ssyncset.done @!p4 $0x0  }
0x5d: {  	p5 =	sgt.u32 @!p4 s1, $0xF4;
	[sflag:s0] =	ssyncadd.s32 @!p4 $0xFFFFEC00;
	s0 =	simm.s32 @!p4 $0x28  }
0x5e: {  	[spmem:s2] =	stream.indirect.scatter.add.f32 @!p4 [tilespmem:s20], [sflag:$0xB], $0x80, s19, s0, $0xb8;
	[tilespmem:$0x1FEA0] =	vst v63  }
0x5f: {  	p5 =	por @!p2 p5, !p3;
	s0 =	simm.s32 @!p4 $0xA  }
0x60: {  	p5 =	por p5, p2;
	_ =	swait.ge @!p4 [sflag:s0], $0x1400  }
0x61: {  	s20 =	simm.s32 @!p5 $0x8A20;
	[sflag:s0] =	ssyncset.done @!p4 $0x0  }
0x62: {  	[sflag:s0] =	ssyncadd.s32 @!p4 $0xFFFFEC00;
	s0 =	simm.s32 @!p5 $0x28;
	p4 =	por p3, p2  }
0x63: {  	[tilespmem:s20], [sflag:$0x4] =	stream.indirect.gather @!p5 [hbm4b:s4+s0], $0x80, s12, s0, $0xb8;
	[tilespmem:$0x1FEA0] =	vst v63  }
0x64: {  	s0 =	simm.s32 @!p4 $0x6  }
0x65: {  	_ =	swait.ge @!p4 [sflag:s0], $0x1400  }
0x66: {  	[sflag:s0] =	ssyncset.done @!p4 $0x0  }
0x67: {  	s20 =	simm.s32 @!p4 $0xB220;
	[sflag:s0] =	ssyncadd.s32 @!p4 $0xFFFFEC00;
	s0 =	simm.s32 @!p4 $0x28  }
0x68: {  	[spmem:s2] =	stream.indirect.scatter.add.f32 @!p4 [tilespmem:s20], [sflag:$0xC], $0x80, s19, s0, $0xb8;
	[tilespmem:$0x1FEA0] =	vst v63  }
0x69: {  	p5 =	sgt.u32 @!p4 s1, $0xF4;
	s0 =	simm.s32 @!p4 $0xB  }
0x6a: {  	p3 =	por @!p2 p5, p3;
	_ =	swait.ge @!p4 [sflag:s0], $0x1400  }
0x6b: {  	p2 =	por p3, p2;
	[sflag:s0] =	ssyncset.done @!p4 $0x0  }
0x6c: {  	s20 =	simm.s32 @!p2 $0x9E20;
	[sflag:s0] =	ssyncadd.s32 @!p4 $0xFFFFEC00;
	s0 =	simm.s32 @!p2 $0x28  }
0x6d: {  	[tilespmem:s20], [sflag:$0x5] =	stream.indirect.gather @!p2 [hbm4b:s4+s0], $0x80, s12, s0, $0xb8;
	[tilespmem:$0x1FEA0] =	vst v63  }
.LBB2_11:
0x6e: {  	s1 =	sadd.s32 $0x1, s1  }
0x6f: {  	p2 =	sne.s32 s1, $0xFA  }
.Ltmp5:
0x70: {  	_ = 	snop;
	(pc) =	sbr.rel @!p2 .LBB2_12-.Ltmp5, $2  }
0x71: {  	_ =	sdelay $0x2  }
0x72: {  	s12 =	sadd.s32 $0x28, s12;
	s19 =	sadd.s32 $0x28, s19  }
.LBB2_6:
0x73: {  	s0 =	smul.u32 $0xAB, s1;
	_ =	sdelay $0x1  }
0x74: {  	s0 =	sshrl.u32 s0, $0xA  }
0x75: {  	s0 =	sand.u32 $0x3F, s0  }
0x76: {  	s0 =	smul.u32 $0x6, s0;
	_ =	sdelay $0x1  }
0x77: {  	s0 =	ssub.s32 s1, s0  }
0x78: {  	s0 =	sand.u32 $0xFF, s0  }
0x79: {  	p2 =	sgt.s32 s0, $0x2  }
.Ltmp6:
0x7a: {  	_ = 	snop;
	(pc) =	sbr.rel @p2 .LBB2_9-.Ltmp6, $1  }
0x7b: {  	_ =	sdelay $0x3  }
0x7c: {  	p2 =	seq.s32 s0, $0x0  }
.Ltmp7:
0x7d: {  	_ = 	snop;
	(pc) =	sbr.rel @p2 .LBB2_10-.Ltmp7, $1  }
0x7e: {  	_ =	sdelay $0x3  }
0x7f: {  	p2 =	seq.s32 s0, $0x1  }
0x80: {  	s0 =	simm.s32 @p2 $0x2  }
0x81: {  	_ =	swait.ge @p2 [sflag:s0], $0x1400  }
0x82: {  	[sflag:s0] =	ssyncset.done @p2 $0x0  }
0x83: {  	s20 =	simm.s32 @p2 $0x6220;
	[sflag:s0] =	ssyncadd.s32 @p2 $0xFFFFEC00;
	s0 =	simm.s32 @p2 $0x28  }
0x84: {  	[spmem:s2] =	stream.indirect.scatter.add.f32 @p2 [tilespmem:s20], [sflag:$0x8], $0x80, s19, s0, $0xb8;
	[tilespmem:$0x1FEA0] =	vst v63  }
0x85: {  	s0 =	simm.s32 @p2 $0x7  }
0x86: {  	p3 =	sgt.u32 @p2 s1, $0xF4;
	_ =	swait.ge @p2 [sflag:s0], $0x1400  }
0x87: {  	p3 =	por p3, !p2;
	[sflag:s0] =	ssyncset.done @p2 $0x0  }
0x88: {  	s20 =	simm.s32 @!p3 $0x4E20;
	[sflag:s0] =	ssyncadd.s32 @p2 $0xFFFFEC00;
	s0 =	simm.s32 @!p3 $0x28  }
0x89: {  	[tilespmem:s20], [sflag:$0x1] =	stream.indirect.gather @!p3 [hbm4b:s4+s0], $0x80, s12, s0, $0xb8;
	[tilespmem:$0x1FEA0] =	vst v63  }
0x8a: {  	s0 =	simm.s32 @!p2 $0x3  }
0x8b: {  	_ =	swait.ge @!p2 [sflag:s0], $0x1400  }
0x8c: {  	[sflag:s0] =	ssyncset.done @!p2 $0x0  }
0x8d: {  	s20 =	simm.s32 @!p2 $0x7620;
	[sflag:s0] =	ssyncadd.s32 @!p2 $0xFFFFEC00;
	s0 =	simm.s32 @!p2 $0x28  }
0x8e: {  	[spmem:s2] =	stream.indirect.scatter.add.f32 @!p2 [tilespmem:s20], [sflag:$0x9], $0x80, s19, s0, $0xb8;
	[tilespmem:$0x1FEA0] =	vst v63  }
.Ltmp8:
0x8f: {  	s0 =	simm.s32 @!p2 $0x8;
	(pc) =	sbr.rel .LBB2_11-.Ltmp8, $4  }
0x90: {  	p3 =	sgt.u32 @!p2 s1, $0xF4;
	_ =	swait.ge @!p2 [sflag:s0], $0x1400  }
0x91: {  	p3 =	por p3, p2;
	[sflag:s0] =	ssyncset.done @!p2 $0x0  }
0x92: {  	s20 =	simm.s32 @!p3 $0x6220;
	[sflag:s0] =	ssyncadd.s32 @!p2 $0xFFFFEC00;
	s0 =	simm.s32 @!p3 $0x28  }
0x93: {  	[tilespmem:s20], [sflag:$0x2] =	stream.indirect.gather @!p3 [hbm4b:s4+s0], $0x80, s12, s0, $0xb8;
	[tilespmem:$0x1FEA0] =	vst v63  }
.LBB2_10:
0x94: {  	_ =	swait.ge [sflag:s29], $0x1400  }
0x95: {  	[sflag:s29] =	ssyncset.done $0x0  }
0x96: {  	p2 =	seq.s32 s1, $0x0;
	[sflag:s29] =	ssyncadd.s32 $0xFFFFEC00  }
0x97: {  	[spmem:s2] =	stream.indirect.scatter.add.f32 [tilespmem:s18], [sflag:$0x7], $0x80, s19, s17, $0xb8;
	[tilespmem:$0x1FEA0] =	vst v63  }
.Ltmp9:
0x98: {  	s0 =	simm.s32 @!p2 $0xC;
	(pc) =	sbr.rel .LBB2_11-.Ltmp9, $4  }
0x99: {  	_ =	swait.ge @!p2 [sflag:s0], $0x1400  }
0x9a: {  	p3 =	sgt.u32 @!p2 s1, $0xF4;
	[sflag:s0] =	ssyncset.done @!p2 $0x0  }
0x9b: {  	p3 =	por p2, !p3;
	[sflag:s0] =	ssyncadd.s32 @!p2 $0xFFFFEC00  }
0x9c: {  	[tilespmem:s13], [sflag:$0x6] =	stream.indirect.gather @p3 [hbm4b:s4+s17], $0x80, s12, s17, $0xb8;
	[tilespmem:$0x1FEA0] =	vst v63  }
.LBB2_13:
0x9d: {  	_ =	sfence.sel $0x180000  }
0x9e: {  	[bflag:$0x0] =	sbarrier.arrive $0xFFFF  }
0x9f: {  	_ =	strace $0x9000004D  }
0xa0: {  	[bflag:$0x2] =	sbarrier.arrive $0xFFFF  }
0xa1: {  	p0 =	sne.s32 s22, $0x0;
	s0 =	rddreg [dreg:$0x3]  }
0xa2: {  	s0 =	sadd.s32 @!p0 $0x100000, s0  }
0xa3: {  	[sflag:s0] =	ssyncadd.tile.s32 @!p0 $0x1;
	_ =	shalt  }
.Lfunc_end2:
_tile_overlayer_lowered:
.L_overlay_start_2:
0xa4: {  	(tag) =	ssettag $0x2  }
0xa5: {  	s0 =	rddreg [dreg:$0x0];
	s2 =	stileid.u32  }
0xa6: {  	s1 =	rddreg [dreg:$0x1];
	p0 =	sne.s32 s2, $0x0  }
0xa7: {  	s3 =	rddreg [dreg:$0x2];
	[bflag:$0x3] =	sbarrier.arrive $0xFFFF;
	s2 =	simm.s32 @!p0 $0x1C0F  }
0xa8: {  	[timem:s3], [sflag:s2] =	dma.local @!p0 [hbm:s0], s1  }
0xa9: {  	s0 =	simm.s32 @!p0 $0xF  }
0xaa: {  	_ =	swait.ge @!p0 [sflag:s0], s1  }
0xab: {  	s1 =	ssub.s32 @!p0 $0x0, s1;
	[sflag:s0] =	ssyncset.done @!p0 $0x0  }
0xac: {  	[sflag:s0] =	ssyncadd.s32 @!p0 s1  }
0xad: {  	[bflag:$0x3] =	sbarrier.arrive $0xFFFF  }
0xae: {  	_ =	shalt  }

// kernel: kernel.19.cloned.1.call-start
scs
__scs_entry_jumppad:
0x0: {  	(pc) =	sbr.rel $0x88, $3  }
0x1: {  	(tag) =	ssettag $0x0;
	lr =	simm.s32 $0x1  }
0x2: {  	[smem:$0x3F95] =	sst lr;
	_ =	strace $0xD0000000  }
0x3: {  	_ = 	snop  }
0x4: {  	_ = 	snop  }
0x5: {  	_ = 	snop  }
0x6: {  	_ = 	snop  }
0x7: {  	_ = 	snop  }
__scs_overlays_trampoline_lowered:
0x8: {  	[smem:$0x3FA4] =	sst s0  }
0x9: {  	[smem:$0x3FA5] =	sst s1  }
0xa: {  	[smem:$0x3FA6] =	sst s2  }
0xb: {  	[smem:$0x3FA7] =	sst s3  }
0xc: {  	[smem:$0x3FA8] =	sst s4  }
0xd: {  	[smem:$0x3FA9] =	sst s5  }
0xe: {  	[smem:$0x3FAA] =	sst s6  }
0xf: {  	[smem:$0x3FAB] =	sst s7  }
0x10: {  	[smem:$0x3FAC] =	sst s8  }
0x11: {  	[smem:$0x3FAD] =	sst s9;
	s0 =	simm.s32 @!p0 $0x0  }
0x12: {  	s1 =	sld [smem:$0x3F93];
	s0 =	simm.s32 @p0 $0x1  }
0x13: {  	[smem:$0x3FAE] =	sst s0;
	s0 =	simm.s32 @!p1 $0x0  }
0x14: {  	s2 =	sld [smem:$0x3F92];
	s0 =	simm.s32 @p1 $0x1  }
0x15: {  	[smem:$0x3FAF] =	sst s0;
	s0 =	simm.s32 @!p2 $0x0  }
0x16: {  	s3 =	sld [smem:$0x3FDB];
	s0 =	simm.s32 @p2 $0x1  }
0x17: {  	s4 =	simm.s32 $0x1BF5;
	[smem:$0x3FB1] =	sst s0  }
0x18: {  	s0 =	sld [smem:$0x3F94];
	_ =	swait.ge [sflag:s4], $0x0  }
0x19: {  	s7 =	sld [smem:$0x3F95]  }
0x1a: {  	s8 =	sadd.s32 $0xFFFFE003, lr  }
0x1b: {  	s9 =	sadd.s32 $0xFFFFFEF7, lr;
	s5 =	simm.s32 $0xFFFFFFFF;
	p2 =	slt.u32 s8, $0xFFFFF086  }
0x1c: {  	p1 =	slt.u32 s9, $0xF7A;
	s5 =	simm.s32 @!p2 $0x0  }
0x1d: {  	s5 =	simm.s32 @p1 $0x1;
	p0 =	seq.s32 s7, s2  }
0x1e: {  	s7 =	smul.u32 @!p0 $0xF7A, s2;
	p2 =	seq.s32 @!p0 s5, $0x0  }
0x1f: {  	s9 =	smul.u32 $0xF7A, s1;
	s8 =	simm.s32 @!p0 $0x1BF5;
	p2 =	por !p2, p0  }
0x20: {  	[sflag:s8] =	ssyncset.s32 @!p0 $0xFFFFF086;
	s6 =	sadd.s32 @!p0 s3, s7;
	s7 =	simm.s32 @!p0 $0x108  }
0x21: {  	s3 =	sadd.s32 s3, s9;
	s6 =	sadd.s32 @!p0 $0x88, s6;
	s7 =	simm.s32 @p2 $0x1082  }
0x22: {  	[simem:s7], [sflag:s8] =	dma.local @!p0 [hbm:s6], $0xF7A  }
0x23: {  	s9 =	sor.u32 $0xD0000000, s2;
	s6 =	simm.s32 $0x108;
	_ =	swait.ge @!p0 [sflag:s8], $0x0  }
0x24: {  	s3 =	sadd.s32 $0x88, s3;
	s6 =	simm.s32 @!p1 $0x1082;
	[sflag:s4] =	ssyncset.s32 $0xFFFFF086  }
0x25: {  	[simem:s6], [sflag:s4] =	dma.local [hbm:s3], $0xF7A  }
0x26: {  	[smem:$0x3F95] =	sst s1;
	(tag) =	ssettag s2;
	_ =	strace s9  }
0x27: {  	s1 =	sld [smem:$0x3FA5]  }
0x28: {  	s2 =	sld [smem:$0x3FA6]  }
0x29: {  	s4 =	sld [smem:$0x3FA8]  }
0x2a: {  	p0 =	seq.s32 s5, $0x0;
	s5 =	sld [smem:$0x3FA9]  }
0x2b: {  	s6 =	sld [smem:$0x3FAA]  }
0x2c: {  	s7 =	sld [smem:$0x3FAB]  }
0x2d: {  	s3 =	simm.s32 $0x108;
	s8 =	sld [smem:$0x3FAC]  }
0x2e: {  	s3 =	simm.s32 @!p0 $0x1082;
	s9 =	sld [smem:$0x3FAD]  }
0x2f: {  	lr =	sadd.s32 s0, s3;
	s0 =	sld [smem:$0x3FA4]  }
0x30: {  	s3 =	sld [smem:$0x3FA7]  }
0x31: {  	[smem:$0x3FB0] =	sst s10  }
0x32: {  	s10 =	sld [smem:$0x3FAE];
	_ =	sdelay $0x3  }
0x33: {  	p0 =	seq.s32 s10, $0x1;
	s10 =	sld [smem:$0x3FB0];
	_ =	sdelay $0x3  }
0x34: {  	[smem:$0x3FB0] =	sst s10  }
0x35: {  	s10 =	sld [smem:$0x3FAF];
	_ =	sdelay $0x3  }
0x36: {  	p1 =	seq.s32 s10, $0x1;
	s10 =	sld [smem:$0x3FB0];
	_ =	sdelay $0x3  }
0x37: {  	[smem:$0x3FB0] =	sst s10  }
0x38: {  	s10 =	sld [smem:$0x3FB1]  }
0x39: {  	_ = 	snop;
	(pc) =	sbr.ind lr, $3  }
0x3a: {  	_ = 	snop  }
0x3b: {  	_ = 	snop  }
0x3c: {  	p2 =	seq.s32 s10, $0x1;
	s10 =	sld [smem:$0x3FB0]  }
0x3d: {  	_ =	shalt  }
0x3e: {  	_ =	shalt  }
0x3f: {  	_ =	shalt  }
0x40: {  	_ =	shalt  }
0x41: {  	_ =	shalt  }
0x42: {  	_ =	shalt  }
0x43: {  	_ =	shalt  }
0x44: {  	_ =	shalt  }
0x45: {  	_ =	shalt  }
0x46: {  	_ =	shalt  }
0x47: {  	_ =	shalt  }
0x48: {  	_ =	shalt  }
0x49: {  	_ =	shalt  }
0x4a: {  	_ =	shalt  }
0x4b: {  	_ =	shalt  }
0x4c: {  	_ =	shalt  }
0x4d: {  	_ =	shalt  }
0x4e: {  	_ =	shalt  }
0x4f: {  	_ =	shalt  }
0x50: {  	_ =	shalt  }
0x51: {  	_ =	shalt  }
0x52: {  	_ =	shalt  }
0x53: {  	_ =	shalt  }
0x54: {  	_ =	shalt  }
0x55: {  	_ =	shalt  }
0x56: {  	_ =	shalt  }
0x57: {  	_ =	shalt  }
0x58: {  	_ =	shalt  }
0x59: {  	_ =	shalt  }
0x5a: {  	_ =	shalt  }
0x5b: {  	_ =	shalt  }
0x5c: {  	_ =	shalt  }
0x5d: {  	_ =	shalt  }
0x5e: {  	_ =	shalt  }
0x5f: {  	_ =	shalt  }
0x60: {  	_ =	shalt  }
0x61: {  	_ =	shalt  }
0x62: {  	_ =	shalt  }
0x63: {  	_ =	shalt  }
0x64: {  	_ =	shalt  }
0x65: {  	_ =	shalt  }
0x66: {  	_ =	shalt  }
0x67: {  	_ =	shalt  }
0x68: {  	_ =	shalt  }
0x69: {  	_ =	shalt  }
0x6a: {  	_ =	shalt  }
0x6b: {  	_ =	shalt  }
0x6c: {  	_ =	shalt  }
0x6d: {  	_ =	shalt  }
0x6e: {  	_ =	shalt  }
0x6f: {  	_ =	shalt  }
0x70: {  	_ =	shalt  }
0x71: {  	_ =	shalt  }
0x72: {  	_ =	shalt  }
0x73: {  	_ =	shalt  }
0x74: {  	_ =	shalt  }
0x75: {  	_ =	shalt  }
0x76: {  	_ =	shalt  }
0x77: {  	_ =	shalt  }
0x78: {  	_ =	shalt  }
0x79: {  	_ =	shalt  }
0x7a: {  	_ =	shalt  }
0x7b: {  	_ =	shalt  }
0x7c: {  	_ =	shalt  }
0x7d: {  	_ =	shalt  }
0x7e: {  	_ =	shalt  }
0x7f: {  	_ =	shalt  }
0x80: {  	_ =	shalt  }
0x81: {  	_ =	shalt  }
0x82: {  	_ =	shalt  }
0x83: {  	_ =	shalt  }
0x84: {  	_ =	shalt  }
0x85: {  	_ =	shalt  }
0x86: {  	_ =	shalt  }
0x87: {  	_ =	shalt  }
.Lfunc_end0:
.L_simem_size_0:
called_computation.3_lowered:
.L_overlay_start_0:
0x88: {  	s2 =	sld [smem:$0x3FD9]  }
0x89: {  	s3 =	sld [smem:$0x3FFE];
	_ =	sdelay $0x1  }
0x8a: {  	s1 =	srdreg.scid  }
0x8b: {  	s0 =	sand.u32 $0x1, s1  }
0x8c: {  	s17 =	sshll.u32 s0, $0xA;
	s2 =	sadd.s32 s3, s2  }
0x8d: {  	s2 =	sadd.s32 s2, s17  }
0x8e: {  	[smem:$0x3FBC] =	sst s2  }
0x8f: {  	_ = 	snop  }
0x90: {  	s2 =	sld [smem:$0x3FD0];
	(tm) =	ssettm $0x1  }
0x91: {  	s18 =	sld [smem:$0x3FFB];
	_ =	sdelay $0x3  }
0x92: {  	_ =	strace s18  }
0x93: {  	s3 =	sld [smem:$0x3FFC];
	_ =	sdelay $0x3  }
0x94: {  	_ =	strace s3  }
0x95: {  	s3 =	sld [smem:$0x3FFD];
	_ =	sdelay $0x3  }
0x96: {  	_ =	strace s3  }
0x97: {  	_ =	strace $0x8FFFFFFF  }
0x98: {  	s19 =	sld [smem:$0x3FDB];
	_ =	sdelay $0x1  }
0x99: {  	s4 =	simm.s32 $_scs_section_size  }
0x9a: {  	s5 =	simm.s32 $_size__tile_overlayer_lowered;
	s6 =	simm.s32 $_tile_overlayer_lowered  }
0x9b: {  	s22 =	simm.s32 $0x1BFF;
	s21 =	sshll.u32 s6, $0x1;
	s3 =	sadd.s32 s4, s19  }
0x9c: {  	s7 =	simm.s32 $0x0;
	s20 =	sshll.u32 s5, $0x1;
	s5 =	sadd.s32 s21, s3  }
0x9d: {  	[timem:s7], [sflag:s22] =	dma.local [hbm:s5], s20  }
0x9e: {  	_ =	swait.ge [sflag:s22], s20  }
0x9f: {  	s4 =	ssub.s32 $0x0, s20;
	[sflag:s22] =	ssyncset.done $0x0  }
0xa0: {  	[sflag:s22] =	ssyncadd.s32 s4;
	_ =	sdelay $0x1  }
0xa1: {  	s23 =	simm.s32 $0x1B8B  }
0xa2: {  	_ =	swait.ge [sflag:s23], $0x1  }
0xa3: {  	[sflag:s23] =	ssyncset.done $0x0  }
0xa4: {  	s25 =	simm.s32 $0x1B8E;
	s24 =	sld [smem:$0x3FFE];
	[sflag:s23] =	ssyncadd.s32 $0xFFFFFFFF  }
0xa5: {  	s26 =	simm.s32 $execute0_lowered;
	[smem:$0x3FD2] =	sst s25  }
0xa6: {  	s5 =	sshll.u32 s26, $0x1;
	_ =	strace $0x8000004F;
	[dreg:$0x1] =	wrdreg $0xFFFFFFFF  }
0xa7: {  	s28 =	simm.s32 $_size_execute0_lowered;
	s3 =	sadd.s32 s3, s5;
	[dreg:$0x0] =	wrdreg $0x0  }
0xa8: {  	s5 =	sshll.u32 s28, $0x1;
	[dreg:$0x2] =	wrdreg s3  }
0xa9: {  	[dreg:$0x3] =	wrdreg s5  }
0xaa: {  	[dreg:$0x4] =	wrdreg $0xC0  }
0xab: {  	_ =	task [dreg:s7], $0x5FFFF  }
0xac: {  	[dreg:$0x1] =	wrdreg $0xFFFFFFFF  }
0xad: {  	[dreg:$0x0] =	wrdreg $0x60  }
0xae: {  	[dreg:$0x2] =	wrdreg s24  }
0xaf: {  	[dreg:$0x3] =	wrdreg s2  }
0xb0: {  	[dreg:$0x4] =	wrdreg $0x8A200  }
0xb1: {  	[dreg:$0x5] =	wrdreg $0x9  }
0xb2: {  	_ =	task.clear_ibuf [dreg:s7], $0x6FFFF;
	_ =	strace $0x9000004F  }
0xb3: {  	s29 =	simm.s32 $0x9;
	_ =	strace $0x80000051  }
0xb4: {  	_ =	swait.ge [sflag:s29], $0x1  }
0xb5: {  	[sflag:s29] =	ssyncadd.s32 $0xFFFFFFFF  }
0xb6: {  	_ =	strace $0x90000051  }
0xb7: {  	_ =	sfence  }
0xb8: {  	s30 =	sld [smem:$0x0];
	_ =	sdelay $0x2  }
0xb9: {  	s31 =	sshll.u32 s1, $0xD;
	s1 =	sshrl.u32 s1, $0x2  }
0xba: {  	s3 =	sand.u32 $0x4000, s31;
	s1 =	sadd.s32 s1, s30  }
0xbb: {  	s0 =	sor.u32 s3, s0;
	s1 =	sshll.u32 s1, $0x11  }
0xbc: {  	s0 =	sor.u32 s1, s0  }
0xbd: {  	s0 =	sadd.s32 $0x8F2B, s0  }
0xbe: {  	[sflag:s0] =	ssyncadd.remote.s32 $0x1  }
0xbf: {  	_ =	sfence.sel $0xFFFF  }
0xc0: {  	[dreg:$0x0] =	wrdreg $0xFFFFFFFF;
	(pc) =	sbr.abs _section_cstart, $3  }
0xc1: {  	[dreg:$0x1] =	wrdreg $0xFFFFFFFF  }
0xc2: {  	_ =	task.clear_ibuf [dreg:s7], $0x2FFFF;
	_ =	strace $0x9FFFFFFF  }
0xc3: {  	(tm) =	ssettm $0x7FFFFFFF  }
tec
execute0_lowered:
.L_overlay_start_1:
0x0: {  	(tag) =	ssettag $0x1  }
0x1: {  	s0 =	rddreg [dreg:$0x0]  }
0x2: {  	s1 =	rddreg [dreg:$0x1];
	s3 =	srdreg.scid  }
0x3: {  	s19 =	stileid.u32;
	s2 =	rddreg [dreg:$0x2]  }
0x4: {  	s13 =	simm.s32 $0x8020;
	s14 =	simm.s32 $0xF;
	s15 =	simm.s32 $0xD  }
0x5: {  	s16 =	simm.s32 $0xE;
	s17 =	simm.s32 $0x28;
	s18 =	simm.s32 $0x4E20  }
0x6: {  	s22 =	stileid.u32;
	s23 =	simm.s32 $0x6C20;
	s28 =	simm.s32 $0x7620  }
0x7: {  	s29 =	simm.s32 $0x1;
	s30 =	simm.s32 $0xA;
	s31 =	simm.s32 $0x0  }
0x8: {  	s5 =	sand.u32 $0x1, s3;
	s4 =	sshll.u32 s19, $0x1;
	s7 =	smul.u32 $0x27000, s19  }
0x9: {  	s3 =	simm.s32 $0x0;
	s11 =	smul.u32 $0x9C00, s19;
	p0 =	sne.s32 s19, $0xF  }
0xa: {  	p1 =	seq.s32 s19, $0xF;
	s4 =	sor.u32 s5, s4;
	s10 =	smul.u32 $0x9C400, s5  }
0xb: {  	[smem:$0x7FF] =	sst s3;
	s9 =	ssub.s32 $0x2, s5;
	s6 =	smul.u32 $0x4E2, s4  }
0xc: {  	_ =	strace $0x80000050;
	s25 =	sshrl.u32 s9, $0x1;
	s7 =	sshrl.u32 s7, $0x2  }
0xd: {  	s4 =	sadd.s32 $0xC800, s0;
	s12 =	ssub.s32 s9, s25;
	s7 =	sadd.s32 s7, s2  }
0xe: {  	s26 =	sadd.s32 s11, s10;
	s10 =	sshrl.u32 s10, $0x3;
	s8 =	sadd.s32 s6, s0  }
.Ltmp0:
0xf: {  	s0 =	sadd.s32 $0x20200, s0;
	s6 =	sadd.s32 s1, s6;
	(pc) =	sbr.rel .LBB2_1-.Ltmp0, $4  }
0x10: {  	s1 =	sshrl.u32 s26, $0x3;
	s26 =	simm.s32 $0xA0;
	s5 =	sadd.s32 $0x2A00, s8  }
0x11: {  	s8 =	sadd.s32 $0x9C000, s2;
	s9 =	sadd.s32 s0, s1;
	s0 =	sadd.s32 s0, s10  }
0x12: {  	s1 =	sadd.s32 s11, s2;
	s10 =	sadd.s32 $0x12480, s0;
	s0 =	sadd.s32 $0x92400, s2  }
0x13: {  	v0 =	vimm.f32 $0.0e+00;
	s11 =	smax.u32 s12, $0x1;
	s25 =	sshrl.u32 @!p1 s1, $0x3;
	s24 =	sshrl.u32 @p1 s0, $0x3  }
.LBB2_12:
0x14: {  	_ =	swait.ge [sflag:s30], $0xA00  }
0x15: {  	[sflag:s30] =	ssyncset.done $0x0  }
0x16: {  	[sflag:s30] =	ssyncadd.s32 $0xFFFFF600  }
0x17: {  	s0 =	simm.s32 @p1 $0x1FCF;
	[bflag:$0x0] =	sbarrier.arrive $0xFFFF  }
0x18: {  	[hbm:s10], [sflag:s0] =	dma.local @p1 [spmem:s24], $0x1400  }
0x19: {  	s0 =	simm.s32 @p1 $0xF  }
0x1a: {  	_ =	swait.ge @p1 [sflag:s0], $0x1400  }
0x1b: {  	s1 =	sshll.u32 @!p1 s22, $0x6;
	s31 =	sadd.s32 $0x1, s31;
	[sflag:s0] =	ssyncset.done @p1 $0x0  }
0x1c: {  	p2 =	sne.s32 s31, s11;
	[sflag:s0] =	ssyncadd.s32 @p1 $0xFFFFEC00;
	s0 =	sor.u32 @!p1 $0x1C0F, s1  }
0x1d: {  	[hbm:s9], [sflag:s0] =	dma.local @!p1 [spmem:s25], $0x1380  }
.Ltmp1:
0x1e: {  	_ = 	snop;
	(pc) =	sbr.rel @!p2 .LBB2_13-.Ltmp1, $4  }
0x1f: {  	s0 =	simm.s32 @!p1 $0xF  }
0x20: {  	_ =	swait.ge @!p1 [sflag:s0], $0x1380  }
0x21: {  	[sflag:s0] =	ssyncset.done @!p1 $0x0  }
0x22: {  	[sflag:s0] =	ssyncadd.s32 @!p1 $0xFFFFEC80  }
.LBB2_1:
0x23: {  	[tilespmem:s3], [sflag:$0xD] =	stream.linear.gather [hbm4b:s5+s3], $0x2710, $0x38;
	[tilespmem:$0x12660] =	vst v63  }
0x24: {  	s0 =	simm.s32 $0x2710  }
0x25: {  	[tilespmem:s0], [sflag:$0xE] =	stream.linear.gather [hbm4b:s6+s3], $0x2710, $0x38;
	[tilespmem:$0x12660] =	vst v63  }
0x26: {  	s1 =	simm.s32 $0x0;
	s0 =	simm.s32 $0x0  }
.LBB2_2:
0x27: {  	p2 =	sne.s32 s1, $0x27C0  }
.Ltmp2:
0x28: {  	_ = 	snop;
	(pc) =	sbr.rel @p2 .LBB2_2-.Ltmp2, $4  }
0x29: {  	s12 =	sand.u32 $0x3F00, s1  }
0x2a: {  	s19 =	sand.u32 $0x30, s0;
	s12 =	sshrl.u32 s12, $0x2  }
0x2b: {  	s12 =	sor.u32 s19, s12  }
0x2c: {  	s0 =	sadd.s32 $0x10, s0;
	s1 =	sadd.s32 $0x40, s1;
	[tilespmem:s12+$0x8020] =	vst v0  }
0x2d: {  	s0 =	sadd.s32 $0x0, s7  }
0x2e: {  	[spmem:s0] =	stream.linear.scatter [tilespmem:s13], [sflag:$0xF], $0x400, $0x38;
	[tilespmem:$0x12660] =	vst v63  }
0x2f: {  	s0 =	simm.s32 $0x1000;
	_ =	swait.ge [sflag:s14], $0x400  }
.LBB2_4:
0x30: {  	s1 =	sshra.s32 s0, $0x2;
	[sflag:s14] =	ssyncset.done $0x0;
	p2 =	sne.s32 s0, $0x26000  }
.Ltmp3:
0x31: {  	s1 =	sadd.s32 s1, s7;
	[sflag:s14] =	ssyncadd.s32 $0xFFFFFC00;
	(pc) =	sbr.rel @p2 .LBB2_4-.Ltmp3, $3  }
0x32: {  	[spmem:s1] =	stream.linear.scatter [tilespmem:s13], [sflag:$0xF], $0x400, $0x38;
	[tilespmem:$0x12660] =	vst v63  }
0x33: {  	s0 =	sadd.s32 $0x1000, s0;
	_ =	sdelay $0x1  }
0x34: {  	_ =	swait.ge [sflag:s14], $0x400  }
0x35: {  	[sflag:s14] =	ssyncset.done $0x0  }
0x36: {  	s0 =	simm.s32 @!p0 $0x8020;
	[sflag:s14] =	ssyncadd.s32 $0xFFFFFC00  }
0x37: {  	[spmem:s8] =	stream.linear.scatter @!p0 [tilespmem:s0], [sflag:$0xF], $0x400, $0x38;
	[tilespmem:$0x12660] =	vst v63  }
0x38: {  	s0 =	simm.s32 @!p0 $0xF  }
0x39: {  	_ =	swait.ge @!p0 [sflag:s0], $0x400  }
0x3a: {  	[sflag:s0] =	ssyncset.done @!p0 $0x0  }
0x3b: {  	[sflag:s0] =	ssyncadd.s32 @!p0 $0xFFFFFC00  }
0x3c: {  	_ =	swait.ge [sflag:s15], $0x2710  }
0x3d: {  	[sflag:s15] =	ssyncset.done $0x0  }
0x3e: {  	[sflag:s15] =	ssyncadd.s32 $0xFFFFD8F0  }
0x3f: {  	_ =	swait.ge [sflag:s16], $0x2710  }
0x40: {  	[sflag:s16] =	ssyncset.done $0x0  }
0x41: {  	[sflag:s16] =	ssyncadd.s32 $0xFFFFD8F0  }
0x42: {  	s1 =	simm.s32 $0x0;
	[bflag:$0x0] =	sbarrier.arrive $0xFFFF  }
0x43: {  	[tilespmem:s18], [sflag:$0x1] =	stream.indirect.gather [hbm4b:s4+s17], $0x40, s1, s17, $0xb8;
	[tilespmem:$0x12660] =	vst v63  }
0x44: {  	s19 =	simm.s32 $0x5820  }
0x45: {  	[tilespmem:s19], [sflag:$0x2] =	stream.indirect.gather [hbm4b:s4+s17], $0x40, s17, s17, $0xb8;
	[tilespmem:$0x12660] =	vst v63  }
0x46: {  	s20 =	simm.s32 $0x50;
	s12 =	simm.s32 $0x6220  }
0x47: {  	[tilespmem:s12], [sflag:$0x3] =	stream.indirect.gather [hbm4b:s4+s17], $0x40, s20, s17, $0xb8;
	[tilespmem:$0x12660] =	vst v63  }
.Ltmp4:
0x48: {  	_ = 	snop;
	(pc) =	sbr.rel .LBB2_6-.Ltmp4, $4  }
0x49: {  	s21 =	simm.s32 $0x78  }
0x4a: {  	[tilespmem:s23], [sflag:$0x4] =	stream.indirect.gather [hbm4b:s4+s17], $0x40, s21, s17, $0xb8;
	[tilespmem:$0x12660] =	vst v63  }
0x4b: {  	s19 =	simm.s32 $0x2710;
	s12 =	simm.s32 $0xC8  }
0x4c: {  	[tilespmem:s28], [sflag:$0x5] =	stream.indirect.gather [hbm4b:s4+s17], $0x40, s26, s17, $0xb8;
	[tilespmem:$0x12660] =	vst v63  }
.LBB2_9:
0x4d: {  	p2 =	seq.s32 s0, $0x3  }
0x4e: {  	s20 =	simm.s32 @p2 $0x4  }
0x4f: {  	_ =	swait.ge @p2 [sflag:s20], $0xA00  }
0x50: {  	[sflag:s20] =	ssyncset.done @p2 $0x0  }
0x51: {  	s21 =	simm.s32 @p2 $0x6C20;
	[sflag:s20] =	ssyncadd.s32 @p2 $0xFFFFF600;
	s20 =	simm.s32 @p2 $0x28  }
0x52: {  	[spmem:s2] =	stream.indirect.scatter.add.f32 @p2 [tilespmem:s21], [sflag:$0xA], $0x40, s19, s20, $0xb8;
	[tilespmem:$0x12660] =	vst v63  }
0x53: {  	s20 =	simm.s32 @p2 $0x9  }
0x54: {  	p3 =	sgt.u32 @p2 s1, $0xF4;
	_ =	swait.ge @p2 [sflag:s20], $0xA00  }
0x55: {  	p3 =	por p3, !p2;
	[sflag:s20] =	ssyncset.done @p2 $0x0  }
0x56: {  	s21 =	simm.s32 @!p3 $0x6220;
	[sflag:s20] =	ssyncadd.s32 @p2 $0xFFFFF600;
	s20 =	simm.s32 @!p3 $0x28  }
0x57: {  	[tilespmem:s21], [sflag:$0x3] =	stream.indirect.gather @!p3 [hbm4b:s4+s20], $0x40, s12, s20, $0xb8;
	[tilespmem:$0x12660] =	vst v63  }
0x58: {  	p3 =	seq.s32 @!p2 s0, $0x4  }
0x59: {  	p4 =	por !p3, p2  }
0x5a: {  	s0 =	simm.s32 @!p4 $0x5  }
0x5b: {  	_ =	swait.ge @!p4 [sflag:s0], $0xA00  }
0x5c: {  	s20 =	simm.s32 @!p4 $0x7620;
	[sflag:s0] =	ssyncset.done @!p4 $0x0  }
0x5d: {  	p5 =	sgt.u32 @!p4 s1, $0xF4;
	[sflag:s0] =	ssyncadd.s32 @!p4 $0xFFFFF600;
	s0 =	simm.s32 @!p4 $0x28  }
0x5e: {  	[spmem:s2] =	stream.indirect.scatter.add.f32 @!p4 [tilespmem:s20], [sflag:$0xB], $0x40, s19, s0, $0xb8;
	[tilespmem:$0x12660] =	vst v63  }
0x5f: {  	p5 =	por @!p2 p5, !p3;
	s0 =	simm.s32 @!p4 $0xA  }
0x60: {  	p5 =	por p5, p2;
	_ =	swait.ge @!p4 [sflag:s0], $0xA00  }
0x61: {  	s20 =	simm.s32 @!p5 $0x6C20;
	[sflag:s0] =	ssyncset.done @!p4 $0x0  }
0x62: {  	[sflag:s0] =	ssyncadd.s32 @!p4 $0xFFFFF600;
	s0 =	simm.s32 @!p5 $0x28;
	p4 =	por p3, p2  }
0x63: {  	[tilespmem:s20], [sflag:$0x4] =	stream.indirect.gather @!p5 [hbm4b:s4+s0], $0x40, s12, s0, $0xb8;
	[tilespmem:$0x12660] =	vst v63  }
0x64: {  	s0 =	simm.s32 @!p4 $0x6  }
0x65: {  	_ =	swait.ge @!p4 [sflag:s0], $0xA00  }
0x66: {  	[sflag:s0] =	ssyncset.done @!p4 $0x0  }
0x67: {  	s20 =	simm.s32 @!p4 $0x8020;
	[sflag:s0] =	ssyncadd.s32 @!p4 $0xFFFFF600;
	s0 =	simm.s32 @!p4 $0x28  }
0x68: {  	[spmem:s2] =	stream.indirect.scatter.add.f32 @!p4 [tilespmem:s20], [sflag:$0xC], $0x40, s19, s0, $0xb8;
	[tilespmem:$0x12660] =	vst v63  }
0x69: {  	p5 =	sgt.u32 @!p4 s1, $0xF4;
	s0 =	simm.s32 @!p4 $0xB  }
0x6a: {  	p3 =	por @!p2 p5, p3;
	_ =	swait.ge @!p4 [sflag:s0], $0xA00  }
0x6b: {  	p2 =	por p3, p2;
	[sflag:s0] =	ssyncset.done @!p4 $0x0  }
0x6c: {  	s20 =	simm.s32 @!p2 $0x7620;
	[sflag:s0] =	ssyncadd.s32 @!p4 $0xFFFFF600;
	s0 =	simm.s32 @!p2 $0x28  }
0x6d: {  	[tilespmem:s20], [sflag:$0x5] =	stream.indirect.gather @!p2 [hbm4b:s4+s0], $0x40, s12, s0, $0xb8;
	[tilespmem:$0x12660] =	vst v63  }
.LBB2_11:
0x6e: {  	s1 =	sadd.s32 $0x1, s1  }
0x6f: {  	p2 =	sne.s32 s1, $0xFA  }
.Ltmp5:
0x70: {  	_ = 	snop;
	(pc) =	sbr.rel @!p2 .LBB2_12-.Ltmp5, $2  }
0x71: {  	_ =	sdelay $0x2  }
0x72: {  	s12 =	sadd.s32 $0x28, s12;
	s19 =	sadd.s32 $0x28, s19  }
.LBB2_6:
0x73: {  	s0 =	smul.u32 $0xAB, s1;
	_ =	sdelay $0x1  }
0x74: {  	s0 =	sshrl.u32 s0, $0xA  }
0x75: {  	s0 =	sand.u32 $0x3F, s0  }
0x76: {  	s0 =	smul.u32 $0x6, s0;
	_ =	sdelay $0x1  }
0x77: {  	s0 =	ssub.s32 s1, s0  }
0x78: {  	s0 =	sand.u32 $0xFF, s0  }
0x79: {  	p2 =	sgt.s32 s0, $0x2  }
.Ltmp6:
0x7a: {  	_ = 	snop;
	(pc) =	sbr.rel @p2 .LBB2_9-.Ltmp6, $1  }
0x7b: {  	_ =	sdelay $0x3  }
0x7c: {  	p2 =	seq.s32 s0, $0x0  }
.Ltmp7:
0x7d: {  	_ = 	snop;
	(pc) =	sbr.rel @p2 .LBB2_10-.Ltmp7, $1  }
0x7e: {  	_ =	sdelay $0x3  }
0x7f: {  	p2 =	seq.s32 s0, $0x1  }
0x80: {  	s0 =	simm.s32 @p2 $0x2  }
0x81: {  	_ =	swait.ge @p2 [sflag:s0], $0xA00  }
0x82: {  	[sflag:s0] =	ssyncset.done @p2 $0x0  }
0x83: {  	s20 =	simm.s32 @p2 $0x5820;
	[sflag:s0] =	ssyncadd.s32 @p2 $0xFFFFF600;
	s0 =	simm.s32 @p2 $0x28  }
0x84: {  	[spmem:s2] =	stream.indirect.scatter.add.f32 @p2 [tilespmem:s20], [sflag:$0x8], $0x40, s19, s0, $0xb8;
	[tilespmem:$0x12660] =	vst v63  }
0x85: {  	s0 =	simm.s32 @p2 $0x7  }
0x86: {  	p3 =	sgt.u32 @p2 s1, $0xF4;
	_ =	swait.ge @p2 [sflag:s0], $0xA00  }
0x87: {  	p3 =	por p3, !p2;
	[sflag:s0] =	ssyncset.done @p2 $0x0  }
0x88: {  	s20 =	simm.s32 @!p3 $0x4E20;
	[sflag:s0] =	ssyncadd.s32 @p2 $0xFFFFF600;
	s0 =	simm.s32 @!p3 $0x28  }
0x89: {  	[tilespmem:s20], [sflag:$0x1] =	stream.indirect.gather @!p3 [hbm4b:s4+s0], $0x40, s12, s0, $0xb8;
	[tilespmem:$0x12660] =	vst v63  }
0x8a: {  	s0 =	simm.s32 @!p2 $0x3  }
0x8b: {  	_ =	swait.ge @!p2 [sflag:s0], $0xA00  }
0x8c: {  	[sflag:s0] =	ssyncset.done @!p2 $0x0  }
0x8d: {  	s20 =	simm.s32 @!p2 $0x6220;
	[sflag:s0] =	ssyncadd.s32 @!p2 $0xFFFFF600;
	s0 =	simm.s32 @!p2 $0x28  }
0x8e: {  	[spmem:s2] =	stream.indirect.scatter.add.f32 @!p2 [tilespmem:s20], [sflag:$0x9], $0x40, s19, s0, $0xb8;
	[tilespmem:$0x12660] =	vst v63  }
.Ltmp8:
0x8f: {  	s0 =	simm.s32 @!p2 $0x8;
	(pc) =	sbr.rel .LBB2_11-.Ltmp8, $4  }
0x90: {  	p3 =	sgt.u32 @!p2 s1, $0xF4;
	_ =	swait.ge @!p2 [sflag:s0], $0xA00  }
0x91: {  	p3 =	por p3, p2;
	[sflag:s0] =	ssyncset.done @!p2 $0x0  }
0x92: {  	s20 =	simm.s32 @!p3 $0x5820;
	[sflag:s0] =	ssyncadd.s32 @!p2 $0xFFFFF600;
	s0 =	simm.s32 @!p3 $0x28  }
0x93: {  	[tilespmem:s20], [sflag:$0x2] =	stream.indirect.gather @!p3 [hbm4b:s4+s0], $0x40, s12, s0, $0xb8;
	[tilespmem:$0x12660] =	vst v63  }
.LBB2_10:
0x94: {  	_ =	swait.ge [sflag:s29], $0xA00  }
0x95: {  	[sflag:s29] =	ssyncset.done $0x0  }
0x96: {  	p2 =	seq.s32 s1, $0x0;
	[sflag:s29] =	ssyncadd.s32 $0xFFFFF600  }
0x97: {  	[spmem:s2] =	stream.indirect.scatter.add.f32 [tilespmem:s18], [sflag:$0x7], $0x40, s19, s17, $0xb8;
	[tilespmem:$0x12660] =	vst v63  }
.Ltmp9:
0x98: {  	s0 =	simm.s32 @!p2 $0xC;
	(pc) =	sbr.rel .LBB2_11-.Ltmp9, $4  }
0x99: {  	_ =	swait.ge @!p2 [sflag:s0], $0xA00  }
0x9a: {  	p3 =	sgt.u32 @!p2 s1, $0xF4;
	[sflag:s0] =	ssyncset.done @!p2 $0x0  }
0x9b: {  	p3 =	por p2, !p3;
	[sflag:s0] =	ssyncadd.s32 @!p2 $0xFFFFF600  }
0x9c: {  	[tilespmem:s13], [sflag:$0x6] =	stream.indirect.gather @p3 [hbm4b:s4+s17], $0x40, s12, s17, $0xb8;
	[tilespmem:$0x12660] =	vst v63  }
.LBB2_13:
0x9d: {  	_ =	sfence.sel $0x180000  }
0x9e: {  	[bflag:$0x0] =	sbarrier.arrive $0xFFFF  }
0x9f: {  	_ =	strace $0x90000050  }
0xa0: {  	[bflag:$0x2] =	sbarrier.arrive $0xFFFF  }
0xa1: {  	p0 =	sne.s32 s22, $0x0;
	s0 =	rddreg [dreg:$0x3]  }
0xa2: {  	s0 =	sadd.s32 @!p0 $0x100000, s0  }
0xa3: {  	[sflag:s0] =	ssyncadd.tile.s32 @!p0 $0x1;
	_ =	shalt  }
.Lfunc_end2:
_tile_overlayer_lowered:
.L_overlay_start_2:
0xa4: {  	(tag) =	ssettag $0x2  }
0xa5: {  	s0 =	rddreg [dreg:$0x0];
	s2 =	stileid.u32  }
0xa6: {  	s1 =	rddreg [dreg:$0x1];
	p0 =	sne.s32 s2, $0x0  }
0xa7: {  	s3 =	rddreg [dreg:$0x2];
	[bflag:$0x3] =	sbarrier.arrive $0xFFFF;
	s2 =	simm.s32 @!p0 $0x1C0F  }
0xa8: {  	[timem:s3], [sflag:s2] =	dma.local @!p0 [hbm:s0], s1  }
0xa9: {  	s0 =	simm.s32 @!p0 $0xF  }
0xaa: {  	_ =	swait.ge @!p0 [sflag:s0], s1  }
0xab: {  	s1 =	ssub.s32 @!p0 $0x0, s1;
	[sflag:s0] =	ssyncset.done @!p0 $0x0  }
0xac: {  	[sflag:s0] =	ssyncadd.s32 @!p0 s1  }
0xad: {  	[bflag:$0x3] =	sbarrier.arrive $0xFFFF  }
0xae: {  	_ =	shalt  }

</sc_bundles>
